<compile_context>
chip_gen: v7x
topology: tpu7x:2x2x1
jax: 0.10.2.dev20260603
libtpu: 0.0.44.dev20260713+nightly
codegen_flags: <defaults>
</compile_context>

<pallas_src>
import jax
import jax.numpy as jnp
from jax import lax
from jax.experimental import pallas as pl
from jax.experimental.pallas import tpu as pltpu
from jax.experimental.pallas import tpu_sc as plsc

NC = 2
NS = 16
NW = NC * NS
L = 16
D = 32
CH = 512
PITCH = 17


def _sc_body(theta_hbm, x_hbm, uidx_hbm, iidx_hbm, out_hbm,
             uidx_all, iidx_all, trows, xrows, stage, out_v,
             sem_t0, sem_t1, sem_x0, sem_x1):
    b = out_hbm.shape[0]
    b_per_w = b // NW
    n_chunks = b_per_w // CH
    wid = lax.axis_index("s") * NC + lax.axis_index("c")
    base_w = wid * b_per_w

    pltpu.sync_copy(uidx_hbm.at[pl.ds(base_w, b_per_w)], uidx_all)
    pltpu.sync_copy(iidx_hbm.at[pl.ds(base_w, b_per_w)], iidx_all)

    sem_t = (sem_t0, sem_t1)
    sem_x = (sem_x0, sem_x1)

    def start(c, p):
        off = c * CH
        pltpu.async_copy(theta_hbm.at[uidx_all.at[pl.ds(off, CH)]],
                         trows.at[p], sem_t[p])
        pltpu.async_copy(x_hbm.at[iidx_all.at[pl.ds(off, CH)]],
                         xrows.at[p], sem_x[p])

    iota = lax.iota(jnp.int32, L)

    def wait_compute_store(c, p):
        pltpu.make_async_copy(theta_hbm.at[pl.ds(0, CH)], trows.at[p],
                              sem_t[p]).wait()
        pltpu.make_async_copy(x_hbm.at[pl.ds(0, CH)], xrows.at[p],
                              sem_x[p]).wait()
        trows_p = trows.at[p]
        xrows_p = xrows.at[p]

        @plsc.parallel_loop(0, CH // L, 1, unroll=2)
        def group_body(g):
            row0 = g * L
            slab = stage.at[g]
            for r in range(L):
                t0 = trows_p[row0 + r, pl.ds(0, L)]
                t1 = trows_p[row0 + r, pl.ds(L, L)]
                x0 = xrows_p[row0 + r, pl.ds(0, L)]
                x1 = xrows_p[row0 + r, pl.ds(L, L)]
                slab[r, pl.ds(0, L)] = t0 * x0 + t1 * x1
            cols = []
            for l in range(L):
                lvec = jnp.full((L,), l, jnp.int32)
                cols.append(plsc.load_gather(slab, [iota, lvec]))
            while len(cols) > 1:
                cols = [a + b for a, b in zip(cols[0::2], cols[1::2])]
            out_v[pl.ds(row0, L)] = cols[0]

        pltpu.sync_copy(out_v, out_hbm.at[pl.ds(base_w + c * CH, CH)])

    start(0, 0)

    def loop_body(c2, carry):
        c = c2 * 2
        start(c + 1, 1)
        wait_compute_store(c, 0)

        @pl.when(c + 2 < n_chunks)
        def _():
            start(c + 2, 0)

        wait_compute_store(c + 1, 1)
        return carry

    lax.fori_loop(0, n_chunks // 2, loop_body, 0, unroll=False)


def kernel(theta, X, user_indices, item_indices):
    b = user_indices.shape[0]
    b_per_w = b // NW
    mesh = plsc.VectorSubcoreMesh(core_axis_name="c", subcore_axis_name="s")
    f = pl.kernel(
        _sc_body,
        out_type=jax.ShapeDtypeStruct((b,), jnp.float32),
        mesh=mesh,
        compiler_params=pltpu.CompilerParams(
            needs_layout_passes=False, use_tc_tiling_on_sc=False),
        scratch_types=[
            pltpu.VMEM((b_per_w,), jnp.int32),
            pltpu.VMEM((b_per_w,), jnp.int32),
            pltpu.VMEM((2, CH, D), jnp.float32),
            pltpu.VMEM((2, CH, D), jnp.float32),
            pltpu.VMEM((CH // L, L, PITCH), jnp.float32),
            pltpu.VMEM((CH,), jnp.float32),
            pltpu.SemaphoreType.DMA,
            pltpu.SemaphoreType.DMA,
            pltpu.SemaphoreType.DMA,
            pltpu.SemaphoreType.DMA,
        ],
    )
    return f(theta, X, user_indices, item_indices)

# --- scband reference (transcript-rebuilt; emitter-appended) ---
"""Pipeline reference for scband-matrix-factorization-15006615734139 (READ-ONLY COPY).

The authoritative reference and input builder live on the scoring server;
editing this copy changes nothing except your own understanding.
"""

import jax, jax.numpy as jnp
import numpy as np

N_USERS = 1000000
N_ITEMS = 100000
N_LATENT = 32
N_REVIEWS = 819200
EPS = 0.1


def setup_inputs(seed: int = 0) -> dict:
    key = jax.random.key(seed)
    k1, k2, k3, k4 = jax.random.split(key, 4)
    theta = jax.random.uniform(k1, (N_USERS, N_LATENT), dtype=jnp.float32, minval=-EPS, maxval=EPS)
    X = jax.random.uniform(k2, (N_ITEMS, N_LATENT), dtype=jnp.float32, minval=-EPS, maxval=EPS)
    user_indices = jax.random.randint(k3, (N_REVIEWS,), 0, N_USERS, dtype=jnp.int32)
    item_indices = jax.random.randint(k4, (N_REVIEWS,), 0, N_ITEMS, dtype=jnp.int32)
    return {"theta": theta, "X": X, "user_indices": user_indices, "item_indices": item_indices}


def reference(theta, X, user_indices, item_indices):
    # torch.index_select(self._theta, 0, user_indices) -> gather rows
    t = jnp.take(theta, user_indices, axis=0)
    # torch.index_select(self._X, 0, item_indices) -> gather rows
    x = jnp.take(X, item_indices, axis=0)
    # prediction = torch.sum(theta * x, 1)
    prediction = jnp.sum(t * x, axis=1)
    return prediction

if __name__ == "__main__":
    import jax
    _d = setup_inputs()
    print(jax.jit(kernel)(*tuple(_d.values())))

</pallas_src>

<mosaic_0001>
#map = affine_map<(d0, d1) -> (0, 0)>
#map1 = affine_map<(d0, d1) -> (0)>
module attributes {stable_mosaic.version = 14 : i64} {
  func.func @_sc_body(%arg0: i32, %arg1: i32, %arg2: memref<1000000x32xf32, #tpu.memory_space<hbm>>, %arg3: memref<100000x32xf32, #tpu.memory_space<hbm>>, %arg4: memref<819200xi32, #tpu.memory_space<hbm>>, %arg5: memref<819200xi32, #tpu.memory_space<hbm>>, %arg6: memref<819200xf32, #tpu.memory_space<hbm>>, %arg7: memref<25600xi32, #tpu.memory_space<vmem>>, %arg8: memref<25600xi32, #tpu.memory_space<vmem>>, %arg9: memref<2x512x32xf32, #tpu.memory_space<vmem>>, %arg10: memref<2x512x32xf32, #tpu.memory_space<vmem>>, %arg11: memref<32x16x17xf32, #tpu.memory_space<vmem>>, %arg12: memref<512xf32, #tpu.memory_space<vmem>>, %arg13: memref<!tpu.dma_semaphore, #tpu.memory_space<semaphore_mem>>, %arg14: memref<!tpu.dma_semaphore, #tpu.memory_space<semaphore_mem>>, %arg15: memref<!tpu.dma_semaphore, #tpu.memory_space<semaphore_mem>>, %arg16: memref<!tpu.dma_semaphore, #tpu.memory_space<semaphore_mem>>) attributes {dimension_semantics = [#tpu.dimension_semantics<core_parallel>, #tpu.dimension_semantics<subcore_parallel>], iteration_bounds = array<i64: 2, 16>, scalar_prefetch = 0 : i64, scratch_operands = 10 : i64, tpu.core_type = #tpu.core_type<sc_vector_subcore>, window_params = [{transform_indices = #map}, {transform_indices = #map}, {transform_indices = #map1}, {transform_indices = #map1}, {transform_indices = #map1}]} {
    %mul3A = arith.constant 2 : i32
    %mul3A_0 = arith.muli %arg1, %mul3A : i32
    %add3A = arith.addi %mul3A_0, %arg0 : i32
    %mul3A_1 = arith.constant 25600 : i32
    %mul3A_2 = arith.muli %add3A, %mul3A_1 : i32
    "tpu.region"() ({
      %run_scoped3A = tpu.sem_alloc : memref<!tpu.dma_semaphore, #tpu.memory_space<semaphore_mem>>
      %dma_start3A_27 = tpu.memref_slice %arg4[%mul3A_2] : memref<819200xi32, #tpu.memory_space<hbm>> -> memref<25600xi32, #tpu.memory_space<hbm>>
      %dma_start3A_28 = tpu.memref_slice %arg4[%mul3A_2] : memref<819200xi32, #tpu.memory_space<hbm>> -> memref<25600xi32, #tpu.memory_space<hbm>>
      tpu.enqueue_dma source(%dma_start3A_28 : memref<25600xi32, #tpu.memory_space<hbm>>) target(%arg7 : memref<25600xi32, #tpu.memory_space<vmem>>) target_semaphore(%run_scoped3A : memref<!tpu.dma_semaphore, #tpu.memory_space<semaphore_mem>>)
      %dma_wait3A = tpu.memref_slice %arg4[%mul3A_2] : memref<819200xi32, #tpu.memory_space<hbm>> -> memref<25600xi32, #tpu.memory_space<hbm>>
      %dma_wait3A_29 = tpu.memref_slice %arg4[%mul3A_2] : memref<819200xi32, #tpu.memory_space<hbm>> -> memref<25600xi32, #tpu.memory_space<hbm>>
      tpu.wait_dma2 semaphore(%run_scoped3A : memref<!tpu.dma_semaphore, #tpu.memory_space<semaphore_mem>>) src(%dma_wait3A_29 : memref<25600xi32, #tpu.memory_space<hbm>>) dst(%arg7 : memref<25600xi32, #tpu.memory_space<vmem>>)
      tpu.yield
    }) : () -> ()
    "tpu.region"() ({
      %run_scoped3A = tpu.sem_alloc : memref<!tpu.dma_semaphore, #tpu.memory_space<semaphore_mem>>
      %dma_start3A_27 = tpu.memref_slice %arg5[%mul3A_2] : memref<819200xi32, #tpu.memory_space<hbm>> -> memref<25600xi32, #tpu.memory_space<hbm>>
      %dma_start3A_28 = tpu.memref_slice %arg5[%mul3A_2] : memref<819200xi32, #tpu.memory_space<hbm>> -> memref<25600xi32, #tpu.memory_space<hbm>>
      tpu.enqueue_dma source(%dma_start3A_28 : memref<25600xi32, #tpu.memory_space<hbm>>) target(%arg8 : memref<25600xi32, #tpu.memory_space<vmem>>) target_semaphore(%run_scoped3A : memref<!tpu.dma_semaphore, #tpu.memory_space<semaphore_mem>>)
      %dma_wait3A = tpu.memref_slice %arg5[%mul3A_2] : memref<819200xi32, #tpu.memory_space<hbm>> -> memref<25600xi32, #tpu.memory_space<hbm>>
      %dma_wait3A_29 = tpu.memref_slice %arg5[%mul3A_2] : memref<819200xi32, #tpu.memory_space<hbm>> -> memref<25600xi32, #tpu.memory_space<hbm>>
      tpu.wait_dma2 semaphore(%run_scoped3A : memref<!tpu.dma_semaphore, #tpu.memory_space<semaphore_mem>>) src(%dma_wait3A_29 : memref<25600xi32, #tpu.memory_space<hbm>>) dst(%arg8 : memref<25600xi32, #tpu.memory_space<vmem>>)
      tpu.yield
    }) : () -> ()
    %iota3A = tpu.iota {dimensions = array<i32: 0>} : vector<16xi32>
    %dma_start3A = arith.constant 0 : i32
    %dma_start3A_3 = arith.constant 0 : i32
    %dma_start3A_4 = arith.constant 0 : i32
    %dma_start3A_5 = tpu.memref_slice %arg9[%dma_start3A, %dma_start3A_3, %dma_start3A_4] : memref<2x512x32xf32, #tpu.memory_space<vmem>> -> memref<1x512x32xf32, #tpu.memory_space<vmem>>
    %dma_start3A_6 = tpu.memref_squeeze %dma_start3A_5 : memref<1x512x32xf32, #tpu.memory_space<vmem>> -> memref<512x32xf32, #tpu.memory_space<vmem>>
    %dma_start3A_7 = arith.constant 0 : i32
    %dma_start3A_8 = tpu.memref_slice %arg7[%dma_start3A_7] : memref<25600xi32, #tpu.memory_space<vmem>> -> memref<512xi32, #tpu.memory_space<vmem>>
    %dma_start3A_9 = arith.constant 0 : i32
    %dma_start3A_10 = arith.constant 0 : i32
    %dma_start3A_11 = tpu.memref_slice %arg2[%dma_start3A_9, %dma_start3A_10] : memref<1000000x32xf32, #tpu.memory_space<hbm>> -> memref<1000000x32xf32, #tpu.memory_space<hbm>>
    tpu.enqueue_indirect_dma source(%dma_start3A_11 : memref<1000000x32xf32, #tpu.memory_space<hbm>>) target(%dma_start3A_6 : memref<512x32xf32, #tpu.memory_space<vmem>>) offsets(%dma_start3A_8 : memref<512xi32, #tpu.memory_space<vmem>>) semaphore(%arg13 : memref<!tpu.dma_semaphore, #tpu.memory_space<semaphore_mem>>)
    %dma_start3A_12 = arith.constant 0 : i32
    %dma_start3A_13 = arith.constant 0 : i32
    %dma_start3A_14 = arith.constant 0 : i32
    %dma_start3A_15 = tpu.memref_slice %arg10[%dma_start3A_12, %dma_start3A_13, %dma_start3A_14] : memref<2x512x32xf32, #tpu.memory_space<vmem>> -> memref<1x512x32xf32, #tpu.memory_space<vmem>>
    %dma_start3A_16 = tpu.memref_squeeze %dma_start3A_15 : memref<1x512x32xf32, #tpu.memory_space<vmem>> -> memref<512x32xf32, #tpu.memory_space<vmem>>
    %dma_start3A_17 = arith.constant 0 : i32
    %dma_start3A_18 = tpu.memref_slice %arg8[%dma_start3A_17] : memref<25600xi32, #tpu.memory_space<vmem>> -> memref<512xi32, #tpu.memory_space<vmem>>
    %dma_start3A_19 = arith.constant 0 : i32
    %dma_start3A_20 = arith.constant 0 : i32
    %dma_start3A_21 = tpu.memref_slice %arg3[%dma_start3A_19, %dma_start3A_20] : memref<100000x32xf32, #tpu.memory_space<hbm>> -> memref<100000x32xf32, #tpu.memory_space<hbm>>
    tpu.enqueue_indirect_dma source(%dma_start3A_21 : memref<100000x32xf32, #tpu.memory_space<hbm>>) target(%dma_start3A_16 : memref<512x32xf32, #tpu.memory_space<vmem>>) offsets(%dma_start3A_18 : memref<512xi32, #tpu.memory_space<vmem>>) semaphore(%arg15 : memref<!tpu.dma_semaphore, #tpu.memory_space<semaphore_mem>>)
    %scan3A = arith.constant 0 : i32
    %scan3A_22 = arith.constant 0 : i32
    %scan3A_23 = arith.constant 25 : i32
    %scan3A_24 = arith.addi %scan3A_22, %scan3A_23 : i32
    %scan3A_25 = arith.constant 1 : i32
    scf.for %scan3A_27 = %scan3A_22 to %scan3A_24 step %scan3A_25  : i32 {
      %mul3A_28 = arith.constant 2 : i32
      %mul3A_29 = arith.muli %scan3A_27, %mul3A_28 : i32
      %add3A_30 = arith.constant 1 : i32
      %add3A_31 = arith.addi %mul3A_29, %add3A_30 : i32
      %mul3A_32 = arith.constant 512 : i32
      %mul3A_33 = arith.muli %add3A_31, %mul3A_32 : i32
      %dma_start3A_34 = arith.constant 1 : i32
      %dma_start3A_35 = arith.constant 0 : i32
      %dma_start3A_36 = arith.constant 0 : i32
      %dma_start3A_37 = tpu.memref_slice %arg9[%dma_start3A_34, %dma_start3A_35, %dma_start3A_36] : memref<2x512x32xf32, #tpu.memory_space<vmem>> -> memref<1x512x32xf32, #tpu.memory_space<vmem>>
      %dma_start3A_38 = tpu.memref_squeeze %dma_start3A_37 : memref<1x512x32xf32, #tpu.memory_space<vmem>> -> memref<512x32xf32, #tpu.memory_space<vmem>>
      %dma_start3A_39 = tpu.memref_slice %arg7[%mul3A_33] : memref<25600xi32, #tpu.memory_space<vmem>> -> memref<512xi32, #tpu.memory_space<vmem>>
      %dma_start3A_40 = arith.constant 0 : i32
      %dma_start3A_41 = arith.constant 0 : i32
      %dma_start3A_42 = tpu.memref_slice %arg2[%dma_start3A_40, %dma_start3A_41] : memref<1000000x32xf32, #tpu.memory_space<hbm>> -> memref<1000000x32xf32, #tpu.memory_space<hbm>>
      tpu.enqueue_indirect_dma source(%dma_start3A_42 : memref<1000000x32xf32, #tpu.memory_space<hbm>>) target(%dma_start3A_38 : memref<512x32xf32, #tpu.memory_space<vmem>>) offsets(%dma_start3A_39 : memref<512xi32, #tpu.memory_space<vmem>>) semaphore(%arg14 : memref<!tpu.dma_semaphore, #tpu.memory_space<semaphore_mem>>)
      %dma_start3A_43 = arith.constant 1 : i32
      %dma_start3A_44 = arith.constant 0 : i32
      %dma_start3A_45 = arith.constant 0 : i32
      %dma_start3A_46 = tpu.memref_slice %arg10[%dma_start3A_43, %dma_start3A_44, %dma_start3A_45] : memref<2x512x32xf32, #tpu.memory_space<vmem>> -> memref<1x512x32xf32, #tpu.memory_space<vmem>>
      %dma_start3A_47 = tpu.memref_squeeze %dma_start3A_46 : memref<1x512x32xf32, #tpu.memory_space<vmem>> -> memref<512x32xf32, #tpu.memory_space<vmem>>
      %dma_start3A_48 = tpu.memref_slice %arg8[%mul3A_33] : memref<25600xi32, #tpu.memory_space<vmem>> -> memref<512xi32, #tpu.memory_space<vmem>>
      %dma_start3A_49 = arith.constant 0 : i32
      %dma_start3A_50 = arith.constant 0 : i32
      %dma_start3A_51 = tpu.memref_slice %arg3[%dma_start3A_49, %dma_start3A_50] : memref<100000x32xf32, #tpu.memory_space<hbm>> -> memref<100000x32xf32, #tpu.memory_space<hbm>>
      tpu.enqueue_indirect_dma source(%dma_start3A_51 : memref<100000x32xf32, #tpu.memory_space<hbm>>) target(%dma_start3A_47 : memref<512x32xf32, #tpu.memory_space<vmem>>) offsets(%dma_start3A_48 : memref<512xi32, #tpu.memory_space<vmem>>) semaphore(%arg16 : memref<!tpu.dma_semaphore, #tpu.memory_space<semaphore_mem>>)
      %dma_wait3A = arith.constant 0 : i32
      %dma_wait3A_52 = arith.constant 0 : i32
      %dma_wait3A_53 = arith.constant 0 : i32
      %dma_wait3A_54 = tpu.memref_slice %arg9[%dma_wait3A, %dma_wait3A_52, %dma_wait3A_53] : memref<2x512x32xf32, #tpu.memory_space<vmem>> -> memref<1x512x32xf32, #tpu.memory_space<vmem>>
      %dma_wait3A_55 = tpu.memref_squeeze %dma_wait3A_54 : memref<1x512x32xf32, #tpu.memory_space<vmem>> -> memref<512x32xf32, #tpu.memory_space<vmem>>
      %dma_wait3A_56 = arith.constant 0 : i32
      %dma_wait3A_57 = arith.constant 0 : i32
      %dma_wait3A_58 = tpu.memref_slice %arg2[%dma_wait3A_56, %dma_wait3A_57] : memref<1000000x32xf32, #tpu.memory_space<hbm>> -> memref<512x32xf32, #tpu.memory_space<hbm>>
      %dma_wait3A_59 = arith.constant 0 : i32
      %dma_wait3A_60 = arith.constant 0 : i32
      %dma_wait3A_61 = tpu.memref_slice %arg9[%dma_wait3A, %dma_wait3A_59, %dma_wait3A_60] : memref<2x512x32xf32, #tpu.memory_space<vmem>> -> memref<1x512x32xf32, #tpu.memory_space<vmem>>
      %dma_wait3A_62 = tpu.memref_squeeze %dma_wait3A_61 : memref<1x512x32xf32, #tpu.memory_space<vmem>> -> memref<512x32xf32, #tpu.memory_space<vmem>>
      %dma_wait3A_63 = arith.constant 0 : i32
      %dma_wait3A_64 = arith.constant 0 : i32
      %dma_wait3A_65 = tpu.memref_slice %arg2[%dma_wait3A_63, %dma_wait3A_64] : memref<1000000x32xf32, #tpu.memory_space<hbm>> -> memref<512x32xf32, #tpu.memory_space<hbm>>
      tpu.wait_dma2 semaphore(%arg13 : memref<!tpu.dma_semaphore, #tpu.memory_space<semaphore_mem>>) src(%dma_wait3A_65 : memref<512x32xf32, #tpu.memory_space<hbm>>) dst(%dma_wait3A_62 : memref<512x32xf32, #tpu.memory_space<vmem>>)
      %dma_wait3A_66 = arith.constant 0 : i32
      %dma_wait3A_67 = arith.constant 0 : i32
      %dma_wait3A_68 = arith.constant 0 : i32
      %dma_wait3A_69 = tpu.memref_slice %arg10[%dma_wait3A_66, %dma_wait3A_67, %dma_wait3A_68] : memref<2x512x32xf32, #tpu.memory_space<vmem>> -> memref<1x512x32xf32, #tpu.memory_space<vmem>>
      %dma_wait3A_70 = tpu.memref_squeeze %dma_wait3A_69 : memref<1x512x32xf32, #tpu.memory_space<vmem>> -> memref<512x32xf32, #tpu.memory_space<vmem>>
      %dma_wait3A_71 = arith.constant 0 : i32
      %dma_wait3A_72 = arith.constant 0 : i32
      %dma_wait3A_73 = tpu.memref_slice %arg3[%dma_wait3A_71, %dma_wait3A_72] : memref<100000x32xf32, #tpu.memory_space<hbm>> -> memref<512x32xf32, #tpu.memory_space<hbm>>
      %dma_wait3A_74 = arith.constant 0 : i32
      %dma_wait3A_75 = arith.constant 0 : i32
      %dma_wait3A_76 = tpu.memref_slice %arg10[%dma_wait3A_66, %dma_wait3A_74, %dma_wait3A_75] : memref<2x512x32xf32, #tpu.memory_space<vmem>> -> memref<1x512x32xf32, #tpu.memory_space<vmem>>
      %dma_wait3A_77 = tpu.memref_squeeze %dma_wait3A_76 : memref<1x512x32xf32, #tpu.memory_space<vmem>> -> memref<512x32xf32, #tpu.memory_space<vmem>>
      %dma_wait3A_78 = arith.constant 0 : i32
      %dma_wait3A_79 = arith.constant 0 : i32
      %dma_wait3A_80 = tpu.memref_slice %arg3[%dma_wait3A_78, %dma_wait3A_79] : memref<100000x32xf32, #tpu.memory_space<hbm>> -> memref<512x32xf32, #tpu.memory_space<hbm>>
      tpu.wait_dma2 semaphore(%arg15 : memref<!tpu.dma_semaphore, #tpu.memory_space<semaphore_mem>>) src(%dma_wait3A_80 : memref<512x32xf32, #tpu.memory_space<hbm>>) dst(%dma_wait3A_77 : memref<512x32xf32, #tpu.memory_space<vmem>>)
      %parallel_loop3A = arith.constant 0 : i32
      %parallel_loop3A_81 = arith.constant 32 : i32
      %parallel_loop3A_82 = arith.constant 1 : i32
      %parallel_loop3A_83 = arith.constant 0 : i32
      %parallel_loop3A_84 = arith.constant 0 : i32
      scf.for %parallel_loop3A_132 = %parallel_loop3A to %parallel_loop3A_81 step %parallel_loop3A_82  : i32 {
        %parallel_loop3A_133 = arith.constant 16 : i32
        %parallel_loop3A_134 = arith.muli %parallel_loop3A_132, %parallel_loop3A_133 : i32
        %parallel_loop3A_135 = arith.constant 0 : i32
        %parallel_loop3A_136 = arith.addi %parallel_loop3A_134, %parallel_loop3A_135 : i32
        %parallel_loop3A_137 = arith.constant 0 : i32
        %parallel_loop3A_138 = arith.constant 0 : i32
        %parallel_loop3A_139 = tpu.memref_slice %arg9[%parallel_loop3A_83, %parallel_loop3A_137, %parallel_loop3A_138] : memref<2x512x32xf32, #tpu.memory_space<vmem>> -> memref<1x512x32xf32, #tpu.memory_space<vmem>>
        %parallel_loop3A_140 = tpu.memref_squeeze %parallel_loop3A_139 : memref<1x512x32xf32, #tpu.memory_space<vmem>> -> memref<512x32xf32, #tpu.memory_space<vmem>>
        %parallel_loop3A_141 = arith.index_cast %parallel_loop3A_136 : i32 to index
        %parallel_loop3A_142 = arith.constant 0 : index
        %parallel_loop3A_143 = tpu.vector_load %parallel_loop3A_140[%parallel_loop3A_141, %parallel_loop3A_142] {strides = array<i32>} : memref<512x32xf32, #tpu.memory_space<vmem>>, vector<16xf32>,
        %parallel_loop3A_144 = arith.constant 0 : i32
        %parallel_loop3A_145 = arith.addi %parallel_loop3A_134, %parallel_loop3A_144 : i32
        %parallel_loop3A_146 = arith.constant 0 : i32
        %parallel_loop3A_147 = arith.constant 0 : i32
        %parallel_loop3A_148 = tpu.memref_slice %arg9[%parallel_loop3A_83, %parallel_loop3A_146, %parallel_loop3A_147] : memref<2x512x32xf32, #tpu.memory_space<vmem>> -> memref<1x512x32xf32, #tpu.memory_space<vmem>>
        %parallel_loop3A_149 = tpu.memref_squeeze %parallel_loop3A_148 : memref<1x512x32xf32, #tpu.memory_space<vmem>> -> memref<512x32xf32, #tpu.memory_space<vmem>>
        %parallel_loop3A_150 = arith.index_cast %parallel_loop3A_145 : i32 to index
        %parallel_loop3A_151 = arith.constant 16 : index
        %parallel_loop3A_152 = tpu.vector_load %parallel_loop3A_149[%parallel_loop3A_150, %parallel_loop3A_151] {strides = array<i32>} : memref<512x32xf32, #tpu.memory_space<vmem>>, vector<16xf32>,
        %parallel_loop3A_153 = arith.constant 0 : i32
        %parallel_loop3A_154 = arith.addi %parallel_loop3A_134, %parallel_loop3A_153 : i32
        %parallel_loop3A_155 = arith.constant 0 : i32
        %parallel_loop3A_156 = arith.constant 0 : i32
        %parallel_loop3A_157 = tpu.memref_slice %arg10[%parallel_loop3A_84, %parallel_loop3A_155, %parallel_loop3A_156] : memref<2x512x32xf32, #tpu.memory_space<vmem>> -> memref<1x512x32xf32, #tpu.memory_space<vmem>>
        %parallel_loop3A_158 = tpu.memref_squeeze %parallel_loop3A_157 : memref<1x512x32xf32, #tpu.memory_space<vmem>> -> memref<512x32xf32, #tpu.memory_space<vmem>>
        %parallel_loop3A_159 = arith.index_cast %parallel_loop3A_154 : i32 to index
        %parallel_loop3A_160 = arith.constant 0 : index
        %parallel_loop3A_161 = tpu.vector_load %parallel_loop3A_158[%parallel_loop3A_159, %parallel_loop3A_160] {strides = array<i32>} : memref<512x32xf32, #tpu.memory_space<vmem>>, vector<16xf32>,
        %parallel_loop3A_162 = arith.constant 0 : i32
        %parallel_loop3A_163 = arith.addi %parallel_loop3A_134, %parallel_loop3A_162 : i32
        %parallel_loop3A_164 = arith.constant 0 : i32
        %parallel_loop3A_165 = arith.constant 0 : i32
        %parallel_loop3A_166 = tpu.memref_slice %arg10[%parallel_loop3A_84, %parallel_loop3A_164, %parallel_loop3A_165] : memref<2x512x32xf32, #tpu.memory_space<vmem>> -> memref<1x512x32xf32, #tpu.memory_space<vmem>>
        %parallel_loop3A_167 = tpu.memref_squeeze %parallel_loop3A_166 : memref<1x512x32xf32, #tpu.memory_space<vmem>> -> memref<512x32xf32, #tpu.memory_space<vmem>>
        %parallel_loop3A_168 = arith.index_cast %parallel_loop3A_163 : i32 to index
        %parallel_loop3A_169 = arith.constant 16 : index
        %parallel_loop3A_170 = tpu.vector_load %parallel_loop3A_167[%parallel_loop3A_168, %parallel_loop3A_169] {strides = array<i32>} : memref<512x32xf32, #tpu.memory_space<vmem>>, vector<16xf32>,
        %parallel_loop3A_171 = arith.mulf %parallel_loop3A_143, %parallel_loop3A_161 : vector<16xf32>
        %parallel_loop3A_172 = arith.mulf %parallel_loop3A_152, %parallel_loop3A_170 : vector<16xf32>
        %parallel_loop3A_173 = arith.addf %parallel_loop3A_171, %parallel_loop3A_172 : vector<16xf32>
        %parallel_loop3A_174 = arith.constant 0 : i32
        %parallel_loop3A_175 = arith.constant 0 : i32
        %parallel_loop3A_176 = arith.constant 0 : i32
        %parallel_loop3A_177 = tpu.memref_slice %arg11[%parallel_loop3A_132, %parallel_loop3A_175, %parallel_loop3A_176] : memref<32x16x17xf32, #tpu.memory_space<vmem>> -> memref<1x16x17xf32, #tpu.memory_space<vmem>>
        %parallel_loop3A_178 = tpu.memref_squeeze %parallel_loop3A_177 : memref<1x16x17xf32, #tpu.memory_space<vmem>> -> memref<16x17xf32, #tpu.memory_space<vmem>>
        %parallel_loop3A_179 = arith.index_cast %parallel_loop3A_174 : i32 to index
        %parallel_loop3A_180 = arith.constant 0 : index
        %parallel_loop3A_181 = tpu.vector_load %parallel_loop3A_178[%parallel_loop3A_179, %parallel_loop3A_180] {strides = array<i32>} : memref<16x17xf32, #tpu.memory_space<vmem>>, vector<16xf32>,
        tpu.vector_store %parallel_loop3A_178[%parallel_loop3A_179, %parallel_loop3A_180], %parallel_loop3A_173 {strides = array<i32>} : memref<16x17xf32, #tpu.memory_space<vmem>>, vector<16xf32>,
        %parallel_loop3A_182 = arith.constant 1 : i32
        %parallel_loop3A_183 = arith.addi %parallel_loop3A_134, %parallel_loop3A_182 : i32
        %parallel_loop3A_184 = arith.constant 0 : i32
        %parallel_loop3A_185 = arith.constant 0 : i32
        %parallel_loop3A_186 = tpu.memref_slice %arg9[%parallel_loop3A_83, %parallel_loop3A_184, %parallel_loop3A_185] : memref<2x512x32xf32, #tpu.memory_space<vmem>> -> memref<1x512x32xf32, #tpu.memory_space<vmem>>
        %parallel_loop3A_187 = tpu.memref_squeeze %parallel_loop3A_186 : memref<1x512x32xf32, #tpu.memory_space<vmem>> -> memref<512x32xf32, #tpu.memory_space<vmem>>
        %parallel_loop3A_188 = arith.index_cast %parallel_loop3A_183 : i32 to index
        %parallel_loop3A_189 = arith.constant 0 : index
        %parallel_loop3A_190 = tpu.vector_load %parallel_loop3A_187[%parallel_loop3A_188, %parallel_loop3A_189] {strides = array<i32>} : memref<512x32xf32, #tpu.memory_space<vmem>>, vector<16xf32>,
        %parallel_loop3A_191 = arith.constant 1 : i32
        %parallel_loop3A_192 = arith.addi %parallel_loop3A_134, %parallel_loop3A_191 : i32
        %parallel_loop3A_193 = arith.constant 0 : i32
        %parallel_loop3A_194 = arith.constant 0 : i32
        %parallel_loop3A_195 = tpu.memref_slice %arg9[%parallel_loop3A_83, %parallel_loop3A_193, %parallel_loop3A_194] : memref<2x512x32xf32, #tpu.memory_space<vmem>> -> memref<1x512x32xf32, #tpu.memory_space<vmem>>
        %parallel_loop3A_196 = tpu.memref_squeeze %parallel_loop3A_195 : memref<1x512x32xf32, #tpu.memory_space<vmem>> -> memref<512x32xf32, #tpu.memory_space<vmem>>
        %parallel_loop3A_197 = arith.index_cast %parallel_loop3A_192 : i32 to index
        %parallel_loop3A_198 = arith.constant 16 : index
        %parallel_loop3A_199 = tpu.vector_load %parallel_loop3A_196[%parallel_loop3A_197, %parallel_loop3A_198] {strides = array<i32>} : memref<512x32xf32, #tpu.memory_space<vmem>>, vector<16xf32>,
        %parallel_loop3A_200 = arith.constant 1 : i32
        %parallel_loop3A_201 = arith.addi %parallel_loop3A_134, %parallel_loop3A_200 : i32
        %parallel_loop3A_202 = arith.constant 0 : i32
        %parallel_loop3A_203 = arith.constant 0 : i32
        %parallel_loop3A_204 = tpu.memref_slice %arg10[%parallel_loop3A_84, %parallel_loop3A_202, %parallel_loop3A_203] : memref<2x512x32xf32, #tpu.memory_space<vmem>> -> memref<1x512x32xf32, #tpu.memory_space<vmem>>
        %parallel_loop3A_205 = tpu.memref_squeeze %parallel_loop3A_204 : memref<1x512x32xf32, #tpu.memory_space<vmem>> -> memref<512x32xf32, #tpu.memory_space<vmem>>
        %parallel_loop3A_206 = arith.index_cast %parallel_loop3A_201 : i32 to index
        %parallel_loop3A_207 = arith.constant 0 : index
        %parallel_loop3A_208 = tpu.vector_load %parallel_loop3A_205[%parallel_loop3A_206, %parallel_loop3A_207] {strides = array<i32>} : memref<512x32xf32, #tpu.memory_space<vmem>>, vector<16xf32>,
        %parallel_loop3A_209 = arith.constant 1 : i32
        %parallel_loop3A_210 = arith.addi %parallel_loop3A_134, %parallel_loop3A_209 : i32
        %parallel_loop3A_211 = arith.constant 0 : i32
        %parallel_loop3A_212 = arith.constant 0 : i32
        %parallel_loop3A_213 = tpu.memref_slice %arg10[%parallel_loop3A_84, %parallel_loop3A_211, %parallel_loop3A_212] : memref<2x512x32xf32, #tpu.memory_space<vmem>> -> memref<1x512x32xf32, #tpu.memory_space<vmem>>
        %parallel_loop3A_214 = tpu.memref_squeeze %parallel_loop3A_213 : memref<1x512x32xf32, #tpu.memory_space<vmem>> -> memref<512x32xf32, #tpu.memory_space<vmem>>
        %parallel_loop3A_215 = arith.index_cast %parallel_loop3A_210 : i32 to index
        %parallel_loop3A_216 = arith.constant 16 : index
        %parallel_loop3A_217 = tpu.vector_load %parallel_loop3A_214[%parallel_loop3A_215, %parallel_loop3A_216] {strides = array<i32>} : memref<512x32xf32, #tpu.memory_space<vmem>>, vector<16xf32>,
        %parallel_loop3A_218 = arith.mulf %parallel_loop3A_190, %parallel_loop3A_208 : vector<16xf32>
        %parallel_loop3A_219 = arith.mulf %parallel_loop3A_199, %parallel_loop3A_217 : vector<16xf32>
        %parallel_loop3A_220 = arith.addf %parallel_loop3A_218, %parallel_loop3A_219 : vector<16xf32>
        %parallel_loop3A_221 = arith.constant 1 : i32
        %parallel_loop3A_222 = arith.constant 0 : i32
        %parallel_loop3A_223 = arith.constant 0 : i32
        %parallel_loop3A_224 = tpu.memref_slice %arg11[%parallel_loop3A_132, %parallel_loop3A_222, %parallel_loop3A_223] : memref<32x16x17xf32, #tpu.memory_space<vmem>> -> memref<1x16x17xf32, #tpu.memory_space<vmem>>
        %parallel_loop3A_225 = tpu.memref_squeeze %parallel_loop3A_224 : memref<1x16x17xf32, #tpu.memory_space<vmem>> -> memref<16x17xf32, #tpu.memory_space<vmem>>
        %parallel_loop3A_226 = arith.index_cast %parallel_loop3A_221 : i32 to index
        %parallel_loop3A_227 = arith.constant 0 : index
        %parallel_loop3A_228 = tpu.vector_load %parallel_loop3A_225[%parallel_loop3A_226, %parallel_loop3A_227] {strides = array<i32>} : memref<16x17xf32, #tpu.memory_space<vmem>>, vector<16xf32>,
        tpu.vector_store %parallel_loop3A_225[%parallel_loop3A_226, %parallel_loop3A_227], %parallel_loop3A_220 {strides = array<i32>} : memref<16x17xf32, #tpu.memory_space<vmem>>, vector<16xf32>,
        %parallel_loop3A_229 = arith.constant 2 : i32
        %parallel_loop3A_230 = arith.addi %parallel_loop3A_134, %parallel_loop3A_229 : i32
        %parallel_loop3A_231 = arith.constant 0 : i32
        %parallel_loop3A_232 = arith.constant 0 : i32
        %parallel_loop3A_233 = tpu.memref_slice %arg9[%parallel_loop3A_83, %parallel_loop3A_231, %parallel_loop3A_232] : memref<2x512x32xf32, #tpu.memory_space<vmem>> -> memref<1x512x32xf32, #tpu.memory_space<vmem>>
        %parallel_loop3A_234 = tpu.memref_squeeze %parallel_loop3A_233 : memref<1x512x32xf32, #tpu.memory_space<vmem>> -> memref<512x32xf32, #tpu.memory_space<vmem>>
        %parallel_loop3A_235 = arith.index_cast %parallel_loop3A_230 : i32 to index
        %parallel_loop3A_236 = arith.constant 0 : index
        %parallel_loop3A_237 = tpu.vector_load %parallel_loop3A_234[%parallel_loop3A_235, %parallel_loop3A_236] {strides = array<i32>} : memref<512x32xf32, #tpu.memory_space<vmem>>, vector<16xf32>,
        %parallel_loop3A_238 = arith.constant 2 : i32
        %parallel_loop3A_239 = arith.addi %parallel_loop3A_134, %parallel_loop3A_238 : i32
        %parallel_loop3A_240 = arith.constant 0 : i32
        %parallel_loop3A_241 = arith.constant 0 : i32
        %parallel_loop3A_242 = tpu.memref_slice %arg9[%parallel_loop3A_83, %parallel_loop3A_240, %parallel_loop3A_241] : memref<2x512x32xf32, #tpu.memory_space<vmem>> -> memref<1x512x32xf32, #tpu.memory_space<vmem>>
        %parallel_loop3A_243 = tpu.memref_squeeze %parallel_loop3A_242 : memref<1x512x32xf32, #tpu.memory_space<vmem>> -> memref<512x32xf32, #tpu.memory_space<vmem>>
        %parallel_loop3A_244 = arith.index_cast %parallel_loop3A_239 : i32 to index
        %parallel_loop3A_245 = arith.constant 16 : index
        %parallel_loop3A_246 = tpu.vector_load %parallel_loop3A_243[%parallel_loop3A_244, %parallel_loop3A_245] {strides = array<i32>} : memref<512x32xf32, #tpu.memory_space<vmem>>, vector<16xf32>,
        %parallel_loop3A_247 = arith.constant 2 : i32
        %parallel_loop3A_248 = arith.addi %parallel_loop3A_134, %parallel_loop3A_247 : i32
        %parallel_loop3A_249 = arith.constant 0 : i32
        %parallel_loop3A_250 = arith.constant 0 : i32
        %parallel_loop3A_251 = tpu.memref_slice %arg10[%parallel_loop3A_84, %parallel_loop3A_249, %parallel_loop3A_250] : memref<2x512x32xf32, #tpu.memory_space<vmem>> -> memref<1x512x32xf32, #tpu.memory_space<vmem>>
        %parallel_loop3A_252 = tpu.memref_squeeze %parallel_loop3A_251 : memref<1x512x32xf32, #tpu.memory_space<vmem>> -> memref<512x32xf32, #tpu.memory_space<vmem>>
        %parallel_loop3A_253 = arith.index_cast %parallel_loop3A_248 : i32 to index
        %parallel_loop3A_254 = arith.constant 0 : index
        %parallel_loop3A_255 = tpu.vector_load %parallel_loop3A_252[%parallel_loop3A_253, %parallel_loop3A_254] {strides = array<i32>} : memref<512x32xf32, #tpu.memory_space<vmem>>, vector<16xf32>,
        %parallel_loop3A_256 = arith.constant 2 : i32
        %parallel_loop3A_257 = arith.addi %parallel_loop3A_134, %parallel_loop3A_256 : i32
        %parallel_loop3A_258 = arith.constant 0 : i32
        %parallel_loop3A_259 = arith.constant 0 : i32
        %parallel_loop3A_260 = tpu.memref_slice %arg10[%parallel_loop3A_84, %parallel_loop3A_258, %parallel_loop3A_259] : memref<2x512x32xf32, #tpu.memory_space<vmem>> -> memref<1x512x32xf32, #tpu.memory_space<vmem>>
        %parallel_loop3A_261 = tpu.memref_squeeze %parallel_loop3A_260 : memref<1x512x32xf32, #tpu.memory_space<vmem>> -> memref<512x32xf32, #tpu.memory_space<vmem>>
        %parallel_loop3A_262 = arith.index_cast %parallel_loop3A_257 : i32 to index
        %parallel_loop3A_263 = arith.constant 16 : index
        %parallel_loop3A_264 = tpu.vector_load %parallel_loop3A_261[%parallel_loop3A_262, %parallel_loop3A_263] {strides = array<i32>} : memref<512x32xf32, #tpu.memory_space<vmem>>, vector<16xf32>,
        %parallel_loop3A_265 = arith.mulf %parallel_loop3A_237, %parallel_loop3A_255 : vector<16xf32>
        %parallel_loop3A_266 = arith.mulf %parallel_loop3A_246, %parallel_loop3A_264 : vector<16xf32>
        %parallel_loop3A_267 = arith.addf %parallel_loop3A_265, %parallel_loop3A_266 : vector<16xf32>
        %parallel_loop3A_268 = arith.constant 2 : i32
        %parallel_loop3A_269 = arith.constant 0 : i32
        %parallel_loop3A_270 = arith.constant 0 : i32
        %parallel_loop3A_271 = tpu.memref_slice %arg11[%parallel_loop3A_132, %parallel_loop3A_269, %parallel_loop3A_270] : memref<32x16x17xf32, #tpu.memory_space<vmem>> -> memref<1x16x17xf32, #tpu.memory_space<vmem>>
        %parallel_loop3A_272 = tpu.memref_squeeze %parallel_loop3A_271 : memref<1x16x17xf32, #tpu.memory_space<vmem>> -> memref<16x17xf32, #tpu.memory_space<vmem>>
        %parallel_loop3A_273 = arith.index_cast %parallel_loop3A_268 : i32 to index
        %parallel_loop3A_274 = arith.constant 0 : index
        %parallel_loop3A_275 = tpu.vector_load %parallel_loop3A_272[%parallel_loop3A_273, %parallel_loop3A_274] {strides = array<i32>} : memref<16x17xf32, #tpu.memory_space<vmem>>, vector<16xf32>,
        tpu.vector_store %parallel_loop3A_272[%parallel_loop3A_273, %parallel_loop3A_274], %parallel_loop3A_267 {strides = array<i32>} : memref<16x17xf32, #tpu.memory_space<vmem>>, vector<16xf32>,
        %parallel_loop3A_276 = arith.constant 3 : i32
        %parallel_loop3A_277 = arith.addi %parallel_loop3A_134, %parallel_loop3A_276 : i32
        %parallel_loop3A_278 = arith.constant 0 : i32
        %parallel_loop3A_279 = arith.constant 0 : i32
        %parallel_loop3A_280 = tpu.memref_slice %arg9[%parallel_loop3A_83, %parallel_loop3A_278, %parallel_loop3A_279] : memref<2x512x32xf32, #tpu.memory_space<vmem>> -> memref<1x512x32xf32, #tpu.memory_space<vmem>>
        %parallel_loop3A_281 = tpu.memref_squeeze %parallel_loop3A_280 : memref<1x512x32xf32, #tpu.memory_space<vmem>> -> memref<512x32xf32, #tpu.memory_space<vmem>>
        %parallel_loop3A_282 = arith.index_cast %parallel_loop3A_277 : i32 to index
        %parallel_loop3A_283 = arith.constant 0 : index
        %parallel_loop3A_284 = tpu.vector_load %parallel_loop3A_281[%parallel_loop3A_282, %parallel_loop3A_283] {strides = array<i32>} : memref<512x32xf32, #tpu.memory_space<vmem>>, vector<16xf32>,
        %parallel_loop3A_285 = arith.constant 3 : i32
        %parallel_loop3A_286 = arith.addi %parallel_loop3A_134, %parallel_loop3A_285 : i32
        %parallel_loop3A_287 = arith.constant 0 : i32
        %parallel_loop3A_288 = arith.constant 0 : i32
        %parallel_loop3A_289 = tpu.memref_slice %arg9[%parallel_loop3A_83, %parallel_loop3A_287, %parallel_loop3A_288] : memref<2x512x32xf32, #tpu.memory_space<vmem>> -> memref<1x512x32xf32, #tpu.memory_space<vmem>>
        %parallel_loop3A_290 = tpu.memref_squeeze %parallel_loop3A_289 : memref<1x512x32xf32, #tpu.memory_space<vmem>> -> memref<512x32xf32, #tpu.memory_space<vmem>>
        %parallel_loop3A_291 = arith.index_cast %parallel_loop3A_286 : i32 to index
        %parallel_loop3A_292 = arith.constant 16 : index
        %parallel_loop3A_293 = tpu.vector_load %parallel_loop3A_290[%parallel_loop3A_291, %parallel_loop3A_292] {strides = array<i32>} : memref<512x32xf32, #tpu.memory_space<vmem>>, vector<16xf32>,
        %parallel_loop3A_294 = arith.constant 3 : i32
        %parallel_loop3A_295 = arith.addi %parallel_loop3A_134, %parallel_loop3A_294 : i32
        %parallel_loop3A_296 = arith.constant 0 : i32
        %parallel_loop3A_297 = arith.constant 0 : i32
        %parallel_loop3A_298 = tpu.memref_slice %arg10[%parallel_loop3A_84, %parallel_loop3A_296, %parallel_loop3A_297] : memref<2x512x32xf32, #tpu.memory_space<vmem>> -> memref<1x512x32xf32, #tpu.memory_space<vmem>>
        %parallel_loop3A_299 = tpu.memref_squeeze %parallel_loop3A_298 : memref<1x512x32xf32, #tpu.memory_space<vmem>> -> memref<512x32xf32, #tpu.memory_space<vmem>>
        %parallel_loop3A_300 = arith.index_cast %parallel_loop3A_295 : i32 to index
        %parallel_loop3A_301 = arith.constant 0 : index
        %parallel_loop3A_302 = tpu.vector_load %parallel_loop3A_299[%parallel_loop3A_300, %parallel_loop3A_301] {strides = array<i32>} : memref<512x32xf32, #tpu.memory_space<vmem>>, vector<16xf32>,
        %parallel_loop3A_303 = arith.constant 3 : i32
        %parallel_loop3A_304 = arith.addi %parallel_loop3A_134, %parallel_loop3A_303 : i32
        %parallel_loop3A_305 = arith.constant 0 : i32
        %parallel_loop3A_306 = arith.constant 0 : i32
        %parallel_loop3A_307 = tpu.memref_slice %arg10[%parallel_loop3A_84, %parallel_loop3A_305, %parallel_loop3A_306] : memref<2x512x32xf32, #tpu.memory_space<vmem>> -> memref<1x512x32xf32, #tpu.memory_space<vmem>>
        %parallel_loop3A_308 = tpu.memref_squeeze %parallel_loop3A_307 : memref<1x512x32xf32, #tpu.memory_space<vmem>> -> memref<512x32xf32, #tpu.memory_space<vmem>>
        %parallel_loop3A_309 = arith.index_cast %parallel_loop3A_304 : i32 to index
        %parallel_loop3A_310 = arith.constant 16 : index
        %parallel_loop3A_311 = tpu.vector_load %parallel_loop3A_308[%parallel_loop3A_309, %parallel_loop3A_310] {strides = array<i32>} : memref<512x32xf32, #tpu.memory_space<vmem>>, vector<16xf32>,
        %parallel_loop3A_312 = arith.mulf %parallel_loop3A_284, %parallel_loop3A_302 : vector<16xf32>
        %parallel_loop3A_313 = arith.mulf %parallel_loop3A_293, %parallel_loop3A_311 : vector<16xf32>
        %parallel_loop3A_314 = arith.addf %parallel_loop3A_312, %parallel_loop3A_313 : vector<16xf32>
        %parallel_loop3A_315 = arith.constant 3 : i32
        %parallel_loop3A_316 = arith.constant 0 : i32
        %parallel_loop3A_317 = arith.constant 0 : i32
        %parallel_loop3A_318 = tpu.memref_slice %arg11[%parallel_loop3A_132, %parallel_loop3A_316, %parallel_loop3A_317] : memref<32x16x17xf32, #tpu.memory_space<vmem>> -> memref<1x16x17xf32, #tpu.memory_space<vmem>>
        %parallel_loop3A_319 = tpu.memref_squeeze %parallel_loop3A_318 : memref<1x16x17xf32, #tpu.memory_space<vmem>> -> memref<16x17xf32, #tpu.memory_space<vmem>>
        %parallel_loop3A_320 = arith.index_cast %parallel_loop3A_315 : i32 to index
        %parallel_loop3A_321 = arith.constant 0 : index
        %parallel_loop3A_322 = tpu.vector_load %parallel_loop3A_319[%parallel_loop3A_320, %parallel_loop3A_321] {strides = array<i32>} : memref<16x17xf32, #tpu.memory_space<vmem>>, vector<16xf32>,
        tpu.vector_store %parallel_loop3A_319[%parallel_loop3A_320, %parallel_loop3A_321], %parallel_loop3A_314 {strides = array<i32>} : memref<16x17xf32, #tpu.memory_space<vmem>>, vector<16xf32>,
        %parallel_loop3A_323 = arith.constant 4 : i32
        %parallel_loop3A_324 = arith.addi %parallel_loop3A_134, %parallel_loop3A_323 : i32
        %parallel_loop3A_325 = arith.constant 0 : i32
        %parallel_loop3A_326 = arith.constant 0 : i32
        %parallel_loop3A_327 = tpu.memref_slice %arg9[%parallel_loop3A_83, %parallel_loop3A_325, %parallel_loop3A_326] : memref<2x512x32xf32, #tpu.memory_space<vmem>> -> memref<1x512x32xf32, #tpu.memory_space<vmem>>
        %parallel_loop3A_328 = tpu.memref_squeeze %parallel_loop3A_327 : memref<1x512x32xf32, #tpu.memory_space<vmem>> -> memref<512x32xf32, #tpu.memory_space<vmem>>
        %parallel_loop3A_329 = arith.index_cast %parallel_loop3A_324 : i32 to index
        %parallel_loop3A_330 = arith.constant 0 : index
        %parallel_loop3A_331 = tpu.vector_load %parallel_loop3A_328[%parallel_loop3A_329, %parallel_loop3A_330] {strides = array<i32>} : memref<512x32xf32, #tpu.memory_space<vmem>>, vector<16xf32>,
        %parallel_loop3A_332 = arith.constant 4 : i32
        %parallel_loop3A_333 = arith.addi %parallel_loop3A_134, %parallel_loop3A_332 : i32
        %parallel_loop3A_334 = arith.constant 0 : i32
        %parallel_loop3A_335 = arith.constant 0 : i32
        %parallel_loop3A_336 = tpu.memref_slice %arg9[%parallel_loop3A_83, %parallel_loop3A_334, %parallel_loop3A_335] : memref<2x512x32xf32, #tpu.memory_space<vmem>> -> memref<1x512x32xf32, #tpu.memory_space<vmem>>
        %parallel_loop3A_337 = tpu.memref_squeeze %parallel_loop3A_336 : memref<1x512x32xf32, #tpu.memory_space<vmem>> -> memref<512x32xf32, #tpu.memory_space<vmem>>
        %parallel_loop3A_338 = arith.index_cast %parallel_loop3A_333 : i32 to index
        %parallel_loop3A_339 = arith.constant 16 : index
        %parallel_loop3A_340 = tpu.vector_load %parallel_loop3A_337[%parallel_loop3A_338, %parallel_loop3A_339] {strides = array<i32>} : memref<512x32xf32, #tpu.memory_space<vmem>>, vector<16xf32>,
        %parallel_loop3A_341 = arith.constant 4 : i32
        %parallel_loop3A_342 = arith.addi %parallel_loop3A_134, %parallel_loop3A_341 : i32
        %parallel_loop3A_343 = arith.constant 0 : i32
        %parallel_loop3A_344 = arith.constant 0 : i32
        %parallel_loop3A_345 = tpu.memref_slice %arg10[%parallel_loop3A_84, %parallel_loop3A_343, %parallel_loop3A_344] : memref<2x512x32xf32, #tpu.memory_space<vmem>> -> memref<1x512x32xf32, #tpu.memory_space<vmem>>
        %parallel_loop3A_346 = tpu.memref_squeeze %parallel_loop3A_345 : memref<1x512x32xf32, #tpu.memory_space<vmem>> -> memref<512x32xf32, #tpu.memory_space<vmem>>
        %parallel_loop3A_347 = arith.index_cast %parallel_loop3A_342 : i32 to index
        %parallel_loop3A_348 = arith.constant 0 : index
        %parallel_loop3A_349 = tpu.vector_load %parallel_loop3A_346[%parallel_loop3A_347, %parallel_loop3A_348] {strides = array<i32>} : memref<512x32xf32, #tpu.memory_space<vmem>>, vector<16xf32>,
        %parallel_loop3A_350 = arith.constant 4 : i32
        %parallel_loop3A_351 = arith.addi %parallel_loop3A_134, %parallel_loop3A_350 : i32
        %parallel_loop3A_352 = arith.constant 0 : i32
        %parallel_loop3A_353 = arith.constant 0 : i32
        %parallel_loop3A_354 = tpu.memref_slice %arg10[%parallel_loop3A_84, %parallel_loop3A_352, %parallel_loop3A_353] : memref<2x512x32xf32, #tpu.memory_space<vmem>> -> memref<1x512x32xf32, #tpu.memory_space<vmem>>
        %parallel_loop3A_355 = tpu.memref_squeeze %parallel_loop3A_354 : memref<1x512x32xf32, #tpu.memory_space<vmem>> -> memref<512x32xf32, #tpu.memory_space<vmem>>
        %parallel_loop3A_356 = arith.index_cast %parallel_loop3A_351 : i32 to index
        %parallel_loop3A_357 = arith.constant 16 : index
        %parallel_loop3A_358 = tpu.vector_load %parallel_loop3A_355[%parallel_loop3A_356, %parallel_loop3A_357] {strides = array<i32>} : memref<512x32xf32, #tpu.memory_space<vmem>>, vector<16xf32>,
        %parallel_loop3A_359 = arith.mulf %parallel_loop3A_331, %parallel_loop3A_349 : vector<16xf32>
        %parallel_loop3A_360 = arith.mulf %parallel_loop3A_340, %parallel_loop3A_358 : vector<16xf32>
        %parallel_loop3A_361 = arith.addf %parallel_loop3A_359, %parallel_loop3A_360 : vector<16xf32>
        %parallel_loop3A_362 = arith.constant 4 : i32
        %parallel_loop3A_363 = arith.constant 0 : i32
        %parallel_loop3A_364 = arith.constant 0 : i32
        %parallel_loop3A_365 = tpu.memref_slice %arg11[%parallel_loop3A_132, %parallel_loop3A_363, %parallel_loop3A_364] : memref<32x16x17xf32, #tpu.memory_space<vmem>> -> memref<1x16x17xf32, #tpu.memory_space<vmem>>
        %parallel_loop3A_366 = tpu.memref_squeeze %parallel_loop3A_365 : memref<1x16x17xf32, #tpu.memory_space<vmem>> -> memref<16x17xf32, #tpu.memory_space<vmem>>
        %parallel_loop3A_367 = arith.index_cast %parallel_loop3A_362 : i32 to index
        %parallel_loop3A_368 = arith.constant 0 : index
        %parallel_loop3A_369 = tpu.vector_load %parallel_loop3A_366[%parallel_loop3A_367, %parallel_loop3A_368] {strides = array<i32>} : memref<16x17xf32, #tpu.memory_space<vmem>>, vector<16xf32>,
        tpu.vector_store %parallel_loop3A_366[%parallel_loop3A_367, %parallel_loop3A_368], %parallel_loop3A_361 {strides = array<i32>} : memref<16x17xf32, #tpu.memory_space<vmem>>, vector<16xf32>,
        %parallel_loop3A_370 = arith.constant 5 : i32
        %parallel_loop3A_371 = arith.addi %parallel_loop3A_134, %parallel_loop3A_370 : i32
        %parallel_loop3A_372 = arith.constant 0 : i32
        %parallel_loop3A_373 = arith.constant 0 : i32
        %parallel_loop3A_374 = tpu.memref_slice %arg9[%parallel_loop3A_83, %parallel_loop3A_372, %parallel_loop3A_373] : memref<2x512x32xf32, #tpu.memory_space<vmem>> -> memref<1x512x32xf32, #tpu.memory_space<vmem>>
        %parallel_loop3A_375 = tpu.memref_squeeze %parallel_loop3A_374 : memref<1x512x32xf32, #tpu.memory_space<vmem>> -> memref<512x32xf32, #tpu.memory_space<vmem>>
        %parallel_loop3A_376 = arith.index_cast %parallel_loop3A_371 : i32 to index
        %parallel_loop3A_377 = arith.constant 0 : index
        %parallel_loop3A_378 = tpu.vector_load %parallel_loop3A_375[%parallel_loop3A_376, %parallel_loop3A_377] {strides = array<i32>} : memref<512x32xf32, #tpu.memory_space<vmem>>, vector<16xf32>,
        %parallel_loop3A_379 = arith.constant 5 : i32
        %parallel_loop3A_380 = arith.addi %parallel_loop3A_134, %parallel_loop3A_379 : i32
        %parallel_loop3A_381 = arith.constant 0 : i32
        %parallel_loop3A_382 = arith.constant 0 : i32
        %parallel_loop3A_383 = tpu.memref_slice %arg9[%parallel_loop3A_83, %parallel_loop3A_381, %parallel_loop3A_382] : memref<2x512x32xf32, #tpu.memory_space<vmem>> -> memref<1x512x32xf32, #tpu.memory_space<vmem>>
        %parallel_loop3A_384 = tpu.memref_squeeze %parallel_loop3A_383 : memref<1x512x32xf32, #tpu.memory_space<vmem>> -> memref<512x32xf32, #tpu.memory_space<vmem>>
        %parallel_loop3A_385 = arith.index_cast %parallel_loop3A_380 : i32 to index
        %parallel_loop3A_386 = arith.constant 16 : index
        %parallel_loop3A_387 = tpu.vector_load %parallel_loop3A_384[%parallel_loop3A_385, %parallel_loop3A_386] {strides = array<i32>} : memref<512x32xf32, #tpu.memory_space<vmem>>, vector<16xf32>,
        %parallel_loop3A_388 = arith.constant 5 : i32
        %parallel_loop3A_389 = arith.addi %parallel_loop3A_134, %parallel_loop3A_388 : i32
        %parallel_loop3A_390 = arith.constant 0 : i32
        %parallel_loop3A_391 = arith.constant 0 : i32
        %parallel_loop3A_392 = tpu.memref_slice %arg10[%parallel_loop3A_84, %parallel_loop3A_390, %parallel_loop3A_391] : memref<2x512x32xf32, #tpu.memory_space<vmem>> -> memref<1x512x32xf32, #tpu.memory_space<vmem>>
        %parallel_loop3A_393 = tpu.memref_squeeze %parallel_loop3A_392 : memref<1x512x32xf32, #tpu.memory_space<vmem>> -> memref<512x32xf32, #tpu.memory_space<vmem>>
        %parallel_loop3A_394 = arith.index_cast %parallel_loop3A_389 : i32 to index
        %parallel_loop3A_395 = arith.constant 0 : index
        %parallel_loop3A_396 = tpu.vector_load %parallel_loop3A_393[%parallel_loop3A_394, %parallel_loop3A_395] {strides = array<i32>} : memref<512x32xf32, #tpu.memory_space<vmem>>, vector<16xf32>,
        %parallel_loop3A_397 = arith.constant 5 : i32
        %parallel_loop3A_398 = arith.addi %parallel_loop3A_134, %parallel_loop3A_397 : i32
        %parallel_loop3A_399 = arith.constant 0 : i32
        %parallel_loop3A_400 = arith.constant 0 : i32
        %parallel_loop3A_401 = tpu.memref_slice %arg10[%parallel_loop3A_84, %parallel_loop3A_399, %parallel_loop3A_400] : memref<2x512x32xf32, #tpu.memory_space<vmem>> -> memref<1x512x32xf32, #tpu.memory_space<vmem>>
        %parallel_loop3A_402 = tpu.memref_squeeze %parallel_loop3A_401 : memref<1x512x32xf32, #tpu.memory_space<vmem>> -> memref<512x32xf32, #tpu.memory_space<vmem>>
        %parallel_loop3A_403 = arith.index_cast %parallel_loop3A_398 : i32 to index
        %parallel_loop3A_404 = arith.constant 16 : index
        %parallel_loop3A_405 = tpu.vector_load %parallel_loop3A_402[%parallel_loop3A_403, %parallel_loop3A_404] {strides = array<i32>} : memref<512x32xf32, #tpu.memory_space<vmem>>, vector<16xf32>,
        %parallel_loop3A_406 = arith.mulf %parallel_loop3A_378, %parallel_loop3A_396 : vector<16xf32>
        %parallel_loop3A_407 = arith.mulf %parallel_loop3A_387, %parallel_loop3A_405 : vector<16xf32>
        %parallel_loop3A_408 = arith.addf %parallel_loop3A_406, %parallel_loop3A_407 : vector<16xf32>
        %parallel_loop3A_409 = arith.constant 5 : i32
        %parallel_loop3A_410 = arith.constant 0 : i32
        %parallel_loop3A_411 = arith.constant 0 : i32
        %parallel_loop3A_412 = tpu.memref_slice %arg11[%parallel_loop3A_132, %parallel_loop3A_410, %parallel_loop3A_411] : memref<32x16x17xf32, #tpu.memory_space<vmem>> -> memref<1x16x17xf32, #tpu.memory_space<vmem>>
        %parallel_loop3A_413 = tpu.memref_squeeze %parallel_loop3A_412 : memref<1x16x17xf32, #tpu.memory_space<vmem>> -> memref<16x17xf32, #tpu.memory_space<vmem>>
        %parallel_loop3A_414 = arith.index_cast %parallel_loop3A_409 : i32 to index
        %parallel_loop3A_415 = arith.constant 0 : index
        %parallel_loop3A_416 = tpu.vector_load %parallel_loop3A_413[%parallel_loop3A_414, %parallel_loop3A_415] {strides = array<i32>} : memref<16x17xf32, #tpu.memory_space<vmem>>, vector<16xf32>,
        tpu.vector_store %parallel_loop3A_413[%parallel_loop3A_414, %parallel_loop3A_415], %parallel_loop3A_408 {strides = array<i32>} : memref<16x17xf32, #tpu.memory_space<vmem>>, vector<16xf32>,
        %parallel_loop3A_417 = arith.constant 6 : i32
        %parallel_loop3A_418 = arith.addi %parallel_loop3A_134, %parallel_loop3A_417 : i32
        %parallel_loop3A_419 = arith.constant 0 : i32
        %parallel_loop3A_420 = arith.constant 0 : i32
        %parallel_loop3A_421 = tpu.memref_slice %arg9[%parallel_loop3A_83, %parallel_loop3A_419, %parallel_loop3A_420] : memref<2x512x32xf32, #tpu.memory_space<vmem>> -> memref<1x512x32xf32, #tpu.memory_space<vmem>>
        %parallel_loop3A_422 = tpu.memref_squeeze %parallel_loop3A_421 : memref<1x512x32xf32, #tpu.memory_space<vmem>> -> memref<512x32xf32, #tpu.memory_space<vmem>>
        %parallel_loop3A_423 = arith.index_cast %parallel_loop3A_418 : i32 to index
        %parallel_loop3A_424 = arith.constant 0 : index
        %parallel_loop3A_425 = tpu.vector_load %parallel_loop3A_422[%parallel_loop3A_423, %parallel_loop3A_424] {strides = array<i32>} : memref<512x32xf32, #tpu.memory_space<vmem>>, vector<16xf32>,
        %parallel_loop3A_426 = arith.constant 6 : i32
        %parallel_loop3A_427 = arith.addi %parallel_loop3A_134, %parallel_loop3A_426 : i32
        %parallel_loop3A_428 = arith.constant 0 : i32
        %parallel_loop3A_429 = arith.constant 0 : i32
        %parallel_loop3A_430 = tpu.memref_slice %arg9[%parallel_loop3A_83, %parallel_loop3A_428, %parallel_loop3A_429] : memref<2x512x32xf32, #tpu.memory_space<vmem>> -> memref<1x512x32xf32, #tpu.memory_space<vmem>>
        %parallel_loop3A_431 = tpu.memref_squeeze %parallel_loop3A_430 : memref<1x512x32xf32, #tpu.memory_space<vmem>> -> memref<512x32xf32, #tpu.memory_space<vmem>>
        %parallel_loop3A_432 = arith.index_cast %parallel_loop3A_427 : i32 to index
        %parallel_loop3A_433 = arith.constant 16 : index
        %parallel_loop3A_434 = tpu.vector_load %parallel_loop3A_431[%parallel_loop3A_432, %parallel_loop3A_433] {strides = array<i32>} : memref<512x32xf32, #tpu.memory_space<vmem>>, vector<16xf32>,
        %parallel_loop3A_435 = arith.constant 6 : i32
        %parallel_loop3A_436 = arith.addi %parallel_loop3A_134, %parallel_loop3A_435 : i32
        %parallel_loop3A_437 = arith.constant 0 : i32
        %parallel_loop3A_438 = arith.constant 0 : i32
        %parallel_loop3A_439 = tpu.memref_slice %arg10[%parallel_loop3A_84, %parallel_loop3A_437, %parallel_loop3A_438] : memref<2x512x32xf32, #tpu.memory_space<vmem>> -> memref<1x512x32xf32, #tpu.memory_space<vmem>>
        %parallel_loop3A_440 = tpu.memref_squeeze %parallel_loop3A_439 : memref<1x512x32xf32, #tpu.memory_space<vmem>> -> memref<512x32xf32, #tpu.memory_space<vmem>>
        %parallel_loop3A_441 = arith.index_cast %parallel_loop3A_436 : i32 to index
        %parallel_loop3A_442 = arith.constant 0 : index
        %parallel_loop3A_443 = tpu.vector_load %parallel_loop3A_440[%parallel_loop3A_441, %parallel_loop3A_442] {strides = array<i32>} : memref<512x32xf32, #tpu.memory_space<vmem>>, vector<16xf32>,
        %parallel_loop3A_444 = arith.constant 6 : i32
        %parallel_loop3A_445 = arith.addi %parallel_loop3A_134, %parallel_loop3A_444 : i32
        %parallel_loop3A_446 = arith.constant 0 : i32
        %parallel_loop3A_447 = arith.constant 0 : i32
        %parallel_loop3A_448 = tpu.memref_slice %arg10[%parallel_loop3A_84, %parallel_loop3A_446, %parallel_loop3A_447] : memref<2x512x32xf32, #tpu.memory_space<vmem>> -> memref<1x512x32xf32, #tpu.memory_space<vmem>>
        %parallel_loop3A_449 = tpu.memref_squeeze %parallel_loop3A_448 : memref<1x512x32xf32, #tpu.memory_space<vmem>> -> memref<512x32xf32, #tpu.memory_space<vmem>>
        %parallel_loop3A_450 = arith.index_cast %parallel_loop3A_445 : i32 to index
        %parallel_loop3A_451 = arith.constant 16 : index
        %parallel_loop3A_452 = tpu.vector_load %parallel_loop3A_449[%parallel_loop3A_450, %parallel_loop3A_451] {strides = array<i32>} : memref<512x32xf32, #tpu.memory_space<vmem>>, vector<16xf32>,
        %parallel_loop3A_453 = arith.mulf %parallel_loop3A_425, %parallel_loop3A_443 : vector<16xf32>
        %parallel_loop3A_454 = arith.mulf %parallel_loop3A_434, %parallel_loop3A_452 : vector<16xf32>
        %parallel_loop3A_455 = arith.addf %parallel_loop3A_453, %parallel_loop3A_454 : vector<16xf32>
        %parallel_loop3A_456 = arith.constant 6 : i32
        %parallel_loop3A_457 = arith.constant 0 : i32
        %parallel_loop3A_458 = arith.constant 0 : i32
        %parallel_loop3A_459 = tpu.memref_slice %arg11[%parallel_loop3A_132, %parallel_loop3A_457, %parallel_loop3A_458] : memref<32x16x17xf32, #tpu.memory_space<vmem>> -> memref<1x16x17xf32, #tpu.memory_space<vmem>>
        %parallel_loop3A_460 = tpu.memref_squeeze %parallel_loop3A_459 : memref<1x16x17xf32, #tpu.memory_space<vmem>> -> memref<16x17xf32, #tpu.memory_space<vmem>>
        %parallel_loop3A_461 = arith.index_cast %parallel_loop3A_456 : i32 to index
        %parallel_loop3A_462 = arith.constant 0 : index
        %parallel_loop3A_463 = tpu.vector_load %parallel_loop3A_460[%parallel_loop3A_461, %parallel_loop3A_462] {strides = array<i32>} : memref<16x17xf32, #tpu.memory_space<vmem>>, vector<16xf32>,
        tpu.vector_store %parallel_loop3A_460[%parallel_loop3A_461, %parallel_loop3A_462], %parallel_loop3A_455 {strides = array<i32>} : memref<16x17xf32, #tpu.memory_space<vmem>>, vector<16xf32>,
        %parallel_loop3A_464 = arith.constant 7 : i32
        %parallel_loop3A_465 = arith.addi %parallel_loop3A_134, %parallel_loop3A_464 : i32
        %parallel_loop3A_466 = arith.constant 0 : i32
        %parallel_loop3A_467 = arith.constant 0 : i32
        %parallel_loop3A_468 = tpu.memref_slice %arg9[%parallel_loop3A_83, %parallel_loop3A_466, %parallel_loop3A_467] : memref<2x512x32xf32, #tpu.memory_space<vmem>> -> memref<1x512x32xf32, #tpu.memory_space<vmem>>
        %parallel_loop3A_469 = tpu.memref_squeeze %parallel_loop3A_468 : memref<1x512x32xf32, #tpu.memory_space<vmem>> -> memref<512x32xf32, #tpu.memory_space<vmem>>
        %parallel_loop3A_470 = arith.index_cast %parallel_loop3A_465 : i32 to index
        %parallel_loop3A_471 = arith.constant 0 : index
        %parallel_loop3A_472 = tpu.vector_load %parallel_loop3A_469[%parallel_loop3A_470, %parallel_loop3A_471] {strides = array<i32>} : memref<512x32xf32, #tpu.memory_space<vmem>>, vector<16xf32>,
        %parallel_loop3A_473 = arith.constant 7 : i32
        %parallel_loop3A_474 = arith.addi %parallel_loop3A_134, %parallel_loop3A_473 : i32
        %parallel_loop3A_475 = arith.constant 0 : i32
        %parallel_loop3A_476 = arith.constant 0 : i32
        %parallel_loop3A_477 = tpu.memref_slice %arg9[%parallel_loop3A_83, %parallel_loop3A_475, %parallel_loop3A_476] : memref<2x512x32xf32, #tpu.memory_space<vmem>> -> memref<1x512x32xf32, #tpu.memory_space<vmem>>
        %parallel_loop3A_478 = tpu.memref_squeeze %parallel_loop3A_477 : memref<1x512x32xf32, #tpu.memory_space<vmem>> -> memref<512x32xf32, #tpu.memory_space<vmem>>
        %parallel_loop3A_479 = arith.index_cast %parallel_loop3A_474 : i32 to index
        %parallel_loop3A_480 = arith.constant 16 : index
        %parallel_loop3A_481 = tpu.vector_load %parallel_loop3A_478[%parallel_loop3A_479, %parallel_loop3A_480] {strides = array<i32>} : memref<512x32xf32, #tpu.memory_space<vmem>>, vector<16xf32>,
        %parallel_loop3A_482 = arith.constant 7 : i32
        %parallel_loop3A_483 = arith.addi %parallel_loop3A_134, %parallel_loop3A_482 : i32
        %parallel_loop3A_484 = arith.constant 0 : i32
        %parallel_loop3A_485 = arith.constant 0 : i32
        %parallel_loop3A_486 = tpu.memref_slice %arg10[%parallel_loop3A_84, %parallel_loop3A_484, %parallel_loop3A_485] : memref<2x512x32xf32, #tpu.memory_space<vmem>> -> memref<1x512x32xf32, #tpu.memory_space<vmem>>
        %parallel_loop3A_487 = tpu.memref_squeeze %parallel_loop3A_486 : memref<1x512x32xf32, #tpu.memory_space<vmem>> -> memref<512x32xf32, #tpu.memory_space<vmem>>
        %parallel_loop3A_488 = arith.index_cast %parallel_loop3A_483 : i32 to index
        %parallel_loop3A_489 = arith.constant 0 : index
        %parallel_loop3A_490 = tpu.vector_load %parallel_loop3A_487[%parallel_loop3A_488, %parallel_loop3A_489] {strides = array<i32>} : memref<512x32xf32, #tpu.memory_space<vmem>>, vector<16xf32>,
        %parallel_loop3A_491 = arith.constant 7 : i32
        %parallel_loop3A_492 = arith.addi %parallel_loop3A_134, %parallel_loop3A_491 : i32
        %parallel_loop3A_493 = arith.constant 0 : i32
        %parallel_loop3A_494 = arith.constant 0 : i32
        %parallel_loop3A_495 = tpu.memref_slice %arg10[%parallel_loop3A_84, %parallel_loop3A_493, %parallel_loop3A_494] : memref<2x512x32xf32, #tpu.memory_space<vmem>> -> memref<1x512x32xf32, #tpu.memory_space<vmem>>
        %parallel_loop3A_496 = tpu.memref_squeeze %parallel_loop3A_495 : memref<1x512x32xf32, #tpu.memory_space<vmem>> -> memref<512x32xf32, #tpu.memory_space<vmem>>
        %parallel_loop3A_497 = arith.index_cast %parallel_loop3A_492 : i32 to index
        %parallel_loop3A_498 = arith.constant 16 : index
        %parallel_loop3A_499 = tpu.vector_load %parallel_loop3A_496[%parallel_loop3A_497, %parallel_loop3A_498] {strides = array<i32>} : memref<512x32xf32, #tpu.memory_space<vmem>>, vector<16xf32>,
        %parallel_loop3A_500 = arith.mulf %parallel_loop3A_472, %parallel_loop3A_490 : vector<16xf32>
        %parallel_loop3A_501 = arith.mulf %parallel_loop3A_481, %parallel_loop3A_499 : vector<16xf32>
        %parallel_loop3A_502 = arith.addf %parallel_loop3A_500, %parallel_loop3A_501 : vector<16xf32>
        %parallel_loop3A_503 = arith.constant 7 : i32
        %parallel_loop3A_504 = arith.constant 0 : i32
        %parallel_loop3A_505 = arith.constant 0 : i32
        %parallel_loop3A_506 = tpu.memref_slice %arg11[%parallel_loop3A_132, %parallel_loop3A_504, %parallel_loop3A_505] : memref<32x16x17xf32, #tpu.memory_space<vmem>> -> memref<1x16x17xf32, #tpu.memory_space<vmem>>
        %parallel_loop3A_507 = tpu.memref_squeeze %parallel_loop3A_506 : memref<1x16x17xf32, #tpu.memory_space<vmem>> -> memref<16x17xf32, #tpu.memory_space<vmem>>
        %parallel_loop3A_508 = arith.index_cast %parallel_loop3A_503 : i32 to index
        %parallel_loop3A_509 = arith.constant 0 : index
        %parallel_loop3A_510 = tpu.vector_load %parallel_loop3A_507[%parallel_loop3A_508, %parallel_loop3A_509] {strides = array<i32>} : memref<16x17xf32, #tpu.memory_space<vmem>>, vector<16xf32>,
        tpu.vector_store %parallel_loop3A_507[%parallel_loop3A_508, %parallel_loop3A_509], %parallel_loop3A_502 {strides = array<i32>} : memref<16x17xf32, #tpu.memory_space<vmem>>, vector<16xf32>,
        %parallel_loop3A_511 = arith.constant 8 : i32
        %parallel_loop3A_512 = arith.addi %parallel_loop3A_134, %parallel_loop3A_511 : i32
        %parallel_loop3A_513 = arith.constant 0 : i32
        %parallel_loop3A_514 = arith.constant 0 : i32
        %parallel_loop3A_515 = tpu.memref_slice %arg9[%parallel_loop3A_83, %parallel_loop3A_513, %parallel_loop3A_514] : memref<2x512x32xf32, #tpu.memory_space<vmem>> -> memref<1x512x32xf32, #tpu.memory_space<vmem>>
        %parallel_loop3A_516 = tpu.memref_squeeze %parallel_loop3A_515 : memref<1x512x32xf32, #tpu.memory_space<vmem>> -> memref<512x32xf32, #tpu.memory_space<vmem>>
        %parallel_loop3A_517 = arith.index_cast %parallel_loop3A_512 : i32 to index
        %parallel_loop3A_518 = arith.constant 0 : index
        %parallel_loop3A_519 = tpu.vector_load %parallel_loop3A_516[%parallel_loop3A_517, %parallel_loop3A_518] {strides = array<i32>} : memref<512x32xf32, #tpu.memory_space<vmem>>, vector<16xf32>,
        %parallel_loop3A_520 = arith.constant 8 : i32
        %parallel_loop3A_521 = arith.addi %parallel_loop3A_134, %parallel_loop3A_520 : i32
        %parallel_loop3A_522 = arith.constant 0 : i32
        %parallel_loop3A_523 = arith.constant 0 : i32
        %parallel_loop3A_524 = tpu.memref_slice %arg9[%parallel_loop3A_83, %parallel_loop3A_522, %parallel_loop3A_523] : memref<2x512x32xf32, #tpu.memory_space<vmem>> -> memref<1x512x32xf32, #tpu.memory_space<vmem>>
        %parallel_loop3A_525 = tpu.memref_squeeze %parallel_loop3A_524 : memref<1x512x32xf32, #tpu.memory_space<vmem>> -> memref<512x32xf32, #tpu.memory_space<vmem>>
        %parallel_loop3A_526 = arith.index_cast %parallel_loop3A_521 : i32 to index
        %parallel_loop3A_527 = arith.constant 16 : index
        %parallel_loop3A_528 = tpu.vector_load %parallel_loop3A_525[%parallel_loop3A_526, %parallel_loop3A_527] {strides = array<i32>} : memref<512x32xf32, #tpu.memory_space<vmem>>, vector<16xf32>,
        %parallel_loop3A_529 = arith.constant 8 : i32
        %parallel_loop3A_530 = arith.addi %parallel_loop3A_134, %parallel_loop3A_529 : i32
        %parallel_loop3A_531 = arith.constant 0 : i32
        %parallel_loop3A_532 = arith.constant 0 : i32
        %parallel_loop3A_533 = tpu.memref_slice %arg10[%parallel_loop3A_84, %parallel_loop3A_531, %parallel_loop3A_532] : memref<2x512x32xf32, #tpu.memory_space<vmem>> -> memref<1x512x32xf32, #tpu.memory_space<vmem>>
        %parallel_loop3A_534 = tpu.memref_squeeze %parallel_loop3A_533 : memref<1x512x32xf32, #tpu.memory_space<vmem>> -> memref<512x32xf32, #tpu.memory_space<vmem>>
        %parallel_loop3A_535 = arith.index_cast %parallel_loop3A_530 : i32 to index
        %parallel_loop3A_536 = arith.constant 0 : index
        %parallel_loop3A_537 = tpu.vector_load %parallel_loop3A_534[%parallel_loop3A_535, %parallel_loop3A_536] {strides = array<i32>} : memref<512x32xf32, #tpu.memory_space<vmem>>, vector<16xf32>,
        %parallel_loop3A_538 = arith.constant 8 : i32
        %parallel_loop3A_539 = arith.addi %parallel_loop3A_134, %parallel_loop3A_538 : i32
        %parallel_loop3A_540 = arith.constant 0 : i32
        %parallel_loop3A_541 = arith.constant 0 : i32
        %parallel_loop3A_542 = tpu.memref_slice %arg10[%parallel_loop3A_84, %parallel_loop3A_540, %parallel_loop3A_541] : memref<2x512x32xf32, #tpu.memory_space<vmem>> -> memref<1x512x32xf32, #tpu.memory_space<vmem>>
        %parallel_loop3A_543 = tpu.memref_squeeze %parallel_loop3A_542 : memref<1x512x32xf32, #tpu.memory_space<vmem>> -> memref<512x32xf32, #tpu.memory_space<vmem>>
        %parallel_loop3A_544 = arith.index_cast %parallel_loop3A_539 : i32 to index
        %parallel_loop3A_545 = arith.constant 16 : index
        %parallel_loop3A_546 = tpu.vector_load %parallel_loop3A_543[%parallel_loop3A_544, %parallel_loop3A_545] {strides = array<i32>} : memref<512x32xf32, #tpu.memory_space<vmem>>, vector<16xf32>,
        %parallel_loop3A_547 = arith.mulf %parallel_loop3A_519, %parallel_loop3A_537 : vector<16xf32>
        %parallel_loop3A_548 = arith.mulf %parallel_loop3A_528, %parallel_loop3A_546 : vector<16xf32>
        %parallel_loop3A_549 = arith.addf %parallel_loop3A_547, %parallel_loop3A_548 : vector<16xf32>
        %parallel_loop3A_550 = arith.constant 8 : i32
        %parallel_loop3A_551 = arith.constant 0 : i32
        %parallel_loop3A_552 = arith.constant 0 : i32
        %parallel_loop3A_553 = tpu.memref_slice %arg11[%parallel_loop3A_132, %parallel_loop3A_551, %parallel_loop3A_552] : memref<32x16x17xf32, #tpu.memory_space<vmem>> -> memref<1x16x17xf32, #tpu.memory_space<vmem>>
        %parallel_loop3A_554 = tpu.memref_squeeze %parallel_loop3A_553 : memref<1x16x17xf32, #tpu.memory_space<vmem>> -> memref<16x17xf32, #tpu.memory_space<vmem>>
        %parallel_loop3A_555 = arith.index_cast %parallel_loop3A_550 : i32 to index
        %parallel_loop3A_556 = arith.constant 0 : index
        %parallel_loop3A_557 = tpu.vector_load %parallel_loop3A_554[%parallel_loop3A_555, %parallel_loop3A_556] {strides = array<i32>} : memref<16x17xf32, #tpu.memory_space<vmem>>, vector<16xf32>,
        tpu.vector_store %parallel_loop3A_554[%parallel_loop3A_555, %parallel_loop3A_556], %parallel_loop3A_549 {strides = array<i32>} : memref<16x17xf32, #tpu.memory_space<vmem>>, vector<16xf32>,
        %parallel_loop3A_558 = arith.constant 9 : i32
        %parallel_loop3A_559 = arith.addi %parallel_loop3A_134, %parallel_loop3A_558 : i32
        %parallel_loop3A_560 = arith.constant 0 : i32
        %parallel_loop3A_561 = arith.constant 0 : i32
        %parallel_loop3A_562 = tpu.memref_slice %arg9[%parallel_loop3A_83, %parallel_loop3A_560, %parallel_loop3A_561] : memref<2x512x32xf32, #tpu.memory_space<vmem>> -> memref<1x512x32xf32, #tpu.memory_space<vmem>>
        %parallel_loop3A_563 = tpu.memref_squeeze %parallel_loop3A_562 : memref<1x512x32xf32, #tpu.memory_space<vmem>> -> memref<512x32xf32, #tpu.memory_space<vmem>>
        %parallel_loop3A_564 = arith.index_cast %parallel_loop3A_559 : i32 to index
        %parallel_loop3A_565 = arith.constant 0 : index
        %parallel_loop3A_566 = tpu.vector_load %parallel_loop3A_563[%parallel_loop3A_564, %parallel_loop3A_565] {strides = array<i32>} : memref<512x32xf32, #tpu.memory_space<vmem>>, vector<16xf32>,
        %parallel_loop3A_567 = arith.constant 9 : i32
        %parallel_loop3A_568 = arith.addi %parallel_loop3A_134, %parallel_loop3A_567 : i32
        %parallel_loop3A_569 = arith.constant 0 : i32
        %parallel_loop3A_570 = arith.constant 0 : i32
        %parallel_loop3A_571 = tpu.memref_slice %arg9[%parallel_loop3A_83, %parallel_loop3A_569, %parallel_loop3A_570] : memref<2x512x32xf32, #tpu.memory_space<vmem>> -> memref<1x512x32xf32, #tpu.memory_space<vmem>>
        %parallel_loop3A_572 = tpu.memref_squeeze %parallel_loop3A_571 : memref<1x512x32xf32, #tpu.memory_space<vmem>> -> memref<512x32xf32, #tpu.memory_space<vmem>>
        %parallel_loop3A_573 = arith.index_cast %parallel_loop3A_568 : i32 to index
        %parallel_loop3A_574 = arith.constant 16 : index
        %parallel_loop3A_575 = tpu.vector_load %parallel_loop3A_572[%parallel_loop3A_573, %parallel_loop3A_574] {strides = array<i32>} : memref<512x32xf32, #tpu.memory_space<vmem>>, vector<16xf32>,
        %parallel_loop3A_576 = arith.constant 9 : i32
        %parallel_loop3A_577 = arith.addi %parallel_loop3A_134, %parallel_loop3A_576 : i32
        %parallel_loop3A_578 = arith.constant 0 : i32
        %parallel_loop3A_579 = arith.constant 0 : i32
        %parallel_loop3A_580 = tpu.memref_slice %arg10[%parallel_loop3A_84, %parallel_loop3A_578, %parallel_loop3A_579] : memref<2x512x32xf32, #tpu.memory_space<vmem>> -> memref<1x512x32xf32, #tpu.memory_space<vmem>>
        %parallel_loop3A_581 = tpu.memref_squeeze %parallel_loop3A_580 : memref<1x512x32xf32, #tpu.memory_space<vmem>> -> memref<512x32xf32, #tpu.memory_space<vmem>>
        %parallel_loop3A_582 = arith.index_cast %parallel_loop3A_577 : i32 to index
        %parallel_loop3A_583 = arith.constant 0 : index
        %parallel_loop3A_584 = tpu.vector_load %parallel_loop3A_581[%parallel_loop3A_582, %parallel_loop3A_583] {strides = array<i32>} : memref<512x32xf32, #tpu.memory_space<vmem>>, vector<16xf32>,
        %parallel_loop3A_585 = arith.constant 9 : i32
        %parallel_loop3A_586 = arith.addi %parallel_loop3A_134, %parallel_loop3A_585 : i32
        %parallel_loop3A_587 = arith.constant 0 : i32
        %parallel_loop3A_588 = arith.constant 0 : i32
        %parallel_loop3A_589 = tpu.memref_slice %arg10[%parallel_loop3A_84, %parallel_loop3A_587, %parallel_loop3A_588] : memref<2x512x32xf32, #tpu.memory_space<vmem>> -> memref<1x512x32xf32, #tpu.memory_space<vmem>>
        %parallel_loop3A_590 = tpu.memref_squeeze %parallel_loop3A_589 : memref<1x512x32xf32, #tpu.memory_space<vmem>> -> memref<512x32xf32, #tpu.memory_space<vmem>>
        %parallel_loop3A_591 = arith.index_cast %parallel_loop3A_586 : i32 to index
        %parallel_loop3A_592 = arith.constant 16 : index
        %parallel_loop3A_593 = tpu.vector_load %parallel_loop3A_590[%parallel_loop3A_591, %parallel_loop3A_592] {strides = array<i32>} : memref<512x32xf32, #tpu.memory_space<vmem>>, vector<16xf32>,
        %parallel_loop3A_594 = arith.mulf %parallel_loop3A_566, %parallel_loop3A_584 : vector<16xf32>
        %parallel_loop3A_595 = arith.mulf %parallel_loop3A_575, %parallel_loop3A_593 : vector<16xf32>
        %parallel_loop3A_596 = arith.addf %parallel_loop3A_594, %parallel_loop3A_595 : vector<16xf32>
        %parallel_loop3A_597 = arith.constant 9 : i32
        %parallel_loop3A_598 = arith.constant 0 : i32
        %parallel_loop3A_599 = arith.constant 0 : i32
        %parallel_loop3A_600 = tpu.memref_slice %arg11[%parallel_loop3A_132, %parallel_loop3A_598, %parallel_loop3A_599] : memref<32x16x17xf32, #tpu.memory_space<vmem>> -> memref<1x16x17xf32, #tpu.memory_space<vmem>>
        %parallel_loop3A_601 = tpu.memref_squeeze %parallel_loop3A_600 : memref<1x16x17xf32, #tpu.memory_space<vmem>> -> memref<16x17xf32, #tpu.memory_space<vmem>>
        %parallel_loop3A_602 = arith.index_cast %parallel_loop3A_597 : i32 to index
        %parallel_loop3A_603 = arith.constant 0 : index
        %parallel_loop3A_604 = tpu.vector_load %parallel_loop3A_601[%parallel_loop3A_602, %parallel_loop3A_603] {strides = array<i32>} : memref<16x17xf32, #tpu.memory_space<vmem>>, vector<16xf32>,
        tpu.vector_store %parallel_loop3A_601[%parallel_loop3A_602, %parallel_loop3A_603], %parallel_loop3A_596 {strides = array<i32>} : memref<16x17xf32, #tpu.memory_space<vmem>>, vector<16xf32>,
        %parallel_loop3A_605 = arith.constant 10 : i32
        %parallel_loop3A_606 = arith.addi %parallel_loop3A_134, %parallel_loop3A_605 : i32
        %parallel_loop3A_607 = arith.constant 0 : i32
        %parallel_loop3A_608 = arith.constant 0 : i32
        %parallel_loop3A_609 = tpu.memref_slice %arg9[%parallel_loop3A_83, %parallel_loop3A_607, %parallel_loop3A_608] : memref<2x512x32xf32, #tpu.memory_space<vmem>> -> memref<1x512x32xf32, #tpu.memory_space<vmem>>
        %parallel_loop3A_610 = tpu.memref_squeeze %parallel_loop3A_609 : memref<1x512x32xf32, #tpu.memory_space<vmem>> -> memref<512x32xf32, #tpu.memory_space<vmem>>
        %parallel_loop3A_611 = arith.index_cast %parallel_loop3A_606 : i32 to index
        %parallel_loop3A_612 = arith.constant 0 : index
        %parallel_loop3A_613 = tpu.vector_load %parallel_loop3A_610[%parallel_loop3A_611, %parallel_loop3A_612] {strides = array<i32>} : memref<512x32xf32, #tpu.memory_space<vmem>>, vector<16xf32>,
        %parallel_loop3A_614 = arith.constant 10 : i32
        %parallel_loop3A_615 = arith.addi %parallel_loop3A_134, %parallel_loop3A_614 : i32
        %parallel_loop3A_616 = arith.constant 0 : i32
        %parallel_loop3A_617 = arith.constant 0 : i32
        %parallel_loop3A_618 = tpu.memref_slice %arg9[%parallel_loop3A_83, %parallel_loop3A_616, %parallel_loop3A_617] : memref<2x512x32xf32, #tpu.memory_space<vmem>> -> memref<1x512x32xf32, #tpu.memory_space<vmem>>
        %parallel_loop3A_619 = tpu.memref_squeeze %parallel_loop3A_618 : memref<1x512x32xf32, #tpu.memory_space<vmem>> -> memref<512x32xf32, #tpu.memory_space<vmem>>
        %parallel_loop3A_620 = arith.index_cast %parallel_loop3A_615 : i32 to index
        %parallel_loop3A_621 = arith.constant 16 : index
        %parallel_loop3A_622 = tpu.vector_load %parallel_loop3A_619[%parallel_loop3A_620, %parallel_loop3A_621] {strides = array<i32>} : memref<512x32xf32, #tpu.memory_space<vmem>>, vector<16xf32>,
        %parallel_loop3A_623 = arith.constant 10 : i32
        %parallel_loop3A_624 = arith.addi %parallel_loop3A_134, %parallel_loop3A_623 : i32
        %parallel_loop3A_625 = arith.constant 0 : i32
        %parallel_loop3A_626 = arith.constant 0 : i32
        %parallel_loop3A_627 = tpu.memref_slice %arg10[%parallel_loop3A_84, %parallel_loop3A_625, %parallel_loop3A_626] : memref<2x512x32xf32, #tpu.memory_space<vmem>> -> memref<1x512x32xf32, #tpu.memory_space<vmem>>
        %parallel_loop3A_628 = tpu.memref_squeeze %parallel_loop3A_627 : memref<1x512x32xf32, #tpu.memory_space<vmem>> -> memref<512x32xf32, #tpu.memory_space<vmem>>
        %parallel_loop3A_629 = arith.index_cast %parallel_loop3A_624 : i32 to index
        %parallel_loop3A_630 = arith.constant 0 : index
        %parallel_loop3A_631 = tpu.vector_load %parallel_loop3A_628[%parallel_loop3A_629, %parallel_loop3A_630] {strides = array<i32>} : memref<512x32xf32, #tpu.memory_space<vmem>>, vector<16xf32>,
        %parallel_loop3A_632 = arith.constant 10 : i32
        %parallel_loop3A_633 = arith.addi %parallel_loop3A_134, %parallel_loop3A_632 : i32
        %parallel_loop3A_634 = arith.constant 0 : i32
        %parallel_loop3A_635 = arith.constant 0 : i32
        %parallel_loop3A_636 = tpu.memref_slice %arg10[%parallel_loop3A_84, %parallel_loop3A_634, %parallel_loop3A_635] : memref<2x512x32xf32, #tpu.memory_space<vmem>> -> memref<1x512x32xf32, #tpu.memory_space<vmem>>
        %parallel_loop3A_637 = tpu.memref_squeeze %parallel_loop3A_636 : memref<1x512x32xf32, #tpu.memory_space<vmem>> -> memref<512x32xf32, #tpu.memory_space<vmem>>
        %parallel_loop3A_638 = arith.index_cast %parallel_loop3A_633 : i32 to index
        %parallel_loop3A_639 = arith.constant 16 : index
        %parallel_loop3A_640 = tpu.vector_load %parallel_loop3A_637[%parallel_loop3A_638, %parallel_loop3A_639] {strides = array<i32>} : memref<512x32xf32, #tpu.memory_space<vmem>>, vector<16xf32>,
        %parallel_loop3A_641 = arith.mulf %parallel_loop3A_613, %parallel_loop3A_631 : vector<16xf32>
        %parallel_loop3A_642 = arith.mulf %parallel_loop3A_622, %parallel_loop3A_640 : vector<16xf32>
        %parallel_loop3A_643 = arith.addf %parallel_loop3A_641, %parallel_loop3A_642 : vector<16xf32>
        %parallel_loop3A_644 = arith.constant 10 : i32
        %parallel_loop3A_645 = arith.constant 0 : i32
        %parallel_loop3A_646 = arith.constant 0 : i32
        %parallel_loop3A_647 = tpu.memref_slice %arg11[%parallel_loop3A_132, %parallel_loop3A_645, %parallel_loop3A_646] : memref<32x16x17xf32, #tpu.memory_space<vmem>> -> memref<1x16x17xf32, #tpu.memory_space<vmem>>
        %parallel_loop3A_648 = tpu.memref_squeeze %parallel_loop3A_647 : memref<1x16x17xf32, #tpu.memory_space<vmem>> -> memref<16x17xf32, #tpu.memory_space<vmem>>
        %parallel_loop3A_649 = arith.index_cast %parallel_loop3A_644 : i32 to index
        %parallel_loop3A_650 = arith.constant 0 : index
        %parallel_loop3A_651 = tpu.vector_load %parallel_loop3A_648[%parallel_loop3A_649, %parallel_loop3A_650] {strides = array<i32>} : memref<16x17xf32, #tpu.memory_space<vmem>>, vector<16xf32>,
        tpu.vector_store %parallel_loop3A_648[%parallel_loop3A_649, %parallel_loop3A_650], %parallel_loop3A_643 {strides = array<i32>} : memref<16x17xf32, #tpu.memory_space<vmem>>, vector<16xf32>,
        %parallel_loop3A_652 = arith.constant 11 : i32
        %parallel_loop3A_653 = arith.addi %parallel_loop3A_134, %parallel_loop3A_652 : i32
        %parallel_loop3A_654 = arith.constant 0 : i32
        %parallel_loop3A_655 = arith.constant 0 : i32
        %parallel_loop3A_656 = tpu.memref_slice %arg9[%parallel_loop3A_83, %parallel_loop3A_654, %parallel_loop3A_655] : memref<2x512x32xf32, #tpu.memory_space<vmem>> -> memref<1x512x32xf32, #tpu.memory_space<vmem>>
        %parallel_loop3A_657 = tpu.memref_squeeze %parallel_loop3A_656 : memref<1x512x32xf32, #tpu.memory_space<vmem>> -> memref<512x32xf32, #tpu.memory_space<vmem>>
        %parallel_loop3A_658 = arith.index_cast %parallel_loop3A_653 : i32 to index
        %parallel_loop3A_659 = arith.constant 0 : index
        %parallel_loop3A_660 = tpu.vector_load %parallel_loop3A_657[%parallel_loop3A_658, %parallel_loop3A_659] {strides = array<i32>} : memref<512x32xf32, #tpu.memory_space<vmem>>, vector<16xf32>,
        %parallel_loop3A_661 = arith.constant 11 : i32
        %parallel_loop3A_662 = arith.addi %parallel_loop3A_134, %parallel_loop3A_661 : i32
        %parallel_loop3A_663 = arith.constant 0 : i32
        %parallel_loop3A_664 = arith.constant 0 : i32
        %parallel_loop3A_665 = tpu.memref_slice %arg9[%parallel_loop3A_83, %parallel_loop3A_663, %parallel_loop3A_664] : memref<2x512x32xf32, #tpu.memory_space<vmem>> -> memref<1x512x32xf32, #tpu.memory_space<vmem>>
        %parallel_loop3A_666 = tpu.memref_squeeze %parallel_loop3A_665 : memref<1x512x32xf32, #tpu.memory_space<vmem>> -> memref<512x32xf32, #tpu.memory_space<vmem>>
        %parallel_loop3A_667 = arith.index_cast %parallel_loop3A_662 : i32 to index
        %parallel_loop3A_668 = arith.constant 16 : index
        %parallel_loop3A_669 = tpu.vector_load %parallel_loop3A_666[%parallel_loop3A_667, %parallel_loop3A_668] {strides = array<i32>} : memref<512x32xf32, #tpu.memory_space<vmem>>, vector<16xf32>,
        %parallel_loop3A_670 = arith.constant 11 : i32
        %parallel_loop3A_671 = arith.addi %parallel_loop3A_134, %parallel_loop3A_670 : i32
        %parallel_loop3A_672 = arith.constant 0 : i32
        %parallel_loop3A_673 = arith.constant 0 : i32
        %parallel_loop3A_674 = tpu.memref_slice %arg10[%parallel_loop3A_84, %parallel_loop3A_672, %parallel_loop3A_673] : memref<2x512x32xf32, #tpu.memory_space<vmem>> -> memref<1x512x32xf32, #tpu.memory_space<vmem>>
        %parallel_loop3A_675 = tpu.memref_squeeze %parallel_loop3A_674 : memref<1x512x32xf32, #tpu.memory_space<vmem>> -> memref<512x32xf32, #tpu.memory_space<vmem>>
        %parallel_loop3A_676 = arith.index_cast %parallel_loop3A_671 : i32 to index
        %parallel_loop3A_677 = arith.constant 0 : index
        %parallel_loop3A_678 = tpu.vector_load %parallel_loop3A_675[%parallel_loop3A_676, %parallel_loop3A_677] {strides = array<i32>} : memref<512x32xf32, #tpu.memory_space<vmem>>, vector<16xf32>,
        %parallel_loop3A_679 = arith.constant 11 : i32
        %parallel_loop3A_680 = arith.addi %parallel_loop3A_134, %parallel_loop3A_679 : i32
        %parallel_loop3A_681 = arith.constant 0 : i32
        %parallel_loop3A_682 = arith.constant 0 : i32
        %parallel_loop3A_683 = tpu.memref_slice %arg10[%parallel_loop3A_84, %parallel_loop3A_681, %parallel_loop3A_682] : memref<2x512x32xf32, #tpu.memory_space<vmem>> -> memref<1x512x32xf32, #tpu.memory_space<vmem>>
        %parallel_loop3A_684 = tpu.memref_squeeze %parallel_loop3A_683 : memref<1x512x32xf32, #tpu.memory_space<vmem>> -> memref<512x32xf32, #tpu.memory_space<vmem>>
        %parallel_loop3A_685 = arith.index_cast %parallel_loop3A_680 : i32 to index
        %parallel_loop3A_686 = arith.constant 16 : index
        %parallel_loop3A_687 = tpu.vector_load %parallel_loop3A_684[%parallel_loop3A_685, %parallel_loop3A_686] {strides = array<i32>} : memref<512x32xf32, #tpu.memory_space<vmem>>, vector<16xf32>,
        %parallel_loop3A_688 = arith.mulf %parallel_loop3A_660, %parallel_loop3A_678 : vector<16xf32>
        %parallel_loop3A_689 = arith.mulf %parallel_loop3A_669, %parallel_loop3A_687 : vector<16xf32>
        %parallel_loop3A_690 = arith.addf %parallel_loop3A_688, %parallel_loop3A_689 : vector<16xf32>
        %parallel_loop3A_691 = arith.constant 11 : i32
        %parallel_loop3A_692 = arith.constant 0 : i32
        %parallel_loop3A_693 = arith.constant 0 : i32
        %parallel_loop3A_694 = tpu.memref_slice %arg11[%parallel_loop3A_132, %parallel_loop3A_692, %parallel_loop3A_693] : memref<32x16x17xf32, #tpu.memory_space<vmem>> -> memref<1x16x17xf32, #tpu.memory_space<vmem>>
        %parallel_loop3A_695 = tpu.memref_squeeze %parallel_loop3A_694 : memref<1x16x17xf32, #tpu.memory_space<vmem>> -> memref<16x17xf32, #tpu.memory_space<vmem>>
        %parallel_loop3A_696 = arith.index_cast %parallel_loop3A_691 : i32 to index
        %parallel_loop3A_697 = arith.constant 0 : index
        %parallel_loop3A_698 = tpu.vector_load %parallel_loop3A_695[%parallel_loop3A_696, %parallel_loop3A_697] {strides = array<i32>} : memref<16x17xf32, #tpu.memory_space<vmem>>, vector<16xf32>,
        tpu.vector_store %parallel_loop3A_695[%parallel_loop3A_696, %parallel_loop3A_697], %parallel_loop3A_690 {strides = array<i32>} : memref<16x17xf32, #tpu.memory_space<vmem>>, vector<16xf32>,
        %parallel_loop3A_699 = arith.constant 12 : i32
        %parallel_loop3A_700 = arith.addi %parallel_loop3A_134, %parallel_loop3A_699 : i32
        %parallel_loop3A_701 = arith.constant 0 : i32
        %parallel_loop3A_702 = arith.constant 0 : i32
        %parallel_loop3A_703 = tpu.memref_slice %arg9[%parallel_loop3A_83, %parallel_loop3A_701, %parallel_loop3A_702] : memref<2x512x32xf32, #tpu.memory_space<vmem>> -> memref<1x512x32xf32, #tpu.memory_space<vmem>>
        %parallel_loop3A_704 = tpu.memref_squeeze %parallel_loop3A_703 : memref<1x512x32xf32, #tpu.memory_space<vmem>> -> memref<512x32xf32, #tpu.memory_space<vmem>>
        %parallel_loop3A_705 = arith.index_cast %parallel_loop3A_700 : i32 to index
        %parallel_loop3A_706 = arith.constant 0 : index
        %parallel_loop3A_707 = tpu.vector_load %parallel_loop3A_704[%parallel_loop3A_705, %parallel_loop3A_706] {strides = array<i32>} : memref<512x32xf32, #tpu.memory_space<vmem>>, vector<16xf32>,
        %parallel_loop3A_708 = arith.constant 12 : i32
        %parallel_loop3A_709 = arith.addi %parallel_loop3A_134, %parallel_loop3A_708 : i32
        %parallel_loop3A_710 = arith.constant 0 : i32
        %parallel_loop3A_711 = arith.constant 0 : i32
        %parallel_loop3A_712 = tpu.memref_slice %arg9[%parallel_loop3A_83, %parallel_loop3A_710, %parallel_loop3A_711] : memref<2x512x32xf32, #tpu.memory_space<vmem>> -> memref<1x512x32xf32, #tpu.memory_space<vmem>>
        %parallel_loop3A_713 = tpu.memref_squeeze %parallel_loop3A_712 : memref<1x512x32xf32, #tpu.memory_space<vmem>> -> memref<512x32xf32, #tpu.memory_space<vmem>>
        %parallel_loop3A_714 = arith.index_cast %parallel_loop3A_709 : i32 to index
        %parallel_loop3A_715 = arith.constant 16 : index
        %parallel_loop3A_716 = tpu.vector_load %parallel_loop3A_713[%parallel_loop3A_714, %parallel_loop3A_715] {strides = array<i32>} : memref<512x32xf32, #tpu.memory_space<vmem>>, vector<16xf32>,
        %parallel_loop3A_717 = arith.constant 12 : i32
        %parallel_loop3A_718 = arith.addi %parallel_loop3A_134, %parallel_loop3A_717 : i32
        %parallel_loop3A_719 = arith.constant 0 : i32
        %parallel_loop3A_720 = arith.constant 0 : i32
        %parallel_loop3A_721 = tpu.memref_slice %arg10[%parallel_loop3A_84, %parallel_loop3A_719, %parallel_loop3A_720] : memref<2x512x32xf32, #tpu.memory_space<vmem>> -> memref<1x512x32xf32, #tpu.memory_space<vmem>>
        %parallel_loop3A_722 = tpu.memref_squeeze %parallel_loop3A_721 : memref<1x512x32xf32, #tpu.memory_space<vmem>> -> memref<512x32xf32, #tpu.memory_space<vmem>>
        %parallel_loop3A_723 = arith.index_cast %parallel_loop3A_718 : i32 to index
        %parallel_loop3A_724 = arith.constant 0 : index
        %parallel_loop3A_725 = tpu.vector_load %parallel_loop3A_722[%parallel_loop3A_723, %parallel_loop3A_724] {strides = array<i32>} : memref<512x32xf32, #tpu.memory_space<vmem>>, vector<16xf32>,
        %parallel_loop3A_726 = arith.constant 12 : i32
        %parallel_loop3A_727 = arith.addi %parallel_loop3A_134, %parallel_loop3A_726 : i32
        %parallel_loop3A_728 = arith.constant 0 : i32
        %parallel_loop3A_729 = arith.constant 0 : i32
        %parallel_loop3A_730 = tpu.memref_slice %arg10[%parallel_loop3A_84, %parallel_loop3A_728, %parallel_loop3A_729] : memref<2x512x32xf32, #tpu.memory_space<vmem>> -> memref<1x512x32xf32, #tpu.memory_space<vmem>>
        %parallel_loop3A_731 = tpu.memref_squeeze %parallel_loop3A_730 : memref<1x512x32xf32, #tpu.memory_space<vmem>> -> memref<512x32xf32, #tpu.memory_space<vmem>>
        %parallel_loop3A_732 = arith.index_cast %parallel_loop3A_727 : i32 to index
        %parallel_loop3A_733 = arith.constant 16 : index
        %parallel_loop3A_734 = tpu.vector_load %parallel_loop3A_731[%parallel_loop3A_732, %parallel_loop3A_733] {strides = array<i32>} : memref<512x32xf32, #tpu.memory_space<vmem>>, vector<16xf32>,
        %parallel_loop3A_735 = arith.mulf %parallel_loop3A_707, %parallel_loop3A_725 : vector<16xf32>
        %parallel_loop3A_736 = arith.mulf %parallel_loop3A_716, %parallel_loop3A_734 : vector<16xf32>
        %parallel_loop3A_737 = arith.addf %parallel_loop3A_735, %parallel_loop3A_736 : vector<16xf32>
        %parallel_loop3A_738 = arith.constant 12 : i32
        %parallel_loop3A_739 = arith.constant 0 : i32
        %parallel_loop3A_740 = arith.constant 0 : i32
        %parallel_loop3A_741 = tpu.memref_slice %arg11[%parallel_loop3A_132, %parallel_loop3A_739, %parallel_loop3A_740] : memref<32x16x17xf32, #tpu.memory_space<vmem>> -> memref<1x16x17xf32, #tpu.memory_space<vmem>>
        %parallel_loop3A_742 = tpu.memref_squeeze %parallel_loop3A_741 : memref<1x16x17xf32, #tpu.memory_space<vmem>> -> memref<16x17xf32, #tpu.memory_space<vmem>>
        %parallel_loop3A_743 = arith.index_cast %parallel_loop3A_738 : i32 to index
        %parallel_loop3A_744 = arith.constant 0 : index
        %parallel_loop3A_745 = tpu.vector_load %parallel_loop3A_742[%parallel_loop3A_743, %parallel_loop3A_744] {strides = array<i32>} : memref<16x17xf32, #tpu.memory_space<vmem>>, vector<16xf32>,
        tpu.vector_store %parallel_loop3A_742[%parallel_loop3A_743, %parallel_loop3A_744], %parallel_loop3A_737 {strides = array<i32>} : memref<16x17xf32, #tpu.memory_space<vmem>>, vector<16xf32>,
        %parallel_loop3A_746 = arith.constant 13 : i32
        %parallel_loop3A_747 = arith.addi %parallel_loop3A_134, %parallel_loop3A_746 : i32
        %parallel_loop3A_748 = arith.constant 0 : i32
        %parallel_loop3A_749 = arith.constant 0 : i32
        %parallel_loop3A_750 = tpu.memref_slice %arg9[%parallel_loop3A_83, %parallel_loop3A_748, %parallel_loop3A_749] : memref<2x512x32xf32, #tpu.memory_space<vmem>> -> memref<1x512x32xf32, #tpu.memory_space<vmem>>
        %parallel_loop3A_751 = tpu.memref_squeeze %parallel_loop3A_750 : memref<1x512x32xf32, #tpu.memory_space<vmem>> -> memref<512x32xf32, #tpu.memory_space<vmem>>
        %parallel_loop3A_752 = arith.index_cast %parallel_loop3A_747 : i32 to index
        %parallel_loop3A_753 = arith.constant 0 : index
        %parallel_loop3A_754 = tpu.vector_load %parallel_loop3A_751[%parallel_loop3A_752, %parallel_loop3A_753] {strides = array<i32>} : memref<512x32xf32, #tpu.memory_space<vmem>>, vector<16xf32>,
        %parallel_loop3A_755 = arith.constant 13 : i32
        %parallel_loop3A_756 = arith.addi %parallel_loop3A_134, %parallel_loop3A_755 : i32
        %parallel_loop3A_757 = arith.constant 0 : i32
        %parallel_loop3A_758 = arith.constant 0 : i32
        %parallel_loop3A_759 = tpu.memref_slice %arg9[%parallel_loop3A_83, %parallel_loop3A_757, %parallel_loop3A_758] : memref<2x512x32xf32, #tpu.memory_space<vmem>> -> memref<1x512x32xf32, #tpu.memory_space<vmem>>
        %parallel_loop3A_760 = tpu.memref_squeeze %parallel_loop3A_759 : memref<1x512x32xf32, #tpu.memory_space<vmem>> -> memref<512x32xf32, #tpu.memory_space<vmem>>
        %parallel_loop3A_761 = arith.index_cast %parallel_loop3A_756 : i32 to index
        %parallel_loop3A_762 = arith.constant 16 : index
        %parallel_loop3A_763 = tpu.vector_load %parallel_loop3A_760[%parallel_loop3A_761, %parallel_loop3A_762] {strides = array<i32>} : memref<512x32xf32, #tpu.memory_space<vmem>>, vector<16xf32>,
        %parallel_loop3A_764 = arith.constant 13 : i32
        %parallel_loop3A_765 = arith.addi %parallel_loop3A_134, %parallel_loop3A_764 : i32
        %parallel_loop3A_766 = arith.constant 0 : i32
        %parallel_loop3A_767 = arith.constant 0 : i32
        %parallel_loop3A_768 = tpu.memref_slice %arg10[%parallel_loop3A_84, %parallel_loop3A_766, %parallel_loop3A_767] : memref<2x512x32xf32, #tpu.memory_space<vmem>> -> memref<1x512x32xf32, #tpu.memory_space<vmem>>
        %parallel_loop3A_769 = tpu.memref_squeeze %parallel_loop3A_768 : memref<1x512x32xf32, #tpu.memory_space<vmem>> -> memref<512x32xf32, #tpu.memory_space<vmem>>
        %parallel_loop3A_770 = arith.index_cast %parallel_loop3A_765 : i32 to index
        %parallel_loop3A_771 = arith.constant 0 : index
        %parallel_loop3A_772 = tpu.vector_load %parallel_loop3A_769[%parallel_loop3A_770, %parallel_loop3A_771] {strides = array<i32>} : memref<512x32xf32, #tpu.memory_space<vmem>>, vector<16xf32>,
        %parallel_loop3A_773 = arith.constant 13 : i32
        %parallel_loop3A_774 = arith.addi %parallel_loop3A_134, %parallel_loop3A_773 : i32
        %parallel_loop3A_775 = arith.constant 0 : i32
        %parallel_loop3A_776 = arith.constant 0 : i32
        %parallel_loop3A_777 = tpu.memref_slice %arg10[%parallel_loop3A_84, %parallel_loop3A_775, %parallel_loop3A_776] : memref<2x512x32xf32, #tpu.memory_space<vmem>> -> memref<1x512x32xf32, #tpu.memory_space<vmem>>
        %parallel_loop3A_778 = tpu.memref_squeeze %parallel_loop3A_777 : memref<1x512x32xf32, #tpu.memory_space<vmem>> -> memref<512x32xf32, #tpu.memory_space<vmem>>
        %parallel_loop3A_779 = arith.index_cast %parallel_loop3A_774 : i32 to index
        %parallel_loop3A_780 = arith.constant 16 : index
        %parallel_loop3A_781 = tpu.vector_load %parallel_loop3A_778[%parallel_loop3A_779, %parallel_loop3A_780] {strides = array<i32>} : memref<512x32xf32, #tpu.memory_space<vmem>>, vector<16xf32>,
        %parallel_loop3A_782 = arith.mulf %parallel_loop3A_754, %parallel_loop3A_772 : vector<16xf32>
        %parallel_loop3A_783 = arith.mulf %parallel_loop3A_763, %parallel_loop3A_781 : vector<16xf32>
        %parallel_loop3A_784 = arith.addf %parallel_loop3A_782, %parallel_loop3A_783 : vector<16xf32>
        %parallel_loop3A_785 = arith.constant 13 : i32
        %parallel_loop3A_786 = arith.constant 0 : i32
        %parallel_loop3A_787 = arith.constant 0 : i32
        %parallel_loop3A_788 = tpu.memref_slice %arg11[%parallel_loop3A_132, %parallel_loop3A_786, %parallel_loop3A_787] : memref<32x16x17xf32, #tpu.memory_space<vmem>> -> memref<1x16x17xf32, #tpu.memory_space<vmem>>
        %parallel_loop3A_789 = tpu.memref_squeeze %parallel_loop3A_788 : memref<1x16x17xf32, #tpu.memory_space<vmem>> -> memref<16x17xf32, #tpu.memory_space<vmem>>
        %parallel_loop3A_790 = arith.index_cast %parallel_loop3A_785 : i32 to index
        %parallel_loop3A_791 = arith.constant 0 : index
        %parallel_loop3A_792 = tpu.vector_load %parallel_loop3A_789[%parallel_loop3A_790, %parallel_loop3A_791] {strides = array<i32>} : memref<16x17xf32, #tpu.memory_space<vmem>>, vector<16xf32>,
        tpu.vector_store %parallel_loop3A_789[%parallel_loop3A_790, %parallel_loop3A_791], %parallel_loop3A_784 {strides = array<i32>} : memref<16x17xf32, #tpu.memory_space<vmem>>, vector<16xf32>,
        %parallel_loop3A_793 = arith.constant 14 : i32
        %parallel_loop3A_794 = arith.addi %parallel_loop3A_134, %parallel_loop3A_793 : i32
        %parallel_loop3A_795 = arith.constant 0 : i32
        %parallel_loop3A_796 = arith.constant 0 : i32
        %parallel_loop3A_797 = tpu.memref_slice %arg9[%parallel_loop3A_83, %parallel_loop3A_795, %parallel_loop3A_796] : memref<2x512x32xf32, #tpu.memory_space<vmem>> -> memref<1x512x32xf32, #tpu.memory_space<vmem>>
        %parallel_loop3A_798 = tpu.memref_squeeze %parallel_loop3A_797 : memref<1x512x32xf32, #tpu.memory_space<vmem>> -> memref<512x32xf32, #tpu.memory_space<vmem>>
        %parallel_loop3A_799 = arith.index_cast %parallel_loop3A_794 : i32 to index
        %parallel_loop3A_800 = arith.constant 0 : index
        %parallel_loop3A_801 = tpu.vector_load %parallel_loop3A_798[%parallel_loop3A_799, %parallel_loop3A_800] {strides = array<i32>} : memref<512x32xf32, #tpu.memory_space<vmem>>, vector<16xf32>,
        %parallel_loop3A_802 = arith.constant 14 : i32
        %parallel_loop3A_803 = arith.addi %parallel_loop3A_134, %parallel_loop3A_802 : i32
        %parallel_loop3A_804 = arith.constant 0 : i32
        %parallel_loop3A_805 = arith.constant 0 : i32
        %parallel_loop3A_806 = tpu.memref_slice %arg9[%parallel_loop3A_83, %parallel_loop3A_804, %parallel_loop3A_805] : memref<2x512x32xf32, #tpu.memory_space<vmem>> -> memref<1x512x32xf32, #tpu.memory_space<vmem>>
        %parallel_loop3A_807 = tpu.memref_squeeze %parallel_loop3A_806 : memref<1x512x32xf32, #tpu.memory_space<vmem>> -> memref<512x32xf32, #tpu.memory_space<vmem>>
        %parallel_loop3A_808 = arith.index_cast %parallel_loop3A_803 : i32 to index
        %parallel_loop3A_809 = arith.constant 16 : index
        %parallel_loop3A_810 = tpu.vector_load %parallel_loop3A_807[%parallel_loop3A_808, %parallel_loop3A_809] {strides = array<i32>} : memref<512x32xf32, #tpu.memory_space<vmem>>, vector<16xf32>,
        %parallel_loop3A_811 = arith.constant 14 : i32
        %parallel_loop3A_812 = arith.addi %parallel_loop3A_134, %parallel_loop3A_811 : i32
        %parallel_loop3A_813 = arith.constant 0 : i32
        %parallel_loop3A_814 = arith.constant 0 : i32
        %parallel_loop3A_815 = tpu.memref_slice %arg10[%parallel_loop3A_84, %parallel_loop3A_813, %parallel_loop3A_814] : memref<2x512x32xf32, #tpu.memory_space<vmem>> -> memref<1x512x32xf32, #tpu.memory_space<vmem>>
        %parallel_loop3A_816 = tpu.memref_squeeze %parallel_loop3A_815 : memref<1x512x32xf32, #tpu.memory_space<vmem>> -> memref<512x32xf32, #tpu.memory_space<vmem>>
        %parallel_loop3A_817 = arith.index_cast %parallel_loop3A_812 : i32 to index
        %parallel_loop3A_818 = arith.constant 0 : index
        %parallel_loop3A_819 = tpu.vector_load %parallel_loop3A_816[%parallel_loop3A_817, %parallel_loop3A_818] {strides = array<i32>} : memref<512x32xf32, #tpu.memory_space<vmem>>, vector<16xf32>,
        %parallel_loop3A_820 = arith.constant 14 : i32
        %parallel_loop3A_821 = arith.addi %parallel_loop3A_134, %parallel_loop3A_820 : i32
        %parallel_loop3A_822 = arith.constant 0 : i32
        %parallel_loop3A_823 = arith.constant 0 : i32
        %parallel_loop3A_824 = tpu.memref_slice %arg10[%parallel_loop3A_84, %parallel_loop3A_822, %parallel_loop3A_823] : memref<2x512x32xf32, #tpu.memory_space<vmem>> -> memref<1x512x32xf32, #tpu.memory_space<vmem>>
        %parallel_loop3A_825 = tpu.memref_squeeze %parallel_loop3A_824 : memref<1x512x32xf32, #tpu.memory_space<vmem>> -> memref<512x32xf32, #tpu.memory_space<vmem>>
        %parallel_loop3A_826 = arith.index_cast %parallel_loop3A_821 : i32 to index
        %parallel_loop3A_827 = arith.constant 16 : index
        %parallel_loop3A_828 = tpu.vector_load %parallel_loop3A_825[%parallel_loop3A_826, %parallel_loop3A_827] {strides = array<i32>} : memref<512x32xf32, #tpu.memory_space<vmem>>, vector<16xf32>,
        %parallel_loop3A_829 = arith.mulf %parallel_loop3A_801, %parallel_loop3A_819 : vector<16xf32>
        %parallel_loop3A_830 = arith.mulf %parallel_loop3A_810, %parallel_loop3A_828 : vector<16xf32>
        %parallel_loop3A_831 = arith.addf %parallel_loop3A_829, %parallel_loop3A_830 : vector<16xf32>
        %parallel_loop3A_832 = arith.constant 14 : i32
        %parallel_loop3A_833 = arith.constant 0 : i32
        %parallel_loop3A_834 = arith.constant 0 : i32
        %parallel_loop3A_835 = tpu.memref_slice %arg11[%parallel_loop3A_132, %parallel_loop3A_833, %parallel_loop3A_834] : memref<32x16x17xf32, #tpu.memory_space<vmem>> -> memref<1x16x17xf32, #tpu.memory_space<vmem>>
        %parallel_loop3A_836 = tpu.memref_squeeze %parallel_loop3A_835 : memref<1x16x17xf32, #tpu.memory_space<vmem>> -> memref<16x17xf32, #tpu.memory_space<vmem>>
        %parallel_loop3A_837 = arith.index_cast %parallel_loop3A_832 : i32 to index
        %parallel_loop3A_838 = arith.constant 0 : index
        %parallel_loop3A_839 = tpu.vector_load %parallel_loop3A_836[%parallel_loop3A_837, %parallel_loop3A_838] {strides = array<i32>} : memref<16x17xf32, #tpu.memory_space<vmem>>, vector<16xf32>,
        tpu.vector_store %parallel_loop3A_836[%parallel_loop3A_837, %parallel_loop3A_838], %parallel_loop3A_831 {strides = array<i32>} : memref<16x17xf32, #tpu.memory_space<vmem>>, vector<16xf32>,
        %parallel_loop3A_840 = arith.constant 15 : i32
        %parallel_loop3A_841 = arith.addi %parallel_loop3A_134, %parallel_loop3A_840 : i32
        %parallel_loop3A_842 = arith.constant 0 : i32
        %parallel_loop3A_843 = arith.constant 0 : i32
        %parallel_loop3A_844 = tpu.memref_slice %arg9[%parallel_loop3A_83, %parallel_loop3A_842, %parallel_loop3A_843] : memref<2x512x32xf32, #tpu.memory_space<vmem>> -> memref<1x512x32xf32, #tpu.memory_space<vmem>>
        %parallel_loop3A_845 = tpu.memref_squeeze %parallel_loop3A_844 : memref<1x512x32xf32, #tpu.memory_space<vmem>> -> memref<512x32xf32, #tpu.memory_space<vmem>>
        %parallel_loop3A_846 = arith.index_cast %parallel_loop3A_841 : i32 to index
        %parallel_loop3A_847 = arith.constant 0 : index
        %parallel_loop3A_848 = tpu.vector_load %parallel_loop3A_845[%parallel_loop3A_846, %parallel_loop3A_847] {strides = array<i32>} : memref<512x32xf32, #tpu.memory_space<vmem>>, vector<16xf32>,
        %parallel_loop3A_849 = arith.constant 15 : i32
        %parallel_loop3A_850 = arith.addi %parallel_loop3A_134, %parallel_loop3A_849 : i32
        %parallel_loop3A_851 = arith.constant 0 : i32
        %parallel_loop3A_852 = arith.constant 0 : i32
        %parallel_loop3A_853 = tpu.memref_slice %arg9[%parallel_loop3A_83, %parallel_loop3A_851, %parallel_loop3A_852] : memref<2x512x32xf32, #tpu.memory_space<vmem>> -> memref<1x512x32xf32, #tpu.memory_space<vmem>>
        %parallel_loop3A_854 = tpu.memref_squeeze %parallel_loop3A_853 : memref<1x512x32xf32, #tpu.memory_space<vmem>> -> memref<512x32xf32, #tpu.memory_space<vmem>>
        %parallel_loop3A_855 = arith.index_cast %parallel_loop3A_850 : i32 to index
        %parallel_loop3A_856 = arith.constant 16 : index
        %parallel_loop3A_857 = tpu.vector_load %parallel_loop3A_854[%parallel_loop3A_855, %parallel_loop3A_856] {strides = array<i32>} : memref<512x32xf32, #tpu.memory_space<vmem>>, vector<16xf32>,
        %parallel_loop3A_858 = arith.constant 15 : i32
        %parallel_loop3A_859 = arith.addi %parallel_loop3A_134, %parallel_loop3A_858 : i32
        %parallel_loop3A_860 = arith.constant 0 : i32
        %parallel_loop3A_861 = arith.constant 0 : i32
        %parallel_loop3A_862 = tpu.memref_slice %arg10[%parallel_loop3A_84, %parallel_loop3A_860, %parallel_loop3A_861] : memref<2x512x32xf32, #tpu.memory_space<vmem>> -> memref<1x512x32xf32, #tpu.memory_space<vmem>>
        %parallel_loop3A_863 = tpu.memref_squeeze %parallel_loop3A_862 : memref<1x512x32xf32, #tpu.memory_space<vmem>> -> memref<512x32xf32, #tpu.memory_space<vmem>>
        %parallel_loop3A_864 = arith.index_cast %parallel_loop3A_859 : i32 to index
        %parallel_loop3A_865 = arith.constant 0 : index
        %parallel_loop3A_866 = tpu.vector_load %parallel_loop3A_863[%parallel_loop3A_864, %parallel_loop3A_865] {strides = array<i32>} : memref<512x32xf32, #tpu.memory_space<vmem>>, vector<16xf32>,
        %parallel_loop3A_867 = arith.constant 15 : i32
        %parallel_loop3A_868 = arith.addi %parallel_loop3A_134, %parallel_loop3A_867 : i32
        %parallel_loop3A_869 = arith.constant 0 : i32
        %parallel_loop3A_870 = arith.constant 0 : i32
        %parallel_loop3A_871 = tpu.memref_slice %arg10[%parallel_loop3A_84, %parallel_loop3A_869, %parallel_loop3A_870] : memref<2x512x32xf32, #tpu.memory_space<vmem>> -> memref<1x512x32xf32, #tpu.memory_space<vmem>>
        %parallel_loop3A_872 = tpu.memref_squeeze %parallel_loop3A_871 : memref<1x512x32xf32, #tpu.memory_space<vmem>> -> memref<512x32xf32, #tpu.memory_space<vmem>>
        %parallel_loop3A_873 = arith.index_cast %parallel_loop3A_868 : i32 to index
        %parallel_loop3A_874 = arith.constant 16 : index
        %parallel_loop3A_875 = tpu.vector_load %parallel_loop3A_872[%parallel_loop3A_873, %parallel_loop3A_874] {strides = array<i32>} : memref<512x32xf32, #tpu.memory_space<vmem>>, vector<16xf32>,
        %parallel_loop3A_876 = arith.mulf %parallel_loop3A_848, %parallel_loop3A_866 : vector<16xf32>
        %parallel_loop3A_877 = arith.mulf %parallel_loop3A_857, %parallel_loop3A_875 : vector<16xf32>
        %parallel_loop3A_878 = arith.addf %parallel_loop3A_876, %parallel_loop3A_877 : vector<16xf32>
        %parallel_loop3A_879 = arith.constant 15 : i32
        %parallel_loop3A_880 = arith.constant 0 : i32
        %parallel_loop3A_881 = arith.constant 0 : i32
        %parallel_loop3A_882 = tpu.memref_slice %arg11[%parallel_loop3A_132, %parallel_loop3A_880, %parallel_loop3A_881] : memref<32x16x17xf32, #tpu.memory_space<vmem>> -> memref<1x16x17xf32, #tpu.memory_space<vmem>>
        %parallel_loop3A_883 = tpu.memref_squeeze %parallel_loop3A_882 : memref<1x16x17xf32, #tpu.memory_space<vmem>> -> memref<16x17xf32, #tpu.memory_space<vmem>>
        %parallel_loop3A_884 = arith.index_cast %parallel_loop3A_879 : i32 to index
        %parallel_loop3A_885 = arith.constant 0 : index
        %parallel_loop3A_886 = tpu.vector_load %parallel_loop3A_883[%parallel_loop3A_884, %parallel_loop3A_885] {strides = array<i32>} : memref<16x17xf32, #tpu.memory_space<vmem>>, vector<16xf32>,
        tpu.vector_store %parallel_loop3A_883[%parallel_loop3A_884, %parallel_loop3A_885], %parallel_loop3A_878 {strides = array<i32>} : memref<16x17xf32, #tpu.memory_space<vmem>>, vector<16xf32>,
        %parallel_loop3A_887 = arith.constant 0 : i32
        %parallel_loop3A_888 = vector.broadcast %parallel_loop3A_887 : i32 to vector<16xi32>
        %parallel_loop3A_889 = arith.constant 0 : i32
        %parallel_loop3A_890 = arith.constant 0 : i32
        %parallel_loop3A_891 = tpu.memref_slice %arg11[%parallel_loop3A_132, %parallel_loop3A_889, %parallel_loop3A_890] : memref<32x16x17xf32, #tpu.memory_space<vmem>> -> memref<1x16x17xf32, #tpu.memory_space<vmem>>
        %parallel_loop3A_892 = tpu.memref_squeeze %parallel_loop3A_891 : memref<1x16x17xf32, #tpu.memory_space<vmem>> -> memref<16x17xf32, #tpu.memory_space<vmem>>
        %parallel_loop3A_893 = tpu.vector_load_idx %parallel_loop3A_892[%iota3A, %parallel_loop3A_888] : memref<16x17xf32, #tpu.memory_space<vmem>>[vector<16xi32>, vector<16xi32>], vector<16xf32>,
        %parallel_loop3A_894 = arith.constant 1 : i32
        %parallel_loop3A_895 = vector.broadcast %parallel_loop3A_894 : i32 to vector<16xi32>
        %parallel_loop3A_896 = arith.constant 0 : i32
        %parallel_loop3A_897 = arith.constant 0 : i32
        %parallel_loop3A_898 = tpu.memref_slice %arg11[%parallel_loop3A_132, %parallel_loop3A_896, %parallel_loop3A_897] : memref<32x16x17xf32, #tpu.memory_space<vmem>> -> memref<1x16x17xf32, #tpu.memory_space<vmem>>
        %parallel_loop3A_899 = tpu.memref_squeeze %parallel_loop3A_898 : memref<1x16x17xf32, #tpu.memory_space<vmem>> -> memref<16x17xf32, #tpu.memory_space<vmem>>
        %parallel_loop3A_900 = tpu.vector_load_idx %parallel_loop3A_899[%iota3A, %parallel_loop3A_895] : memref<16x17xf32, #tpu.memory_space<vmem>>[vector<16xi32>, vector<16xi32>], vector<16xf32>,
        %parallel_loop3A_901 = arith.constant 2 : i32
        %parallel_loop3A_902 = vector.broadcast %parallel_loop3A_901 : i32 to vector<16xi32>
        %parallel_loop3A_903 = arith.constant 0 : i32
        %parallel_loop3A_904 = arith.constant 0 : i32
        %parallel_loop3A_905 = tpu.memref_slice %arg11[%parallel_loop3A_132, %parallel_loop3A_903, %parallel_loop3A_904] : memref<32x16x17xf32, #tpu.memory_space<vmem>> -> memref<1x16x17xf32, #tpu.memory_space<vmem>>
        %parallel_loop3A_906 = tpu.memref_squeeze %parallel_loop3A_905 : memref<1x16x17xf32, #tpu.memory_space<vmem>> -> memref<16x17xf32, #tpu.memory_space<vmem>>
        %parallel_loop3A_907 = tpu.vector_load_idx %parallel_loop3A_906[%iota3A, %parallel_loop3A_902] : memref<16x17xf32, #tpu.memory_space<vmem>>[vector<16xi32>, vector<16xi32>], vector<16xf32>,
        %parallel_loop3A_908 = arith.constant 3 : i32
        %parallel_loop3A_909 = vector.broadcast %parallel_loop3A_908 : i32 to vector<16xi32>
        %parallel_loop3A_910 = arith.constant 0 : i32
        %parallel_loop3A_911 = arith.constant 0 : i32
        %parallel_loop3A_912 = tpu.memref_slice %arg11[%parallel_loop3A_132, %parallel_loop3A_910, %parallel_loop3A_911] : memref<32x16x17xf32, #tpu.memory_space<vmem>> -> memref<1x16x17xf32, #tpu.memory_space<vmem>>
        %parallel_loop3A_913 = tpu.memref_squeeze %parallel_loop3A_912 : memref<1x16x17xf32, #tpu.memory_space<vmem>> -> memref<16x17xf32, #tpu.memory_space<vmem>>
        %parallel_loop3A_914 = tpu.vector_load_idx %parallel_loop3A_913[%iota3A, %parallel_loop3A_909] : memref<16x17xf32, #tpu.memory_space<vmem>>[vector<16xi32>, vector<16xi32>], vector<16xf32>,
        %parallel_loop3A_915 = arith.constant 4 : i32
        %parallel_loop3A_916 = vector.broadcast %parallel_loop3A_915 : i32 to vector<16xi32>
        %parallel_loop3A_917 = arith.constant 0 : i32
        %parallel_loop3A_918 = arith.constant 0 : i32
        %parallel_loop3A_919 = tpu.memref_slice %arg11[%parallel_loop3A_132, %parallel_loop3A_917, %parallel_loop3A_918] : memref<32x16x17xf32, #tpu.memory_space<vmem>> -> memref<1x16x17xf32, #tpu.memory_space<vmem>>
        %parallel_loop3A_920 = tpu.memref_squeeze %parallel_loop3A_919 : memref<1x16x17xf32, #tpu.memory_space<vmem>> -> memref<16x17xf32, #tpu.memory_space<vmem>>
        %parallel_loop3A_921 = tpu.vector_load_idx %parallel_loop3A_920[%iota3A, %parallel_loop3A_916] : memref<16x17xf32, #tpu.memory_space<vmem>>[vector<16xi32>, vector<16xi32>], vector<16xf32>,
        %parallel_loop3A_922 = arith.constant 5 : i32
        %parallel_loop3A_923 = vector.broadcast %parallel_loop3A_922 : i32 to vector<16xi32>
        %parallel_loop3A_924 = arith.constant 0 : i32
        %parallel_loop3A_925 = arith.constant 0 : i32
        %parallel_loop3A_926 = tpu.memref_slice %arg11[%parallel_loop3A_132, %parallel_loop3A_924, %parallel_loop3A_925] : memref<32x16x17xf32, #tpu.memory_space<vmem>> -> memref<1x16x17xf32, #tpu.memory_space<vmem>>
        %parallel_loop3A_927 = tpu.memref_squeeze %parallel_loop3A_926 : memref<1x16x17xf32, #tpu.memory_space<vmem>> -> memref<16x17xf32, #tpu.memory_space<vmem>>
        %parallel_loop3A_928 = tpu.vector_load_idx %parallel_loop3A_927[%iota3A, %parallel_loop3A_923] : memref<16x17xf32, #tpu.memory_space<vmem>>[vector<16xi32>, vector<16xi32>], vector<16xf32>,
        %parallel_loop3A_929 = arith.constant 6 : i32
        %parallel_loop3A_930 = vector.broadcast %parallel_loop3A_929 : i32 to vector<16xi32>
        %parallel_loop3A_931 = arith.constant 0 : i32
        %parallel_loop3A_932 = arith.constant 0 : i32
        %parallel_loop3A_933 = tpu.memref_slice %arg11[%parallel_loop3A_132, %parallel_loop3A_931, %parallel_loop3A_932] : memref<32x16x17xf32, #tpu.memory_space<vmem>> -> memref<1x16x17xf32, #tpu.memory_space<vmem>>
        %parallel_loop3A_934 = tpu.memref_squeeze %parallel_loop3A_933 : memref<1x16x17xf32, #tpu.memory_space<vmem>> -> memref<16x17xf32, #tpu.memory_space<vmem>>
        %parallel_loop3A_935 = tpu.vector_load_idx %parallel_loop3A_934[%iota3A, %parallel_loop3A_930] : memref<16x17xf32, #tpu.memory_space<vmem>>[vector<16xi32>, vector<16xi32>], vector<16xf32>,
        %parallel_loop3A_936 = arith.constant 7 : i32
        %parallel_loop3A_937 = vector.broadcast %parallel_loop3A_936 : i32 to vector<16xi32>
        %parallel_loop3A_938 = arith.constant 0 : i32
        %parallel_loop3A_939 = arith.constant 0 : i32
        %parallel_loop3A_940 = tpu.memref_slice %arg11[%parallel_loop3A_132, %parallel_loop3A_938, %parallel_loop3A_939] : memref<32x16x17xf32, #tpu.memory_space<vmem>> -> memref<1x16x17xf32, #tpu.memory_space<vmem>>
        %parallel_loop3A_941 = tpu.memref_squeeze %parallel_loop3A_940 : memref<1x16x17xf32, #tpu.memory_space<vmem>> -> memref<16x17xf32, #tpu.memory_space<vmem>>
        %parallel_loop3A_942 = tpu.vector_load_idx %parallel_loop3A_941[%iota3A, %parallel_loop3A_937] : memref<16x17xf32, #tpu.memory_space<vmem>>[vector<16xi32>, vector<16xi32>], vector<16xf32>,
        %parallel_loop3A_943 = arith.constant 8 : i32
        %parallel_loop3A_944 = vector.broadcast %parallel_loop3A_943 : i32 to vector<16xi32>
        %parallel_loop3A_945 = arith.constant 0 : i32
        %parallel_loop3A_946 = arith.constant 0 : i32
        %parallel_loop3A_947 = tpu.memref_slice %arg11[%parallel_loop3A_132, %parallel_loop3A_945, %parallel_loop3A_946] : memref<32x16x17xf32, #tpu.memory_space<vmem>> -> memref<1x16x17xf32, #tpu.memory_space<vmem>>
        %parallel_loop3A_948 = tpu.memref_squeeze %parallel_loop3A_947 : memref<1x16x17xf32, #tpu.memory_space<vmem>> -> memref<16x17xf32, #tpu.memory_space<vmem>>
        %parallel_loop3A_949 = tpu.vector_load_idx %parallel_loop3A_948[%iota3A, %parallel_loop3A_944] : memref<16x17xf32, #tpu.memory_space<vmem>>[vector<16xi32>, vector<16xi32>], vector<16xf32>,
        %parallel_loop3A_950 = arith.constant 9 : i32
        %parallel_loop3A_951 = vector.broadcast %parallel_loop3A_950 : i32 to vector<16xi32>
        %parallel_loop3A_952 = arith.constant 0 : i32
        %parallel_loop3A_953 = arith.constant 0 : i32
        %parallel_loop3A_954 = tpu.memref_slice %arg11[%parallel_loop3A_132, %parallel_loop3A_952, %parallel_loop3A_953] : memref<32x16x17xf32, #tpu.memory_space<vmem>> -> memref<1x16x17xf32, #tpu.memory_space<vmem>>
        %parallel_loop3A_955 = tpu.memref_squeeze %parallel_loop3A_954 : memref<1x16x17xf32, #tpu.memory_space<vmem>> -> memref<16x17xf32, #tpu.memory_space<vmem>>
        %parallel_loop3A_956 = tpu.vector_load_idx %parallel_loop3A_955[%iota3A, %parallel_loop3A_951] : memref<16x17xf32, #tpu.memory_space<vmem>>[vector<16xi32>, vector<16xi32>], vector<16xf32>,
        %parallel_loop3A_957 = arith.constant 10 : i32
        %parallel_loop3A_958 = vector.broadcast %parallel_loop3A_957 : i32 to vector<16xi32>
        %parallel_loop3A_959 = arith.constant 0 : i32
        %parallel_loop3A_960 = arith.constant 0 : i32
        %parallel_loop3A_961 = tpu.memref_slice %arg11[%parallel_loop3A_132, %parallel_loop3A_959, %parallel_loop3A_960] : memref<32x16x17xf32, #tpu.memory_space<vmem>> -> memref<1x16x17xf32, #tpu.memory_space<vmem>>
        %parallel_loop3A_962 = tpu.memref_squeeze %parallel_loop3A_961 : memref<1x16x17xf32, #tpu.memory_space<vmem>> -> memref<16x17xf32, #tpu.memory_space<vmem>>
        %parallel_loop3A_963 = tpu.vector_load_idx %parallel_loop3A_962[%iota3A, %parallel_loop3A_958] : memref<16x17xf32, #tpu.memory_space<vmem>>[vector<16xi32>, vector<16xi32>], vector<16xf32>,
        %parallel_loop3A_964 = arith.constant 11 : i32
        %parallel_loop3A_965 = vector.broadcast %parallel_loop3A_964 : i32 to vector<16xi32>
        %parallel_loop3A_966 = arith.constant 0 : i32
        %parallel_loop3A_967 = arith.constant 0 : i32
        %parallel_loop3A_968 = tpu.memref_slice %arg11[%parallel_loop3A_132, %parallel_loop3A_966, %parallel_loop3A_967] : memref<32x16x17xf32, #tpu.memory_space<vmem>> -> memref<1x16x17xf32, #tpu.memory_space<vmem>>
        %parallel_loop3A_969 = tpu.memref_squeeze %parallel_loop3A_968 : memref<1x16x17xf32, #tpu.memory_space<vmem>> -> memref<16x17xf32, #tpu.memory_space<vmem>>
        %parallel_loop3A_970 = tpu.vector_load_idx %parallel_loop3A_969[%iota3A, %parallel_loop3A_965] : memref<16x17xf32, #tpu.memory_space<vmem>>[vector<16xi32>, vector<16xi32>], vector<16xf32>,
        %parallel_loop3A_971 = arith.constant 12 : i32
        %parallel_loop3A_972 = vector.broadcast %parallel_loop3A_971 : i32 to vector<16xi32>
        %parallel_loop3A_973 = arith.constant 0 : i32
        %parallel_loop3A_974 = arith.constant 0 : i32
        %parallel_loop3A_975 = tpu.memref_slice %arg11[%parallel_loop3A_132, %parallel_loop3A_973, %parallel_loop3A_974] : memref<32x16x17xf32, #tpu.memory_space<vmem>> -> memref<1x16x17xf32, #tpu.memory_space<vmem>>
        %parallel_loop3A_976 = tpu.memref_squeeze %parallel_loop3A_975 : memref<1x16x17xf32, #tpu.memory_space<vmem>> -> memref<16x17xf32, #tpu.memory_space<vmem>>
        %parallel_loop3A_977 = tpu.vector_load_idx %parallel_loop3A_976[%iota3A, %parallel_loop3A_972] : memref<16x17xf32, #tpu.memory_space<vmem>>[vector<16xi32>, vector<16xi32>], vector<16xf32>,
        %parallel_loop3A_978 = arith.constant 13 : i32
        %parallel_loop3A_979 = vector.broadcast %parallel_loop3A_978 : i32 to vector<16xi32>
        %parallel_loop3A_980 = arith.constant 0 : i32
        %parallel_loop3A_981 = arith.constant 0 : i32
        %parallel_loop3A_982 = tpu.memref_slice %arg11[%parallel_loop3A_132, %parallel_loop3A_980, %parallel_loop3A_981] : memref<32x16x17xf32, #tpu.memory_space<vmem>> -> memref<1x16x17xf32, #tpu.memory_space<vmem>>
        %parallel_loop3A_983 = tpu.memref_squeeze %parallel_loop3A_982 : memref<1x16x17xf32, #tpu.memory_space<vmem>> -> memref<16x17xf32, #tpu.memory_space<vmem>>
        %parallel_loop3A_984 = tpu.vector_load_idx %parallel_loop3A_983[%iota3A, %parallel_loop3A_979] : memref<16x17xf32, #tpu.memory_space<vmem>>[vector<16xi32>, vector<16xi32>], vector<16xf32>,
        %parallel_loop3A_985 = arith.constant 14 : i32
        %parallel_loop3A_986 = vector.broadcast %parallel_loop3A_985 : i32 to vector<16xi32>
        %parallel_loop3A_987 = arith.constant 0 : i32
        %parallel_loop3A_988 = arith.constant 0 : i32
        %parallel_loop3A_989 = tpu.memref_slice %arg11[%parallel_loop3A_132, %parallel_loop3A_987, %parallel_loop3A_988] : memref<32x16x17xf32, #tpu.memory_space<vmem>> -> memref<1x16x17xf32, #tpu.memory_space<vmem>>
        %parallel_loop3A_990 = tpu.memref_squeeze %parallel_loop3A_989 : memref<1x16x17xf32, #tpu.memory_space<vmem>> -> memref<16x17xf32, #tpu.memory_space<vmem>>
        %parallel_loop3A_991 = tpu.vector_load_idx %parallel_loop3A_990[%iota3A, %parallel_loop3A_986] : memref<16x17xf32, #tpu.memory_space<vmem>>[vector<16xi32>, vector<16xi32>], vector<16xf32>,
        %parallel_loop3A_992 = arith.constant 15 : i32
        %parallel_loop3A_993 = vector.broadcast %parallel_loop3A_992 : i32 to vector<16xi32>
        %parallel_loop3A_994 = arith.constant 0 : i32
        %parallel_loop3A_995 = arith.constant 0 : i32
        %parallel_loop3A_996 = tpu.memref_slice %arg11[%parallel_loop3A_132, %parallel_loop3A_994, %parallel_loop3A_995] : memref<32x16x17xf32, #tpu.memory_space<vmem>> -> memref<1x16x17xf32, #tpu.memory_space<vmem>>
        %parallel_loop3A_997 = tpu.memref_squeeze %parallel_loop3A_996 : memref<1x16x17xf32, #tpu.memory_space<vmem>> -> memref<16x17xf32, #tpu.memory_space<vmem>>
        %parallel_loop3A_998 = tpu.vector_load_idx %parallel_loop3A_997[%iota3A, %parallel_loop3A_993] : memref<16x17xf32, #tpu.memory_space<vmem>>[vector<16xi32>, vector<16xi32>], vector<16xf32>,
        %parallel_loop3A_999 = arith.addf %parallel_loop3A_893, %parallel_loop3A_900 : vector<16xf32>
        %parallel_loop3A_1000 = arith.addf %parallel_loop3A_907, %parallel_loop3A_914 : vector<16xf32>
        %parallel_loop3A_1001 = arith.addf %parallel_loop3A_921, %parallel_loop3A_928 : vector<16xf32>
        %parallel_loop3A_1002 = arith.addf %parallel_loop3A_935, %parallel_loop3A_942 : vector<16xf32>
        %parallel_loop3A_1003 = arith.addf %parallel_loop3A_949, %parallel_loop3A_956 : vector<16xf32>
        %parallel_loop3A_1004 = arith.addf %parallel_loop3A_963, %parallel_loop3A_970 : vector<16xf32>
        %parallel_loop3A_1005 = arith.addf %parallel_loop3A_977, %parallel_loop3A_984 : vector<16xf32>
        %parallel_loop3A_1006 = arith.addf %parallel_loop3A_991, %parallel_loop3A_998 : vector<16xf32>
        %parallel_loop3A_1007 = arith.addf %parallel_loop3A_999, %parallel_loop3A_1000 : vector<16xf32>
        %parallel_loop3A_1008 = arith.addf %parallel_loop3A_1001, %parallel_loop3A_1002 : vector<16xf32>
        %parallel_loop3A_1009 = arith.addf %parallel_loop3A_1003, %parallel_loop3A_1004 : vector<16xf32>
        %parallel_loop3A_1010 = arith.addf %parallel_loop3A_1005, %parallel_loop3A_1006 : vector<16xf32>
        %parallel_loop3A_1011 = arith.addf %parallel_loop3A_1007, %parallel_loop3A_1008 : vector<16xf32>
        %parallel_loop3A_1012 = arith.addf %parallel_loop3A_1009, %parallel_loop3A_1010 : vector<16xf32>
        %parallel_loop3A_1013 = arith.addf %parallel_loop3A_1011, %parallel_loop3A_1012 : vector<16xf32>
        %parallel_loop3A_1014 = arith.index_cast %parallel_loop3A_134 : i32 to index
        %parallel_loop3A_1015 = tpu.vector_load %arg12[%parallel_loop3A_1014] {strides = array<i32>} : memref<512xf32, #tpu.memory_space<vmem>>, vector<16xf32>,
        tpu.vector_store %arg12[%parallel_loop3A_1014], %parallel_loop3A_1013 {strides = array<i32>} : memref<512xf32, #tpu.memory_space<vmem>>, vector<16xf32>,
      } {sc.loop_unroll_factor = 2 : i64, sc.parallel_access}
      %mul3A_85 = arith.constant 512 : i32
      %mul3A_86 = arith.muli %mul3A_29, %mul3A_85 : i32
      %add3A_87 = arith.addi %mul3A_2, %mul3A_86 : i32
      "tpu.region"() ({
        %run_scoped3A = tpu.sem_alloc : memref<!tpu.dma_semaphore, #tpu.memory_space<semaphore_mem>>
        %dma_start3A_132 = tpu.memref_slice %arg6[%add3A_87] : memref<819200xf32, #tpu.memory_space<hbm>> -> memref<512xf32, #tpu.memory_space<hbm>>
        %dma_start3A_133 = tpu.memref_slice %arg6[%add3A_87] : memref<819200xf32, #tpu.memory_space<hbm>> -> memref<512xf32, #tpu.memory_space<hbm>>
        tpu.enqueue_dma source(%arg12 : memref<512xf32, #tpu.memory_space<vmem>>) target(%dma_start3A_133 : memref<512xf32, #tpu.memory_space<hbm>>) target_semaphore(%run_scoped3A : memref<!tpu.dma_semaphore, #tpu.memory_space<semaphore_mem>>)
        %dma_wait3A_134 = tpu.memref_slice %arg6[%add3A_87] : memref<819200xf32, #tpu.memory_space<hbm>> -> memref<512xf32, #tpu.memory_space<hbm>>
        %dma_wait3A_135 = tpu.memref_slice %arg6[%add3A_87] : memref<819200xf32, #tpu.memory_space<hbm>> -> memref<512xf32, #tpu.memory_space<hbm>>
        tpu.wait_dma2 semaphore(%run_scoped3A : memref<!tpu.dma_semaphore, #tpu.memory_space<semaphore_mem>>) src(%arg12 : memref<512xf32, #tpu.memory_space<vmem>>) dst(%dma_wait3A_135 : memref<512xf32, #tpu.memory_space<hbm>>)
        tpu.yield
      }) : () -> ()
      %add3A_88 = arith.constant 2 : i32
      %add3A_89 = arith.addi %mul3A_29, %add3A_88 : i32
      %lt3A = arith.constant 50 : i32
      %lt3A_90 = arith.cmpi slt, %add3A_89, %lt3A : i32
      %convert_element_type3A = arith.extui %lt3A_90 : i1 to i32
      %cond3A = arith.constant 0 : i32
      %cond3A_91 = arith.cmpi ne, %convert_element_type3A, %cond3A : i32
      scf.if %cond3A_91 {
        %add3A_132 = arith.constant 2 : i32
        %add3A_133 = arith.addi %mul3A_29, %add3A_132 : i32
        %mul3A_134 = arith.constant 512 : i32
        %mul3A_135 = arith.muli %add3A_133, %mul3A_134 : i32
        %dma_start3A_136 = arith.constant 0 : i32
        %dma_start3A_137 = arith.constant 0 : i32
        %dma_start3A_138 = arith.constant 0 : i32
        %dma_start3A_139 = tpu.memref_slice %arg9[%dma_start3A_136, %dma_start3A_137, %dma_start3A_138] : memref<2x512x32xf32, #tpu.memory_space<vmem>> -> memref<1x512x32xf32, #tpu.memory_space<vmem>>
        %dma_start3A_140 = tpu.memref_squeeze %dma_start3A_139 : memref<1x512x32xf32, #tpu.memory_space<vmem>> -> memref<512x32xf32, #tpu.memory_space<vmem>>
        %dma_start3A_141 = tpu.memref_slice %arg7[%mul3A_135] : memref<25600xi32, #tpu.memory_space<vmem>> -> memref<512xi32, #tpu.memory_space<vmem>>
        %dma_start3A_142 = arith.constant 0 : i32
        %dma_start3A_143 = arith.constant 0 : i32
        %dma_start3A_144 = tpu.memref_slice %arg2[%dma_start3A_142, %dma_start3A_143] : memref<1000000x32xf32, #tpu.memory_space<hbm>> -> memref<1000000x32xf32, #tpu.memory_space<hbm>>
        tpu.enqueue_indirect_dma source(%dma_start3A_144 : memref<1000000x32xf32, #tpu.memory_space<hbm>>) target(%dma_start3A_140 : memref<512x32xf32, #tpu.memory_space<vmem>>) offsets(%dma_start3A_141 : memref<512xi32, #tpu.memory_space<vmem>>) semaphore(%arg13 : memref<!tpu.dma_semaphore, #tpu.memory_space<semaphore_mem>>)
        %dma_start3A_145 = arith.constant 0 : i32
        %dma_start3A_146 = arith.constant 0 : i32
        %dma_start3A_147 = arith.constant 0 : i32
        %dma_start3A_148 = tpu.memref_slice %arg10[%dma_start3A_145, %dma_start3A_146, %dma_start3A_147] : memref<2x512x32xf32, #tpu.memory_space<vmem>> -> memref<1x512x32xf32, #tpu.memory_space<vmem>>
        %dma_start3A_149 = tpu.memref_squeeze %dma_start3A_148 : memref<1x512x32xf32, #tpu.memory_space<vmem>> -> memref<512x32xf32, #tpu.memory_space<vmem>>
        %dma_start3A_150 = tpu.memref_slice %arg8[%mul3A_135] : memref<25600xi32, #tpu.memory_space<vmem>> -> memref<512xi32, #tpu.memory_space<vmem>>
        %dma_start3A_151 = arith.constant 0 : i32
        %dma_start3A_152 = arith.constant 0 : i32
        %dma_start3A_153 = tpu.memref_slice %arg3[%dma_start3A_151, %dma_start3A_152] : memref<100000x32xf32, #tpu.memory_space<hbm>> -> memref<100000x32xf32, #tpu.memory_space<hbm>>
        tpu.enqueue_indirect_dma source(%dma_start3A_153 : memref<100000x32xf32, #tpu.memory_space<hbm>>) target(%dma_start3A_149 : memref<512x32xf32, #tpu.memory_space<vmem>>) offsets(%dma_start3A_150 : memref<512xi32, #tpu.memory_space<vmem>>) semaphore(%arg15 : memref<!tpu.dma_semaphore, #tpu.memory_space<semaphore_mem>>)
      } else {
      }
      %add3A_92 = arith.constant 1 : i32
      %add3A_93 = arith.addi %mul3A_29, %add3A_92 : i32
      %dma_wait3A_94 = arith.constant 1 : i32
      %dma_wait3A_95 = arith.constant 0 : i32
      %dma_wait3A_96 = arith.constant 0 : i32
      %dma_wait3A_97 = tpu.memref_slice %arg9[%dma_wait3A_94, %dma_wait3A_95, %dma_wait3A_96] : memref<2x512x32xf32, #tpu.memory_space<vmem>> -> memref<1x512x32xf32, #tpu.memory_space<vmem>>
      %dma_wait3A_98 = tpu.memref_squeeze %dma_wait3A_97 : memref<1x512x32xf32, #tpu.memory_space<vmem>> -> memref<512x32xf32, #tpu.memory_space<vmem>>
      %dma_wait3A_99 = arith.constant 0 : i32
      %dma_wait3A_100 = arith.constant 0 : i32
      %dma_wait3A_101 = tpu.memref_slice %arg2[%dma_wait3A_99, %dma_wait3A_100] : memref<1000000x32xf32, #tpu.memory_space<hbm>> -> memref<512x32xf32, #tpu.memory_space<hbm>>
      %dma_wait3A_102 = arith.constant 0 : i32
      %dma_wait3A_103 = arith.constant 0 : i32
      %dma_wait3A_104 = tpu.memref_slice %arg9[%dma_wait3A_94, %dma_wait3A_102, %dma_wait3A_103] : memref<2x512x32xf32, #tpu.memory_space<vmem>> -> memref<1x512x32xf32, #tpu.memory_space<vmem>>
      %dma_wait3A_105 = tpu.memref_squeeze %dma_wait3A_104 : memref<1x512x32xf32, #tpu.memory_space<vmem>> -> memref<512x32xf32, #tpu.memory_space<vmem>>
      %dma_wait3A_106 = arith.constant 0 : i32
      %dma_wait3A_107 = arith.constant 0 : i32
      %dma_wait3A_108 = tpu.memref_slice %arg2[%dma_wait3A_106, %dma_wait3A_107] : memref<1000000x32xf32, #tpu.memory_space<hbm>> -> memref<512x32xf32, #tpu.memory_space<hbm>>
      tpu.wait_dma2 semaphore(%arg14 : memref<!tpu.dma_semaphore, #tpu.memory_space<semaphore_mem>>) src(%dma_wait3A_108 : memref<512x32xf32, #tpu.memory_space<hbm>>) dst(%dma_wait3A_105 : memref<512x32xf32, #tpu.memory_space<vmem>>)
      %dma_wait3A_109 = arith.constant 1 : i32
      %dma_wait3A_110 = arith.constant 0 : i32
      %dma_wait3A_111 = arith.constant 0 : i32
      %dma_wait3A_112 = tpu.memref_slice %arg10[%dma_wait3A_109, %dma_wait3A_110, %dma_wait3A_111] : memref<2x512x32xf32, #tpu.memory_space<vmem>> -> memref<1x512x32xf32, #tpu.memory_space<vmem>>
      %dma_wait3A_113 = tpu.memref_squeeze %dma_wait3A_112 : memref<1x512x32xf32, #tpu.memory_space<vmem>> -> memref<512x32xf32, #tpu.memory_space<vmem>>
      %dma_wait3A_114 = arith.constant 0 : i32
      %dma_wait3A_115 = arith.constant 0 : i32
      %dma_wait3A_116 = tpu.memref_slice %arg3[%dma_wait3A_114, %dma_wait3A_115] : memref<100000x32xf32, #tpu.memory_space<hbm>> -> memref<512x32xf32, #tpu.memory_space<hbm>>
      %dma_wait3A_117 = arith.constant 0 : i32
      %dma_wait3A_118 = arith.constant 0 : i32
      %dma_wait3A_119 = tpu.memref_slice %arg10[%dma_wait3A_109, %dma_wait3A_117, %dma_wait3A_118] : memref<2x512x32xf32, #tpu.memory_space<vmem>> -> memref<1x512x32xf32, #tpu.memory_space<vmem>>
      %dma_wait3A_120 = tpu.memref_squeeze %dma_wait3A_119 : memref<1x512x32xf32, #tpu.memory_space<vmem>> -> memref<512x32xf32, #tpu.memory_space<vmem>>
      %dma_wait3A_121 = arith.constant 0 : i32
      %dma_wait3A_122 = arith.constant 0 : i32
      %dma_wait3A_123 = tpu.memref_slice %arg3[%dma_wait3A_121, %dma_wait3A_122] : memref<100000x32xf32, #tpu.memory_space<hbm>> -> memref<512x32xf32, #tpu.memory_space<hbm>>
      tpu.wait_dma2 semaphore(%arg16 : memref<!tpu.dma_semaphore, #tpu.memory_space<semaphore_mem>>) src(%dma_wait3A_123 : memref<512x32xf32, #tpu.memory_space<hbm>>) dst(%dma_wait3A_120 : memref<512x32xf32, #tpu.memory_space<vmem>>)
      %parallel_loop3A_124 = arith.constant 0 : i32
      %parallel_loop3A_125 = arith.constant 32 : i32
      %parallel_loop3A_126 = arith.constant 1 : i32
      %parallel_loop3A_127 = arith.constant 1 : i32
      %parallel_loop3A_128 = arith.constant 1 : i32
      scf.for %parallel_loop3A_132 = %parallel_loop3A_124 to %parallel_loop3A_125 step %parallel_loop3A_126  : i32 {
        %parallel_loop3A_133 = arith.constant 16 : i32
        %parallel_loop3A_134 = arith.muli %parallel_loop3A_132, %parallel_loop3A_133 : i32
        %parallel_loop3A_135 = arith.constant 0 : i32
        %parallel_loop3A_136 = arith.addi %parallel_loop3A_134, %parallel_loop3A_135 : i32
        %parallel_loop3A_137 = arith.constant 0 : i32
        %parallel_loop3A_138 = arith.constant 0 : i32
        %parallel_loop3A_139 = tpu.memref_slice %arg9[%parallel_loop3A_127, %parallel_loop3A_137, %parallel_loop3A_138] : memref<2x512x32xf32, #tpu.memory_space<vmem>> -> memref<1x512x32xf32, #tpu.memory_space<vmem>>
        %parallel_loop3A_140 = tpu.memref_squeeze %parallel_loop3A_139 : memref<1x512x32xf32, #tpu.memory_space<vmem>> -> memref<512x32xf32, #tpu.memory_space<vmem>>
        %parallel_loop3A_141 = arith.index_cast %parallel_loop3A_136 : i32 to index
        %parallel_loop3A_142 = arith.constant 0 : index
        %parallel_loop3A_143 = tpu.vector_load %parallel_loop3A_140[%parallel_loop3A_141, %parallel_loop3A_142] {strides = array<i32>} : memref<512x32xf32, #tpu.memory_space<vmem>>, vector<16xf32>,
        %parallel_loop3A_144 = arith.constant 0 : i32
        %parallel_loop3A_145 = arith.addi %parallel_loop3A_134, %parallel_loop3A_144 : i32
        %parallel_loop3A_146 = arith.constant 0 : i32
        %parallel_loop3A_147 = arith.constant 0 : i32
        %parallel_loop3A_148 = tpu.memref_slice %arg9[%parallel_loop3A_127, %parallel_loop3A_146, %parallel_loop3A_147] : memref<2x512x32xf32, #tpu.memory_space<vmem>> -> memref<1x512x32xf32, #tpu.memory_space<vmem>>
        %parallel_loop3A_149 = tpu.memref_squeeze %parallel_loop3A_148 : memref<1x512x32xf32, #tpu.memory_space<vmem>> -> memref<512x32xf32, #tpu.memory_space<vmem>>
        %parallel_loop3A_150 = arith.index_cast %parallel_loop3A_145 : i32 to index
        %parallel_loop3A_151 = arith.constant 16 : index
        %parallel_loop3A_152 = tpu.vector_load %parallel_loop3A_149[%parallel_loop3A_150, %parallel_loop3A_151] {strides = array<i32>} : memref<512x32xf32, #tpu.memory_space<vmem>>, vector<16xf32>,
        %parallel_loop3A_153 = arith.constant 0 : i32
        %parallel_loop3A_154 = arith.addi %parallel_loop3A_134, %parallel_loop3A_153 : i32
        %parallel_loop3A_155 = arith.constant 0 : i32
        %parallel_loop3A_156 = arith.constant 0 : i32
        %parallel_loop3A_157 = tpu.memref_slice %arg10[%parallel_loop3A_128, %parallel_loop3A_155, %parallel_loop3A_156] : memref<2x512x32xf32, #tpu.memory_space<vmem>> -> memref<1x512x32xf32, #tpu.memory_space<vmem>>
        %parallel_loop3A_158 = tpu.memref_squeeze %parallel_loop3A_157 : memref<1x512x32xf32, #tpu.memory_space<vmem>> -> memref<512x32xf32, #tpu.memory_space<vmem>>
        %parallel_loop3A_159 = arith.index_cast %parallel_loop3A_154 : i32 to index
        %parallel_loop3A_160 = arith.constant 0 : index
        %parallel_loop3A_161 = tpu.vector_load %parallel_loop3A_158[%parallel_loop3A_159, %parallel_loop3A_160] {strides = array<i32>} : memref<512x32xf32, #tpu.memory_space<vmem>>, vector<16xf32>,
        %parallel_loop3A_162 = arith.constant 0 : i32
        %parallel_loop3A_163 = arith.addi %parallel_loop3A_134, %parallel_loop3A_162 : i32
        %parallel_loop3A_164 = arith.constant 0 : i32
        %parallel_loop3A_165 = arith.constant 0 : i32
        %parallel_loop3A_166 = tpu.memref_slice %arg10[%parallel_loop3A_128, %parallel_loop3A_164, %parallel_loop3A_165] : memref<2x512x32xf32, #tpu.memory_space<vmem>> -> memref<1x512x32xf32, #tpu.memory_space<vmem>>
        %parallel_loop3A_167 = tpu.memref_squeeze %parallel_loop3A_166 : memref<1x512x32xf32, #tpu.memory_space<vmem>> -> memref<512x32xf32, #tpu.memory_space<vmem>>
        %parallel_loop3A_168 = arith.index_cast %parallel_loop3A_163 : i32 to index
        %parallel_loop3A_169 = arith.constant 16 : index
        %parallel_loop3A_170 = tpu.vector_load %parallel_loop3A_167[%parallel_loop3A_168, %parallel_loop3A_169] {strides = array<i32>} : memref<512x32xf32, #tpu.memory_space<vmem>>, vector<16xf32>,
        %parallel_loop3A_171 = arith.mulf %parallel_loop3A_143, %parallel_loop3A_161 : vector<16xf32>
        %parallel_loop3A_172 = arith.mulf %parallel_loop3A_152, %parallel_loop3A_170 : vector<16xf32>
        %parallel_loop3A_173 = arith.addf %parallel_loop3A_171, %parallel_loop3A_172 : vector<16xf32>
        %parallel_loop3A_174 = arith.constant 0 : i32
        %parallel_loop3A_175 = arith.constant 0 : i32
        %parallel_loop3A_176 = arith.constant 0 : i32
        %parallel_loop3A_177 = tpu.memref_slice %arg11[%parallel_loop3A_132, %parallel_loop3A_175, %parallel_loop3A_176] : memref<32x16x17xf32, #tpu.memory_space<vmem>> -> memref<1x16x17xf32, #tpu.memory_space<vmem>>
        %parallel_loop3A_178 = tpu.memref_squeeze %parallel_loop3A_177 : memref<1x16x17xf32, #tpu.memory_space<vmem>> -> memref<16x17xf32, #tpu.memory_space<vmem>>
        %parallel_loop3A_179 = arith.index_cast %parallel_loop3A_174 : i32 to index
        %parallel_loop3A_180 = arith.constant 0 : index
        %parallel_loop3A_181 = tpu.vector_load %parallel_loop3A_178[%parallel_loop3A_179, %parallel_loop3A_180] {strides = array<i32>} : memref<16x17xf32, #tpu.memory_space<vmem>>, vector<16xf32>,
        tpu.vector_store %parallel_loop3A_178[%parallel_loop3A_179, %parallel_loop3A_180], %parallel_loop3A_173 {strides = array<i32>} : memref<16x17xf32, #tpu.memory_space<vmem>>, vector<16xf32>,
        %parallel_loop3A_182 = arith.constant 1 : i32
        %parallel_loop3A_183 = arith.addi %parallel_loop3A_134, %parallel_loop3A_182 : i32
        %parallel_loop3A_184 = arith.constant 0 : i32
        %parallel_loop3A_185 = arith.constant 0 : i32
        %parallel_loop3A_186 = tpu.memref_slice %arg9[%parallel_loop3A_127, %parallel_loop3A_184, %parallel_loop3A_185] : memref<2x512x32xf32, #tpu.memory_space<vmem>> -> memref<1x512x32xf32, #tpu.memory_space<vmem>>
        %parallel_loop3A_187 = tpu.memref_squeeze %parallel_loop3A_186 : memref<1x512x32xf32, #tpu.memory_space<vmem>> -> memref<512x32xf32, #tpu.memory_space<vmem>>
        %parallel_loop3A_188 = arith.index_cast %parallel_loop3A_183 : i32 to index
        %parallel_loop3A_189 = arith.constant 0 : index
        %parallel_loop3A_190 = tpu.vector_load %parallel_loop3A_187[%parallel_loop3A_188, %parallel_loop3A_189] {strides = array<i32>} : memref<512x32xf32, #tpu.memory_space<vmem>>, vector<16xf32>,
        %parallel_loop3A_191 = arith.constant 1 : i32
        %parallel_loop3A_192 = arith.addi %parallel_loop3A_134, %parallel_loop3A_191 : i32
        %parallel_loop3A_193 = arith.constant 0 : i32
        %parallel_loop3A_194 = arith.constant 0 : i32
        %parallel_loop3A_195 = tpu.memref_slice %arg9[%parallel_loop3A_127, %parallel_loop3A_193, %parallel_loop3A_194] : memref<2x512x32xf32, #tpu.memory_space<vmem>> -> memref<1x512x32xf32, #tpu.memory_space<vmem>>
        %parallel_loop3A_196 = tpu.memref_squeeze %parallel_loop3A_195 : memref<1x512x32xf32, #tpu.memory_space<vmem>> -> memref<512x32xf32, #tpu.memory_space<vmem>>
        %parallel_loop3A_197 = arith.index_cast %parallel_loop3A_192 : i32 to index
        %parallel_loop3A_198 = arith.constant 16 : index
        %parallel_loop3A_199 = tpu.vector_load %parallel_loop3A_196[%parallel_loop3A_197, %parallel_loop3A_198] {strides = array<i32>} : memref<512x32xf32, #tpu.memory_space<vmem>>, vector<16xf32>,
        %parallel_loop3A_200 = arith.constant 1 : i32
        %parallel_loop3A_201 = arith.addi %parallel_loop3A_134, %parallel_loop3A_200 : i32
        %parallel_loop3A_202 = arith.constant 0 : i32
        %parallel_loop3A_203 = arith.constant 0 : i32
        %parallel_loop3A_204 = tpu.memref_slice %arg10[%parallel_loop3A_128, %parallel_loop3A_202, %parallel_loop3A_203] : memref<2x512x32xf32, #tpu.memory_space<vmem>> -> memref<1x512x32xf32, #tpu.memory_space<vmem>>
        %parallel_loop3A_205 = tpu.memref_squeeze %parallel_loop3A_204 : memref<1x512x32xf32, #tpu.memory_space<vmem>> -> memref<512x32xf32, #tpu.memory_space<vmem>>
        %parallel_loop3A_206 = arith.index_cast %parallel_loop3A_201 : i32 to index
        %parallel_loop3A_207 = arith.constant 0 : index
        %parallel_loop3A_208 = tpu.vector_load %parallel_loop3A_205[%parallel_loop3A_206, %parallel_loop3A_207] {strides = array<i32>} : memref<512x32xf32, #tpu.memory_space<vmem>>, vector<16xf32>,
        %parallel_loop3A_209 = arith.constant 1 : i32
        %parallel_loop3A_210 = arith.addi %parallel_loop3A_134, %parallel_loop3A_209 : i32
        %parallel_loop3A_211 = arith.constant 0 : i32
        %parallel_loop3A_212 = arith.constant 0 : i32
        %parallel_loop3A_213 = tpu.memref_slice %arg10[%parallel_loop3A_128, %parallel_loop3A_211, %parallel_loop3A_212] : memref<2x512x32xf32, #tpu.memory_space<vmem>> -> memref<1x512x32xf32, #tpu.memory_space<vmem>>
        %parallel_loop3A_214 = tpu.memref_squeeze %parallel_loop3A_213 : memref<1x512x32xf32, #tpu.memory_space<vmem>> -> memref<512x32xf32, #tpu.memory_space<vmem>>
        %parallel_loop3A_215 = arith.index_cast %parallel_loop3A_210 : i32 to index
        %parallel_loop3A_216 = arith.constant 16 : index
        %parallel_loop3A_217 = tpu.vector_load %parallel_loop3A_214[%parallel_loop3A_215, %parallel_loop3A_216] {strides = array<i32>} : memref<512x32xf32, #tpu.memory_space<vmem>>, vector<16xf32>,
        %parallel_loop3A_218 = arith.mulf %parallel_loop3A_190, %parallel_loop3A_208 : vector<16xf32>
        %parallel_loop3A_219 = arith.mulf %parallel_loop3A_199, %parallel_loop3A_217 : vector<16xf32>
        %parallel_loop3A_220 = arith.addf %parallel_loop3A_218, %parallel_loop3A_219 : vector<16xf32>
        %parallel_loop3A_221 = arith.constant 1 : i32
        %parallel_loop3A_222 = arith.constant 0 : i32
        %parallel_loop3A_223 = arith.constant 0 : i32
        %parallel_loop3A_224 = tpu.memref_slice %arg11[%parallel_loop3A_132, %parallel_loop3A_222, %parallel_loop3A_223] : memref<32x16x17xf32, #tpu.memory_space<vmem>> -> memref<1x16x17xf32, #tpu.memory_space<vmem>>
        %parallel_loop3A_225 = tpu.memref_squeeze %parallel_loop3A_224 : memref<1x16x17xf32, #tpu.memory_space<vmem>> -> memref<16x17xf32, #tpu.memory_space<vmem>>
        %parallel_loop3A_226 = arith.index_cast %parallel_loop3A_221 : i32 to index
        %parallel_loop3A_227 = arith.constant 0 : index
        %parallel_loop3A_228 = tpu.vector_load %parallel_loop3A_225[%parallel_loop3A_226, %parallel_loop3A_227] {strides = array<i32>} : memref<16x17xf32, #tpu.memory_space<vmem>>, vector<16xf32>,
        tpu.vector_store %parallel_loop3A_225[%parallel_loop3A_226, %parallel_loop3A_227], %parallel_loop3A_220 {strides = array<i32>} : memref<16x17xf32, #tpu.memory_space<vmem>>, vector<16xf32>,
        %parallel_loop3A_229 = arith.constant 2 : i32
        %parallel_loop3A_230 = arith.addi %parallel_loop3A_134, %parallel_loop3A_229 : i32
        %parallel_loop3A_231 = arith.constant 0 : i32
        %parallel_loop3A_232 = arith.constant 0 : i32
        %parallel_loop3A_233 = tpu.memref_slice %arg9[%parallel_loop3A_127, %parallel_loop3A_231, %parallel_loop3A_232] : memref<2x512x32xf32, #tpu.memory_space<vmem>> -> memref<1x512x32xf32, #tpu.memory_space<vmem>>
        %parallel_loop3A_234 = tpu.memref_squeeze %parallel_loop3A_233 : memref<1x512x32xf32, #tpu.memory_space<vmem>> -> memref<512x32xf32, #tpu.memory_space<vmem>>
        %parallel_loop3A_235 = arith.index_cast %parallel_loop3A_230 : i32 to index
        %parallel_loop3A_236 = arith.constant 0 : index
        %parallel_loop3A_237 = tpu.vector_load %parallel_loop3A_234[%parallel_loop3A_235, %parallel_loop3A_236] {strides = array<i32>} : memref<512x32xf32, #tpu.memory_space<vmem>>, vector<16xf32>,
        %parallel_loop3A_238 = arith.constant 2 : i32
        %parallel_loop3A_239 = arith.addi %parallel_loop3A_134, %parallel_loop3A_238 : i32
        %parallel_loop3A_240 = arith.constant 0 : i32
        %parallel_loop3A_241 = arith.constant 0 : i32
        %parallel_loop3A_242 = tpu.memref_slice %arg9[%parallel_loop3A_127, %parallel_loop3A_240, %parallel_loop3A_241] : memref<2x512x32xf32, #tpu.memory_space<vmem>> -> memref<1x512x32xf32, #tpu.memory_space<vmem>>
        %parallel_loop3A_243 = tpu.memref_squeeze %parallel_loop3A_242 : memref<1x512x32xf32, #tpu.memory_space<vmem>> -> memref<512x32xf32, #tpu.memory_space<vmem>>
        %parallel_loop3A_244 = arith.index_cast %parallel_loop3A_239 : i32 to index
        %parallel_loop3A_245 = arith.constant 16 : index
        %parallel_loop3A_246 = tpu.vector_load %parallel_loop3A_243[%parallel_loop3A_244, %parallel_loop3A_245] {strides = array<i32>} : memref<512x32xf32, #tpu.memory_space<vmem>>, vector<16xf32>,
        %parallel_loop3A_247 = arith.constant 2 : i32
        %parallel_loop3A_248 = arith.addi %parallel_loop3A_134, %parallel_loop3A_247 : i32
        %parallel_loop3A_249 = arith.constant 0 : i32
        %parallel_loop3A_250 = arith.constant 0 : i32
        %parallel_loop3A_251 = tpu.memref_slice %arg10[%parallel_loop3A_128, %parallel_loop3A_249, %parallel_loop3A_250] : memref<2x512x32xf32, #tpu.memory_space<vmem>> -> memref<1x512x32xf32, #tpu.memory_space<vmem>>
        %parallel_loop3A_252 = tpu.memref_squeeze %parallel_loop3A_251 : memref<1x512x32xf32, #tpu.memory_space<vmem>> -> memref<512x32xf32, #tpu.memory_space<vmem>>
        %parallel_loop3A_253 = arith.index_cast %parallel_loop3A_248 : i32 to index
        %parallel_loop3A_254 = arith.constant 0 : index
        %parallel_loop3A_255 = tpu.vector_load %parallel_loop3A_252[%parallel_loop3A_253, %parallel_loop3A_254] {strides = array<i32>} : memref<512x32xf32, #tpu.memory_space<vmem>>, vector<16xf32>,
        %parallel_loop3A_256 = arith.constant 2 : i32
        %parallel_loop3A_257 = arith.addi %parallel_loop3A_134, %parallel_loop3A_256 : i32
        %parallel_loop3A_258 = arith.constant 0 : i32
        %parallel_loop3A_259 = arith.constant 0 : i32
        %parallel_loop3A_260 = tpu.memref_slice %arg10[%parallel_loop3A_128, %parallel_loop3A_258, %parallel_loop3A_259] : memref<2x512x32xf32, #tpu.memory_space<vmem>> -> memref<1x512x32xf32, #tpu.memory_space<vmem>>
        %parallel_loop3A_261 = tpu.memref_squeeze %parallel_loop3A_260 : memref<1x512x32xf32, #tpu.memory_space<vmem>> -> memref<512x32xf32, #tpu.memory_space<vmem>>
        %parallel_loop3A_262 = arith.index_cast %parallel_loop3A_257 : i32 to index
        %parallel_loop3A_263 = arith.constant 16 : index
        %parallel_loop3A_264 = tpu.vector_load %parallel_loop3A_261[%parallel_loop3A_262, %parallel_loop3A_263] {strides = array<i32>} : memref<512x32xf32, #tpu.memory_space<vmem>>, vector<16xf32>,
        %parallel_loop3A_265 = arith.mulf %parallel_loop3A_237, %parallel_loop3A_255 : vector<16xf32>
        %parallel_loop3A_266 = arith.mulf %parallel_loop3A_246, %parallel_loop3A_264 : vector<16xf32>
        %parallel_loop3A_267 = arith.addf %parallel_loop3A_265, %parallel_loop3A_266 : vector<16xf32>
        %parallel_loop3A_268 = arith.constant 2 : i32
        %parallel_loop3A_269 = arith.constant 0 : i32
        %parallel_loop3A_270 = arith.constant 0 : i32
        %parallel_loop3A_271 = tpu.memref_slice %arg11[%parallel_loop3A_132, %parallel_loop3A_269, %parallel_loop3A_270] : memref<32x16x17xf32, #tpu.memory_space<vmem>> -> memref<1x16x17xf32, #tpu.memory_space<vmem>>
        %parallel_loop3A_272 = tpu.memref_squeeze %parallel_loop3A_271 : memref<1x16x17xf32, #tpu.memory_space<vmem>> -> memref<16x17xf32, #tpu.memory_space<vmem>>
        %parallel_loop3A_273 = arith.index_cast %parallel_loop3A_268 : i32 to index
        %parallel_loop3A_274 = arith.constant 0 : index
        %parallel_loop3A_275 = tpu.vector_load %parallel_loop3A_272[%parallel_loop3A_273, %parallel_loop3A_274] {strides = array<i32>} : memref<16x17xf32, #tpu.memory_space<vmem>>, vector<16xf32>,
        tpu.vector_store %parallel_loop3A_272[%parallel_loop3A_273, %parallel_loop3A_274], %parallel_loop3A_267 {strides = array<i32>} : memref<16x17xf32, #tpu.memory_space<vmem>>, vector<16xf32>,
        %parallel_loop3A_276 = arith.constant 3 : i32
        %parallel_loop3A_277 = arith.addi %parallel_loop3A_134, %parallel_loop3A_276 : i32
        %parallel_loop3A_278 = arith.constant 0 : i32
        %parallel_loop3A_279 = arith.constant 0 : i32
        %parallel_loop3A_280 = tpu.memref_slice %arg9[%parallel_loop3A_127, %parallel_loop3A_278, %parallel_loop3A_279] : memref<2x512x32xf32, #tpu.memory_space<vmem>> -> memref<1x512x32xf32, #tpu.memory_space<vmem>>
        %parallel_loop3A_281 = tpu.memref_squeeze %parallel_loop3A_280 : memref<1x512x32xf32, #tpu.memory_space<vmem>> -> memref<512x32xf32, #tpu.memory_space<vmem>>
        %parallel_loop3A_282 = arith.index_cast %parallel_loop3A_277 : i32 to index
        %parallel_loop3A_283 = arith.constant 0 : index
        %parallel_loop3A_284 = tpu.vector_load %parallel_loop3A_281[%parallel_loop3A_282, %parallel_loop3A_283] {strides = array<i32>} : memref<512x32xf32, #tpu.memory_space<vmem>>, vector<16xf32>,
        %parallel_loop3A_285 = arith.constant 3 : i32
        %parallel_loop3A_286 = arith.addi %parallel_loop3A_134, %parallel_loop3A_285 : i32
        %parallel_loop3A_287 = arith.constant 0 : i32
        %parallel_loop3A_288 = arith.constant 0 : i32
        %parallel_loop3A_289 = tpu.memref_slice %arg9[%parallel_loop3A_127, %parallel_loop3A_287, %parallel_loop3A_288] : memref<2x512x32xf32, #tpu.memory_space<vmem>> -> memref<1x512x32xf32, #tpu.memory_space<vmem>>
        %parallel_loop3A_290 = tpu.memref_squeeze %parallel_loop3A_289 : memref<1x512x32xf32, #tpu.memory_space<vmem>> -> memref<512x32xf32, #tpu.memory_space<vmem>>
        %parallel_loop3A_291 = arith.index_cast %parallel_loop3A_286 : i32 to index
        %parallel_loop3A_292 = arith.constant 16 : index
        %parallel_loop3A_293 = tpu.vector_load %parallel_loop3A_290[%parallel_loop3A_291, %parallel_loop3A_292] {strides = array<i32>} : memref<512x32xf32, #tpu.memory_space<vmem>>, vector<16xf32>,
        %parallel_loop3A_294 = arith.constant 3 : i32
        %parallel_loop3A_295 = arith.addi %parallel_loop3A_134, %parallel_loop3A_294 : i32
        %parallel_loop3A_296 = arith.constant 0 : i32
        %parallel_loop3A_297 = arith.constant 0 : i32
        %parallel_loop3A_298 = tpu.memref_slice %arg10[%parallel_loop3A_128, %parallel_loop3A_296, %parallel_loop3A_297] : memref<2x512x32xf32, #tpu.memory_space<vmem>> -> memref<1x512x32xf32, #tpu.memory_space<vmem>>
        %parallel_loop3A_299 = tpu.memref_squeeze %parallel_loop3A_298 : memref<1x512x32xf32, #tpu.memory_space<vmem>> -> memref<512x32xf32, #tpu.memory_space<vmem>>
        %parallel_loop3A_300 = arith.index_cast %parallel_loop3A_295 : i32 to index
        %parallel_loop3A_301 = arith.constant 0 : index
        %parallel_loop3A_302 = tpu.vector_load %parallel_loop3A_299[%parallel_loop3A_300, %parallel_loop3A_301] {strides = array<i32>} : memref<512x32xf32, #tpu.memory_space<vmem>>, vector<16xf32>,
        %parallel_loop3A_303 = arith.constant 3 : i32
        %parallel_loop3A_304 = arith.addi %parallel_loop3A_134, %parallel_loop3A_303 : i32
        %parallel_loop3A_305 = arith.constant 0 : i32
        %parallel_loop3A_306 = arith.constant 0 : i32
        %parallel_loop3A_307 = tpu.memref_slice %arg10[%parallel_loop3A_128, %parallel_loop3A_305, %parallel_loop3A_306] : memref<2x512x32xf32, #tpu.memory_space<vmem>> -> memref<1x512x32xf32, #tpu.memory_space<vmem>>
        %parallel_loop3A_308 = tpu.memref_squeeze %parallel_loop3A_307 : memref<1x512x32xf32, #tpu.memory_space<vmem>> -> memref<512x32xf32, #tpu.memory_space<vmem>>
        %parallel_loop3A_309 = arith.index_cast %parallel_loop3A_304 : i32 to index
        %parallel_loop3A_310 = arith.constant 16 : index
        %parallel_loop3A_311 = tpu.vector_load %parallel_loop3A_308[%parallel_loop3A_309, %parallel_loop3A_310] {strides = array<i32>} : memref<512x32xf32, #tpu.memory_space<vmem>>, vector<16xf32>,
        %parallel_loop3A_312 = arith.mulf %parallel_loop3A_284, %parallel_loop3A_302 : vector<16xf32>
        %parallel_loop3A_313 = arith.mulf %parallel_loop3A_293, %parallel_loop3A_311 : vector<16xf32>
        %parallel_loop3A_314 = arith.addf %parallel_loop3A_312, %parallel_loop3A_313 : vector<16xf32>
        %parallel_loop3A_315 = arith.constant 3 : i32
        %parallel_loop3A_316 = arith.constant 0 : i32
        %parallel_loop3A_317 = arith.constant 0 : i32
        %parallel_loop3A_318 = tpu.memref_slice %arg11[%parallel_loop3A_132, %parallel_loop3A_316, %parallel_loop3A_317] : memref<32x16x17xf32, #tpu.memory_space<vmem>> -> memref<1x16x17xf32, #tpu.memory_space<vmem>>
        %parallel_loop3A_319 = tpu.memref_squeeze %parallel_loop3A_318 : memref<1x16x17xf32, #tpu.memory_space<vmem>> -> memref<16x17xf32, #tpu.memory_space<vmem>>
        %parallel_loop3A_320 = arith.index_cast %parallel_loop3A_315 : i32 to index
        %parallel_loop3A_321 = arith.constant 0 : index
        %parallel_loop3A_322 = tpu.vector_load %parallel_loop3A_319[%parallel_loop3A_320, %parallel_loop3A_321] {strides = array<i32>} : memref<16x17xf32, #tpu.memory_space<vmem>>, vector<16xf32>,
        tpu.vector_store %parallel_loop3A_319[%parallel_loop3A_320, %parallel_loop3A_321], %parallel_loop3A_314 {strides = array<i32>} : memref<16x17xf32, #tpu.memory_space<vmem>>, vector<16xf32>,
        %parallel_loop3A_323 = arith.constant 4 : i32
        %parallel_loop3A_324 = arith.addi %parallel_loop3A_134, %parallel_loop3A_323 : i32
        %parallel_loop3A_325 = arith.constant 0 : i32
        %parallel_loop3A_326 = arith.constant 0 : i32
        %parallel_loop3A_327 = tpu.memref_slice %arg9[%parallel_loop3A_127, %parallel_loop3A_325, %parallel_loop3A_326] : memref<2x512x32xf32, #tpu.memory_space<vmem>> -> memref<1x512x32xf32, #tpu.memory_space<vmem>>
        %parallel_loop3A_328 = tpu.memref_squeeze %parallel_loop3A_327 : memref<1x512x32xf32, #tpu.memory_space<vmem>> -> memref<512x32xf32, #tpu.memory_space<vmem>>
        %parallel_loop3A_329 = arith.index_cast %parallel_loop3A_324 : i32 to index
        %parallel_loop3A_330 = arith.constant 0 : index
        %parallel_loop3A_331 = tpu.vector_load %parallel_loop3A_328[%parallel_loop3A_329, %parallel_loop3A_330] {strides = array<i32>} : memref<512x32xf32, #tpu.memory_space<vmem>>, vector<16xf32>,
        %parallel_loop3A_332 = arith.constant 4 : i32
        %parallel_loop3A_333 = arith.addi %parallel_loop3A_134, %parallel_loop3A_332 : i32
        %parallel_loop3A_334 = arith.constant 0 : i32
        %parallel_loop3A_335 = arith.constant 0 : i32
        %parallel_loop3A_336 = tpu.memref_slice %arg9[%parallel_loop3A_127, %parallel_loop3A_334, %parallel_loop3A_335] : memref<2x512x32xf32, #tpu.memory_space<vmem>> -> memref<1x512x32xf32, #tpu.memory_space<vmem>>
        %parallel_loop3A_337 = tpu.memref_squeeze %parallel_loop3A_336 : memref<1x512x32xf32, #tpu.memory_space<vmem>> -> memref<512x32xf32, #tpu.memory_space<vmem>>
        %parallel_loop3A_338 = arith.index_cast %parallel_loop3A_333 : i32 to index
        %parallel_loop3A_339 = arith.constant 16 : index
        %parallel_loop3A_340 = tpu.vector_load %parallel_loop3A_337[%parallel_loop3A_338, %parallel_loop3A_339] {strides = array<i32>} : memref<512x32xf32, #tpu.memory_space<vmem>>, vector<16xf32>,
        %parallel_loop3A_341 = arith.constant 4 : i32
        %parallel_loop3A_342 = arith.addi %parallel_loop3A_134, %parallel_loop3A_341 : i32
        %parallel_loop3A_343 = arith.constant 0 : i32
        %parallel_loop3A_344 = arith.constant 0 : i32
        %parallel_loop3A_345 = tpu.memref_slice %arg10[%parallel_loop3A_128, %parallel_loop3A_343, %parallel_loop3A_344] : memref<2x512x32xf32, #tpu.memory_space<vmem>> -> memref<1x512x32xf32, #tpu.memory_space<vmem>>
        %parallel_loop3A_346 = tpu.memref_squeeze %parallel_loop3A_345 : memref<1x512x32xf32, #tpu.memory_space<vmem>> -> memref<512x32xf32, #tpu.memory_space<vmem>>
        %parallel_loop3A_347 = arith.index_cast %parallel_loop3A_342 : i32 to index
        %parallel_loop3A_348 = arith.constant 0 : index
        %parallel_loop3A_349 = tpu.vector_load %parallel_loop3A_346[%parallel_loop3A_347, %parallel_loop3A_348] {strides = array<i32>} : memref<512x32xf32, #tpu.memory_space<vmem>>, vector<16xf32>,
        %parallel_loop3A_350 = arith.constant 4 : i32
        %parallel_loop3A_351 = arith.addi %parallel_loop3A_134, %parallel_loop3A_350 : i32
        %parallel_loop3A_352 = arith.constant 0 : i32
        %parallel_loop3A_353 = arith.constant 0 : i32
        %parallel_loop3A_354 = tpu.memref_slice %arg10[%parallel_loop3A_128, %parallel_loop3A_352, %parallel_loop3A_353] : memref<2x512x32xf32, #tpu.memory_space<vmem>> -> memref<1x512x32xf32, #tpu.memory_space<vmem>>
        %parallel_loop3A_355 = tpu.memref_squeeze %parallel_loop3A_354 : memref<1x512x32xf32, #tpu.memory_space<vmem>> -> memref<512x32xf32, #tpu.memory_space<vmem>>
        %parallel_loop3A_356 = arith.index_cast %parallel_loop3A_351 : i32 to index
        %parallel_loop3A_357 = arith.constant 16 : index
        %parallel_loop3A_358 = tpu.vector_load %parallel_loop3A_355[%parallel_loop3A_356, %parallel_loop3A_357] {strides = array<i32>} : memref<512x32xf32, #tpu.memory_space<vmem>>, vector<16xf32>,
        %parallel_loop3A_359 = arith.mulf %parallel_loop3A_331, %parallel_loop3A_349 : vector<16xf32>
        %parallel_loop3A_360 = arith.mulf %parallel_loop3A_340, %parallel_loop3A_358 : vector<16xf32>
        %parallel_loop3A_361 = arith.addf %parallel_loop3A_359, %parallel_loop3A_360 : vector<16xf32>
        %parallel_loop3A_362 = arith.constant 4 : i32
        %parallel_loop3A_363 = arith.constant 0 : i32
        %parallel_loop3A_364 = arith.constant 0 : i32
        %parallel_loop3A_365 = tpu.memref_slice %arg11[%parallel_loop3A_132, %parallel_loop3A_363, %parallel_loop3A_364] : memref<32x16x17xf32, #tpu.memory_space<vmem>> -> memref<1x16x17xf32, #tpu.memory_space<vmem>>
        %parallel_loop3A_366 = tpu.memref_squeeze %parallel_loop3A_365 : memref<1x16x17xf32, #tpu.memory_space<vmem>> -> memref<16x17xf32, #tpu.memory_space<vmem>>
        %parallel_loop3A_367 = arith.index_cast %parallel_loop3A_362 : i32 to index
        %parallel_loop3A_368 = arith.constant 0 : index
        %parallel_loop3A_369 = tpu.vector_load %parallel_loop3A_366[%parallel_loop3A_367, %parallel_loop3A_368] {strides = array<i32>} : memref<16x17xf32, #tpu.memory_space<vmem>>, vector<16xf32>,
        tpu.vector_store %parallel_loop3A_366[%parallel_loop3A_367, %parallel_loop3A_368], %parallel_loop3A_361 {strides = array<i32>} : memref<16x17xf32, #tpu.memory_space<vmem>>, vector<16xf32>,
        %parallel_loop3A_370 = arith.constant 5 : i32
        %parallel_loop3A_371 = arith.addi %parallel_loop3A_134, %parallel_loop3A_370 : i32
        %parallel_loop3A_372 = arith.constant 0 : i32
        %parallel_loop3A_373 = arith.constant 0 : i32
        %parallel_loop3A_374 = tpu.memref_slice %arg9[%parallel_loop3A_127, %parallel_loop3A_372, %parallel_loop3A_373] : memref<2x512x32xf32, #tpu.memory_space<vmem>> -> memref<1x512x32xf32, #tpu.memory_space<vmem>>
        %parallel_loop3A_375 = tpu.memref_squeeze %parallel_loop3A_374 : memref<1x512x32xf32, #tpu.memory_space<vmem>> -> memref<512x32xf32, #tpu.memory_space<vmem>>
        %parallel_loop3A_376 = arith.index_cast %parallel_loop3A_371 : i32 to index
        %parallel_loop3A_377 = arith.constant 0 : index
        %parallel_loop3A_378 = tpu.vector_load %parallel_loop3A_375[%parallel_loop3A_376, %parallel_loop3A_377] {strides = array<i32>} : memref<512x32xf32, #tpu.memory_space<vmem>>, vector<16xf32>,
        %parallel_loop3A_379 = arith.constant 5 : i32
        %parallel_loop3A_380 = arith.addi %parallel_loop3A_134, %parallel_loop3A_379 : i32
        %parallel_loop3A_381 = arith.constant 0 : i32
        %parallel_loop3A_382 = arith.constant 0 : i32
        %parallel_loop3A_383 = tpu.memref_slice %arg9[%parallel_loop3A_127, %parallel_loop3A_381, %parallel_loop3A_382] : memref<2x512x32xf32, #tpu.memory_space<vmem>> -> memref<1x512x32xf32, #tpu.memory_space<vmem>>
        %parallel_loop3A_384 = tpu.memref_squeeze %parallel_loop3A_383 : memref<1x512x32xf32, #tpu.memory_space<vmem>> -> memref<512x32xf32, #tpu.memory_space<vmem>>
        %parallel_loop3A_385 = arith.index_cast %parallel_loop3A_380 : i32 to index
        %parallel_loop3A_386 = arith.constant 16 : index
        %parallel_loop3A_387 = tpu.vector_load %parallel_loop3A_384[%parallel_loop3A_385, %parallel_loop3A_386] {strides = array<i32>} : memref<512x32xf32, #tpu.memory_space<vmem>>, vector<16xf32>,
        %parallel_loop3A_388 = arith.constant 5 : i32
        %parallel_loop3A_389 = arith.addi %parallel_loop3A_134, %parallel_loop3A_388 : i32
        %parallel_loop3A_390 = arith.constant 0 : i32
        %parallel_loop3A_391 = arith.constant 0 : i32
        %parallel_loop3A_392 = tpu.memref_slice %arg10[%parallel_loop3A_128, %parallel_loop3A_390, %parallel_loop3A_391] : memref<2x512x32xf32, #tpu.memory_space<vmem>> -> memref<1x512x32xf32, #tpu.memory_space<vmem>>
        %parallel_loop3A_393 = tpu.memref_squeeze %parallel_loop3A_392 : memref<1x512x32xf32, #tpu.memory_space<vmem>> -> memref<512x32xf32, #tpu.memory_space<vmem>>
        %parallel_loop3A_394 = arith.index_cast %parallel_loop3A_389 : i32 to index
        %parallel_loop3A_395 = arith.constant 0 : index
        %parallel_loop3A_396 = tpu.vector_load %parallel_loop3A_393[%parallel_loop3A_394, %parallel_loop3A_395] {strides = array<i32>} : memref<512x32xf32, #tpu.memory_space<vmem>>, vector<16xf32>,
        %parallel_loop3A_397 = arith.constant 5 : i32
        %parallel_loop3A_398 = arith.addi %parallel_loop3A_134, %parallel_loop3A_397 : i32
        %parallel_loop3A_399 = arith.constant 0 : i32
        %parallel_loop3A_400 = arith.constant 0 : i32
        %parallel_loop3A_401 = tpu.memref_slice %arg10[%parallel_loop3A_128, %parallel_loop3A_399, %parallel_loop3A_400] : memref<2x512x32xf32, #tpu.memory_space<vmem>> -> memref<1x512x32xf32, #tpu.memory_space<vmem>>
        %parallel_loop3A_402 = tpu.memref_squeeze %parallel_loop3A_401 : memref<1x512x32xf32, #tpu.memory_space<vmem>> -> memref<512x32xf32, #tpu.memory_space<vmem>>
        %parallel_loop3A_403 = arith.index_cast %parallel_loop3A_398 : i32 to index
        %parallel_loop3A_404 = arith.constant 16 : index
        %parallel_loop3A_405 = tpu.vector_load %parallel_loop3A_402[%parallel_loop3A_403, %parallel_loop3A_404] {strides = array<i32>} : memref<512x32xf32, #tpu.memory_space<vmem>>, vector<16xf32>,
        %parallel_loop3A_406 = arith.mulf %parallel_loop3A_378, %parallel_loop3A_396 : vector<16xf32>
        %parallel_loop3A_407 = arith.mulf %parallel_loop3A_387, %parallel_loop3A_405 : vector<16xf32>
        %parallel_loop3A_408 = arith.addf %parallel_loop3A_406, %parallel_loop3A_407 : vector<16xf32>
        %parallel_loop3A_409 = arith.constant 5 : i32
        %parallel_loop3A_410 = arith.constant 0 : i32
        %parallel_loop3A_411 = arith.constant 0 : i32
        %parallel_loop3A_412 = tpu.memref_slice %arg11[%parallel_loop3A_132, %parallel_loop3A_410, %parallel_loop3A_411] : memref<32x16x17xf32, #tpu.memory_space<vmem>> -> memref<1x16x17xf32, #tpu.memory_space<vmem>>
        %parallel_loop3A_413 = tpu.memref_squeeze %parallel_loop3A_412 : memref<1x16x17xf32, #tpu.memory_space<vmem>> -> memref<16x17xf32, #tpu.memory_space<vmem>>
        %parallel_loop3A_414 = arith.index_cast %parallel_loop3A_409 : i32 to index
        %parallel_loop3A_415 = arith.constant 0 : index
        %parallel_loop3A_416 = tpu.vector_load %parallel_loop3A_413[%parallel_loop3A_414, %parallel_loop3A_415] {strides = array<i32>} : memref<16x17xf32, #tpu.memory_space<vmem>>, vector<16xf32>,
        tpu.vector_store %parallel_loop3A_413[%parallel_loop3A_414, %parallel_loop3A_415], %parallel_loop3A_408 {strides = array<i32>} : memref<16x17xf32, #tpu.memory_space<vmem>>, vector<16xf32>,
        %parallel_loop3A_417 = arith.constant 6 : i32
        %parallel_loop3A_418 = arith.addi %parallel_loop3A_134, %parallel_loop3A_417 : i32
        %parallel_loop3A_419 = arith.constant 0 : i32
        %parallel_loop3A_420 = arith.constant 0 : i32
        %parallel_loop3A_421 = tpu.memref_slice %arg9[%parallel_loop3A_127, %parallel_loop3A_419, %parallel_loop3A_420] : memref<2x512x32xf32, #tpu.memory_space<vmem>> -> memref<1x512x32xf32, #tpu.memory_space<vmem>>
        %parallel_loop3A_422 = tpu.memref_squeeze %parallel_loop3A_421 : memref<1x512x32xf32, #tpu.memory_space<vmem>> -> memref<512x32xf32, #tpu.memory_space<vmem>>
        %parallel_loop3A_423 = arith.index_cast %parallel_loop3A_418 : i32 to index
        %parallel_loop3A_424 = arith.constant 0 : index
        %parallel_loop3A_425 = tpu.vector_load %parallel_loop3A_422[%parallel_loop3A_423, %parallel_loop3A_424] {strides = array<i32>} : memref<512x32xf32, #tpu.memory_space<vmem>>, vector<16xf32>,
        %parallel_loop3A_426 = arith.constant 6 : i32
        %parallel_loop3A_427 = arith.addi %parallel_loop3A_134, %parallel_loop3A_426 : i32
        %parallel_loop3A_428 = arith.constant 0 : i32
        %parallel_loop3A_429 = arith.constant 0 : i32
        %parallel_loop3A_430 = tpu.memref_slice %arg9[%parallel_loop3A_127, %parallel_loop3A_428, %parallel_loop3A_429] : memref<2x512x32xf32, #tpu.memory_space<vmem>> -> memref<1x512x32xf32, #tpu.memory_space<vmem>>
        %parallel_loop3A_431 = tpu.memref_squeeze %parallel_loop3A_430 : memref<1x512x32xf32, #tpu.memory_space<vmem>> -> memref<512x32xf32, #tpu.memory_space<vmem>>
        %parallel_loop3A_432 = arith.index_cast %parallel_loop3A_427 : i32 to index
        %parallel_loop3A_433 = arith.constant 16 : index
        %parallel_loop3A_434 = tpu.vector_load %parallel_loop3A_431[%parallel_loop3A_432, %parallel_loop3A_433] {strides = array<i32>} : memref<512x32xf32, #tpu.memory_space<vmem>>, vector<16xf32>,
        %parallel_loop3A_435 = arith.constant 6 : i32
        %parallel_loop3A_436 = arith.addi %parallel_loop3A_134, %parallel_loop3A_435 : i32
        %parallel_loop3A_437 = arith.constant 0 : i32
        %parallel_loop3A_438 = arith.constant 0 : i32
        %parallel_loop3A_439 = tpu.memref_slice %arg10[%parallel_loop3A_128, %parallel_loop3A_437, %parallel_loop3A_438] : memref<2x512x32xf32, #tpu.memory_space<vmem>> -> memref<1x512x32xf32, #tpu.memory_space<vmem>>
        %parallel_loop3A_440 = tpu.memref_squeeze %parallel_loop3A_439 : memref<1x512x32xf32, #tpu.memory_space<vmem>> -> memref<512x32xf32, #tpu.memory_space<vmem>>
        %parallel_loop3A_441 = arith.index_cast %parallel_loop3A_436 : i32 to index
        %parallel_loop3A_442 = arith.constant 0 : index
        %parallel_loop3A_443 = tpu.vector_load %parallel_loop3A_440[%parallel_loop3A_441, %parallel_loop3A_442] {strides = array<i32>} : memref<512x32xf32, #tpu.memory_space<vmem>>, vector<16xf32>,
        %parallel_loop3A_444 = arith.constant 6 : i32
        %parallel_loop3A_445 = arith.addi %parallel_loop3A_134, %parallel_loop3A_444 : i32
        %parallel_loop3A_446 = arith.constant 0 : i32
        %parallel_loop3A_447 = arith.constant 0 : i32
        %parallel_loop3A_448 = tpu.memref_slice %arg10[%parallel_loop3A_128, %parallel_loop3A_446, %parallel_loop3A_447] : memref<2x512x32xf32, #tpu.memory_space<vmem>> -> memref<1x512x32xf32, #tpu.memory_space<vmem>>
        %parallel_loop3A_449 = tpu.memref_squeeze %parallel_loop3A_448 : memref<1x512x32xf32, #tpu.memory_space<vmem>> -> memref<512x32xf32, #tpu.memory_space<vmem>>
        %parallel_loop3A_450 = arith.index_cast %parallel_loop3A_445 : i32 to index
        %parallel_loop3A_451 = arith.constant 16 : index
        %parallel_loop3A_452 = tpu.vector_load %parallel_loop3A_449[%parallel_loop3A_450, %parallel_loop3A_451] {strides = array<i32>} : memref<512x32xf32, #tpu.memory_space<vmem>>, vector<16xf32>,
        %parallel_loop3A_453 = arith.mulf %parallel_loop3A_425, %parallel_loop3A_443 : vector<16xf32>
        %parallel_loop3A_454 = arith.mulf %parallel_loop3A_434, %parallel_loop3A_452 : vector<16xf32>
        %parallel_loop3A_455 = arith.addf %parallel_loop3A_453, %parallel_loop3A_454 : vector<16xf32>
        %parallel_loop3A_456 = arith.constant 6 : i32
        %parallel_loop3A_457 = arith.constant 0 : i32
        %parallel_loop3A_458 = arith.constant 0 : i32
        %parallel_loop3A_459 = tpu.memref_slice %arg11[%parallel_loop3A_132, %parallel_loop3A_457, %parallel_loop3A_458] : memref<32x16x17xf32, #tpu.memory_space<vmem>> -> memref<1x16x17xf32, #tpu.memory_space<vmem>>
        %parallel_loop3A_460 = tpu.memref_squeeze %parallel_loop3A_459 : memref<1x16x17xf32, #tpu.memory_space<vmem>> -> memref<16x17xf32, #tpu.memory_space<vmem>>
        %parallel_loop3A_461 = arith.index_cast %parallel_loop3A_456 : i32 to index
        %parallel_loop3A_462 = arith.constant 0 : index
        %parallel_loop3A_463 = tpu.vector_load %parallel_loop3A_460[%parallel_loop3A_461, %parallel_loop3A_462] {strides = array<i32>} : memref<16x17xf32, #tpu.memory_space<vmem>>, vector<16xf32>,
        tpu.vector_store %parallel_loop3A_460[%parallel_loop3A_461, %parallel_loop3A_462], %parallel_loop3A_455 {strides = array<i32>} : memref<16x17xf32, #tpu.memory_space<vmem>>, vector<16xf32>,
        %parallel_loop3A_464 = arith.constant 7 : i32
        %parallel_loop3A_465 = arith.addi %parallel_loop3A_134, %parallel_loop3A_464 : i32
        %parallel_loop3A_466 = arith.constant 0 : i32
        %parallel_loop3A_467 = arith.constant 0 : i32
        %parallel_loop3A_468 = tpu.memref_slice %arg9[%parallel_loop3A_127, %parallel_loop3A_466, %parallel_loop3A_467] : memref<2x512x32xf32, #tpu.memory_space<vmem>> -> memref<1x512x32xf32, #tpu.memory_space<vmem>>
        %parallel_loop3A_469 = tpu.memref_squeeze %parallel_loop3A_468 : memref<1x512x32xf32, #tpu.memory_space<vmem>> -> memref<512x32xf32, #tpu.memory_space<vmem>>
        %parallel_loop3A_470 = arith.index_cast %parallel_loop3A_465 : i32 to index
        %parallel_loop3A_471 = arith.constant 0 : index
        %parallel_loop3A_472 = tpu.vector_load %parallel_loop3A_469[%parallel_loop3A_470, %parallel_loop3A_471] {strides = array<i32>} : memref<512x32xf32, #tpu.memory_space<vmem>>, vector<16xf32>,
        %parallel_loop3A_473 = arith.constant 7 : i32
        %parallel_loop3A_474 = arith.addi %parallel_loop3A_134, %parallel_loop3A_473 : i32
        %parallel_loop3A_475 = arith.constant 0 : i32
        %parallel_loop3A_476 = arith.constant 0 : i32
        %parallel_loop3A_477 = tpu.memref_slice %arg9[%parallel_loop3A_127, %parallel_loop3A_475, %parallel_loop3A_476] : memref<2x512x32xf32, #tpu.memory_space<vmem>> -> memref<1x512x32xf32, #tpu.memory_space<vmem>>
        %parallel_loop3A_478 = tpu.memref_squeeze %parallel_loop3A_477 : memref<1x512x32xf32, #tpu.memory_space<vmem>> -> memref<512x32xf32, #tpu.memory_space<vmem>>
        %parallel_loop3A_479 = arith.index_cast %parallel_loop3A_474 : i32 to index
        %parallel_loop3A_480 = arith.constant 16 : index
        %parallel_loop3A_481 = tpu.vector_load %parallel_loop3A_478[%parallel_loop3A_479, %parallel_loop3A_480] {strides = array<i32>} : memref<512x32xf32, #tpu.memory_space<vmem>>, vector<16xf32>,
        %parallel_loop3A_482 = arith.constant 7 : i32
        %parallel_loop3A_483 = arith.addi %parallel_loop3A_134, %parallel_loop3A_482 : i32
        %parallel_loop3A_484 = arith.constant 0 : i32
        %parallel_loop3A_485 = arith.constant 0 : i32
        %parallel_loop3A_486 = tpu.memref_slice %arg10[%parallel_loop3A_128, %parallel_loop3A_484, %parallel_loop3A_485] : memref<2x512x32xf32, #tpu.memory_space<vmem>> -> memref<1x512x32xf32, #tpu.memory_space<vmem>>
        %parallel_loop3A_487 = tpu.memref_squeeze %parallel_loop3A_486 : memref<1x512x32xf32, #tpu.memory_space<vmem>> -> memref<512x32xf32, #tpu.memory_space<vmem>>
        %parallel_loop3A_488 = arith.index_cast %parallel_loop3A_483 : i32 to index
        %parallel_loop3A_489 = arith.constant 0 : index
        %parallel_loop3A_490 = tpu.vector_load %parallel_loop3A_487[%parallel_loop3A_488, %parallel_loop3A_489] {strides = array<i32>} : memref<512x32xf32, #tpu.memory_space<vmem>>, vector<16xf32>,
        %parallel_loop3A_491 = arith.constant 7 : i32
        %parallel_loop3A_492 = arith.addi %parallel_loop3A_134, %parallel_loop3A_491 : i32
        %parallel_loop3A_493 = arith.constant 0 : i32
        %parallel_loop3A_494 = arith.constant 0 : i32
        %parallel_loop3A_495 = tpu.memref_slice %arg10[%parallel_loop3A_128, %parallel_loop3A_493, %parallel_loop3A_494] : memref<2x512x32xf32, #tpu.memory_space<vmem>> -> memref<1x512x32xf32, #tpu.memory_space<vmem>>
        %parallel_loop3A_496 = tpu.memref_squeeze %parallel_loop3A_495 : memref<1x512x32xf32, #tpu.memory_space<vmem>> -> memref<512x32xf32, #tpu.memory_space<vmem>>
        %parallel_loop3A_497 = arith.index_cast %parallel_loop3A_492 : i32 to index
        %parallel_loop3A_498 = arith.constant 16 : index
        %parallel_loop3A_499 = tpu.vector_load %parallel_loop3A_496[%parallel_loop3A_497, %parallel_loop3A_498] {strides = array<i32>} : memref<512x32xf32, #tpu.memory_space<vmem>>, vector<16xf32>,
        %parallel_loop3A_500 = arith.mulf %parallel_loop3A_472, %parallel_loop3A_490 : vector<16xf32>
        %parallel_loop3A_501 = arith.mulf %parallel_loop3A_481, %parallel_loop3A_499 : vector<16xf32>
        %parallel_loop3A_502 = arith.addf %parallel_loop3A_500, %parallel_loop3A_501 : vector<16xf32>
        %parallel_loop3A_503 = arith.constant 7 : i32
        %parallel_loop3A_504 = arith.constant 0 : i32
        %parallel_loop3A_505 = arith.constant 0 : i32
        %parallel_loop3A_506 = tpu.memref_slice %arg11[%parallel_loop3A_132, %parallel_loop3A_504, %parallel_loop3A_505] : memref<32x16x17xf32, #tpu.memory_space<vmem>> -> memref<1x16x17xf32, #tpu.memory_space<vmem>>
        %parallel_loop3A_507 = tpu.memref_squeeze %parallel_loop3A_506 : memref<1x16x17xf32, #tpu.memory_space<vmem>> -> memref<16x17xf32, #tpu.memory_space<vmem>>
        %parallel_loop3A_508 = arith.index_cast %parallel_loop3A_503 : i32 to index
        %parallel_loop3A_509 = arith.constant 0 : index
        %parallel_loop3A_510 = tpu.vector_load %parallel_loop3A_507[%parallel_loop3A_508, %parallel_loop3A_509] {strides = array<i32>} : memref<16x17xf32, #tpu.memory_space<vmem>>, vector<16xf32>,
        tpu.vector_store %parallel_loop3A_507[%parallel_loop3A_508, %parallel_loop3A_509], %parallel_loop3A_502 {strides = array<i32>} : memref<16x17xf32, #tpu.memory_space<vmem>>, vector<16xf32>,
        %parallel_loop3A_511 = arith.constant 8 : i32
        %parallel_loop3A_512 = arith.addi %parallel_loop3A_134, %parallel_loop3A_511 : i32
        %parallel_loop3A_513 = arith.constant 0 : i32
        %parallel_loop3A_514 = arith.constant 0 : i32
        %parallel_loop3A_515 = tpu.memref_slice %arg9[%parallel_loop3A_127, %parallel_loop3A_513, %parallel_loop3A_514] : memref<2x512x32xf32, #tpu.memory_space<vmem>> -> memref<1x512x32xf32, #tpu.memory_space<vmem>>
        %parallel_loop3A_516 = tpu.memref_squeeze %parallel_loop3A_515 : memref<1x512x32xf32, #tpu.memory_space<vmem>> -> memref<512x32xf32, #tpu.memory_space<vmem>>
        %parallel_loop3A_517 = arith.index_cast %parallel_loop3A_512 : i32 to index
        %parallel_loop3A_518 = arith.constant 0 : index
        %parallel_loop3A_519 = tpu.vector_load %parallel_loop3A_516[%parallel_loop3A_517, %parallel_loop3A_518] {strides = array<i32>} : memref<512x32xf32, #tpu.memory_space<vmem>>, vector<16xf32>,
        %parallel_loop3A_520 = arith.constant 8 : i32
        %parallel_loop3A_521 = arith.addi %parallel_loop3A_134, %parallel_loop3A_520 : i32
        %parallel_loop3A_522 = arith.constant 0 : i32
        %parallel_loop3A_523 = arith.constant 0 : i32
        %parallel_loop3A_524 = tpu.memref_slice %arg9[%parallel_loop3A_127, %parallel_loop3A_522, %parallel_loop3A_523] : memref<2x512x32xf32, #tpu.memory_space<vmem>> -> memref<1x512x32xf32, #tpu.memory_space<vmem>>
        %parallel_loop3A_525 = tpu.memref_squeeze %parallel_loop3A_524 : memref<1x512x32xf32, #tpu.memory_space<vmem>> -> memref<512x32xf32, #tpu.memory_space<vmem>>
        %parallel_loop3A_526 = arith.index_cast %parallel_loop3A_521 : i32 to index
        %parallel_loop3A_527 = arith.constant 16 : index
        %parallel_loop3A_528 = tpu.vector_load %parallel_loop3A_525[%parallel_loop3A_526, %parallel_loop3A_527] {strides = array<i32>} : memref<512x32xf32, #tpu.memory_space<vmem>>, vector<16xf32>,
        %parallel_loop3A_529 = arith.constant 8 : i32
        %parallel_loop3A_530 = arith.addi %parallel_loop3A_134, %parallel_loop3A_529 : i32
        %parallel_loop3A_531 = arith.constant 0 : i32
        %parallel_loop3A_532 = arith.constant 0 : i32
        %parallel_loop3A_533 = tpu.memref_slice %arg10[%parallel_loop3A_128, %parallel_loop3A_531, %parallel_loop3A_532] : memref<2x512x32xf32, #tpu.memory_space<vmem>> -> memref<1x512x32xf32, #tpu.memory_space<vmem>>
        %parallel_loop3A_534 = tpu.memref_squeeze %parallel_loop3A_533 : memref<1x512x32xf32, #tpu.memory_space<vmem>> -> memref<512x32xf32, #tpu.memory_space<vmem>>
        %parallel_loop3A_535 = arith.index_cast %parallel_loop3A_530 : i32 to index
        %parallel_loop3A_536 = arith.constant 0 : index
        %parallel_loop3A_537 = tpu.vector_load %parallel_loop3A_534[%parallel_loop3A_535, %parallel_loop3A_536] {strides = array<i32>} : memref<512x32xf32, #tpu.memory_space<vmem>>, vector<16xf32>,
        %parallel_loop3A_538 = arith.constant 8 : i32
        %parallel_loop3A_539 = arith.addi %parallel_loop3A_134, %parallel_loop3A_538 : i32
        %parallel_loop3A_540 = arith.constant 0 : i32
        %parallel_loop3A_541 = arith.constant 0 : i32
        %parallel_loop3A_542 = tpu.memref_slice %arg10[%parallel_loop3A_128, %parallel_loop3A_540, %parallel_loop3A_541] : memref<2x512x32xf32, #tpu.memory_space<vmem>> -> memref<1x512x32xf32, #tpu.memory_space<vmem>>
        %parallel_loop3A_543 = tpu.memref_squeeze %parallel_loop3A_542 : memref<1x512x32xf32, #tpu.memory_space<vmem>> -> memref<512x32xf32, #tpu.memory_space<vmem>>
        %parallel_loop3A_544 = arith.index_cast %parallel_loop3A_539 : i32 to index
        %parallel_loop3A_545 = arith.constant 16 : index
        %parallel_loop3A_546 = tpu.vector_load %parallel_loop3A_543[%parallel_loop3A_544, %parallel_loop3A_545] {strides = array<i32>} : memref<512x32xf32, #tpu.memory_space<vmem>>, vector<16xf32>,
        %parallel_loop3A_547 = arith.mulf %parallel_loop3A_519, %parallel_loop3A_537 : vector<16xf32>
        %parallel_loop3A_548 = arith.mulf %parallel_loop3A_528, %parallel_loop3A_546 : vector<16xf32>
        %parallel_loop3A_549 = arith.addf %parallel_loop3A_547, %parallel_loop3A_548 : vector<16xf32>
        %parallel_loop3A_550 = arith.constant 8 : i32
        %parallel_loop3A_551 = arith.constant 0 : i32
        %parallel_loop3A_552 = arith.constant 0 : i32
        %parallel_loop3A_553 = tpu.memref_slice %arg11[%parallel_loop3A_132, %parallel_loop3A_551, %parallel_loop3A_552] : memref<32x16x17xf32, #tpu.memory_space<vmem>> -> memref<1x16x17xf32, #tpu.memory_space<vmem>>
        %parallel_loop3A_554 = tpu.memref_squeeze %parallel_loop3A_553 : memref<1x16x17xf32, #tpu.memory_space<vmem>> -> memref<16x17xf32, #tpu.memory_space<vmem>>
        %parallel_loop3A_555 = arith.index_cast %parallel_loop3A_550 : i32 to index
        %parallel_loop3A_556 = arith.constant 0 : index
        %parallel_loop3A_557 = tpu.vector_load %parallel_loop3A_554[%parallel_loop3A_555, %parallel_loop3A_556] {strides = array<i32>} : memref<16x17xf32, #tpu.memory_space<vmem>>, vector<16xf32>,
        tpu.vector_store %parallel_loop3A_554[%parallel_loop3A_555, %parallel_loop3A_556], %parallel_loop3A_549 {strides = array<i32>} : memref<16x17xf32, #tpu.memory_space<vmem>>, vector<16xf32>,
        %parallel_loop3A_558 = arith.constant 9 : i32
        %parallel_loop3A_559 = arith.addi %parallel_loop3A_134, %parallel_loop3A_558 : i32
        %parallel_loop3A_560 = arith.constant 0 : i32
        %parallel_loop3A_561 = arith.constant 0 : i32
        %parallel_loop3A_562 = tpu.memref_slice %arg9[%parallel_loop3A_127, %parallel_loop3A_560, %parallel_loop3A_561] : memref<2x512x32xf32, #tpu.memory_space<vmem>> -> memref<1x512x32xf32, #tpu.memory_space<vmem>>
        %parallel_loop3A_563 = tpu.memref_squeeze %parallel_loop3A_562 : memref<1x512x32xf32, #tpu.memory_space<vmem>> -> memref<512x32xf32, #tpu.memory_space<vmem>>
        %parallel_loop3A_564 = arith.index_cast %parallel_loop3A_559 : i32 to index
        %parallel_loop3A_565 = arith.constant 0 : index
        %parallel_loop3A_566 = tpu.vector_load %parallel_loop3A_563[%parallel_loop3A_564, %parallel_loop3A_565] {strides = array<i32>} : memref<512x32xf32, #tpu.memory_space<vmem>>, vector<16xf32>,
        %parallel_loop3A_567 = arith.constant 9 : i32
        %parallel_loop3A_568 = arith.addi %parallel_loop3A_134, %parallel_loop3A_567 : i32
        %parallel_loop3A_569 = arith.constant 0 : i32
        %parallel_loop3A_570 = arith.constant 0 : i32
        %parallel_loop3A_571 = tpu.memref_slice %arg9[%parallel_loop3A_127, %parallel_loop3A_569, %parallel_loop3A_570] : memref<2x512x32xf32, #tpu.memory_space<vmem>> -> memref<1x512x32xf32, #tpu.memory_space<vmem>>
        %parallel_loop3A_572 = tpu.memref_squeeze %parallel_loop3A_571 : memref<1x512x32xf32, #tpu.memory_space<vmem>> -> memref<512x32xf32, #tpu.memory_space<vmem>>
        %parallel_loop3A_573 = arith.index_cast %parallel_loop3A_568 : i32 to index
        %parallel_loop3A_574 = arith.constant 16 : index
        %parallel_loop3A_575 = tpu.vector_load %parallel_loop3A_572[%parallel_loop3A_573, %parallel_loop3A_574] {strides = array<i32>} : memref<512x32xf32, #tpu.memory_space<vmem>>, vector<16xf32>,
        %parallel_loop3A_576 = arith.constant 9 : i32
        %parallel_loop3A_577 = arith.addi %parallel_loop3A_134, %parallel_loop3A_576 : i32
        %parallel_loop3A_578 = arith.constant 0 : i32
        %parallel_loop3A_579 = arith.constant 0 : i32
        %parallel_loop3A_580 = tpu.memref_slice %arg10[%parallel_loop3A_128, %parallel_loop3A_578, %parallel_loop3A_579] : memref<2x512x32xf32, #tpu.memory_space<vmem>> -> memref<1x512x32xf32, #tpu.memory_space<vmem>>
        %parallel_loop3A_581 = tpu.memref_squeeze %parallel_loop3A_580 : memref<1x512x32xf32, #tpu.memory_space<vmem>> -> memref<512x32xf32, #tpu.memory_space<vmem>>
        %parallel_loop3A_582 = arith.index_cast %parallel_loop3A_577 : i32 to index
        %parallel_loop3A_583 = arith.constant 0 : index
        %parallel_loop3A_584 = tpu.vector_load %parallel_loop3A_581[%parallel_loop3A_582, %parallel_loop3A_583] {strides = array<i32>} : memref<512x32xf32, #tpu.memory_space<vmem>>, vector<16xf32>,
        %parallel_loop3A_585 = arith.constant 9 : i32
        %parallel_loop3A_586 = arith.addi %parallel_loop3A_134, %parallel_loop3A_585 : i32
        %parallel_loop3A_587 = arith.constant 0 : i32
        %parallel_loop3A_588 = arith.constant 0 : i32
        %parallel_loop3A_589 = tpu.memref_slice %arg10[%parallel_loop3A_128, %parallel_loop3A_587, %parallel_loop3A_588] : memref<2x512x32xf32, #tpu.memory_space<vmem>> -> memref<1x512x32xf32, #tpu.memory_space<vmem>>
        %parallel_loop3A_590 = tpu.memref_squeeze %parallel_loop3A_589 : memref<1x512x32xf32, #tpu.memory_space<vmem>> -> memref<512x32xf32, #tpu.memory_space<vmem>>
        %parallel_loop3A_591 = arith.index_cast %parallel_loop3A_586 : i32 to index
        %parallel_loop3A_592 = arith.constant 16 : index
        %parallel_loop3A_593 = tpu.vector_load %parallel_loop3A_590[%parallel_loop3A_591, %parallel_loop3A_592] {strides = array<i32>} : memref<512x32xf32, #tpu.memory_space<vmem>>, vector<16xf32>,
        %parallel_loop3A_594 = arith.mulf %parallel_loop3A_566, %parallel_loop3A_584 : vector<16xf32>
        %parallel_loop3A_595 = arith.mulf %parallel_loop3A_575, %parallel_loop3A_593 : vector<16xf32>
        %parallel_loop3A_596 = arith.addf %parallel_loop3A_594, %parallel_loop3A_595 : vector<16xf32>
        %parallel_loop3A_597 = arith.constant 9 : i32
        %parallel_loop3A_598 = arith.constant 0 : i32
        %parallel_loop3A_599 = arith.constant 0 : i32
        %parallel_loop3A_600 = tpu.memref_slice %arg11[%parallel_loop3A_132, %parallel_loop3A_598, %parallel_loop3A_599] : memref<32x16x17xf32, #tpu.memory_space<vmem>> -> memref<1x16x17xf32, #tpu.memory_space<vmem>>
        %parallel_loop3A_601 = tpu.memref_squeeze %parallel_loop3A_600 : memref<1x16x17xf32, #tpu.memory_space<vmem>> -> memref<16x17xf32, #tpu.memory_space<vmem>>
        %parallel_loop3A_602 = arith.index_cast %parallel_loop3A_597 : i32 to index
        %parallel_loop3A_603 = arith.constant 0 : index
        %parallel_loop3A_604 = tpu.vector_load %parallel_loop3A_601[%parallel_loop3A_602, %parallel_loop3A_603] {strides = array<i32>} : memref<16x17xf32, #tpu.memory_space<vmem>>, vector<16xf32>,
        tpu.vector_store %parallel_loop3A_601[%parallel_loop3A_602, %parallel_loop3A_603], %parallel_loop3A_596 {strides = array<i32>} : memref<16x17xf32, #tpu.memory_space<vmem>>, vector<16xf32>,
        %parallel_loop3A_605 = arith.constant 10 : i32
        %parallel_loop3A_606 = arith.addi %parallel_loop3A_134, %parallel_loop3A_605 : i32
        %parallel_loop3A_607 = arith.constant 0 : i32
        %parallel_loop3A_608 = arith.constant 0 : i32
        %parallel_loop3A_609 = tpu.memref_slice %arg9[%parallel_loop3A_127, %parallel_loop3A_607, %parallel_loop3A_608] : memref<2x512x32xf32, #tpu.memory_space<vmem>> -> memref<1x512x32xf32, #tpu.memory_space<vmem>>
        %parallel_loop3A_610 = tpu.memref_squeeze %parallel_loop3A_609 : memref<1x512x32xf32, #tpu.memory_space<vmem>> -> memref<512x32xf32, #tpu.memory_space<vmem>>
        %parallel_loop3A_611 = arith.index_cast %parallel_loop3A_606 : i32 to index
        %parallel_loop3A_612 = arith.constant 0 : index
        %parallel_loop3A_613 = tpu.vector_load %parallel_loop3A_610[%parallel_loop3A_611, %parallel_loop3A_612] {strides = array<i32>} : memref<512x32xf32, #tpu.memory_space<vmem>>, vector<16xf32>,
        %parallel_loop3A_614 = arith.constant 10 : i32
        %parallel_loop3A_615 = arith.addi %parallel_loop3A_134, %parallel_loop3A_614 : i32
        %parallel_loop3A_616 = arith.constant 0 : i32
        %parallel_loop3A_617 = arith.constant 0 : i32
        %parallel_loop3A_618 = tpu.memref_slice %arg9[%parallel_loop3A_127, %parallel_loop3A_616, %parallel_loop3A_617] : memref<2x512x32xf32, #tpu.memory_space<vmem>> -> memref<1x512x32xf32, #tpu.memory_space<vmem>>
        %parallel_loop3A_619 = tpu.memref_squeeze %parallel_loop3A_618 : memref<1x512x32xf32, #tpu.memory_space<vmem>> -> memref<512x32xf32, #tpu.memory_space<vmem>>
        %parallel_loop3A_620 = arith.index_cast %parallel_loop3A_615 : i32 to index
        %parallel_loop3A_621 = arith.constant 16 : index
        %parallel_loop3A_622 = tpu.vector_load %parallel_loop3A_619[%parallel_loop3A_620, %parallel_loop3A_621] {strides = array<i32>} : memref<512x32xf32, #tpu.memory_space<vmem>>, vector<16xf32>,
        %parallel_loop3A_623 = arith.constant 10 : i32
        %parallel_loop3A_624 = arith.addi %parallel_loop3A_134, %parallel_loop3A_623 : i32
        %parallel_loop3A_625 = arith.constant 0 : i32
        %parallel_loop3A_626 = arith.constant 0 : i32
        %parallel_loop3A_627 = tpu.memref_slice %arg10[%parallel_loop3A_128, %parallel_loop3A_625, %parallel_loop3A_626] : memref<2x512x32xf32, #tpu.memory_space<vmem>> -> memref<1x512x32xf32, #tpu.memory_space<vmem>>
        %parallel_loop3A_628 = tpu.memref_squeeze %parallel_loop3A_627 : memref<1x512x32xf32, #tpu.memory_space<vmem>> -> memref<512x32xf32, #tpu.memory_space<vmem>>
        %parallel_loop3A_629 = arith.index_cast %parallel_loop3A_624 : i32 to index
        %parallel_loop3A_630 = arith.constant 0 : index
        %parallel_loop3A_631 = tpu.vector_load %parallel_loop3A_628[%parallel_loop3A_629, %parallel_loop3A_630] {strides = array<i32>} : memref<512x32xf32, #tpu.memory_space<vmem>>, vector<16xf32>,
        %parallel_loop3A_632 = arith.constant 10 : i32
        %parallel_loop3A_633 = arith.addi %parallel_loop3A_134, %parallel_loop3A_632 : i32
        %parallel_loop3A_634 = arith.constant 0 : i32
        %parallel_loop3A_635 = arith.constant 0 : i32
        %parallel_loop3A_636 = tpu.memref_slice %arg10[%parallel_loop3A_128, %parallel_loop3A_634, %parallel_loop3A_635] : memref<2x512x32xf32, #tpu.memory_space<vmem>> -> memref<1x512x32xf32, #tpu.memory_space<vmem>>
        %parallel_loop3A_637 = tpu.memref_squeeze %parallel_loop3A_636 : memref<1x512x32xf32, #tpu.memory_space<vmem>> -> memref<512x32xf32, #tpu.memory_space<vmem>>
        %parallel_loop3A_638 = arith.index_cast %parallel_loop3A_633 : i32 to index
        %parallel_loop3A_639 = arith.constant 16 : index
        %parallel_loop3A_640 = tpu.vector_load %parallel_loop3A_637[%parallel_loop3A_638, %parallel_loop3A_639] {strides = array<i32>} : memref<512x32xf32, #tpu.memory_space<vmem>>, vector<16xf32>,
        %parallel_loop3A_641 = arith.mulf %parallel_loop3A_613, %parallel_loop3A_631 : vector<16xf32>
        %parallel_loop3A_642 = arith.mulf %parallel_loop3A_622, %parallel_loop3A_640 : vector<16xf32>
        %parallel_loop3A_643 = arith.addf %parallel_loop3A_641, %parallel_loop3A_642 : vector<16xf32>
        %parallel_loop3A_644 = arith.constant 10 : i32
        %parallel_loop3A_645 = arith.constant 0 : i32
        %parallel_loop3A_646 = arith.constant 0 : i32
        %parallel_loop3A_647 = tpu.memref_slice %arg11[%parallel_loop3A_132, %parallel_loop3A_645, %parallel_loop3A_646] : memref<32x16x17xf32, #tpu.memory_space<vmem>> -> memref<1x16x17xf32, #tpu.memory_space<vmem>>
        %parallel_loop3A_648 = tpu.memref_squeeze %parallel_loop3A_647 : memref<1x16x17xf32, #tpu.memory_space<vmem>> -> memref<16x17xf32, #tpu.memory_space<vmem>>
        %parallel_loop3A_649 = arith.index_cast %parallel_loop3A_644 : i32 to index
        %parallel_loop3A_650 = arith.constant 0 : index
        %parallel_loop3A_651 = tpu.vector_load %parallel_loop3A_648[%parallel_loop3A_649, %parallel_loop3A_650] {strides = array<i32>} : memref<16x17xf32, #tpu.memory_space<vmem>>, vector<16xf32>,
        tpu.vector_store %parallel_loop3A_648[%parallel_loop3A_649, %parallel_loop3A_650], %parallel_loop3A_643 {strides = array<i32>} : memref<16x17xf32, #tpu.memory_space<vmem>>, vector<16xf32>,
        %parallel_loop3A_652 = arith.constant 11 : i32
        %parallel_loop3A_653 = arith.addi %parallel_loop3A_134, %parallel_loop3A_652 : i32
        %parallel_loop3A_654 = arith.constant 0 : i32
        %parallel_loop3A_655 = arith.constant 0 : i32
        %parallel_loop3A_656 = tpu.memref_slice %arg9[%parallel_loop3A_127, %parallel_loop3A_654, %parallel_loop3A_655] : memref<2x512x32xf32, #tpu.memory_space<vmem>> -> memref<1x512x32xf32, #tpu.memory_space<vmem>>
        %parallel_loop3A_657 = tpu.memref_squeeze %parallel_loop3A_656 : memref<1x512x32xf32, #tpu.memory_space<vmem>> -> memref<512x32xf32, #tpu.memory_space<vmem>>
        %parallel_loop3A_658 = arith.index_cast %parallel_loop3A_653 : i32 to index
        %parallel_loop3A_659 = arith.constant 0 : index
        %parallel_loop3A_660 = tpu.vector_load %parallel_loop3A_657[%parallel_loop3A_658, %parallel_loop3A_659] {strides = array<i32>} : memref<512x32xf32, #tpu.memory_space<vmem>>, vector<16xf32>,
        %parallel_loop3A_661 = arith.constant 11 : i32
        %parallel_loop3A_662 = arith.addi %parallel_loop3A_134, %parallel_loop3A_661 : i32
        %parallel_loop3A_663 = arith.constant 0 : i32
        %parallel_loop3A_664 = arith.constant 0 : i32
        %parallel_loop3A_665 = tpu.memref_slice %arg9[%parallel_loop3A_127, %parallel_loop3A_663, %parallel_loop3A_664] : memref<2x512x32xf32, #tpu.memory_space<vmem>> -> memref<1x512x32xf32, #tpu.memory_space<vmem>>
        %parallel_loop3A_666 = tpu.memref_squeeze %parallel_loop3A_665 : memref<1x512x32xf32, #tpu.memory_space<vmem>> -> memref<512x32xf32, #tpu.memory_space<vmem>>
        %parallel_loop3A_667 = arith.index_cast %parallel_loop3A_662 : i32 to index
        %parallel_loop3A_668 = arith.constant 16 : index
        %parallel_loop3A_669 = tpu.vector_load %parallel_loop3A_666[%parallel_loop3A_667, %parallel_loop3A_668] {strides = array<i32>} : memref<512x32xf32, #tpu.memory_space<vmem>>, vector<16xf32>,
        %parallel_loop3A_670 = arith.constant 11 : i32
        %parallel_loop3A_671 = arith.addi %parallel_loop3A_134, %parallel_loop3A_670 : i32
        %parallel_loop3A_672 = arith.constant 0 : i32
        %parallel_loop3A_673 = arith.constant 0 : i32
        %parallel_loop3A_674 = tpu.memref_slice %arg10[%parallel_loop3A_128, %parallel_loop3A_672, %parallel_loop3A_673] : memref<2x512x32xf32, #tpu.memory_space<vmem>> -> memref<1x512x32xf32, #tpu.memory_space<vmem>>
        %parallel_loop3A_675 = tpu.memref_squeeze %parallel_loop3A_674 : memref<1x512x32xf32, #tpu.memory_space<vmem>> -> memref<512x32xf32, #tpu.memory_space<vmem>>
        %parallel_loop3A_676 = arith.index_cast %parallel_loop3A_671 : i32 to index
        %parallel_loop3A_677 = arith.constant 0 : index
        %parallel_loop3A_678 = tpu.vector_load %parallel_loop3A_675[%parallel_loop3A_676, %parallel_loop3A_677] {strides = array<i32>} : memref<512x32xf32, #tpu.memory_space<vmem>>, vector<16xf32>,
        %parallel_loop3A_679 = arith.constant 11 : i32
        %parallel_loop3A_680 = arith.addi %parallel_loop3A_134, %parallel_loop3A_679 : i32
        %parallel_loop3A_681 = arith.constant 0 : i32
        %parallel_loop3A_682 = arith.constant 0 : i32
        %parallel_loop3A_683 = tpu.memref_slice %arg10[%parallel_loop3A_128, %parallel_loop3A_681, %parallel_loop3A_682] : memref<2x512x32xf32, #tpu.memory_space<vmem>> -> memref<1x512x32xf32, #tpu.memory_space<vmem>>
        %parallel_loop3A_684 = tpu.memref_squeeze %parallel_loop3A_683 : memref<1x512x32xf32, #tpu.memory_space<vmem>> -> memref<512x32xf32, #tpu.memory_space<vmem>>
        %parallel_loop3A_685 = arith.index_cast %parallel_loop3A_680 : i32 to index
        %parallel_loop3A_686 = arith.constant 16 : index
        %parallel_loop3A_687 = tpu.vector_load %parallel_loop3A_684[%parallel_loop3A_685, %parallel_loop3A_686] {strides = array<i32>} : memref<512x32xf32, #tpu.memory_space<vmem>>, vector<16xf32>,
        %parallel_loop3A_688 = arith.mulf %parallel_loop3A_660, %parallel_loop3A_678 : vector<16xf32>
        %parallel_loop3A_689 = arith.mulf %parallel_loop3A_669, %parallel_loop3A_687 : vector<16xf32>
        %parallel_loop3A_690 = arith.addf %parallel_loop3A_688, %parallel_loop3A_689 : vector<16xf32>
        %parallel_loop3A_691 = arith.constant 11 : i32
        %parallel_loop3A_692 = arith.constant 0 : i32
        %parallel_loop3A_693 = arith.constant 0 : i32
        %parallel_loop3A_694 = tpu.memref_slice %arg11[%parallel_loop3A_132, %parallel_loop3A_692, %parallel_loop3A_693] : memref<32x16x17xf32, #tpu.memory_space<vmem>> -> memref<1x16x17xf32, #tpu.memory_space<vmem>>
        %parallel_loop3A_695 = tpu.memref_squeeze %parallel_loop3A_694 : memref<1x16x17xf32, #tpu.memory_space<vmem>> -> memref<16x17xf32, #tpu.memory_space<vmem>>
        %parallel_loop3A_696 = arith.index_cast %parallel_loop3A_691 : i32 to index
        %parallel_loop3A_697 = arith.constant 0 : index
        %parallel_loop3A_698 = tpu.vector_load %parallel_loop3A_695[%parallel_loop3A_696, %parallel_loop3A_697] {strides = array<i32>} : memref<16x17xf32, #tpu.memory_space<vmem>>, vector<16xf32>,
        tpu.vector_store %parallel_loop3A_695[%parallel_loop3A_696, %parallel_loop3A_697], %parallel_loop3A_690 {strides = array<i32>} : memref<16x17xf32, #tpu.memory_space<vmem>>, vector<16xf32>,
        %parallel_loop3A_699 = arith.constant 12 : i32
        %parallel_loop3A_700 = arith.addi %parallel_loop3A_134, %parallel_loop3A_699 : i32
        %parallel_loop3A_701 = arith.constant 0 : i32
        %parallel_loop3A_702 = arith.constant 0 : i32
        %parallel_loop3A_703 = tpu.memref_slice %arg9[%parallel_loop3A_127, %parallel_loop3A_701, %parallel_loop3A_702] : memref<2x512x32xf32, #tpu.memory_space<vmem>> -> memref<1x512x32xf32, #tpu.memory_space<vmem>>
        %parallel_loop3A_704 = tpu.memref_squeeze %parallel_loop3A_703 : memref<1x512x32xf32, #tpu.memory_space<vmem>> -> memref<512x32xf32, #tpu.memory_space<vmem>>
        %parallel_loop3A_705 = arith.index_cast %parallel_loop3A_700 : i32 to index
        %parallel_loop3A_706 = arith.constant 0 : index
        %parallel_loop3A_707 = tpu.vector_load %parallel_loop3A_704[%parallel_loop3A_705, %parallel_loop3A_706] {strides = array<i32>} : memref<512x32xf32, #tpu.memory_space<vmem>>, vector<16xf32>,
        %parallel_loop3A_708 = arith.constant 12 : i32
        %parallel_loop3A_709 = arith.addi %parallel_loop3A_134, %parallel_loop3A_708 : i32
        %parallel_loop3A_710 = arith.constant 0 : i32
        %parallel_loop3A_711 = arith.constant 0 : i32
        %parallel_loop3A_712 = tpu.memref_slice %arg9[%parallel_loop3A_127, %parallel_loop3A_710, %parallel_loop3A_711] : memref<2x512x32xf32, #tpu.memory_space<vmem>> -> memref<1x512x32xf32, #tpu.memory_space<vmem>>
        %parallel_loop3A_713 = tpu.memref_squeeze %parallel_loop3A_712 : memref<1x512x32xf32, #tpu.memory_space<vmem>> -> memref<512x32xf32, #tpu.memory_space<vmem>>
        %parallel_loop3A_714 = arith.index_cast %parallel_loop3A_709 : i32 to index
        %parallel_loop3A_715 = arith.constant 16 : index
        %parallel_loop3A_716 = tpu.vector_load %parallel_loop3A_713[%parallel_loop3A_714, %parallel_loop3A_715] {strides = array<i32>} : memref<512x32xf32, #tpu.memory_space<vmem>>, vector<16xf32>,
        %parallel_loop3A_717 = arith.constant 12 : i32
        %parallel_loop3A_718 = arith.addi %parallel_loop3A_134, %parallel_loop3A_717 : i32
        %parallel_loop3A_719 = arith.constant 0 : i32
        %parallel_loop3A_720 = arith.constant 0 : i32
        %parallel_loop3A_721 = tpu.memref_slice %arg10[%parallel_loop3A_128, %parallel_loop3A_719, %parallel_loop3A_720] : memref<2x512x32xf32, #tpu.memory_space<vmem>> -> memref<1x512x32xf32, #tpu.memory_space<vmem>>
        %parallel_loop3A_722 = tpu.memref_squeeze %parallel_loop3A_721 : memref<1x512x32xf32, #tpu.memory_space<vmem>> -> memref<512x32xf32, #tpu.memory_space<vmem>>
        %parallel_loop3A_723 = arith.index_cast %parallel_loop3A_718 : i32 to index
        %parallel_loop3A_724 = arith.constant 0 : index
        %parallel_loop3A_725 = tpu.vector_load %parallel_loop3A_722[%parallel_loop3A_723, %parallel_loop3A_724] {strides = array<i32>} : memref<512x32xf32, #tpu.memory_space<vmem>>, vector<16xf32>,
        %parallel_loop3A_726 = arith.constant 12 : i32
        %parallel_loop3A_727 = arith.addi %parallel_loop3A_134, %parallel_loop3A_726 : i32
        %parallel_loop3A_728 = arith.constant 0 : i32
        %parallel_loop3A_729 = arith.constant 0 : i32
        %parallel_loop3A_730 = tpu.memref_slice %arg10[%parallel_loop3A_128, %parallel_loop3A_728, %parallel_loop3A_729] : memref<2x512x32xf32, #tpu.memory_space<vmem>> -> memref<1x512x32xf32, #tpu.memory_space<vmem>>
        %parallel_loop3A_731 = tpu.memref_squeeze %parallel_loop3A_730 : memref<1x512x32xf32, #tpu.memory_space<vmem>> -> memref<512x32xf32, #tpu.memory_space<vmem>>
        %parallel_loop3A_732 = arith.index_cast %parallel_loop3A_727 : i32 to index
        %parallel_loop3A_733 = arith.constant 16 : index
        %parallel_loop3A_734 = tpu.vector_load %parallel_loop3A_731[%parallel_loop3A_732, %parallel_loop3A_733] {strides = array<i32>} : memref<512x32xf32, #tpu.memory_space<vmem>>, vector<16xf32>,
        %parallel_loop3A_735 = arith.mulf %parallel_loop3A_707, %parallel_loop3A_725 : vector<16xf32>
        %parallel_loop3A_736 = arith.mulf %parallel_loop3A_716, %parallel_loop3A_734 : vector<16xf32>
        %parallel_loop3A_737 = arith.addf %parallel_loop3A_735, %parallel_loop3A_736 : vector<16xf32>
        %parallel_loop3A_738 = arith.constant 12 : i32
        %parallel_loop3A_739 = arith.constant 0 : i32
        %parallel_loop3A_740 = arith.constant 0 : i32
        %parallel_loop3A_741 = tpu.memref_slice %arg11[%parallel_loop3A_132, %parallel_loop3A_739, %parallel_loop3A_740] : memref<32x16x17xf32, #tpu.memory_space<vmem>> -> memref<1x16x17xf32, #tpu.memory_space<vmem>>
        %parallel_loop3A_742 = tpu.memref_squeeze %parallel_loop3A_741 : memref<1x16x17xf32, #tpu.memory_space<vmem>> -> memref<16x17xf32, #tpu.memory_space<vmem>>
        %parallel_loop3A_743 = arith.index_cast %parallel_loop3A_738 : i32 to index
        %parallel_loop3A_744 = arith.constant 0 : index
        %parallel_loop3A_745 = tpu.vector_load %parallel_loop3A_742[%parallel_loop3A_743, %parallel_loop3A_744] {strides = array<i32>} : memref<16x17xf32, #tpu.memory_space<vmem>>, vector<16xf32>,
        tpu.vector_store %parallel_loop3A_742[%parallel_loop3A_743, %parallel_loop3A_744], %parallel_loop3A_737 {strides = array<i32>} : memref<16x17xf32, #tpu.memory_space<vmem>>, vector<16xf32>,
        %parallel_loop3A_746 = arith.constant 13 : i32
        %parallel_loop3A_747 = arith.addi %parallel_loop3A_134, %parallel_loop3A_746 : i32
        %parallel_loop3A_748 = arith.constant 0 : i32
        %parallel_loop3A_749 = arith.constant 0 : i32
        %parallel_loop3A_750 = tpu.memref_slice %arg9[%parallel_loop3A_127, %parallel_loop3A_748, %parallel_loop3A_749] : memref<2x512x32xf32, #tpu.memory_space<vmem>> -> memref<1x512x32xf32, #tpu.memory_space<vmem>>
        %parallel_loop3A_751 = tpu.memref_squeeze %parallel_loop3A_750 : memref<1x512x32xf32, #tpu.memory_space<vmem>> -> memref<512x32xf32, #tpu.memory_space<vmem>>
        %parallel_loop3A_752 = arith.index_cast %parallel_loop3A_747 : i32 to index
        %parallel_loop3A_753 = arith.constant 0 : index
        %parallel_loop3A_754 = tpu.vector_load %parallel_loop3A_751[%parallel_loop3A_752, %parallel_loop3A_753] {strides = array<i32>} : memref<512x32xf32, #tpu.memory_space<vmem>>, vector<16xf32>,
        %parallel_loop3A_755 = arith.constant 13 : i32
        %parallel_loop3A_756 = arith.addi %parallel_loop3A_134, %parallel_loop3A_755 : i32
        %parallel_loop3A_757 = arith.constant 0 : i32
        %parallel_loop3A_758 = arith.constant 0 : i32
        %parallel_loop3A_759 = tpu.memref_slice %arg9[%parallel_loop3A_127, %parallel_loop3A_757, %parallel_loop3A_758] : memref<2x512x32xf32, #tpu.memory_space<vmem>> -> memref<1x512x32xf32, #tpu.memory_space<vmem>>
        %parallel_loop3A_760 = tpu.memref_squeeze %parallel_loop3A_759 : memref<1x512x32xf32, #tpu.memory_space<vmem>> -> memref<512x32xf32, #tpu.memory_space<vmem>>
        %parallel_loop3A_761 = arith.index_cast %parallel_loop3A_756 : i32 to index
        %parallel_loop3A_762 = arith.constant 16 : index
        %parallel_loop3A_763 = tpu.vector_load %parallel_loop3A_760[%parallel_loop3A_761, %parallel_loop3A_762] {strides = array<i32>} : memref<512x32xf32, #tpu.memory_space<vmem>>, vector<16xf32>,
        %parallel_loop3A_764 = arith.constant 13 : i32
        %parallel_loop3A_765 = arith.addi %parallel_loop3A_134, %parallel_loop3A_764 : i32
        %parallel_loop3A_766 = arith.constant 0 : i32
        %parallel_loop3A_767 = arith.constant 0 : i32
        %parallel_loop3A_768 = tpu.memref_slice %arg10[%parallel_loop3A_128, %parallel_loop3A_766, %parallel_loop3A_767] : memref<2x512x32xf32, #tpu.memory_space<vmem>> -> memref<1x512x32xf32, #tpu.memory_space<vmem>>
        %parallel_loop3A_769 = tpu.memref_squeeze %parallel_loop3A_768 : memref<1x512x32xf32, #tpu.memory_space<vmem>> -> memref<512x32xf32, #tpu.memory_space<vmem>>
        %parallel_loop3A_770 = arith.index_cast %parallel_loop3A_765 : i32 to index
        %parallel_loop3A_771 = arith.constant 0 : index
        %parallel_loop3A_772 = tpu.vector_load %parallel_loop3A_769[%parallel_loop3A_770, %parallel_loop3A_771] {strides = array<i32>} : memref<512x32xf32, #tpu.memory_space<vmem>>, vector<16xf32>,
        %parallel_loop3A_773 = arith.constant 13 : i32
        %parallel_loop3A_774 = arith.addi %parallel_loop3A_134, %parallel_loop3A_773 : i32
        %parallel_loop3A_775 = arith.constant 0 : i32
        %parallel_loop3A_776 = arith.constant 0 : i32
        %parallel_loop3A_777 = tpu.memref_slice %arg10[%parallel_loop3A_128, %parallel_loop3A_775, %parallel_loop3A_776] : memref<2x512x32xf32, #tpu.memory_space<vmem>> -> memref<1x512x32xf32, #tpu.memory_space<vmem>>
        %parallel_loop3A_778 = tpu.memref_squeeze %parallel_loop3A_777 : memref<1x512x32xf32, #tpu.memory_space<vmem>> -> memref<512x32xf32, #tpu.memory_space<vmem>>
        %parallel_loop3A_779 = arith.index_cast %parallel_loop3A_774 : i32 to index
        %parallel_loop3A_780 = arith.constant 16 : index
        %parallel_loop3A_781 = tpu.vector_load %parallel_loop3A_778[%parallel_loop3A_779, %parallel_loop3A_780] {strides = array<i32>} : memref<512x32xf32, #tpu.memory_space<vmem>>, vector<16xf32>,
        %parallel_loop3A_782 = arith.mulf %parallel_loop3A_754, %parallel_loop3A_772 : vector<16xf32>
        %parallel_loop3A_783 = arith.mulf %parallel_loop3A_763, %parallel_loop3A_781 : vector<16xf32>
        %parallel_loop3A_784 = arith.addf %parallel_loop3A_782, %parallel_loop3A_783 : vector<16xf32>
        %parallel_loop3A_785 = arith.constant 13 : i32
        %parallel_loop3A_786 = arith.constant 0 : i32
        %parallel_loop3A_787 = arith.constant 0 : i32
        %parallel_loop3A_788 = tpu.memref_slice %arg11[%parallel_loop3A_132, %parallel_loop3A_786, %parallel_loop3A_787] : memref<32x16x17xf32, #tpu.memory_space<vmem>> -> memref<1x16x17xf32, #tpu.memory_space<vmem>>
        %parallel_loop3A_789 = tpu.memref_squeeze %parallel_loop3A_788 : memref<1x16x17xf32, #tpu.memory_space<vmem>> -> memref<16x17xf32, #tpu.memory_space<vmem>>
        %parallel_loop3A_790 = arith.index_cast %parallel_loop3A_785 : i32 to index
        %parallel_loop3A_791 = arith.constant 0 : index
        %parallel_loop3A_792 = tpu.vector_load %parallel_loop3A_789[%parallel_loop3A_790, %parallel_loop3A_791] {strides = array<i32>} : memref<16x17xf32, #tpu.memory_space<vmem>>, vector<16xf32>,
        tpu.vector_store %parallel_loop3A_789[%parallel_loop3A_790, %parallel_loop3A_791], %parallel_loop3A_784 {strides = array<i32>} : memref<16x17xf32, #tpu.memory_space<vmem>>, vector<16xf32>,
        %parallel_loop3A_793 = arith.constant 14 : i32
        %parallel_loop3A_794 = arith.addi %parallel_loop3A_134, %parallel_loop3A_793 : i32
        %parallel_loop3A_795 = arith.constant 0 : i32
        %parallel_loop3A_796 = arith.constant 0 : i32
        %parallel_loop3A_797 = tpu.memref_slice %arg9[%parallel_loop3A_127, %parallel_loop3A_795, %parallel_loop3A_796] : memref<2x512x32xf32, #tpu.memory_space<vmem>> -> memref<1x512x32xf32, #tpu.memory_space<vmem>>
        %parallel_loop3A_798 = tpu.memref_squeeze %parallel_loop3A_797 : memref<1x512x32xf32, #tpu.memory_space<vmem>> -> memref<512x32xf32, #tpu.memory_space<vmem>>
        %parallel_loop3A_799 = arith.index_cast %parallel_loop3A_794 : i32 to index
        %parallel_loop3A_800 = arith.constant 0 : index
        %parallel_loop3A_801 = tpu.vector_load %parallel_loop3A_798[%parallel_loop3A_799, %parallel_loop3A_800] {strides = array<i32>} : memref<512x32xf32, #tpu.memory_space<vmem>>, vector<16xf32>,
        %parallel_loop3A_802 = arith.constant 14 : i32
        %parallel_loop3A_803 = arith.addi %parallel_loop3A_134, %parallel_loop3A_802 : i32
        %parallel_loop3A_804 = arith.constant 0 : i32
        %parallel_loop3A_805 = arith.constant 0 : i32
        %parallel_loop3A_806 = tpu.memref_slice %arg9[%parallel_loop3A_127, %parallel_loop3A_804, %parallel_loop3A_805] : memref<2x512x32xf32, #tpu.memory_space<vmem>> -> memref<1x512x32xf32, #tpu.memory_space<vmem>>
        %parallel_loop3A_807 = tpu.memref_squeeze %parallel_loop3A_806 : memref<1x512x32xf32, #tpu.memory_space<vmem>> -> memref<512x32xf32, #tpu.memory_space<vmem>>
        %parallel_loop3A_808 = arith.index_cast %parallel_loop3A_803 : i32 to index
        %parallel_loop3A_809 = arith.constant 16 : index
        %parallel_loop3A_810 = tpu.vector_load %parallel_loop3A_807[%parallel_loop3A_808, %parallel_loop3A_809] {strides = array<i32>} : memref<512x32xf32, #tpu.memory_space<vmem>>, vector<16xf32>,
        %parallel_loop3A_811 = arith.constant 14 : i32
        %parallel_loop3A_812 = arith.addi %parallel_loop3A_134, %parallel_loop3A_811 : i32
        %parallel_loop3A_813 = arith.constant 0 : i32
        %parallel_loop3A_814 = arith.constant 0 : i32
        %parallel_loop3A_815 = tpu.memref_slice %arg10[%parallel_loop3A_128, %parallel_loop3A_813, %parallel_loop3A_814] : memref<2x512x32xf32, #tpu.memory_space<vmem>> -> memref<1x512x32xf32, #tpu.memory_space<vmem>>
        %parallel_loop3A_816 = tpu.memref_squeeze %parallel_loop3A_815 : memref<1x512x32xf32, #tpu.memory_space<vmem>> -> memref<512x32xf32, #tpu.memory_space<vmem>>
        %parallel_loop3A_817 = arith.index_cast %parallel_loop3A_812 : i32 to index
        %parallel_loop3A_818 = arith.constant 0 : index
        %parallel_loop3A_819 = tpu.vector_load %parallel_loop3A_816[%parallel_loop3A_817, %parallel_loop3A_818] {strides = array<i32>} : memref<512x32xf32, #tpu.memory_space<vmem>>, vector<16xf32>,
        %parallel_loop3A_820 = arith.constant 14 : i32
        %parallel_loop3A_821 = arith.addi %parallel_loop3A_134, %parallel_loop3A_820 : i32
        %parallel_loop3A_822 = arith.constant 0 : i32
        %parallel_loop3A_823 = arith.constant 0 : i32
        %parallel_loop3A_824 = tpu.memref_slice %arg10[%parallel_loop3A_128, %parallel_loop3A_822, %parallel_loop3A_823] : memref<2x512x32xf32, #tpu.memory_space<vmem>> -> memref<1x512x32xf32, #tpu.memory_space<vmem>>
        %parallel_loop3A_825 = tpu.memref_squeeze %parallel_loop3A_824 : memref<1x512x32xf32, #tpu.memory_space<vmem>> -> memref<512x32xf32, #tpu.memory_space<vmem>>
        %parallel_loop3A_826 = arith.index_cast %parallel_loop3A_821 : i32 to index
        %parallel_loop3A_827 = arith.constant 16 : index
        %parallel_loop3A_828 = tpu.vector_load %parallel_loop3A_825[%parallel_loop3A_826, %parallel_loop3A_827] {strides = array<i32>} : memref<512x32xf32, #tpu.memory_space<vmem>>, vector<16xf32>,
        %parallel_loop3A_829 = arith.mulf %parallel_loop3A_801, %parallel_loop3A_819 : vector<16xf32>
        %parallel_loop3A_830 = arith.mulf %parallel_loop3A_810, %parallel_loop3A_828 : vector<16xf32>
        %parallel_loop3A_831 = arith.addf %parallel_loop3A_829, %parallel_loop3A_830 : vector<16xf32>
        %parallel_loop3A_832 = arith.constant 14 : i32
        %parallel_loop3A_833 = arith.constant 0 : i32
        %parallel_loop3A_834 = arith.constant 0 : i32
        %parallel_loop3A_835 = tpu.memref_slice %arg11[%parallel_loop3A_132, %parallel_loop3A_833, %parallel_loop3A_834] : memref<32x16x17xf32, #tpu.memory_space<vmem>> -> memref<1x16x17xf32, #tpu.memory_space<vmem>>
        %parallel_loop3A_836 = tpu.memref_squeeze %parallel_loop3A_835 : memref<1x16x17xf32, #tpu.memory_space<vmem>> -> memref<16x17xf32, #tpu.memory_space<vmem>>
        %parallel_loop3A_837 = arith.index_cast %parallel_loop3A_832 : i32 to index
        %parallel_loop3A_838 = arith.constant 0 : index
        %parallel_loop3A_839 = tpu.vector_load %parallel_loop3A_836[%parallel_loop3A_837, %parallel_loop3A_838] {strides = array<i32>} : memref<16x17xf32, #tpu.memory_space<vmem>>, vector<16xf32>,
        tpu.vector_store %parallel_loop3A_836[%parallel_loop3A_837, %parallel_loop3A_838], %parallel_loop3A_831 {strides = array<i32>} : memref<16x17xf32, #tpu.memory_space<vmem>>, vector<16xf32>,
        %parallel_loop3A_840 = arith.constant 15 : i32
        %parallel_loop3A_841 = arith.addi %parallel_loop3A_134, %parallel_loop3A_840 : i32
        %parallel_loop3A_842 = arith.constant 0 : i32
        %parallel_loop3A_843 = arith.constant 0 : i32
        %parallel_loop3A_844 = tpu.memref_slice %arg9[%parallel_loop3A_127, %parallel_loop3A_842, %parallel_loop3A_843] : memref<2x512x32xf32, #tpu.memory_space<vmem>> -> memref<1x512x32xf32, #tpu.memory_space<vmem>>
        %parallel_loop3A_845 = tpu.memref_squeeze %parallel_loop3A_844 : memref<1x512x32xf32, #tpu.memory_space<vmem>> -> memref<512x32xf32, #tpu.memory_space<vmem>>
        %parallel_loop3A_846 = arith.index_cast %parallel_loop3A_841 : i32 to index
        %parallel_loop3A_847 = arith.constant 0 : index
        %parallel_loop3A_848 = tpu.vector_load %parallel_loop3A_845[%parallel_loop3A_846, %parallel_loop3A_847] {strides = array<i32>} : memref<512x32xf32, #tpu.memory_space<vmem>>, vector<16xf32>,
        %parallel_loop3A_849 = arith.constant 15 : i32
        %parallel_loop3A_850 = arith.addi %parallel_loop3A_134, %parallel_loop3A_849 : i32
        %parallel_loop3A_851 = arith.constant 0 : i32
        %parallel_loop3A_852 = arith.constant 0 : i32
        %parallel_loop3A_853 = tpu.memref_slice %arg9[%parallel_loop3A_127, %parallel_loop3A_851, %parallel_loop3A_852] : memref<2x512x32xf32, #tpu.memory_space<vmem>> -> memref<1x512x32xf32, #tpu.memory_space<vmem>>
        %parallel_loop3A_854 = tpu.memref_squeeze %parallel_loop3A_853 : memref<1x512x32xf32, #tpu.memory_space<vmem>> -> memref<512x32xf32, #tpu.memory_space<vmem>>
        %parallel_loop3A_855 = arith.index_cast %parallel_loop3A_850 : i32 to index
        %parallel_loop3A_856 = arith.constant 16 : index
        %parallel_loop3A_857 = tpu.vector_load %parallel_loop3A_854[%parallel_loop3A_855, %parallel_loop3A_856] {strides = array<i32>} : memref<512x32xf32, #tpu.memory_space<vmem>>, vector<16xf32>,
        %parallel_loop3A_858 = arith.constant 15 : i32
        %parallel_loop3A_859 = arith.addi %parallel_loop3A_134, %parallel_loop3A_858 : i32
        %parallel_loop3A_860 = arith.constant 0 : i32
        %parallel_loop3A_861 = arith.constant 0 : i32
        %parallel_loop3A_862 = tpu.memref_slice %arg10[%parallel_loop3A_128, %parallel_loop3A_860, %parallel_loop3A_861] : memref<2x512x32xf32, #tpu.memory_space<vmem>> -> memref<1x512x32xf32, #tpu.memory_space<vmem>>
        %parallel_loop3A_863 = tpu.memref_squeeze %parallel_loop3A_862 : memref<1x512x32xf32, #tpu.memory_space<vmem>> -> memref<512x32xf32, #tpu.memory_space<vmem>>
        %parallel_loop3A_864 = arith.index_cast %parallel_loop3A_859 : i32 to index
        %parallel_loop3A_865 = arith.constant 0 : index
        %parallel_loop3A_866 = tpu.vector_load %parallel_loop3A_863[%parallel_loop3A_864, %parallel_loop3A_865] {strides = array<i32>} : memref<512x32xf32, #tpu.memory_space<vmem>>, vector<16xf32>,
        %parallel_loop3A_867 = arith.constant 15 : i32
        %parallel_loop3A_868 = arith.addi %parallel_loop3A_134, %parallel_loop3A_867 : i32
        %parallel_loop3A_869 = arith.constant 0 : i32
        %parallel_loop3A_870 = arith.constant 0 : i32
        %parallel_loop3A_871 = tpu.memref_slice %arg10[%parallel_loop3A_128, %parallel_loop3A_869, %parallel_loop3A_870] : memref<2x512x32xf32, #tpu.memory_space<vmem>> -> memref<1x512x32xf32, #tpu.memory_space<vmem>>
        %parallel_loop3A_872 = tpu.memref_squeeze %parallel_loop3A_871 : memref<1x512x32xf32, #tpu.memory_space<vmem>> -> memref<512x32xf32, #tpu.memory_space<vmem>>
        %parallel_loop3A_873 = arith.index_cast %parallel_loop3A_868 : i32 to index
        %parallel_loop3A_874 = arith.constant 16 : index
        %parallel_loop3A_875 = tpu.vector_load %parallel_loop3A_872[%parallel_loop3A_873, %parallel_loop3A_874] {strides = array<i32>} : memref<512x32xf32, #tpu.memory_space<vmem>>, vector<16xf32>,
        %parallel_loop3A_876 = arith.mulf %parallel_loop3A_848, %parallel_loop3A_866 : vector<16xf32>
        %parallel_loop3A_877 = arith.mulf %parallel_loop3A_857, %parallel_loop3A_875 : vector<16xf32>
        %parallel_loop3A_878 = arith.addf %parallel_loop3A_876, %parallel_loop3A_877 : vector<16xf32>
        %parallel_loop3A_879 = arith.constant 15 : i32
        %parallel_loop3A_880 = arith.constant 0 : i32
        %parallel_loop3A_881 = arith.constant 0 : i32
        %parallel_loop3A_882 = tpu.memref_slice %arg11[%parallel_loop3A_132, %parallel_loop3A_880, %parallel_loop3A_881] : memref<32x16x17xf32, #tpu.memory_space<vmem>> -> memref<1x16x17xf32, #tpu.memory_space<vmem>>
        %parallel_loop3A_883 = tpu.memref_squeeze %parallel_loop3A_882 : memref<1x16x17xf32, #tpu.memory_space<vmem>> -> memref<16x17xf32, #tpu.memory_space<vmem>>
        %parallel_loop3A_884 = arith.index_cast %parallel_loop3A_879 : i32 to index
        %parallel_loop3A_885 = arith.constant 0 : index
        %parallel_loop3A_886 = tpu.vector_load %parallel_loop3A_883[%parallel_loop3A_884, %parallel_loop3A_885] {strides = array<i32>} : memref<16x17xf32, #tpu.memory_space<vmem>>, vector<16xf32>,
        tpu.vector_store %parallel_loop3A_883[%parallel_loop3A_884, %parallel_loop3A_885], %parallel_loop3A_878 {strides = array<i32>} : memref<16x17xf32, #tpu.memory_space<vmem>>, vector<16xf32>,
        %parallel_loop3A_887 = arith.constant 0 : i32
        %parallel_loop3A_888 = vector.broadcast %parallel_loop3A_887 : i32 to vector<16xi32>
        %parallel_loop3A_889 = arith.constant 0 : i32
        %parallel_loop3A_890 = arith.constant 0 : i32
        %parallel_loop3A_891 = tpu.memref_slice %arg11[%parallel_loop3A_132, %parallel_loop3A_889, %parallel_loop3A_890] : memref<32x16x17xf32, #tpu.memory_space<vmem>> -> memref<1x16x17xf32, #tpu.memory_space<vmem>>
        %parallel_loop3A_892 = tpu.memref_squeeze %parallel_loop3A_891 : memref<1x16x17xf32, #tpu.memory_space<vmem>> -> memref<16x17xf32, #tpu.memory_space<vmem>>
        %parallel_loop3A_893 = tpu.vector_load_idx %parallel_loop3A_892[%iota3A, %parallel_loop3A_888] : memref<16x17xf32, #tpu.memory_space<vmem>>[vector<16xi32>, vector<16xi32>], vector<16xf32>,
        %parallel_loop3A_894 = arith.constant 1 : i32
        %parallel_loop3A_895 = vector.broadcast %parallel_loop3A_894 : i32 to vector<16xi32>
        %parallel_loop3A_896 = arith.constant 0 : i32
        %parallel_loop3A_897 = arith.constant 0 : i32
        %parallel_loop3A_898 = tpu.memref_slice %arg11[%parallel_loop3A_132, %parallel_loop3A_896, %parallel_loop3A_897] : memref<32x16x17xf32, #tpu.memory_space<vmem>> -> memref<1x16x17xf32, #tpu.memory_space<vmem>>
        %parallel_loop3A_899 = tpu.memref_squeeze %parallel_loop3A_898 : memref<1x16x17xf32, #tpu.memory_space<vmem>> -> memref<16x17xf32, #tpu.memory_space<vmem>>
        %parallel_loop3A_900 = tpu.vector_load_idx %parallel_loop3A_899[%iota3A, %parallel_loop3A_895] : memref<16x17xf32, #tpu.memory_space<vmem>>[vector<16xi32>, vector<16xi32>], vector<16xf32>,
        %parallel_loop3A_901 = arith.constant 2 : i32
        %parallel_loop3A_902 = vector.broadcast %parallel_loop3A_901 : i32 to vector<16xi32>
        %parallel_loop3A_903 = arith.constant 0 : i32
        %parallel_loop3A_904 = arith.constant 0 : i32
        %parallel_loop3A_905 = tpu.memref_slice %arg11[%parallel_loop3A_132, %parallel_loop3A_903, %parallel_loop3A_904] : memref<32x16x17xf32, #tpu.memory_space<vmem>> -> memref<1x16x17xf32, #tpu.memory_space<vmem>>
        %parallel_loop3A_906 = tpu.memref_squeeze %parallel_loop3A_905 : memref<1x16x17xf32, #tpu.memory_space<vmem>> -> memref<16x17xf32, #tpu.memory_space<vmem>>
        %parallel_loop3A_907 = tpu.vector_load_idx %parallel_loop3A_906[%iota3A, %parallel_loop3A_902] : memref<16x17xf32, #tpu.memory_space<vmem>>[vector<16xi32>, vector<16xi32>], vector<16xf32>,
        %parallel_loop3A_908 = arith.constant 3 : i32
        %parallel_loop3A_909 = vector.broadcast %parallel_loop3A_908 : i32 to vector<16xi32>
        %parallel_loop3A_910 = arith.constant 0 : i32
        %parallel_loop3A_911 = arith.constant 0 : i32
        %parallel_loop3A_912 = tpu.memref_slice %arg11[%parallel_loop3A_132, %parallel_loop3A_910, %parallel_loop3A_911] : memref<32x16x17xf32, #tpu.memory_space<vmem>> -> memref<1x16x17xf32, #tpu.memory_space<vmem>>
        %parallel_loop3A_913 = tpu.memref_squeeze %parallel_loop3A_912 : memref<1x16x17xf32, #tpu.memory_space<vmem>> -> memref<16x17xf32, #tpu.memory_space<vmem>>
        %parallel_loop3A_914 = tpu.vector_load_idx %parallel_loop3A_913[%iota3A, %parallel_loop3A_909] : memref<16x17xf32, #tpu.memory_space<vmem>>[vector<16xi32>, vector<16xi32>], vector<16xf32>,
        %parallel_loop3A_915 = arith.constant 4 : i32
        %parallel_loop3A_916 = vector.broadcast %parallel_loop3A_915 : i32 to vector<16xi32>
        %parallel_loop3A_917 = arith.constant 0 : i32
        %parallel_loop3A_918 = arith.constant 0 : i32
        %parallel_loop3A_919 = tpu.memref_slice %arg11[%parallel_loop3A_132, %parallel_loop3A_917, %parallel_loop3A_918] : memref<32x16x17xf32, #tpu.memory_space<vmem>> -> memref<1x16x17xf32, #tpu.memory_space<vmem>>
        %parallel_loop3A_920 = tpu.memref_squeeze %parallel_loop3A_919 : memref<1x16x17xf32, #tpu.memory_space<vmem>> -> memref<16x17xf32, #tpu.memory_space<vmem>>
        %parallel_loop3A_921 = tpu.vector_load_idx %parallel_loop3A_920[%iota3A, %parallel_loop3A_916] : memref<16x17xf32, #tpu.memory_space<vmem>>[vector<16xi32>, vector<16xi32>], vector<16xf32>,
        %parallel_loop3A_922 = arith.constant 5 : i32
        %parallel_loop3A_923 = vector.broadcast %parallel_loop3A_922 : i32 to vector<16xi32>
        %parallel_loop3A_924 = arith.constant 0 : i32
        %parallel_loop3A_925 = arith.constant 0 : i32
        %parallel_loop3A_926 = tpu.memref_slice %arg11[%parallel_loop3A_132, %parallel_loop3A_924, %parallel_loop3A_925] : memref<32x16x17xf32, #tpu.memory_space<vmem>> -> memref<1x16x17xf32, #tpu.memory_space<vmem>>
        %parallel_loop3A_927 = tpu.memref_squeeze %parallel_loop3A_926 : memref<1x16x17xf32, #tpu.memory_space<vmem>> -> memref<16x17xf32, #tpu.memory_space<vmem>>
        %parallel_loop3A_928 = tpu.vector_load_idx %parallel_loop3A_927[%iota3A, %parallel_loop3A_923] : memref<16x17xf32, #tpu.memory_space<vmem>>[vector<16xi32>, vector<16xi32>], vector<16xf32>,
        %parallel_loop3A_929 = arith.constant 6 : i32
        %parallel_loop3A_930 = vector.broadcast %parallel_loop3A_929 : i32 to vector<16xi32>
        %parallel_loop3A_931 = arith.constant 0 : i32
        %parallel_loop3A_932 = arith.constant 0 : i32
        %parallel_loop3A_933 = tpu.memref_slice %arg11[%parallel_loop3A_132, %parallel_loop3A_931, %parallel_loop3A_932] : memref<32x16x17xf32, #tpu.memory_space<vmem>> -> memref<1x16x17xf32, #tpu.memory_space<vmem>>
        %parallel_loop3A_934 = tpu.memref_squeeze %parallel_loop3A_933 : memref<1x16x17xf32, #tpu.memory_space<vmem>> -> memref<16x17xf32, #tpu.memory_space<vmem>>
        %parallel_loop3A_935 = tpu.vector_load_idx %parallel_loop3A_934[%iota3A, %parallel_loop3A_930] : memref<16x17xf32, #tpu.memory_space<vmem>>[vector<16xi32>, vector<16xi32>], vector<16xf32>,
        %parallel_loop3A_936 = arith.constant 7 : i32
        %parallel_loop3A_937 = vector.broadcast %parallel_loop3A_936 : i32 to vector<16xi32>
        %parallel_loop3A_938 = arith.constant 0 : i32
        %parallel_loop3A_939 = arith.constant 0 : i32
        %parallel_loop3A_940 = tpu.memref_slice %arg11[%parallel_loop3A_132, %parallel_loop3A_938, %parallel_loop3A_939] : memref<32x16x17xf32, #tpu.memory_space<vmem>> -> memref<1x16x17xf32, #tpu.memory_space<vmem>>
        %parallel_loop3A_941 = tpu.memref_squeeze %parallel_loop3A_940 : memref<1x16x17xf32, #tpu.memory_space<vmem>> -> memref<16x17xf32, #tpu.memory_space<vmem>>
        %parallel_loop3A_942 = tpu.vector_load_idx %parallel_loop3A_941[%iota3A, %parallel_loop3A_937] : memref<16x17xf32, #tpu.memory_space<vmem>>[vector<16xi32>, vector<16xi32>], vector<16xf32>,
        %parallel_loop3A_943 = arith.constant 8 : i32
        %parallel_loop3A_944 = vector.broadcast %parallel_loop3A_943 : i32 to vector<16xi32>
        %parallel_loop3A_945 = arith.constant 0 : i32
        %parallel_loop3A_946 = arith.constant 0 : i32
        %parallel_loop3A_947 = tpu.memref_slice %arg11[%parallel_loop3A_132, %parallel_loop3A_945, %parallel_loop3A_946] : memref<32x16x17xf32, #tpu.memory_space<vmem>> -> memref<1x16x17xf32, #tpu.memory_space<vmem>>
        %parallel_loop3A_948 = tpu.memref_squeeze %parallel_loop3A_947 : memref<1x16x17xf32, #tpu.memory_space<vmem>> -> memref<16x17xf32, #tpu.memory_space<vmem>>
        %parallel_loop3A_949 = tpu.vector_load_idx %parallel_loop3A_948[%iota3A, %parallel_loop3A_944] : memref<16x17xf32, #tpu.memory_space<vmem>>[vector<16xi32>, vector<16xi32>], vector<16xf32>,
        %parallel_loop3A_950 = arith.constant 9 : i32
        %parallel_loop3A_951 = vector.broadcast %parallel_loop3A_950 : i32 to vector<16xi32>
        %parallel_loop3A_952 = arith.constant 0 : i32
        %parallel_loop3A_953 = arith.constant 0 : i32
        %parallel_loop3A_954 = tpu.memref_slice %arg11[%parallel_loop3A_132, %parallel_loop3A_952, %parallel_loop3A_953] : memref<32x16x17xf32, #tpu.memory_space<vmem>> -> memref<1x16x17xf32, #tpu.memory_space<vmem>>
        %parallel_loop3A_955 = tpu.memref_squeeze %parallel_loop3A_954 : memref<1x16x17xf32, #tpu.memory_space<vmem>> -> memref<16x17xf32, #tpu.memory_space<vmem>>
        %parallel_loop3A_956 = tpu.vector_load_idx %parallel_loop3A_955[%iota3A, %parallel_loop3A_951] : memref<16x17xf32, #tpu.memory_space<vmem>>[vector<16xi32>, vector<16xi32>], vector<16xf32>,
        %parallel_loop3A_957 = arith.constant 10 : i32
        %parallel_loop3A_958 = vector.broadcast %parallel_loop3A_957 : i32 to vector<16xi32>
        %parallel_loop3A_959 = arith.constant 0 : i32
        %parallel_loop3A_960 = arith.constant 0 : i32
        %parallel_loop3A_961 = tpu.memref_slice %arg11[%parallel_loop3A_132, %parallel_loop3A_959, %parallel_loop3A_960] : memref<32x16x17xf32, #tpu.memory_space<vmem>> -> memref<1x16x17xf32, #tpu.memory_space<vmem>>
        %parallel_loop3A_962 = tpu.memref_squeeze %parallel_loop3A_961 : memref<1x16x17xf32, #tpu.memory_space<vmem>> -> memref<16x17xf32, #tpu.memory_space<vmem>>
        %parallel_loop3A_963 = tpu.vector_load_idx %parallel_loop3A_962[%iota3A, %parallel_loop3A_958] : memref<16x17xf32, #tpu.memory_space<vmem>>[vector<16xi32>, vector<16xi32>], vector<16xf32>,
        %parallel_loop3A_964 = arith.constant 11 : i32
        %parallel_loop3A_965 = vector.broadcast %parallel_loop3A_964 : i32 to vector<16xi32>
        %parallel_loop3A_966 = arith.constant 0 : i32
        %parallel_loop3A_967 = arith.constant 0 : i32
        %parallel_loop3A_968 = tpu.memref_slice %arg11[%parallel_loop3A_132, %parallel_loop3A_966, %parallel_loop3A_967] : memref<32x16x17xf32, #tpu.memory_space<vmem>> -> memref<1x16x17xf32, #tpu.memory_space<vmem>>
        %parallel_loop3A_969 = tpu.memref_squeeze %parallel_loop3A_968 : memref<1x16x17xf32, #tpu.memory_space<vmem>> -> memref<16x17xf32, #tpu.memory_space<vmem>>
        %parallel_loop3A_970 = tpu.vector_load_idx %parallel_loop3A_969[%iota3A, %parallel_loop3A_965] : memref<16x17xf32, #tpu.memory_space<vmem>>[vector<16xi32>, vector<16xi32>], vector<16xf32>,
        %parallel_loop3A_971 = arith.constant 12 : i32
        %parallel_loop3A_972 = vector.broadcast %parallel_loop3A_971 : i32 to vector<16xi32>
        %parallel_loop3A_973 = arith.constant 0 : i32
        %parallel_loop3A_974 = arith.constant 0 : i32
        %parallel_loop3A_975 = tpu.memref_slice %arg11[%parallel_loop3A_132, %parallel_loop3A_973, %parallel_loop3A_974] : memref<32x16x17xf32, #tpu.memory_space<vmem>> -> memref<1x16x17xf32, #tpu.memory_space<vmem>>
        %parallel_loop3A_976 = tpu.memref_squeeze %parallel_loop3A_975 : memref<1x16x17xf32, #tpu.memory_space<vmem>> -> memref<16x17xf32, #tpu.memory_space<vmem>>
        %parallel_loop3A_977 = tpu.vector_load_idx %parallel_loop3A_976[%iota3A, %parallel_loop3A_972] : memref<16x17xf32, #tpu.memory_space<vmem>>[vector<16xi32>, vector<16xi32>], vector<16xf32>,
        %parallel_loop3A_978 = arith.constant 13 : i32
        %parallel_loop3A_979 = vector.broadcast %parallel_loop3A_978 : i32 to vector<16xi32>
        %parallel_loop3A_980 = arith.constant 0 : i32
        %parallel_loop3A_981 = arith.constant 0 : i32
        %parallel_loop3A_982 = tpu.memref_slice %arg11[%parallel_loop3A_132, %parallel_loop3A_980, %parallel_loop3A_981] : memref<32x16x17xf32, #tpu.memory_space<vmem>> -> memref<1x16x17xf32, #tpu.memory_space<vmem>>
        %parallel_loop3A_983 = tpu.memref_squeeze %parallel_loop3A_982 : memref<1x16x17xf32, #tpu.memory_space<vmem>> -> memref<16x17xf32, #tpu.memory_space<vmem>>
        %parallel_loop3A_984 = tpu.vector_load_idx %parallel_loop3A_983[%iota3A, %parallel_loop3A_979] : memref<16x17xf32, #tpu.memory_space<vmem>>[vector<16xi32>, vector<16xi32>], vector<16xf32>,
        %parallel_loop3A_985 = arith.constant 14 : i32
        %parallel_loop3A_986 = vector.broadcast %parallel_loop3A_985 : i32 to vector<16xi32>
        %parallel_loop3A_987 = arith.constant 0 : i32
        %parallel_loop3A_988 = arith.constant 0 : i32
        %parallel_loop3A_989 = tpu.memref_slice %arg11[%parallel_loop3A_132, %parallel_loop3A_987, %parallel_loop3A_988] : memref<32x16x17xf32, #tpu.memory_space<vmem>> -> memref<1x16x17xf32, #tpu.memory_space<vmem>>
        %parallel_loop3A_990 = tpu.memref_squeeze %parallel_loop3A_989 : memref<1x16x17xf32, #tpu.memory_space<vmem>> -> memref<16x17xf32, #tpu.memory_space<vmem>>
        %parallel_loop3A_991 = tpu.vector_load_idx %parallel_loop3A_990[%iota3A, %parallel_loop3A_986] : memref<16x17xf32, #tpu.memory_space<vmem>>[vector<16xi32>, vector<16xi32>], vector<16xf32>,
        %parallel_loop3A_992 = arith.constant 15 : i32
        %parallel_loop3A_993 = vector.broadcast %parallel_loop3A_992 : i32 to vector<16xi32>
        %parallel_loop3A_994 = arith.constant 0 : i32
        %parallel_loop3A_995 = arith.constant 0 : i32
        %parallel_loop3A_996 = tpu.memref_slice %arg11[%parallel_loop3A_132, %parallel_loop3A_994, %parallel_loop3A_995] : memref<32x16x17xf32, #tpu.memory_space<vmem>> -> memref<1x16x17xf32, #tpu.memory_space<vmem>>
        %parallel_loop3A_997 = tpu.memref_squeeze %parallel_loop3A_996 : memref<1x16x17xf32, #tpu.memory_space<vmem>> -> memref<16x17xf32, #tpu.memory_space<vmem>>
        %parallel_loop3A_998 = tpu.vector_load_idx %parallel_loop3A_997[%iota3A, %parallel_loop3A_993] : memref<16x17xf32, #tpu.memory_space<vmem>>[vector<16xi32>, vector<16xi32>], vector<16xf32>,
        %parallel_loop3A_999 = arith.addf %parallel_loop3A_893, %parallel_loop3A_900 : vector<16xf32>
        %parallel_loop3A_1000 = arith.addf %parallel_loop3A_907, %parallel_loop3A_914 : vector<16xf32>
        %parallel_loop3A_1001 = arith.addf %parallel_loop3A_921, %parallel_loop3A_928 : vector<16xf32>
        %parallel_loop3A_1002 = arith.addf %parallel_loop3A_935, %parallel_loop3A_942 : vector<16xf32>
        %parallel_loop3A_1003 = arith.addf %parallel_loop3A_949, %parallel_loop3A_956 : vector<16xf32>
        %parallel_loop3A_1004 = arith.addf %parallel_loop3A_963, %parallel_loop3A_970 : vector<16xf32>
        %parallel_loop3A_1005 = arith.addf %parallel_loop3A_977, %parallel_loop3A_984 : vector<16xf32>
        %parallel_loop3A_1006 = arith.addf %parallel_loop3A_991, %parallel_loop3A_998 : vector<16xf32>
        %parallel_loop3A_1007 = arith.addf %parallel_loop3A_999, %parallel_loop3A_1000 : vector<16xf32>
        %parallel_loop3A_1008 = arith.addf %parallel_loop3A_1001, %parallel_loop3A_1002 : vector<16xf32>
        %parallel_loop3A_1009 = arith.addf %parallel_loop3A_1003, %parallel_loop3A_1004 : vector<16xf32>
        %parallel_loop3A_1010 = arith.addf %parallel_loop3A_1005, %parallel_loop3A_1006 : vector<16xf32>
        %parallel_loop3A_1011 = arith.addf %parallel_loop3A_1007, %parallel_loop3A_1008 : vector<16xf32>
        %parallel_loop3A_1012 = arith.addf %parallel_loop3A_1009, %parallel_loop3A_1010 : vector<16xf32>
        %parallel_loop3A_1013 = arith.addf %parallel_loop3A_1011, %parallel_loop3A_1012 : vector<16xf32>
        %parallel_loop3A_1014 = arith.index_cast %parallel_loop3A_134 : i32 to index
        %parallel_loop3A_1015 = tpu.vector_load %arg12[%parallel_loop3A_1014] {strides = array<i32>} : memref<512xf32, #tpu.memory_space<vmem>>, vector<16xf32>,
        tpu.vector_store %arg12[%parallel_loop3A_1014], %parallel_loop3A_1013 {strides = array<i32>} : memref<512xf32, #tpu.memory_space<vmem>>, vector<16xf32>,
      } {sc.loop_unroll_factor = 2 : i64, sc.parallel_access}
      %mul3A_129 = arith.constant 512 : i32
      %mul3A_130 = arith.muli %add3A_93, %mul3A_129 : i32
      %add3A_131 = arith.addi %mul3A_2, %mul3A_130 : i32
      "tpu.region"() ({
        %run_scoped3A = tpu.sem_alloc : memref<!tpu.dma_semaphore, #tpu.memory_space<semaphore_mem>>
        %dma_start3A_132 = tpu.memref_slice %arg6[%add3A_131] : memref<819200xf32, #tpu.memory_space<hbm>> -> memref<512xf32, #tpu.memory_space<hbm>>
        %dma_start3A_133 = tpu.memref_slice %arg6[%add3A_131] : memref<819200xf32, #tpu.memory_space<hbm>> -> memref<512xf32, #tpu.memory_space<hbm>>
        tpu.enqueue_dma source(%arg12 : memref<512xf32, #tpu.memory_space<vmem>>) target(%dma_start3A_133 : memref<512xf32, #tpu.memory_space<hbm>>) target_semaphore(%run_scoped3A : memref<!tpu.dma_semaphore, #tpu.memory_space<semaphore_mem>>)
        %dma_wait3A_134 = tpu.memref_slice %arg6[%add3A_131] : memref<819200xf32, #tpu.memory_space<hbm>> -> memref<512xf32, #tpu.memory_space<hbm>>
        %dma_wait3A_135 = tpu.memref_slice %arg6[%add3A_131] : memref<819200xf32, #tpu.memory_space<hbm>> -> memref<512xf32, #tpu.memory_space<hbm>>
        tpu.wait_dma2 semaphore(%run_scoped3A : memref<!tpu.dma_semaphore, #tpu.memory_space<semaphore_mem>>) src(%arg12 : memref<512xf32, #tpu.memory_space<vmem>>) dst(%dma_wait3A_135 : memref<512xf32, #tpu.memory_space<hbm>>)
        tpu.yield
      }) : () -> ()
    }
    %scan3A_26 = arith.constant 25 : i32
    return
  }
}

</mosaic_0001>

<sc_bundles>
// kernel: kernel.3.cloned.1.call-start
scs
__scs_entry_jumppad:
0x0: {  	(pc) =	sbr.rel $0x88, $3  }
0x1: {  	(tag) =	ssettag $0x0;
	lr =	simm.s32 $0x1  }
0x2: {  	[smem:$0x3F9D] =	sst lr;
	_ =	strace $0xD0000000  }
0x3: {  	_ = 	snop  }
0x4: {  	_ = 	snop  }
0x5: {  	_ = 	snop  }
0x6: {  	_ = 	snop  }
0x7: {  	_ = 	snop  }
__scs_overlays_trampoline_lowered:
0x8: {  	[smem:$0x3FAC] =	sst s0  }
0x9: {  	[smem:$0x3FAD] =	sst s1  }
0xa: {  	[smem:$0x3FAE] =	sst s2  }
0xb: {  	[smem:$0x3FAF] =	sst s3  }
0xc: {  	[smem:$0x3FB0] =	sst s4  }
0xd: {  	[smem:$0x3FB1] =	sst s5  }
0xe: {  	[smem:$0x3FB2] =	sst s6  }
0xf: {  	[smem:$0x3FB3] =	sst s7  }
0x10: {  	[smem:$0x3FB4] =	sst s8  }
0x11: {  	[smem:$0x3FB5] =	sst s9;
	s0 =	simm.s32 @!p0 $0x0  }
0x12: {  	s1 =	sld [smem:$0x3F9B];
	s0 =	simm.s32 @p0 $0x1  }
0x13: {  	[smem:$0x3FB6] =	sst s0;
	s0 =	simm.s32 @!p1 $0x0  }
0x14: {  	s2 =	sld [smem:$0x3F9A];
	s0 =	simm.s32 @p1 $0x1  }
0x15: {  	[smem:$0x3FB7] =	sst s0;
	s0 =	simm.s32 @!p2 $0x0  }
0x16: {  	s3 =	sld [smem:$0x3FDB];
	s0 =	simm.s32 @p2 $0x1  }
0x17: {  	s4 =	simm.s32 $0x1BF5;
	[smem:$0x3FB9] =	sst s0  }
0x18: {  	s0 =	sld [smem:$0x3F9C];
	_ =	swait.ge [sflag:s4], $0x0  }
0x19: {  	s7 =	sld [smem:$0x3F9D]  }
0x1a: {  	s8 =	sadd.s32 $0xFFFFE003, lr  }
0x1b: {  	s9 =	sadd.s32 $0xFFFFFEF7, lr;
	s5 =	simm.s32 $0xFFFFFFFF;
	p2 =	slt.u32 s8, $0xFFFFF086  }
0x1c: {  	p1 =	slt.u32 s9, $0xF7A;
	s5 =	simm.s32 @!p2 $0x0  }
0x1d: {  	s5 =	simm.s32 @p1 $0x1;
	p0 =	seq.s32 s7, s2  }
0x1e: {  	s7 =	smul.u32 @!p0 $0xF7A, s2;
	p2 =	seq.s32 @!p0 s5, $0x0  }
0x1f: {  	s9 =	smul.u32 $0xF7A, s1;
	s8 =	simm.s32 @!p0 $0x1BF5;
	p2 =	por !p2, p0  }
0x20: {  	[sflag:s8] =	ssyncset.s32 @!p0 $0xFFFFF086;
	s6 =	sadd.s32 @!p0 s3, s7;
	s7 =	simm.s32 @!p0 $0x108  }
0x21: {  	s3 =	sadd.s32 s3, s9;
	s6 =	sadd.s32 @!p0 $0x88, s6;
	s7 =	simm.s32 @p2 $0x1082  }
0x22: {  	[simem:s7], [sflag:s8] =	dma.local @!p0 [hbm:s6], $0xF7A  }
0x23: {  	s9 =	sor.u32 $0xD0000000, s2;
	s6 =	simm.s32 $0x108;
	_ =	swait.ge @!p0 [sflag:s8], $0x0  }
0x24: {  	s3 =	sadd.s32 $0x88, s3;
	s6 =	simm.s32 @!p1 $0x1082;
	[sflag:s4] =	ssyncset.s32 $0xFFFFF086  }
0x25: {  	[simem:s6], [sflag:s4] =	dma.local [hbm:s3], $0xF7A  }
0x26: {  	[smem:$0x3F9D] =	sst s1;
	(tag) =	ssettag s2;
	_ =	strace s9  }
0x27: {  	s1 =	sld [smem:$0x3FAD]  }
0x28: {  	s2 =	sld [smem:$0x3FAE]  }
0x29: {  	s4 =	sld [smem:$0x3FB0]  }
0x2a: {  	p0 =	seq.s32 s5, $0x0;
	s5 =	sld [smem:$0x3FB1]  }
0x2b: {  	s6 =	sld [smem:$0x3FB2]  }
0x2c: {  	s7 =	sld [smem:$0x3FB3]  }
0x2d: {  	s3 =	simm.s32 $0x108;
	s8 =	sld [smem:$0x3FB4]  }
0x2e: {  	s3 =	simm.s32 @!p0 $0x1082;
	s9 =	sld [smem:$0x3FB5]  }
0x2f: {  	lr =	sadd.s32 s0, s3;
	s0 =	sld [smem:$0x3FAC]  }
0x30: {  	s3 =	sld [smem:$0x3FAF]  }
0x31: {  	[smem:$0x3FB8] =	sst s10  }
0x32: {  	s10 =	sld [smem:$0x3FB6];
	_ =	sdelay $0x3  }
0x33: {  	p0 =	seq.s32 s10, $0x1;
	s10 =	sld [smem:$0x3FB8];
	_ =	sdelay $0x3  }
0x34: {  	[smem:$0x3FB8] =	sst s10  }
0x35: {  	s10 =	sld [smem:$0x3FB7];
	_ =	sdelay $0x3  }
0x36: {  	p1 =	seq.s32 s10, $0x1;
	s10 =	sld [smem:$0x3FB8];
	_ =	sdelay $0x3  }
0x37: {  	[smem:$0x3FB8] =	sst s10  }
0x38: {  	s10 =	sld [smem:$0x3FB9]  }
0x39: {  	_ = 	snop;
	(pc) =	sbr.ind lr, $3  }
0x3a: {  	_ = 	snop  }
0x3b: {  	_ = 	snop  }
0x3c: {  	p2 =	seq.s32 s10, $0x1;
	s10 =	sld [smem:$0x3FB8]  }
0x3d: {  	_ =	shalt  }
0x3e: {  	_ =	shalt  }
0x3f: {  	_ =	shalt  }
0x40: {  	_ =	shalt  }
0x41: {  	_ =	shalt  }
0x42: {  	_ =	shalt  }
0x43: {  	_ =	shalt  }
0x44: {  	_ =	shalt  }
0x45: {  	_ =	shalt  }
0x46: {  	_ =	shalt  }
0x47: {  	_ =	shalt  }
0x48: {  	_ =	shalt  }
0x49: {  	_ =	shalt  }
0x4a: {  	_ =	shalt  }
0x4b: {  	_ =	shalt  }
0x4c: {  	_ =	shalt  }
0x4d: {  	_ =	shalt  }
0x4e: {  	_ =	shalt  }
0x4f: {  	_ =	shalt  }
0x50: {  	_ =	shalt  }
0x51: {  	_ =	shalt  }
0x52: {  	_ =	shalt  }
0x53: {  	_ =	shalt  }
0x54: {  	_ =	shalt  }
0x55: {  	_ =	shalt  }
0x56: {  	_ =	shalt  }
0x57: {  	_ =	shalt  }
0x58: {  	_ =	shalt  }
0x59: {  	_ =	shalt  }
0x5a: {  	_ =	shalt  }
0x5b: {  	_ =	shalt  }
0x5c: {  	_ =	shalt  }
0x5d: {  	_ =	shalt  }
0x5e: {  	_ =	shalt  }
0x5f: {  	_ =	shalt  }
0x60: {  	_ =	shalt  }
0x61: {  	_ =	shalt  }
0x62: {  	_ =	shalt  }
0x63: {  	_ =	shalt  }
0x64: {  	_ =	shalt  }
0x65: {  	_ =	shalt  }
0x66: {  	_ =	shalt  }
0x67: {  	_ =	shalt  }
0x68: {  	_ =	shalt  }
0x69: {  	_ =	shalt  }
0x6a: {  	_ =	shalt  }
0x6b: {  	_ =	shalt  }
0x6c: {  	_ =	shalt  }
0x6d: {  	_ =	shalt  }
0x6e: {  	_ =	shalt  }
0x6f: {  	_ =	shalt  }
0x70: {  	_ =	shalt  }
0x71: {  	_ =	shalt  }
0x72: {  	_ =	shalt  }
0x73: {  	_ =	shalt  }
0x74: {  	_ =	shalt  }
0x75: {  	_ =	shalt  }
0x76: {  	_ =	shalt  }
0x77: {  	_ =	shalt  }
0x78: {  	_ =	shalt  }
0x79: {  	_ =	shalt  }
0x7a: {  	_ =	shalt  }
0x7b: {  	_ =	shalt  }
0x7c: {  	_ =	shalt  }
0x7d: {  	_ =	shalt  }
0x7e: {  	_ =	shalt  }
0x7f: {  	_ =	shalt  }
0x80: {  	_ =	shalt  }
0x81: {  	_ =	shalt  }
0x82: {  	_ =	shalt  }
0x83: {  	_ =	shalt  }
0x84: {  	_ =	shalt  }
0x85: {  	_ =	shalt  }
0x86: {  	_ =	shalt  }
0x87: {  	_ =	shalt  }
.Lfunc_end0:
.L_simem_size_0:
called_computation_lowered:
.L_overlay_start_0:
0x88: {  	s2 =	sld [smem:$0x3FD9]  }
0x89: {  	s3 =	sld [smem:$0x3FFE];
	_ =	sdelay $0x1  }
0x8a: {  	s1 =	srdreg.scid  }
0x8b: {  	s0 =	sand.u32 $0x1, s1  }
0x8c: {  	s17 =	sshll.u32 s0, $0xA;
	s2 =	sadd.s32 s3, s2  }
0x8d: {  	s2 =	sadd.s32 s2, s17  }
0x8e: {  	[smem:$0x3FC4] =	sst s2  }
0x8f: {  	_ = 	snop  }
0x90: {  	s2 =	sld [smem:$0x3FC7]  }
0x91: {  	s18 =	sld [smem:$0x3FC6]  }
0x92: {  	s4 =	sld [smem:$0x3FD0];
	(tm) =	ssettm $0x1  }
0x93: {  	s5 =	sld [smem:$0x3FFB];
	_ =	sdelay $0x3  }
0x94: {  	_ =	strace s5  }
0x95: {  	s5 =	sld [smem:$0x3FFC];
	_ =	sdelay $0x3  }
0x96: {  	_ =	strace s5  }
0x97: {  	s5 =	sld [smem:$0x3FFD];
	_ =	sdelay $0x3  }
0x98: {  	_ =	strace s5  }
0x99: {  	_ =	strace $0x8FFFFFFF  }
0x9a: {  	s19 =	sld [smem:$0x3FDB];
	_ =	sdelay $0x1  }
0x9b: {  	s6 =	simm.s32 $_scs_section_size  }
0x9c: {  	s7 =	simm.s32 $_size__tile_overlayer_lowered;
	s8 =	simm.s32 $_tile_overlayer_lowered  }
0x9d: {  	s22 =	simm.s32 $0x1BFF;
	s21 =	sshll.u32 s8, $0x1;
	s5 =	sadd.s32 s6, s19  }
0x9e: {  	s9 =	simm.s32 $0x0;
	s20 =	sshll.u32 s7, $0x1;
	s7 =	sadd.s32 s21, s5  }
0x9f: {  	[timem:s9], [sflag:s22] =	dma.local [hbm:s7], s20  }
0xa0: {  	_ =	swait.ge [sflag:s22], s20  }
0xa1: {  	s6 =	ssub.s32 $0x0, s20;
	[sflag:s22] =	ssyncset.done $0x0  }
0xa2: {  	[sflag:s22] =	ssyncadd.s32 s6;
	_ =	sdelay $0x1  }
0xa3: {  	s23 =	simm.s32 $0x1B8B  }
0xa4: {  	_ =	swait.ge [sflag:s23], $0x1  }
0xa5: {  	[sflag:s23] =	ssyncset.done $0x0  }
0xa6: {  	s25 =	simm.s32 $0x1B8E;
	s24 =	sld [smem:$0x3FFE];
	[sflag:s23] =	ssyncadd.s32 $0xFFFFFFFF  }
0xa7: {  	s26 =	simm.s32 $execute0_lowered;
	[smem:$0x3FD2] =	sst s25  }
0xa8: {  	s7 =	sshll.u32 s26, $0x1;
	_ =	strace $0x80000046;
	[dreg:$0x1] =	wrdreg $0xFFFFFFFF  }
0xa9: {  	s28 =	simm.s32 $_size_execute0_lowered;
	s5 =	sadd.s32 s5, s7;
	[dreg:$0x0] =	wrdreg $0x0  }
0xaa: {  	s7 =	sshll.u32 s28, $0x1;
	[dreg:$0x2] =	wrdreg s5  }
0xab: {  	[dreg:$0x3] =	wrdreg s7  }
0xac: {  	[dreg:$0x4] =	wrdreg $0xC0  }
0xad: {  	_ =	task [dreg:s9], $0x5FFFF  }
0xae: {  	[dreg:$0x1] =	wrdreg $0xFFFFFFFF  }
0xaf: {  	[dreg:$0x0] =	wrdreg $0x60  }
0xb0: {  	[dreg:$0x2] =	wrdreg s24  }
0xb1: {  	[dreg:$0x3] =	wrdreg s2  }
0xb2: {  	[dreg:$0x4] =	wrdreg s18  }
0xb3: {  	[dreg:$0x5] =	wrdreg s4  }
0xb4: {  	[dreg:$0x6] =	wrdreg $0x9  }
0xb5: {  	_ =	task.clear_ibuf [dreg:s9], $0x7FFFF;
	_ =	strace $0x90000046  }
0xb6: {  	s29 =	simm.s32 $0x9;
	_ =	strace $0x80000048  }
0xb7: {  	_ =	swait.ge [sflag:s29], $0x1  }
0xb8: {  	[sflag:s29] =	ssyncadd.s32 $0xFFFFFFFF  }
0xb9: {  	_ =	strace $0x90000048  }
0xba: {  	_ =	sfence  }
0xbb: {  	s30 =	sld [smem:$0x0];
	_ =	sdelay $0x2  }
0xbc: {  	s31 =	sshll.u32 s1, $0xD;
	s1 =	sshrl.u32 s1, $0x2  }
0xbd: {  	s3 =	sand.u32 $0x4000, s31;
	s1 =	sadd.s32 s1, s30  }
0xbe: {  	s0 =	sor.u32 s3, s0;
	s1 =	sshll.u32 s1, $0x11  }
0xbf: {  	s0 =	sor.u32 s1, s0  }
0xc0: {  	s0 =	sadd.s32 $0x8F2B, s0  }
0xc1: {  	[sflag:s0] =	ssyncadd.remote.s32 $0x1  }
0xc2: {  	_ =	sfence.sel $0xFFFF  }
0xc3: {  	[dreg:$0x0] =	wrdreg $0xFFFFFFFF;
	(pc) =	sbr.abs _section_cstart, $3  }
0xc4: {  	[dreg:$0x1] =	wrdreg $0xFFFFFFFF  }
0xc5: {  	_ =	task.clear_ibuf [dreg:s9], $0x2FFFF;
	_ =	strace $0x9FFFFFFF  }
0xc6: {  	(tm) =	ssettm $0x7FFFFFFF  }
0xc7: {  	_ =	shalt  }
tec
execute0_lowered:
.L_overlay_start_1:
0x0: {  	(tag) =	ssettag $0x1  }
0x1: {  	s0 =	rddreg [dreg:$0x0]  }
0x2: {  	s1 =	rddreg [dreg:$0x1]  }
0x3: {  	s8 =	rddreg [dreg:$0x2]  }
0x4: {  	s3 =	srdreg.scid;
	s4 =	stileid.u32  }
0x5: {  	s2 =	rddreg [dreg:$0x3];
	s12 =	simm.s32 $0x200;
	s15 =	simm.s32 $0x10800  }
0x6: {  	v0 =	vlaneseq.u32;
	s16 =	simm.s32 $0x18800;
	s17 =	simm.s32 $0x1;
	s18 =	simm.s32 $0x3  }
0x7: {  	s19 =	simm.s32 $0x1F800;
	s20 =	simm.s32 $0x2;
	s21 =	simm.s32 $0x4;
	v0 =	vmul.u32 $0x18, v0  }
0x8: {  	s22 =	simm.s32 $0x0;
	s5 =	sand.u32 $0x1, s3;
	s4 =	sshll.u32 s4, $0x1  }
0x9: {  	s3 =	simm.s32 $0x0;
	s4 =	sor.u32 s5, s4;
	s7 =	ssub.s32 $0x2, s5;
	v1 =	vor.u32 $0x1, v0;
	v2 =	vor.u32 $0x2, v0;
	v10 =	vadd.s32 $0xA, v0  }
0xa: {  	s6 =	sadd.s32 $0x187000, s0;
	s4 =	smul.u32 $0x6400, s4;
	s9 =	sshrl.u32 s7, $0x1;
	v3 =	vor.u32 $0x3, v0;
	v4 =	vor.u32 $0x4, v0;
	v5 =	vor.u32 $0x5, v0  }
0xb: {  	[smem:$0x7FF] =	sst s3;
	s5 =	sadd.s32 $0xF42A00, s0;
	v6 =	vor.u32 $0x6, v0;
	v7 =	vor.u32 $0x7, v0;
	v8 =	vadd.s32 $0x8, v0;
	s31 =	ssub.s32 s7, s9  }
0xc: {  	_ =	strace $0x80000047;
	v9 =	vadd.s32 $0x9, v0;
	v11 =	vadd.s32 $0xB, v0;
	v12 =	vadd.s32 $0xC, v0;
	s10 =	sshrl.u32 s4, $0x3;
	s9 =	smax.u32 s31, $0x1  }
0xd: {  	v13 =	vadd.s32 $0xD, v0;
	v14 =	vadd.s32 $0xE, v0;
	v15 =	vadd.s32 $0xF, v0;
	s7 =	sadd.s32 s1, s10;
	s8 =	sadd.s32 s8, s10;
	s10 =	simm.s32 $0x5  }
.LBB2_1:
0xe: {  	[tilespmem:s3], [sflag:$0x5] =	stream.linear.gather [hbm4b:s7+s3], $0x6400, $0x38;
	[tilespmem:$0x1FA00] =	vst v63  }
0xf: {  	_ =	swait.ge [sflag:s10], $0x6400  }
0x10: {  	[sflag:s10] =	ssyncset.done $0x0  }
0x11: {  	s0 =	simm.s32 $0x6400;
	[sflag:s10] =	ssyncadd.s32 $0xFFFF9C00  }
0x12: {  	[tilespmem:s0], [sflag:$0x5] =	stream.linear.gather [hbm4b:s8+s3], $0x6400, $0x38;
	[tilespmem:$0x1FA00] =	vst v63  }
0x13: {  	_ =	swait.ge [sflag:s10], $0x6400  }
0x14: {  	[sflag:s10] =	ssyncset.done $0x0  }
0x15: {  	s1 =	simm.s32 $0xC800;
	[sflag:s10] =	ssyncadd.s32 $0xFFFF9C00  }
0x16: {  	[tilespmem:s1], [sflag:$0x1] =	stream.indirect.gather [hbm4b:s5+s12], $0x20, s3, s12, $0xb8;
	[tilespmem:$0x1FA00] =	vst v63  }
0x17: {  	s31 =	simm.s32 $0x14800;
	s23 =	simm.s32 $0x0  }
0x18: {  	[tilespmem:s31], [sflag:$0x3] =	stream.indirect.gather [hbm4b:s6+s12], $0x20, s0, s12, $0xb8;
	[tilespmem:$0x1FA00] =	vst v63  }
.LBB2_2:
0x19: {  	s25 =	sshll.u32 s23, $0xA  }
0x1a: {  	s24 =	sor.u32 $0x200, s25  }
0x1b: {  	[tilespmem:s15], [sflag:$0x2] =	stream.indirect.gather [hbm4b:s5+s12], $0x20, s24, s12, $0xb8;
	[tilespmem:$0x1FA00] =	vst v63  }
0x1c: {  	s0 =	sadd.s32 $0x6600, s25  }
0x1d: {  	[tilespmem:s16], [sflag:$0x4] =	stream.indirect.gather [hbm4b:s6+s12], $0x20, s0, s12, $0xb8;
	[tilespmem:$0x1FA00] =	vst v63  }
0x1e: {  	_ =	swait.ge [sflag:s17], $0x4000  }
0x1f: {  	[sflag:s17] =	ssyncset.done $0x0  }
0x20: {  	[sflag:s17] =	ssyncadd.s32 $0xFFFFC000  }
0x21: {  	_ =	swait.ge [sflag:s18], $0x4000  }
0x22: {  	[sflag:s18] =	ssyncset.done $0x0  }
0x23: {  	s1 =	simm.s32 $0xCA00;
	[sflag:s18] =	ssyncadd.s32 $0xFFFFC000  }
0x24: {  	v16 =	vld [tilespmem:s1+$0x0]  }
0x25: {  	s14 =	simm.s32 $0x14A00;
	v17 =	vld [tilespmem:s1+$0x10]  }
0x26: {  	v18 =	vld [tilespmem:s14+$0x0]  }
0x27: {  	v19 =	vld [tilespmem:s14+$0x10];
	_ =	sdelay $0x4  }
0x28: {  	v16 =	vmul.f32 v18, v16;
	v17 =	vmul.f32 v19, v17;
	_ =	sdelay $0x1  }
0x29: {  	v16 =	vadd.f32 v17, v16  }
0x2a: {  	s26 =	simm.s32 $0x1C980  }
0x2b: {  	[tilespmem:s26+$0x0] =	vst v16  }
0x2c: {  	v16 =	vld [tilespmem:s1+$0x20]  }
0x2d: {  	v17 =	vld [tilespmem:s1+$0x30]  }
0x2e: {  	v18 =	vld [tilespmem:s14+$0x20]  }
0x2f: {  	v19 =	vld [tilespmem:s14+$0x30];
	_ =	sdelay $0x1  }
0x30: {  	v20 =	vld [tilespmem:s1+$0xFFFFFE10]  }
0x31: {  	v21 =	vld [tilespmem:s14+$0xFFFFFE00]  }
0x32: {  	v22 =	vld [tilespmem:s14+$0xFFFFFE10]  }
0x33: {  	v23 =	vld [tilespmem:s1+$0xFFFFFE00];
	v16 =	vmul.f32 v18, v16;
	v17 =	vmul.f32 v19, v17;
	_ =	sdelay $0x1  }
0x34: {  	v16 =	vadd.f32 v17, v16;
	_ =	sdelay $0x1  }
0x35: {  	[tilespmem:s26+$0x18] =	vst v16  }
0x36: {  	v17 =	vmul.f32 v21, v23;
	v16 =	vmul.f32 v22, v20;
	v18 =	vld [tilespmem:s1+$0x40]  }
0x37: {  	v19 =	vld [tilespmem:s1+$0x50]  }
0x38: {  	v20 =	vld [tilespmem:s14+$0x50];
	v16 =	vadd.f32 v16, v17  }
0x39: {  	v17 =	vld [tilespmem:s14+$0x40]  }
0x3a: {  	[tilespmem:s26+$0xFFFFFE80] =	vst v16  }
0x3b: {  	v16 =	vld [tilespmem:s1+$0xFFFFFE20]  }
0x3c: {  	v21 =	vld [tilespmem:s1+$0xFFFFFE30]  }
0x3d: {  	v22 =	vld [tilespmem:s14+$0xFFFFFE20]  }
0x3e: {  	v23 =	vld [tilespmem:s14+$0xFFFFFE30];
	v17 =	vmul.f32 v17, v18;
	v18 =	vmul.f32 v20, v19;
	_ =	sdelay $0x1  }
0x3f: {  	v17 =	vadd.f32 v18, v17;
	_ =	sdelay $0x1  }
0x40: {  	[tilespmem:s26+$0x30] =	vst v17  }
0x41: {  	v16 =	vmul.f32 v22, v16;
	v17 =	vmul.f32 v23, v21;
	v18 =	vld [tilespmem:s1+$0x60]  }
0x42: {  	v19 =	vld [tilespmem:s1+$0x70]  }
0x43: {  	v20 =	vld [tilespmem:s14+$0x70];
	v16 =	vadd.f32 v17, v16  }
0x44: {  	v17 =	vld [tilespmem:s14+$0x60]  }
0x45: {  	[tilespmem:s26+$0xFFFFFE98] =	vst v16  }
0x46: {  	v16 =	vld [tilespmem:s1+$0xFFFFFE40]  }
0x47: {  	v21 =	vld [tilespmem:s1+$0xFFFFFE50]  }
0x48: {  	v22 =	vld [tilespmem:s14+$0xFFFFFE40]  }
0x49: {  	v23 =	vld [tilespmem:s14+$0xFFFFFE50];
	v17 =	vmul.f32 v17, v18;
	v18 =	vmul.f32 v20, v19;
	_ =	sdelay $0x1  }
0x4a: {  	v17 =	vadd.f32 v18, v17;
	_ =	sdelay $0x1  }
0x4b: {  	[tilespmem:s26+$0x48] =	vst v17  }
0x4c: {  	v16 =	vmul.f32 v22, v16;
	v17 =	vmul.f32 v23, v21;
	v18 =	vld [tilespmem:s1+$0x80]  }
0x4d: {  	v19 =	vld [tilespmem:s1+$0x90]  }
0x4e: {  	v20 =	vld [tilespmem:s14+$0x90];
	v16 =	vadd.f32 v17, v16  }
0x4f: {  	v17 =	vld [tilespmem:s14+$0x80]  }
0x50: {  	[tilespmem:s26+$0xFFFFFEB0] =	vst v16  }
0x51: {  	v16 =	vld [tilespmem:s1+$0xFFFFFE60]  }
0x52: {  	v21 =	vld [tilespmem:s1+$0xFFFFFE70]  }
0x53: {  	v22 =	vld [tilespmem:s14+$0xFFFFFE60]  }
0x54: {  	v23 =	vld [tilespmem:s14+$0xFFFFFE70];
	v17 =	vmul.f32 v17, v18;
	v18 =	vmul.f32 v20, v19;
	_ =	sdelay $0x1  }
0x55: {  	v17 =	vadd.f32 v18, v17;
	_ =	sdelay $0x1  }
0x56: {  	[tilespmem:s26+$0x60] =	vst v17  }
0x57: {  	v16 =	vmul.f32 v22, v16;
	v17 =	vmul.f32 v23, v21;
	v18 =	vld [tilespmem:s1+$0xA0]  }
0x58: {  	v19 =	vld [tilespmem:s1+$0xB0]  }
0x59: {  	v20 =	vld [tilespmem:s14+$0xB0];
	v16 =	vadd.f32 v17, v16  }
0x5a: {  	v17 =	vld [tilespmem:s14+$0xA0]  }
0x5b: {  	[tilespmem:s26+$0xFFFFFEC8] =	vst v16  }
0x5c: {  	v16 =	vld [tilespmem:s1+$0xFFFFFE80]  }
0x5d: {  	v21 =	vld [tilespmem:s1+$0xFFFFFE90]  }
0x5e: {  	v22 =	vld [tilespmem:s14+$0xFFFFFE80]  }
0x5f: {  	v23 =	vld [tilespmem:s14+$0xFFFFFE90];
	v17 =	vmul.f32 v17, v18;
	v18 =	vmul.f32 v20, v19;
	_ =	sdelay $0x1  }
0x60: {  	v17 =	vadd.f32 v18, v17;
	_ =	sdelay $0x1  }
0x61: {  	[tilespmem:s26+$0x78] =	vst v17  }
0x62: {  	v16 =	vmul.f32 v22, v16;
	v17 =	vmul.f32 v23, v21;
	v18 =	vld [tilespmem:s1+$0xC0]  }
0x63: {  	v19 =	vld [tilespmem:s1+$0xD0]  }
0x64: {  	v20 =	vld [tilespmem:s14+$0xD0];
	v16 =	vadd.f32 v17, v16  }
0x65: {  	v17 =	vld [tilespmem:s14+$0xC0]  }
0x66: {  	[tilespmem:s26+$0xFFFFFEE0] =	vst v16  }
0x67: {  	v16 =	vld [tilespmem:s1+$0xFFFFFEA0]  }
0x68: {  	v21 =	vld [tilespmem:s1+$0xFFFFFEB0]  }
0x69: {  	v22 =	vld [tilespmem:s14+$0xFFFFFEA0]  }
0x6a: {  	v23 =	vld [tilespmem:s14+$0xFFFFFEB0];
	v17 =	vmul.f32 v17, v18;
	v18 =	vmul.f32 v20, v19;
	_ =	sdelay $0x1  }
0x6b: {  	v17 =	vadd.f32 v18, v17;
	_ =	sdelay $0x1  }
0x6c: {  	[tilespmem:s26+$0x90] =	vst v17  }
0x6d: {  	v16 =	vmul.f32 v22, v16;
	v17 =	vmul.f32 v23, v21;
	v18 =	vld [tilespmem:s1+$0xE0]  }
0x6e: {  	v19 =	vld [tilespmem:s1+$0xF0]  }
0x6f: {  	v20 =	vld [tilespmem:s14+$0xF0];
	v16 =	vadd.f32 v17, v16  }
0x70: {  	v17 =	vld [tilespmem:s14+$0xE0]  }
0x71: {  	[tilespmem:s26+$0xFFFFFEF8] =	vst v16  }
0x72: {  	v16 =	vld [tilespmem:s1+$0xFFFFFEC0]  }
0x73: {  	v21 =	vld [tilespmem:s1+$0xFFFFFED0]  }
0x74: {  	v22 =	vld [tilespmem:s14+$0xFFFFFEC0]  }
0x75: {  	v23 =	vld [tilespmem:s14+$0xFFFFFED0];
	v17 =	vmul.f32 v17, v18;
	v18 =	vmul.f32 v20, v19;
	_ =	sdelay $0x1  }
0x76: {  	v17 =	vadd.f32 v18, v17;
	_ =	sdelay $0x1  }
0x77: {  	[tilespmem:s26+$0xA8] =	vst v17  }
0x78: {  	v16 =	vmul.f32 v22, v16;
	v17 =	vmul.f32 v23, v21;
	v18 =	vld [tilespmem:s1+$0x100]  }
0x79: {  	v19 =	vld [tilespmem:s1+$0x110]  }
0x7a: {  	v20 =	vld [tilespmem:s14+$0x110];
	v16 =	vadd.f32 v17, v16  }
0x7b: {  	v17 =	vld [tilespmem:s14+$0x100]  }
0x7c: {  	[tilespmem:s26+$0xFFFFFF10] =	vst v16  }
0x7d: {  	v16 =	vld [tilespmem:s1+$0xFFFFFEE0]  }
0x7e: {  	v21 =	vld [tilespmem:s1+$0xFFFFFEF0]  }
0x7f: {  	v22 =	vld [tilespmem:s14+$0xFFFFFEE0]  }
0x80: {  	v23 =	vld [tilespmem:s14+$0xFFFFFEF0];
	v17 =	vmul.f32 v17, v18;
	v18 =	vmul.f32 v20, v19;
	_ =	sdelay $0x1  }
0x81: {  	v17 =	vadd.f32 v18, v17;
	_ =	sdelay $0x1  }
0x82: {  	[tilespmem:s26+$0xC0] =	vst v17  }
0x83: {  	v16 =	vmul.f32 v22, v16;
	v17 =	vmul.f32 v23, v21;
	v18 =	vld [tilespmem:s1+$0x120]  }
0x84: {  	v19 =	vld [tilespmem:s1+$0x130]  }
0x85: {  	v20 =	vld [tilespmem:s14+$0x130];
	v16 =	vadd.f32 v17, v16  }
0x86: {  	v17 =	vld [tilespmem:s14+$0x120]  }
0x87: {  	[tilespmem:s26+$0xFFFFFF28] =	vst v16  }
0x88: {  	v16 =	vld [tilespmem:s1+$0xFFFFFF00]  }
0x89: {  	v21 =	vld [tilespmem:s1+$0xFFFFFF10]  }
0x8a: {  	v22 =	vld [tilespmem:s14+$0xFFFFFF00]  }
0x8b: {  	v23 =	vld [tilespmem:s14+$0xFFFFFF10];
	v17 =	vmul.f32 v17, v18;
	v18 =	vmul.f32 v20, v19;
	_ =	sdelay $0x1  }
0x8c: {  	v17 =	vadd.f32 v18, v17;
	_ =	sdelay $0x1  }
0x8d: {  	[tilespmem:s26+$0xD8] =	vst v17  }
0x8e: {  	v16 =	vmul.f32 v22, v16;
	v17 =	vmul.f32 v23, v21;
	v18 =	vld [tilespmem:s1+$0x140]  }
0x8f: {  	v19 =	vld [tilespmem:s1+$0x150]  }
0x90: {  	v20 =	vld [tilespmem:s14+$0x150];
	v16 =	vadd.f32 v17, v16  }
0x91: {  	v17 =	vld [tilespmem:s14+$0x140]  }
0x92: {  	[tilespmem:s26+$0xFFFFFF40] =	vst v16  }
0x93: {  	v16 =	vld [tilespmem:s1+$0xFFFFFF20]  }
0x94: {  	v21 =	vld [tilespmem:s1+$0xFFFFFF30]  }
0x95: {  	v22 =	vld [tilespmem:s14+$0xFFFFFF20]  }
0x96: {  	v23 =	vld [tilespmem:s14+$0xFFFFFF30];
	v17 =	vmul.f32 v17, v18;
	v18 =	vmul.f32 v20, v19;
	_ =	sdelay $0x1  }
0x97: {  	v17 =	vadd.f32 v18, v17;
	_ =	sdelay $0x1  }
0x98: {  	[tilespmem:s26+$0xF0] =	vst v17  }
0x99: {  	v16 =	vmul.f32 v22, v16;
	v17 =	vmul.f32 v23, v21;
	v18 =	vld [tilespmem:s1+$0x160]  }
0x9a: {  	v19 =	vld [tilespmem:s1+$0x170]  }
0x9b: {  	v20 =	vld [tilespmem:s14+$0x170];
	v16 =	vadd.f32 v17, v16  }
0x9c: {  	s29 =	simm.s32 $0x14E00;
	v17 =	vld [tilespmem:s14+$0x160]  }
0x9d: {  	v24 =	vld [tilespmem:s29+$0x10];
	[tilespmem:s26+$0xFFFFFF58] =	vst v16  }
0x9e: {  	v16 =	vld [tilespmem:s1+$0xFFFFFF40]  }
0x9f: {  	v21 =	vld [tilespmem:s1+$0xFFFFFF50]  }
0xa0: {  	v23 =	vld [tilespmem:s14+$0xFFFFFF50]  }
0xa1: {  	s28 =	simm.s32 $0xCE00;
	v22 =	vld [tilespmem:s14+$0xFFFFFF40];
	v17 =	vmul.f32 v17, v18;
	v18 =	vmul.f32 v20, v19  }
0xa2: {  	v19 =	vld [tilespmem:s28+$0x0]  }
0xa3: {  	v20 =	vld [tilespmem:s28+$0x10];
	v17 =	vadd.f32 v18, v17  }
0xa4: {  	v18 =	vld [tilespmem:s29+$0x0]  }
0xa5: {  	v21 =	vmul.f32 v23, v21;
	v23 =	vld [tilespmem:s28+$0xFFFFFE10];
	[tilespmem:s26+$0x108] =	vst v17  }
0xa6: {  	v17 =	vld [tilespmem:s1+$0x180]  }
0xa7: {  	v25 =	vld [tilespmem:s1+$0x190]  }
0xa8: {  	v16 =	vmul.f32 v22, v16;
	v26 =	vld [tilespmem:s14+$0x180]  }
0xa9: {  	v22 =	vld [tilespmem:s14+$0x190]  }
0xaa: {  	v16 =	vadd.f32 v21, v16;
	v21 =	vld [tilespmem:s29+$0xFFFFFE10]  }
0xab: {  	v18 =	vmul.f32 v18, v19;
	v19 =	vmul.f32 v24, v20;
	v20 =	vld [tilespmem:s29+$0xFFFFFE00]  }
0xac: {  	[tilespmem:s26+$0xFFFFFF70] =	vst v16;
	v16 =	vld [tilespmem:s28+$0xFFFFFE00]  }
0xad: {  	v28 =	vld [tilespmem:s1+$0xFFFFFF60]  }
0xae: {  	v29 =	vld [tilespmem:s1+$0xFFFFFF70];
	v18 =	vadd.f32 v19, v18  }
0xaf: {  	s30 =	simm.s32 $0x1CC80;
	v30 =	vld [tilespmem:s14+$0xFFFFFF60]  }
0xb0: {  	v34 =	vld [tilespmem:s14+$0xFFFFFF70];
	v17 =	vmul.f32 v26, v17;
	[tilespmem:s30+$0x0] =	vst v18;
	v18 =	vmul.f32 v22, v25  }
0xb1: {  	v19 =	vld [tilespmem:s28+$0x20]  }
0xb2: {  	v22 =	vld [tilespmem:s28+$0x30];
	v17 =	vadd.f32 v18, v17  }
0xb3: {  	v16 =	vmul.f32 v20, v16;
	v20 =	vld [tilespmem:s29+$0x30]  }
0xb4: {  	v21 =	vmul.f32 v21, v23;
	v18 =	vld [tilespmem:s29+$0x20];
	[tilespmem:s26+$0x120] =	vst v17  }
0xb5: {  	v17 =	vld [tilespmem:s1+$0x1A0]  }
0xb6: {  	v16 =	vadd.f32 v21, v16;
	v21 =	vld [tilespmem:s1+$0x1B0]  }
0xb7: {  	v23 =	vld [tilespmem:s14+$0x1A0]  }
0xb8: {  	v28 =	vmul.f32 v30, v28;
	v29 =	vmul.f32 v34, v29;
	[tilespmem:s30+$0xFFFFFE80] =	vst v16;
	v16 =	vld [tilespmem:s14+$0x1B0]  }
0xb9: {  	v24 =	vld [tilespmem:s28+$0xFFFFFE20];
	v18 =	vmul.f32 v18, v19;
	v19 =	vmul.f32 v20, v22  }
0xba: {  	v28 =	vadd.f32 v29, v28;
	v20 =	vld [tilespmem:s28+$0xFFFFFE30]  }
0xbb: {  	v22 =	vld [tilespmem:s29+$0xFFFFFE20];
	v18 =	vadd.f32 v19, v18  }
0xbc: {  	[tilespmem:s26+$0xFFFFFF88] =	vst v28;
	v19 =	vld [tilespmem:s29+$0xFFFFFE30]  }
0xbd: {  	v44 =	vld [tilespmem:s1+$0xFFFFFF80];
	[tilespmem:s30+$0x18] =	vst v18  }
0xbe: {  	v17 =	vmul.f32 v23, v17;
	v16 =	vmul.f32 v16, v21;
	v18 =	vld [tilespmem:s28+$0x40]  }
0xbf: {  	v21 =	vld [tilespmem:s28+$0x50]  }
0xc0: {  	v16 =	vadd.f32 v16, v17;
	v17 =	vld [tilespmem:s29+$0x40]  }
0xc1: {  	v19 =	vmul.f32 v19, v20;
	v20 =	vld [tilespmem:s29+$0x50]  }
0xc2: {  	v45 =	vld [tilespmem:s1+$0xFFFFFF90];
	v22 =	vmul.f32 v22, v24;
	[tilespmem:s26+$0x138] =	vst v16  }
0xc3: {  	v16 =	vld [tilespmem:s1+$0x1C0]  }
0xc4: {  	v23 =	vld [tilespmem:s14+$0x1C0];
	v19 =	vadd.f32 v19, v22  }
0xc5: {  	v22 =	vld [tilespmem:s1+$0x1D0]  }
0xc6: {  	v17 =	vmul.f32 v17, v18;
	[tilespmem:s30+$0xFFFFFE98] =	vst v19;
	v19 =	vld [tilespmem:s14+$0x1D0];
	v18 =	vmul.f32 v20, v21  }
0xc7: {  	v24 =	vld [tilespmem:s28+$0xFFFFFE40]  }
0xc8: {  	v20 =	vld [tilespmem:s28+$0xFFFFFE50];
	v17 =	vadd.f32 v18, v17  }
0xc9: {  	v18 =	vld [tilespmem:s29+$0xFFFFFE50]  }
0xca: {  	v21 =	vld [tilespmem:s29+$0xFFFFFE40];
	[tilespmem:s30+$0x30] =	vst v17  }
0xcb: {  	v16 =	vmul.f32 v23, v16;
	v17 =	vmul.f32 v19, v22;
	v19 =	vld [tilespmem:s28+$0x60]  }
0xcc: {  	v22 =	vld [tilespmem:s28+$0x70]  }
0xcd: {  	v16 =	vadd.f32 v17, v16;
	v17 =	vld [tilespmem:s29+$0x60]  }
0xce: {  	v18 =	vmul.f32 v18, v20;
	v20 =	vld [tilespmem:s29+$0x70]  }
0xcf: {  	v46 =	vld [tilespmem:s14+$0xFFFFFF80];
	v21 =	vmul.f32 v21, v24;
	[tilespmem:s26+$0x150] =	vst v16  }
0xd0: {  	v16 =	vld [tilespmem:s1+$0x1E0]  }
0xd1: {  	v18 =	vadd.f32 v18, v21;
	v21 =	vld [tilespmem:s1+$0x1F0]  }
0xd2: {  	v23 =	vld [tilespmem:s14+$0x1E0]  }
0xd3: {  	[tilespmem:s30+$0xFFFFFEB0] =	vst v18;
	v18 =	vld [tilespmem:s14+$0x1F0];
	v17 =	vmul.f32 v17, v19;
	v19 =	vmul.f32 v20, v22  }
0xd4: {  	v36 =	vld [tilespmem:s14+$0xFFFFFF90]  }
0xd5: {  	v27 =	vld [tilespmem:s28+$0xFFFFFE60];
	v17 =	vadd.f32 v19, v17  }
0xd6: {  	v31 =	vld [tilespmem:s28+$0xFFFFFE70]  }
0xd7: {  	v32 =	vld [tilespmem:s29+$0xFFFFFE60];
	[tilespmem:s30+$0x48] =	vst v17  }
0xd8: {  	v16 =	vmul.f32 v23, v16;
	v17 =	vmul.f32 v18, v21;
	v24 =	vld [tilespmem:s28+$0x80]  }
0xd9: {  	v25 =	vld [tilespmem:s28+$0x90]  }
0xda: {  	v26 =	vld [tilespmem:s29+$0x80];
	v16 =	vadd.f32 v17, v16  }
0xdb: {  	v35 =	vld [tilespmem:s29+$0x90]  }
0xdc: {  	v33 =	vld [tilespmem:s29+$0xFFFFFE70];
	[tilespmem:s26+$0x168] =	vst v16  }
0xdd: {  	v16 =	vld.idx.msk [tilespmem:v0+s26+$0x0], $0xffff  }
0xde: {  	v17 =	vld.idx.msk [tilespmem:v1+s26+$0x0], $0xffff  }
0xdf: {  	v18 =	vld.idx.msk [tilespmem:v2+s26+$0x0], $0xffff  }
0xe0: {  	v20 =	vld.idx.msk [tilespmem:v3+s26+$0x0], $0xffff;
	v24 =	vmul.f32 v26, v24;
	v35 =	vmul.f32 v35, v25  }
0xe1: {  	v19 =	vld.idx.msk [tilespmem:v4+s26+$0x0], $0xffff  }
0xe2: {  	v21 =	vld.idx.msk [tilespmem:v5+s26+$0x0], $0xffff;
	v35 =	vadd.f32 v35, v24  }
0xe3: {  	v22 =	vld.idx.msk [tilespmem:v6+s26+$0x0], $0xffff  }
0xe4: {  	v32 =	vmul.f32 v32, v27;
	v31 =	vmul.f32 v33, v31;
	v23 =	vld.idx.msk [tilespmem:v7+s26+$0x0], $0xffff;
	[tilespmem:s30+$0x60] =	vst v35  }
0xe5: {  	v38 =	vld [tilespmem:s28+$0xA0]  }
0xe6: {  	v31 =	vadd.f32 v31, v32;
	v39 =	vld [tilespmem:s28+$0xB0]  }
0xe7: {  	v35 =	vld [tilespmem:s29+$0xA0]  }
0xe8: {  	[tilespmem:s30+$0xFFFFFEC8] =	vst v31;
	v40 =	vld [tilespmem:s29+$0xB0]  }
0xe9: {  	v31 =	vld [tilespmem:s28+$0xFFFFFE80]  }
0xea: {  	v41 =	vld [tilespmem:s28+$0xFFFFFE90]  }
0xeb: {  	v42 =	vld [tilespmem:s29+$0xFFFFFE80]  }
0xec: {  	v43 =	vld [tilespmem:s29+$0xFFFFFE90]  }
0xed: {  	v27 =	vld.idx.msk [tilespmem:v11+s26+$0x0], $0xffff;
	v33 =	vmul.f32 v35, v38;
	v30 =	vmul.f32 v40, v39  }
0xee: {  	v37 =	vld.idx.msk [tilespmem:v12+s26+$0x0], $0xffff  }
0xef: {  	v25 =	vld.idx.msk [tilespmem:v8+s26+$0x0], $0xffff;
	v30 =	vadd.f32 v30, v33  }
0xf0: {  	v26 =	vld.idx.msk [tilespmem:v9+s26+$0x0], $0xffff  }
0xf1: {  	v24 =	vld.idx.msk [tilespmem:v10+s26+$0x0], $0xffff;
	v31 =	vmul.f32 v42, v31;
	v28 =	vmul.f32 v43, v41;
	[tilespmem:s30+$0x78] =	vst v30  }
0xf2: {  	v47 =	vld [tilespmem:s28+$0xC0]  }
0xf3: {  	v28 =	vadd.f32 v28, v31;
	v30 =	vld [tilespmem:s28+$0xD0]  }
0xf4: {  	v48 =	vld [tilespmem:s29+$0xC0]  }
0xf5: {  	v49 =	vmul.f32 v36, v45;
	v32 =	vmul.f32 v46, v44;
	[tilespmem:s30+$0xFFFFFEE0] =	vst v28;
	v50 =	vld [tilespmem:s29+$0xD0]  }
0xf6: {  	v51 =	vld [tilespmem:s28+$0xFFFFFEA0]  }
0xf7: {  	v28 =	vadd.f32 v49, v32;
	v52 =	vld [tilespmem:s28+$0xFFFFFEB0]  }
0xf8: {  	v53 =	vld [tilespmem:s29+$0xFFFFFEA0]  }
0xf9: {  	v54 =	vld [tilespmem:s29+$0xFFFFFEB0];
	[tilespmem:s26+$0xFFFFFFA0] =	vst v28  }
0xfa: {  	v55 =	vld [tilespmem:s1+$0xFFFFFFA0];
	v29 =	vmul.f32 v48, v47;
	v30 =	vmul.f32 v50, v30  }
0xfb: {  	v56 =	vld [tilespmem:s1+$0xFFFFFFB0]  }
0xfc: {  	v57 =	vld [tilespmem:s14+$0xFFFFFFA0];
	v29 =	vadd.f32 v30, v29  }
0xfd: {  	v58 =	vld [tilespmem:s14+$0xFFFFFFB0]  }
0xfe: {  	v38 =	vld.idx.msk [tilespmem:v13+s26+$0x0], $0xffff;
	v34 =	vmul.f32 v53, v51;
	v28 =	vmul.f32 v54, v52;
	[tilespmem:s30+$0x90] =	vst v29  }
0xff: {  	v29 =	vld [tilespmem:s28+$0xE0]  }
0x100: {  	v28 =	vadd.f32 v28, v34;
	v59 =	vld [tilespmem:s28+$0xF0]  }
0x101: {  	v60 =	vld [tilespmem:s29+$0xE0]  }
0x102: {  	v62 =	vmul.f32 v58, v56;
	[tilespmem:s30+$0xFFFFFEF8] =	vst v28;
	v30 =	vmul.f32 v57, v55;
	v61 =	vld [tilespmem:s29+$0xF0]  }
0x103: {  	v63 =	vld [tilespmem:s28+$0xFFFFFEC0]  }
0x104: {  	v42 =	vld [tilespmem:s28+$0xFFFFFED0];
	v30 =	vadd.f32 v62, v30  }
0x105: {  	v43 =	vld [tilespmem:s29+$0xFFFFFEC0]  }
0x106: {  	v44 =	vld [tilespmem:s29+$0xFFFFFED0];
	[tilespmem:s26+$0xFFFFFFB8] =	vst v30  }
0x107: {  	v30 =	vld [tilespmem:s1+$0xFFFFFFC0];
	v29 =	vmul.f32 v60, v29;
	v28 =	vmul.f32 v61, v59  }
0x108: {  	v45 =	vld [tilespmem:s1+$0xFFFFFFD0]  }
0x109: {  	v46 =	vld [tilespmem:s14+$0xFFFFFFC0];
	v28 =	vadd.f32 v28, v29  }
0x10a: {  	v47 =	vld [tilespmem:s14+$0xFFFFFFD0]  }
0x10b: {  	v39 =	vld.idx.msk [tilespmem:v14+s26+$0x0], $0xffff;
	v31 =	vmul.f32 v43, v63;
	v48 =	vmul.f32 v44, v42;
	[tilespmem:s30+$0xA8] =	vst v28  }
0x10c: {  	v28 =	vld [tilespmem:s28+$0x100]  }
0x10d: {  	v31 =	vadd.f32 v48, v31;
	v49 =	vld [tilespmem:s28+$0x110]  }
0x10e: {  	v50 =	vld [tilespmem:s29+$0x100]  }
0x10f: {  	[tilespmem:s30+$0xFFFFFF10] =	vst v31;
	v29 =	vmul.f32 v46, v30;
	v52 =	vmul.f32 v47, v45;
	v51 =	vld [tilespmem:s29+$0x110]  }
0x110: {  	v53 =	vld [tilespmem:s28+$0xFFFFFEE0]  }
0x111: {  	v54 =	vld [tilespmem:s28+$0xFFFFFEF0];
	v29 =	vadd.f32 v52, v29  }
0x112: {  	v55 =	vld [tilespmem:s29+$0xFFFFFEE0]  }
0x113: {  	v56 =	vld [tilespmem:s29+$0xFFFFFEF0];
	[tilespmem:s26+$0xFFFFFFD0] =	vst v29  }
0x114: {  	v58 =	vld [tilespmem:s1+$0xFFFFFFE0];
	v28 =	vmul.f32 v50, v28;
	v57 =	vmul.f32 v51, v49  }
0x115: {  	v59 =	vld [tilespmem:s1+$0xFFFFFFF0]  }
0x116: {  	v60 =	vld [tilespmem:s14+$0xFFFFFFE0];
	v28 =	vadd.f32 v57, v28  }
0x117: {  	v61 =	vld [tilespmem:s14+$0xFFFFFFF0]  }
0x118: {  	v40 =	vld.idx.msk [tilespmem:v15+s26+$0x0], $0xffff;
	v31 =	vmul.f32 v55, v53;
	v62 =	vmul.f32 v56, v54;
	[tilespmem:s30+$0xC0] =	vst v28  }
0x119: {  	v28 =	vld [tilespmem:s28+$0x120]  }
0x11a: {  	v31 =	vadd.f32 v62, v31;
	v63 =	vld [tilespmem:s28+$0x130]  }
0x11b: {  	v41 =	vld [tilespmem:s29+$0x120]  }
0x11c: {  	[tilespmem:s30+$0xFFFFFF28] =	vst v31;
	v29 =	vmul.f32 v60, v58;
	v43 =	vmul.f32 v61, v59;
	v42 =	vld [tilespmem:s29+$0x130]  }
0x11d: {  	v44 =	vld [tilespmem:s28+$0xFFFFFF00]  }
0x11e: {  	v45 =	vld [tilespmem:s28+$0xFFFFFF10];
	v29 =	vadd.f32 v43, v29  }
0x11f: {  	v46 =	vld [tilespmem:s29+$0xFFFFFF00]  }
0x120: {  	v47 =	vld [tilespmem:s29+$0xFFFFFF10];
	[tilespmem:s26+$0xFFFFFFE8] =	vst v29  }
0x121: {  	v49 =	vld.idx.msk [tilespmem:v0+s26+$0xFFFFFE80], $0xffff;
	v28 =	vmul.f32 v41, v28;
	v48 =	vmul.f32 v42, v63  }
0x122: {  	v50 =	vld.idx.msk [tilespmem:v1+s26+$0xFFFFFE80], $0xffff  }
0x123: {  	v51 =	vld.idx.msk [tilespmem:v2+s26+$0xFFFFFE80], $0xffff;
	v28 =	vadd.f32 v48, v28  }
0x124: {  	v52 =	vld.idx.msk [tilespmem:v3+s26+$0xFFFFFE80], $0xffff  }
0x125: {  	v31 =	vmul.f32 v46, v44;
	v53 =	vmul.f32 v47, v45;
	v54 =	vld.idx.msk [tilespmem:v4+s26+$0xFFFFFE80], $0xffff;
	[tilespmem:s30+$0xD8] =	vst v28  }
0x126: {  	v55 =	vld [tilespmem:s28+$0x140]  }
0x127: {  	v31 =	vadd.f32 v53, v31;
	v56 =	vld [tilespmem:s28+$0x150]  }
0x128: {  	v57 =	vld [tilespmem:s29+$0x140]  }
0x129: {  	[tilespmem:s30+$0xFFFFFF40] =	vst v31;
	v58 =	vld [tilespmem:s29+$0x150]  }
0x12a: {  	v41 =	vld [tilespmem:s28+$0xFFFFFF20]  }
0x12b: {  	v42 =	vld [tilespmem:s28+$0xFFFFFF30]  }
0x12c: {  	v16 =	vadd.f32 v17, v16;
	v17 =	vadd.f32 v20, v18;
	v18 =	vld [tilespmem:s29+$0xFFFFFF20]  }
0x12d: {  	v19 =	vadd.f32 v21, v19;
	v20 =	vadd.f32 v23, v22;
	v21 =	vld [tilespmem:s29+$0xFFFFFF30]  }
0x12e: {  	v22 =	vadd.f32 v26, v25;
	v26 =	vld.idx.msk [tilespmem:v5+s26+$0xFFFFFE80], $0xffff;
	v23 =	vmul.f32 v57, v55;
	v25 =	vmul.f32 v58, v56  }
0x12f: {  	v16 =	vadd.f32 v17, v16;
	v17 =	vadd.f32 v20, v19;
	v59 =	vld.idx.msk [tilespmem:v6+s26+$0xFFFFFE80], $0xffff  }
0x130: {  	v24 =	vadd.f32 v27, v24;
	v61 =	vld.idx.msk [tilespmem:v8+s26+$0xFFFFFE80], $0xffff;
	v23 =	vadd.f32 v25, v23  }
0x131: {  	v27 =	vadd.f32 v38, v37;
	v60 =	vadd.f32 v40, v39;
	v25 =	vld.idx.msk [tilespmem:v7+s26+$0xFFFFFE80], $0xffff  }
0x132: {  	v18 =	vmul.f32 v18, v41;
	v19 =	vmul.f32 v21, v42;
	[tilespmem:s30+$0xF0] =	vst v23;
	v23 =	vld.idx.msk [tilespmem:v9+s26+$0xFFFFFE80], $0xffff  }
0x133: {  	v20 =	vadd.f32 v24, v22;
	v24 =	vld [tilespmem:s28+$0x160]  }
0x134: {  	v21 =	vadd.f32 v60, v27;
	v18 =	vadd.f32 v19, v18;
	v27 =	vld [tilespmem:s28+$0x170]  }
0x135: {  	v16 =	vadd.f32 v17, v16;
	v22 =	vadd.f32 v52, v51;
	v62 =	vld [tilespmem:s29+$0x160]  }
0x136: {  	v26 =	vadd.f32 v26, v54;
	v17 =	vadd.f32 v21, v20;
	[tilespmem:s30+$0xFFFFFF58] =	vst v18;
	v18 =	vld [tilespmem:s29+$0x170]  }
0x137: {  	v21 =	vadd.f32 v50, v49;
	v19 =	vld [tilespmem:s28+$0xFFFFFF40];
	v25 =	vadd.f32 v25, v59  }
0x138: {  	v16 =	vadd.f32 v17, v16;
	v20 =	vld [tilespmem:s28+$0xFFFFFF50]  }
0x139: {  	s31 =	simm.s32 $0x1F810;
	v63 =	vadd.f32 v22, v21;
	v21 =	vld [tilespmem:s29+$0xFFFFFF40];
	v25 =	vadd.f32 v25, v26  }
0x13a: {  	s11 =	simm.s32 $0xD200;
	s13 =	simm.s32 $0x14E00;
	v22 =	vld [tilespmem:s29+$0xFFFFFF50];
	[tilespmem:s31+$0x0] =	vst v16;
	v17 =	vadd.f32 v23, v61  }
0x13b: {  	s0 =	simm.s32 $0x1CC80;
	s14 =	simm.s32 $0x2;
	s1 =	simm.s32 $0x1F810;
	v23 =	vmul.f32 v62, v24;
	v24 =	vmul.f32 v18, v27;
	v18 =	vld.idx.msk [tilespmem:v10+s26+$0xFFFFFE80], $0xffff;
	v16 =	vadd.f32 v25, v63  }
.LBB2_3:
0x13c: {  	v25 =	vld [tilespmem:s11+$0x0]  }
0x13d: {  	s29 =	sadd.s32 $0x400, s29;
	v26 =	vld [tilespmem:s11+$0x10];
	v23 =	vadd.f32 v24, v23  }
0x13e: {  	v24 =	vld [tilespmem:s29+$0x0];
	v19 =	vmul.f32 v21, v19  }
0x13f: {  	v21 =	vld [tilespmem:s29+$0x10];
	v20 =	vmul.f32 v22, v20;
	[tilespmem:s30+$0x108] =	vst v23  }
0x140: {  	v22 =	vld [tilespmem:s28+$0x180]  }
0x141: {  	v19 =	vadd.f32 v20, v19;
	v20 =	vld [tilespmem:s28+$0x190]  }
0x142: {  	v23 =	vld [tilespmem:s13+$0x180]  }
0x143: {  	[tilespmem:s30+$0xFFFFFF70] =	vst v19;
	v19 =	vld [tilespmem:s13+$0x190]  }
0x144: {  	v24 =	vmul.f32 v24, v25;
	v27 =	vld [tilespmem:s11+$0xFFFFFE10];
	v21 =	vmul.f32 v21, v26  }
0x145: {  	v25 =	vld [tilespmem:s29+$0xFFFFFE00]  }
0x146: {  	v26 =	vld [tilespmem:s29+$0xFFFFFE10];
	v21 =	vadd.f32 v21, v24  }
0x147: {  	s30 =	sadd.s32 $0x300, s30;
	v24 =	vld [tilespmem:s11+$0xFFFFFE00]  }
0x148: {  	v22 =	vmul.f32 v23, v22;
	[tilespmem:s30+$0x0] =	vst v21;
	v21 =	vld [tilespmem:s28+$0xFFFFFF60];
	v19 =	vmul.f32 v19, v20  }
0x149: {  	v20 =	vld [tilespmem:s11+$0x20]  }
0x14a: {  	v23 =	vld [tilespmem:s11+$0x30];
	v19 =	vadd.f32 v19, v22  }
0x14b: {  	v22 =	vmul.f32 v26, v27;
	v26 =	vld [tilespmem:s29+$0x20]  }
0x14c: {  	v24 =	vmul.f32 v25, v24;
	v25 =	vld [tilespmem:s29+$0x30];
	[tilespmem:s0+$0x120] =	vst v19  }
0x14d: {  	v19 =	vld [tilespmem:s28+$0x1A0]  }
0x14e: {  	v22 =	vadd.f32 v22, v24;
	v24 =	vld [tilespmem:s28+$0x1B0]  }
0x14f: {  	v27 =	vld [tilespmem:s13+$0x1A0]  }
0x150: {  	[tilespmem:s30+$0xFFFFFE80] =	vst v22;
	v22 =	vld [tilespmem:s13+$0x1B0]  }
0x151: {  	v20 =	vmul.f32 v26, v20;
	v28 =	vld [tilespmem:s11+$0xFFFFFE20];
	v23 =	vmul.f32 v25, v23  }
0x152: {  	v25 =	vld [tilespmem:s11+$0xFFFFFE30]  }
0x153: {  	v26 =	vld [tilespmem:s29+$0xFFFFFE20];
	v20 =	vadd.f32 v23, v20  }
0x154: {  	v23 =	vld [tilespmem:s29+$0xFFFFFE30]  }
0x155: {  	v19 =	vmul.f32 v27, v19;
	[tilespmem:s30+$0x18] =	vst v20;
	v20 =	vld [tilespmem:s28+$0xFFFFFF70];
	v22 =	vmul.f32 v22, v24  }
0x156: {  	v24 =	vld [tilespmem:s11+$0x40]  }
0x157: {  	v27 =	vld [tilespmem:s11+$0x50];
	v19 =	vadd.f32 v22, v19  }
0x158: {  	v22 =	vmul.f32 v26, v28;
	v26 =	vld [tilespmem:s29+$0x40]  }
0x159: {  	v23 =	vmul.f32 v23, v25;
	v25 =	vld [tilespmem:s29+$0x50];
	[tilespmem:s0+$0x138] =	vst v19  }
0x15a: {  	v19 =	vld [tilespmem:s28+$0x1C0]  }
0x15b: {  	v22 =	vadd.f32 v23, v22;
	v23 =	vld [tilespmem:s28+$0x1D0]  }
0x15c: {  	v28 =	vld [tilespmem:s13+$0x1C0]  }
0x15d: {  	[tilespmem:s30+$0xFFFFFE98] =	vst v22;
	v22 =	vld [tilespmem:s13+$0x1D0]  }
0x15e: {  	v24 =	vmul.f32 v26, v24;
	v29 =	vld [tilespmem:s11+$0xFFFFFE40];
	v25 =	vmul.f32 v25, v27  }
0x15f: {  	v26 =	vld [tilespmem:s11+$0xFFFFFE50]  }
0x160: {  	v27 =	vld [tilespmem:s29+$0xFFFFFE40];
	v24 =	vadd.f32 v25, v24  }
0x161: {  	v25 =	vld [tilespmem:s29+$0xFFFFFE50]  }
0x162: {  	v19 =	vmul.f32 v28, v19;
	[tilespmem:s30+$0x30] =	vst v24;
	v24 =	vld [tilespmem:s13+$0xFFFFFF60];
	v22 =	vmul.f32 v22, v23  }
0x163: {  	v23 =	vld [tilespmem:s11+$0x60]  }
0x164: {  	v28 =	vld [tilespmem:s11+$0x70];
	v19 =	vadd.f32 v22, v19  }
0x165: {  	v22 =	vmul.f32 v27, v29;
	v27 =	vld [tilespmem:s29+$0x60]  }
0x166: {  	v25 =	vmul.f32 v25, v26;
	v26 =	vld [tilespmem:s29+$0x70];
	[tilespmem:s0+$0x150] =	vst v19  }
0x167: {  	v19 =	vmul.f32 v24, v21;
	v21 =	vld [tilespmem:s28+$0x1E0]  }
0x168: {  	v22 =	vadd.f32 v25, v22;
	v24 =	vld [tilespmem:s28+$0x1F0]  }
0x169: {  	v25 =	vld [tilespmem:s13+$0x1E0]  }
0x16a: {  	[tilespmem:s30+$0xFFFFFEB0] =	vst v22;
	v22 =	vld [tilespmem:s13+$0x1F0]  }
0x16b: {  	v23 =	vmul.f32 v27, v23;
	v29 =	vld [tilespmem:s11+$0xFFFFFE60];
	v26 =	vmul.f32 v26, v28  }
0x16c: {  	v27 =	vld [tilespmem:s11+$0xFFFFFE70]  }
0x16d: {  	v28 =	vld [tilespmem:s29+$0xFFFFFE60];
	v23 =	vadd.f32 v26, v23  }
0x16e: {  	v26 =	vld [tilespmem:s29+$0xFFFFFE70]  }
0x16f: {  	v21 =	vmul.f32 v25, v21;
	[tilespmem:s30+$0x48] =	vst v23;
	v23 =	vld [tilespmem:s13+$0xFFFFFF70];
	v22 =	vmul.f32 v22, v24  }
0x170: {  	v24 =	vld [tilespmem:s11+$0x80]  }
0x171: {  	v25 =	vld [tilespmem:s11+$0x90];
	v21 =	vadd.f32 v22, v21  }
0x172: {  	v22 =	vmul.f32 v28, v29;
	v28 =	vld [tilespmem:s29+$0x80]  }
0x173: {  	v26 =	vmul.f32 v26, v27;
	v27 =	vld [tilespmem:s29+$0x90];
	[tilespmem:s0+$0x168] =	vst v21  }
0x174: {  	v20 =	vmul.f32 v23, v20;
	v21 =	vld.idx.msk [tilespmem:v0+s0+$0x0], $0xffff  }
0x175: {  	v22 =	vadd.f32 v26, v22;
	v23 =	vld.idx.msk [tilespmem:v1+s0+$0x0], $0xffff  }
0x176: {  	v19 =	vadd.f32 v20, v19;
	v20 =	vld.idx.msk [tilespmem:v2+s0+$0x0], $0xffff  }
0x177: {  	[tilespmem:s30+$0xFFFFFEC8] =	vst v22;
	v22 =	vld.idx.msk [tilespmem:v3+s0+$0x0], $0xffff  }
0x178: {  	[tilespmem:s0+$0xFFFFFF88] =	vst v19;
	v19 =	vld.idx.msk [tilespmem:v4+s0+$0x0], $0xffff  }
0x179: {  	v26 =	vld.idx.msk [tilespmem:v5+s0+$0x0], $0xffff  }
0x17a: {  	v29 =	vld.idx.msk [tilespmem:v6+s0+$0x0], $0xffff  }
0x17b: {  	v30 =	vld.idx.msk [tilespmem:v7+s0+$0x0], $0xffff  }
0x17c: {  	v31 =	vld.idx.msk [tilespmem:v8+s0+$0x0], $0xffff  }
0x17d: {  	v32 =	vld.idx.msk [tilespmem:v9+s0+$0x0], $0xffff  }
0x17e: {  	v33 =	vld.idx.msk [tilespmem:v10+s0+$0x0], $0xffff  }
0x17f: {  	v24 =	vmul.f32 v28, v24;
	v25 =	vmul.f32 v27, v25;
	v27 =	vld.idx.msk [tilespmem:v11+s0+$0x0], $0xffff  }
0x180: {  	v28 =	vld.idx.msk [tilespmem:v12+s0+$0x0], $0xffff  }
0x181: {  	v24 =	vadd.f32 v25, v24;
	v25 =	vld.idx.msk [tilespmem:v13+s0+$0x0], $0xffff  }
0x182: {  	v34 =	vld.idx.msk [tilespmem:v14+s0+$0x0], $0xffff  }
0x183: {  	s14 =	sadd.s32 $0x2, s14;
	[tilespmem:s30+$0x60] =	vst v24;
	v24 =	vld.idx.msk [tilespmem:v15+s0+$0x0], $0xffff  }
0x184: {  	p0 =	slt.u32 s14, $0x1E;
	v35 =	vld [tilespmem:s11+$0xA0]  }
0x185: {  	v36 =	vld [tilespmem:s11+$0xB0]  }
0x186: {  	v21 =	vadd.f32 v23, v21;
	v20 =	vadd.f32 v22, v20;
	v37 =	vld [tilespmem:s29+$0xA0]  }
0x187: {  	v19 =	vadd.f32 v26, v19;
	v23 =	vadd.f32 v30, v29;
	v22 =	vld [tilespmem:s29+$0xB0]  }
0x188: {  	v29 =	vadd.f32 v32, v31;
	v27 =	vadd.f32 v27, v33;
	v26 =	vld [tilespmem:s11+$0xFFFFFE80]  }
0x189: {  	v25 =	vadd.f32 v25, v28;
	v24 =	vadd.f32 v24, v34;
	v30 =	vld [tilespmem:s11+$0xFFFFFE90]  }
0x18a: {  	v20 =	vadd.f32 v20, v21;
	v19 =	vadd.f32 v23, v19;
	v28 =	vld [tilespmem:s29+$0xFFFFFE80]  }
0x18b: {  	v23 =	vadd.f32 v27, v29;
	v24 =	vadd.f32 v24, v25;
	v21 =	vld [tilespmem:s29+$0xFFFFFE90]  }
0x18c: {  	v25 =	vmul.f32 v37, v35;
	v22 =	vmul.f32 v22, v36;
	v27 =	vld [tilespmem:s28+$0xFFFFFF80]  }
0x18d: {  	v19 =	vadd.f32 v19, v20;
	v20 =	vadd.f32 v24, v23;
	v29 =	vld [tilespmem:s28+$0xFFFFFF90]  }
0x18e: {  	v22 =	vadd.f32 v22, v25;
	v23 =	vld [tilespmem:s13+$0xFFFFFF80]  }
0x18f: {  	v19 =	vadd.f32 v20, v19;
	v24 =	vmul.f32 v28, v26;
	v25 =	vld [tilespmem:s13+$0xFFFFFF90]  }
0x190: {  	s31 =	sadd.s32 $0x20, s31;
	v20 =	vmul.f32 v21, v30;
	[tilespmem:s30+$0x78] =	vst v22;
	v21 =	vld.idx.msk [tilespmem:v11+s26+$0xFFFFFE80], $0xffff  }
0x191: {  	[tilespmem:s31+$0x0] =	vst v19;
	v19 =	vld.idx.msk [tilespmem:v12+s26+$0xFFFFFE80], $0xffff  }
0x192: {  	v20 =	vadd.f32 v20, v24;
	v22 =	vld [tilespmem:s11+$0xC0]  }
0x193: {  	v24 =	vld [tilespmem:s11+$0xD0];
	v23 =	vmul.f32 v23, v27  }
0x194: {  	[tilespmem:s30+$0xFFFFFEE0] =	vst v20;
	v20 =	vld [tilespmem:s29+$0xC0];
	v25 =	vmul.f32 v25, v29  }
0x195: {  	v26 =	vld [tilespmem:s29+$0xD0]  }
0x196: {  	v18 =	vadd.f32 v21, v18;
	v27 =	vld [tilespmem:s11+$0xFFFFFEA0];
	v23 =	vadd.f32 v25, v23  }
0x197: {  	v21 =	vld [tilespmem:s11+$0xFFFFFEB0]  }
0x198: {  	v17 =	vadd.f32 v18, v17;
	v25 =	vld [tilespmem:s29+$0xFFFFFEA0];
	[tilespmem:s0+$0xFFFFFFA0] =	vst v23  }
0x199: {  	v18 =	vld [tilespmem:s29+$0xFFFFFEB0]  }
0x19a: {  	v20 =	vmul.f32 v20, v22;
	v22 =	vmul.f32 v26, v24;
	v23 =	vld [tilespmem:s28+$0xFFFFFFA0]  }
0x19b: {  	v24 =	vld [tilespmem:s28+$0xFFFFFFB0]  }
0x19c: {  	v20 =	vadd.f32 v22, v20;
	v22 =	vld [tilespmem:s13+$0xFFFFFFA0]  }
0x19d: {  	v25 =	vmul.f32 v25, v27;
	v26 =	vld [tilespmem:s13+$0xFFFFFFB0]  }
0x19e: {  	v18 =	vmul.f32 v18, v21;
	[tilespmem:s30+$0x90] =	vst v20;
	v20 =	vld.idx.msk [tilespmem:v13+s26+$0xFFFFFE80], $0xffff  }
0x19f: {  	v21 =	vld [tilespmem:s11+$0xE0]  }
0x1a0: {  	v18 =	vadd.f32 v18, v25;
	v25 =	vld [tilespmem:s11+$0xF0]  }
0x1a1: {  	v27 =	vld [tilespmem:s29+$0xE0];
	v22 =	vmul.f32 v22, v23  }
0x1a2: {  	[tilespmem:s30+$0xFFFFFEF8] =	vst v18;
	v18 =	vld [tilespmem:s29+$0xF0];
	v23 =	vmul.f32 v26, v24  }
0x1a3: {  	v24 =	vld [tilespmem:s11+$0xFFFFFEC0]  }
0x1a4: {  	v19 =	vadd.f32 v20, v19;
	v26 =	vld [tilespmem:s11+$0xFFFFFED0];
	v22 =	vadd.f32 v23, v22  }
0x1a5: {  	v20 =	vld [tilespmem:s29+$0xFFFFFEC0]  }
0x1a6: {  	v23 =	vld [tilespmem:s29+$0xFFFFFED0];
	[tilespmem:s0+$0xFFFFFFB8] =	vst v22  }
0x1a7: {  	v21 =	vmul.f32 v27, v21;
	v18 =	vmul.f32 v18, v25;
	v22 =	vld [tilespmem:s28+$0xFFFFFFC0]  }
0x1a8: {  	v25 =	vld [tilespmem:s28+$0xFFFFFFD0]  }
0x1a9: {  	v18 =	vadd.f32 v18, v21;
	v21 =	vld [tilespmem:s13+$0xFFFFFFC0]  }
0x1aa: {  	v20 =	vmul.f32 v20, v24;
	v24 =	vld [tilespmem:s13+$0xFFFFFFD0]  }
0x1ab: {  	v23 =	vmul.f32 v23, v26;
	[tilespmem:s30+$0xA8] =	vst v18;
	v18 =	vld.idx.msk [tilespmem:v14+s26+$0xFFFFFE80], $0xffff  }
0x1ac: {  	v26 =	vld [tilespmem:s11+$0x100]  }
0x1ad: {  	v20 =	vadd.f32 v23, v20;
	v23 =	vld [tilespmem:s11+$0x110]  }
0x1ae: {  	v27 =	vld [tilespmem:s29+$0x100];
	v21 =	vmul.f32 v21, v22  }
0x1af: {  	[tilespmem:s30+$0xFFFFFF10] =	vst v20;
	v20 =	vld [tilespmem:s29+$0x110];
	v22 =	vmul.f32 v24, v25  }
0x1b0: {  	v24 =	vld [tilespmem:s11+$0xFFFFFEE0]  }
0x1b1: {  	v25 =	vld [tilespmem:s11+$0xFFFFFEF0];
	v21 =	vadd.f32 v22, v21  }
0x1b2: {  	v22 =	vld [tilespmem:s29+$0xFFFFFEE0]  }
0x1b3: {  	v28 =	vld [tilespmem:s29+$0xFFFFFEF0];
	[tilespmem:s0+$0xFFFFFFD0] =	vst v21  }
0x1b4: {  	v21 =	vmul.f32 v27, v26;
	v20 =	vmul.f32 v20, v23;
	v23 =	vld [tilespmem:s28+$0xFFFFFFE0]  }
0x1b5: {  	v26 =	vld [tilespmem:s28+$0xFFFFFFF0];
	s28 =	smov.u32 s11  }
0x1b6: {  	v20 =	vadd.f32 v20, v21;
	v21 =	vld [tilespmem:s13+$0xFFFFFFE0]  }
0x1b7: {  	v22 =	vmul.f32 v22, v24;
	v24 =	vld [tilespmem:s13+$0xFFFFFFF0];
	s13 =	smov.u32 s29  }
0x1b8: {  	v25 =	vmul.f32 v28, v25;
	[tilespmem:s30+$0xC0] =	vst v20;
	v20 =	vld.idx.msk [tilespmem:v15+s26+$0xFFFFFE80], $0xffff;
	s26 =	smov.u32 s0;
	s0 =	smov.u32 s30  }
0x1b9: {  	v27 =	vld [tilespmem:s11+$0x120]  }
0x1ba: {  	v22 =	vadd.f32 v25, v22;
	v25 =	vld [tilespmem:s11+$0x130]  }
0x1bb: {  	v28 =	vld [tilespmem:s29+$0x120];
	v21 =	vmul.f32 v21, v23  }
0x1bc: {  	[tilespmem:s30+$0xFFFFFF28] =	vst v22;
	v22 =	vld [tilespmem:s29+$0x130];
	v23 =	vmul.f32 v24, v26  }
0x1bd: {  	v24 =	vld [tilespmem:s11+$0xFFFFFF00]  }
0x1be: {  	v18 =	vadd.f32 v20, v18;
	v26 =	vld [tilespmem:s11+$0xFFFFFF10];
	v21 =	vadd.f32 v23, v21  }
0x1bf: {  	v20 =	vld [tilespmem:s29+$0xFFFFFF00]  }
0x1c0: {  	v18 =	vadd.f32 v18, v19;
	v23 =	vld [tilespmem:s29+$0xFFFFFF10];
	[tilespmem:s26+$0xFFFFFFE8] =	vst v21  }
0x1c1: {  	v19 =	vmul.f32 v28, v27;
	v21 =	vmul.f32 v22, v25;
	v22 =	vld.idx.msk [tilespmem:v0+s26+$0xFFFFFE80], $0xffff  }
0x1c2: {  	v17 =	vadd.f32 v18, v17;
	v25 =	vld.idx.msk [tilespmem:v1+s26+$0xFFFFFE80], $0xffff  }
0x1c3: {  	v18 =	vadd.f32 v21, v19;
	v19 =	vld.idx.msk [tilespmem:v2+s26+$0xFFFFFE80], $0xffff  }
0x1c4: {  	v16 =	vadd.f32 v17, v16;
	v20 =	vmul.f32 v20, v24;
	v21 =	vld.idx.msk [tilespmem:v3+s26+$0xFFFFFE80], $0xffff  }
0x1c5: {  	v17 =	vmul.f32 v23, v26;
	[tilespmem:s30+$0xD8] =	vst v18;
	v18 =	vld.idx.msk [tilespmem:v4+s26+$0xFFFFFE80], $0xffff  }
0x1c6: {  	v23 =	vld [tilespmem:s11+$0x140];
	[tilespmem:s1+$0xFFFFFFF0] =	vst v16;
	s1 =	smov.u32 s31  }
0x1c7: {  	v16 =	vadd.f32 v17, v20;
	v17 =	vld [tilespmem:s11+$0x150]  }
0x1c8: {  	v22 =	vadd.f32 v25, v22;
	v20 =	vld [tilespmem:s29+$0x140]  }
0x1c9: {  	[tilespmem:s30+$0xFFFFFF40] =	vst v16;
	v16 =	vld [tilespmem:s29+$0x150]  }
0x1ca: {  	v19 =	vadd.f32 v21, v19;
	v24 =	vld [tilespmem:s11+$0xFFFFFF20]  }
0x1cb: {  	v21 =	vld [tilespmem:s11+$0xFFFFFF30]  }
0x1cc: {  	v26 =	vadd.f32 v19, v22;
	v25 =	vld [tilespmem:s29+$0xFFFFFF20]  }
0x1cd: {  	v19 =	vld [tilespmem:s29+$0xFFFFFF30]  }
0x1ce: {  	v20 =	vmul.f32 v20, v23;
	v16 =	vmul.f32 v16, v17;
	v17 =	vld.idx.msk [tilespmem:v5+s26+$0xFFFFFE80], $0xffff  }
0x1cf: {  	v22 =	vld.idx.msk [tilespmem:v6+s26+$0xFFFFFE80], $0xffff  }
0x1d0: {  	v16 =	vadd.f32 v16, v20;
	v20 =	vld.idx.msk [tilespmem:v7+s26+$0xFFFFFE80], $0xffff  }
0x1d1: {  	v23 =	vmul.f32 v25, v24;
	v24 =	vld.idx.msk [tilespmem:v8+s26+$0xFFFFFE80], $0xffff  }
0x1d2: {  	v19 =	vmul.f32 v19, v21;
	[tilespmem:s30+$0xF0] =	vst v16;
	v16 =	vld.idx.msk [tilespmem:v9+s26+$0xFFFFFE80], $0xffff  }
0x1d3: {  	v25 =	vld [tilespmem:s11+$0x160]  }
0x1d4: {  	v18 =	vadd.f32 v17, v18;
	v19 =	vadd.f32 v19, v23;
	v27 =	vld [tilespmem:s11+$0x170]  }
0x1d5: {  	v23 =	vld [tilespmem:s29+$0x160]  }
0x1d6: {  	v21 =	vadd.f32 v20, v22;
	[tilespmem:s30+$0xFFFFFF58] =	vst v19;
	v28 =	vld [tilespmem:s29+$0x170]  }
.Ltmp0:
0x1d7: {  	v19 =	vld [tilespmem:s11+$0xFFFFFF40];
	(pc) =	sbr.rel @p0 .LBB2_3-.Ltmp0, $4  }
0x1d8: {  	v17 =	vadd.f32 v16, v24;
	v16 =	vadd.f32 v21, v18;
	v20 =	vld [tilespmem:s11+$0xFFFFFF50]  }
0x1d9: {  	v21 =	vld [tilespmem:s29+$0xFFFFFF40]  }
0x1da: {  	v16 =	vadd.f32 v16, v26;
	v22 =	vld [tilespmem:s29+$0xFFFFFF50]  }
0x1db: {  	s11 =	sadd.s32 $0x400, s11;
	v23 =	vmul.f32 v23, v25;
	v24 =	vmul.f32 v28, v27;
	v18 =	vld.idx.msk [tilespmem:v10+s26+$0xFFFFFE80], $0xffff  }
0x1dc: {  	_ = 	snop  }
0x1dd: {  	v23 =	vadd.f32 v24, v23;
	_ =	sdelay $0x1  }
0x1de: {  	[tilespmem:s30+$0x108] =	vst v23  }
0x1df: {  	v23 =	vld [tilespmem:s28+$0x180]  }
0x1e0: {  	v24 =	vld [tilespmem:s28+$0x190]  }
0x1e1: {  	v25 =	vld [tilespmem:s13+$0x180]  }
0x1e2: {  	v26 =	vld [tilespmem:s13+$0x190];
	_ =	sdelay $0x4  }
0x1e3: {  	v23 =	vmul.f32 v25, v23;
	v24 =	vmul.f32 v26, v24;
	_ =	sdelay $0x1  }
0x1e4: {  	v23 =	vadd.f32 v24, v23;
	_ =	sdelay $0x1  }
0x1e5: {  	v19 =	vmul.f32 v21, v19;
	v20 =	vmul.f32 v22, v20;
	[tilespmem:s0+$0x120] =	vst v23  }
0x1e6: {  	v21 =	vld [tilespmem:s28+$0x1A0]  }
0x1e7: {  	v19 =	vadd.f32 v20, v19;
	v20 =	vld [tilespmem:s28+$0x1B0]  }
0x1e8: {  	v22 =	vld [tilespmem:s13+$0x1A0]  }
0x1e9: {  	[tilespmem:s30+$0xFFFFFF70] =	vst v19;
	v19 =	vld [tilespmem:s13+$0x1B0]  }
0x1ea: {  	v25 =	vld [tilespmem:s13+$0xFFFFFF60]  }
0x1eb: {  	v26 =	vld [tilespmem:s13+$0xFFFFFF70]  }
0x1ec: {  	v24 =	vld [tilespmem:s28+$0xFFFFFF70]  }
0x1ed: {  	v23 =	vld [tilespmem:s28+$0xFFFFFF60]  }
0x1ee: {  	v21 =	vmul.f32 v22, v21;
	v19 =	vmul.f32 v19, v20;
	_ =	sdelay $0x1  }
0x1ef: {  	v19 =	vadd.f32 v19, v21;
	_ =	sdelay $0x1  }
0x1f0: {  	v20 =	vmul.f32 v26, v24;
	[tilespmem:s0+$0x138] =	vst v19;
	v19 =	vmul.f32 v25, v23  }
0x1f1: {  	v21 =	vld [tilespmem:s28+$0x1C0]  }
0x1f2: {  	v22 =	vld [tilespmem:s28+$0x1D0];
	v19 =	vadd.f32 v20, v19  }
0x1f3: {  	v23 =	vld [tilespmem:s13+$0x1D0]  }
0x1f4: {  	v20 =	vld [tilespmem:s13+$0x1C0];
	[tilespmem:s0+$0xFFFFFF88] =	vst v19  }
0x1f5: {  	v19 =	vld [tilespmem:s28+$0xFFFFFF80]  }
0x1f6: {  	v24 =	vld [tilespmem:s28+$0xFFFFFF90]  }
0x1f7: {  	v25 =	vld [tilespmem:s13+$0xFFFFFF80]  }
0x1f8: {  	v26 =	vld [tilespmem:s13+$0xFFFFFF90]  }
0x1f9: {  	v20 =	vmul.f32 v20, v21;
	v21 =	vmul.f32 v23, v22;
	_ =	sdelay $0x1  }
0x1fa: {  	v20 =	vadd.f32 v21, v20;
	_ =	sdelay $0x1  }
0x1fb: {  	v19 =	vmul.f32 v25, v19;
	[tilespmem:s0+$0x150] =	vst v20;
	v20 =	vmul.f32 v26, v24  }
0x1fc: {  	v21 =	vld [tilespmem:s28+$0x1E0]  }
0x1fd: {  	v22 =	vld [tilespmem:s28+$0x1F0];
	v19 =	vadd.f32 v20, v19  }
0x1fe: {  	v23 =	vld [tilespmem:s13+$0x1F0]  }
0x1ff: {  	v20 =	vld [tilespmem:s13+$0x1E0];
	[tilespmem:s0+$0xFFFFFFA0] =	vst v19  }
0x200: {  	v19 =	vld [tilespmem:s28+$0xFFFFFFA0]  }
0x201: {  	v24 =	vld [tilespmem:s28+$0xFFFFFFB0]  }
0x202: {  	v25 =	vld [tilespmem:s13+$0xFFFFFFA0]  }
0x203: {  	v26 =	vld [tilespmem:s13+$0xFFFFFFB0];
	_ =	sdelay $0x2  }
0x204: {  	v20 =	vmul.f32 v20, v21;
	v21 =	vmul.f32 v23, v22;
	_ =	sdelay $0x1  }
0x205: {  	v20 =	vadd.f32 v21, v20;
	v19 =	vmul.f32 v25, v19;
	v21 =	vmul.f32 v26, v24;
	_ =	sdelay $0x1  }
0x206: {  	v39 =	vld.idx.msk [tilespmem:v11+s26+$0xFFFFFE80], $0xffff;
	v19 =	vadd.f32 v21, v19  }
0x207: {  	v63 =	vld.idx.msk [tilespmem:v12+s26+$0xFFFFFE80], $0xffff  }
0x208: {  	v48 =	vld.idx.msk [tilespmem:v13+s26+$0xFFFFFE80], $0xffff;
	[tilespmem:s0+$0xFFFFFFB8] =	vst v19  }
0x209: {  	v19 =	vld [tilespmem:s28+$0xFFFFFFC0]  }
0x20a: {  	v23 =	vld [tilespmem:s28+$0xFFFFFFD0]  }
0x20b: {  	v24 =	vld [tilespmem:s13+$0xFFFFFFC0]  }
0x20c: {  	v25 =	vld [tilespmem:s13+$0xFFFFFFD0]  }
0x20d: {  	v49 =	vld.idx.msk [tilespmem:v14+s26+$0xFFFFFE80], $0xffff  }
0x20e: {  	v40 =	vld.idx.msk [tilespmem:v15+s26+$0xFFFFFE80], $0xffff;
	[tilespmem:s0+$0x168] =	vst v20  }
0x20f: {  	v20 =	vld.idx.msk [tilespmem:v0+s0+$0x0], $0xffff  }
0x210: {  	v21 =	vld.idx.msk [tilespmem:v1+s0+$0x0], $0xffff  }
0x211: {  	v22 =	vld.idx.msk [tilespmem:v2+s0+$0x0], $0xffff;
	v19 =	vmul.f32 v24, v19;
	v23 =	vmul.f32 v25, v23  }
0x212: {  	v26 =	vld.idx.msk [tilespmem:v3+s0+$0x0], $0xffff  }
0x213: {  	v27 =	vld.idx.msk [tilespmem:v4+s0+$0x0], $0xffff;
	v19 =	vadd.f32 v23, v19  }
0x214: {  	v28 =	vld.idx.msk [tilespmem:v5+s0+$0x0], $0xffff  }
0x215: {  	v29 =	vld.idx.msk [tilespmem:v6+s0+$0x0], $0xffff;
	[tilespmem:s0+$0xFFFFFFD0] =	vst v19  }
0x216: {  	v19 =	vld [tilespmem:s28+$0xFFFFFFE0]  }
0x217: {  	v32 =	vld [tilespmem:s28+$0xFFFFFFF0]  }
0x218: {  	v33 =	vld [tilespmem:s13+$0xFFFFFFE0]  }
0x219: {  	v34 =	vld [tilespmem:s13+$0xFFFFFFF0]  }
0x21a: {  	v30 =	vld.idx.msk [tilespmem:v7+s0+$0x0], $0xffff  }
0x21b: {  	v31 =	vld.idx.msk [tilespmem:v11+s0+$0x0], $0xffff  }
0x21c: {  	v35 =	vld.idx.msk [tilespmem:v12+s0+$0x0], $0xffff  }
0x21d: {  	v36 =	vld.idx.msk [tilespmem:v13+s0+$0x0], $0xffff  }
0x21e: {  	v37 =	vld.idx.msk [tilespmem:v14+s0+$0x0], $0xffff;
	v19 =	vmul.f32 v33, v19;
	v32 =	vmul.f32 v34, v32  }
0x21f: {  	v38 =	vld.idx.msk [tilespmem:v15+s0+$0x0], $0xffff  }
0x220: {  	v24 =	vld.idx.msk [tilespmem:v8+s0+$0x0], $0xffff;
	v19 =	vadd.f32 v32, v19  }
0x221: {  	v25 =	vld.idx.msk [tilespmem:v9+s0+$0x0], $0xffff  }
0x222: {  	v23 =	vld.idx.msk [tilespmem:v10+s0+$0x0], $0xffff;
	[tilespmem:s0+$0xFFFFFFE8] =	vst v19  }
0x223: {  	v19 =	vld.idx.msk [tilespmem:v0+s0+$0xFFFFFE80], $0xffff  }
0x224: {  	v41 =	vld.idx.msk [tilespmem:v1+s0+$0xFFFFFE80], $0xffff  }
0x225: {  	v42 =	vld.idx.msk [tilespmem:v2+s0+$0xFFFFFE80], $0xffff  }
0x226: {  	v43 =	vld.idx.msk [tilespmem:v3+s0+$0xFFFFFE80], $0xffff  }
0x227: {  	v44 =	vld.idx.msk [tilespmem:v4+s0+$0xFFFFFE80], $0xffff  }
0x228: {  	v45 =	vld.idx.msk [tilespmem:v5+s0+$0xFFFFFE80], $0xffff  }
0x229: {  	v46 =	vld.idx.msk [tilespmem:v6+s0+$0xFFFFFE80], $0xffff  }
0x22a: {  	v20 =	vadd.f32 v21, v20;
	v21 =	vld.idx.msk [tilespmem:v7+s0+$0xFFFFFE80], $0xffff  }
0x22b: {  	v22 =	vadd.f32 v26, v22;
	v26 =	vadd.f32 v28, v27;
	v27 =	vld.idx.msk [tilespmem:v8+s0+$0xFFFFFE80], $0xffff  }
0x22c: {  	v18 =	vadd.f32 v39, v18;
	v24 =	vadd.f32 v25, v24;
	v25 =	vld.idx.msk [tilespmem:v9+s0+$0xFFFFFE80], $0xffff  }
0x22d: {  	v50 =	vadd.f32 v30, v29;
	v23 =	vadd.f32 v31, v23;
	v52 =	vld.idx.msk [tilespmem:v10+s0+$0xFFFFFE80], $0xffff  }
0x22e: {  	v51 =	vadd.f32 v36, v35;
	v20 =	vadd.f32 v22, v20;
	v22 =	vld.idx.msk [tilespmem:v11+s0+$0xFFFFFE80], $0xffff  }
0x22f: {  	v53 =	vadd.f32 v38, v37;
	v23 =	vadd.f32 v23, v24;
	v24 =	vld.idx.msk [tilespmem:v12+s0+$0xFFFFFE80], $0xffff  }
0x230: {  	v56 =	vadd.f32 v48, v63;
	v26 =	vadd.f32 v50, v26;
	v55 =	vld.idx.msk [tilespmem:v13+s0+$0xFFFFFE80], $0xffff  }
0x231: {  	v54 =	vadd.f32 v53, v51;
	v32 =	vadd.f32 v40, v49;
	v57 =	vld.idx.msk [tilespmem:v14+s0+$0xFFFFFE80], $0xffff  }
0x232: {  	v17 =	vadd.f32 v18, v17;
	v20 =	vadd.f32 v26, v20;
	v26 =	vld.idx.msk [tilespmem:v15+s0+$0xFFFFFE80], $0xffff  }
0x233: {  	v23 =	vadd.f32 v54, v23;
	v18 =	vadd.f32 v32, v56  }
0x234: {  	v19 =	vadd.f32 v41, v19;
	v58 =	vadd.f32 v43, v42  }
0x235: {  	v59 =	vadd.f32 v45, v44;
	v21 =	vadd.f32 v21, v46  }
0x236: {  	v25 =	vadd.f32 v25, v27;
	v22 =	vadd.f32 v22, v52  }
0x237: {  	v24 =	vadd.f32 v55, v24;
	v26 =	vadd.f32 v26, v57  }
0x238: {  	v19 =	vadd.f32 v58, v19;
	v21 =	vadd.f32 v21, v59  }
0x239: {  	v22 =	vadd.f32 v22, v25;
	v24 =	vadd.f32 v26, v24  }
0x23a: {  	v20 =	vadd.f32 v23, v20;
	v17 =	vadd.f32 v18, v17  }
0x23b: {  	v18 =	vadd.f32 v21, v19;
	v19 =	vadd.f32 v24, v22  }
0x23c: {  	s13 =	sadd.s32 $0x20, s31;
	v16 =	vadd.f32 v17, v16  }
0x23d: {  	s11 =	sadd.s32 s4, s25;
	[tilespmem:s13+$0x0] =	vst v20;
	v17 =	vadd.f32 v19, v18  }
0x23e: {  	s14 =	sshrl.u32 s11, $0x3;
	[tilespmem:s1+$0xFFFFFFF0] =	vst v16  }
0x23f: {  	s26 =	sadd.s32 s2, s14;
	[tilespmem:s13+$0xFFFFFFF0] =	vst v17  }
0x240: {  	[hbm4b:s26+s3] =	stream.linear.scatter [tilespmem:s19], [sflag:$0x5], $0x200, $0x38;
	[tilespmem:$0x1FA00] =	vst v63  }
0x241: {  	p0 =	seq.s32 s23, $0x18;
	_ =	swait.ge [sflag:s10], $0x200  }
0x242: {  	s11 =	simm.s32 @!p0 $0xC800;
	[sflag:s10] =	ssyncset.done $0x0  }
0x243: {  	s0 =	sadd.s32 @!p0 $0x400, s25;
	s1 =	simm.s32 @!p0 $0x200;
	[sflag:s10] =	ssyncadd.s32 $0xFFFFFE00  }
0x244: {  	[tilespmem:s11], [sflag:$0x1] =	stream.indirect.gather @!p0 [hbm4b:s5+s1], $0x20, s0, s1, $0xb8;
	[tilespmem:$0x1FA00] =	vst v63  }
0x245: {  	s0 =	sadd.s32 @!p0 $0x6800, s25;
	s11 =	simm.s32 @!p0 $0x14800  }
0x246: {  	[tilespmem:s11], [sflag:$0x3] =	stream.indirect.gather @!p0 [hbm4b:s6+s1], $0x20, s0, s1, $0xb8;
	[tilespmem:$0x1FA00] =	vst v63  }
0x247: {  	_ =	swait.ge [sflag:s20], $0x4000  }
0x248: {  	[sflag:s20] =	ssyncset.done $0x0  }
0x249: {  	[sflag:s20] =	ssyncadd.s32 $0xFFFFC000  }
0x24a: {  	_ =	swait.ge [sflag:s21], $0x4000  }
0x24b: {  	[sflag:s21] =	ssyncset.done $0x0  }
0x24c: {  	s31 =	simm.s32 $0x0;
	[sflag:s21] =	ssyncadd.s32 $0xFFFFC000  }
0x24d: {  	v16 =	vld [tilespmem:s31+$0x10A00]  }
0x24e: {  	v17 =	vld [tilespmem:s31+$0x10A10]  }
0x24f: {  	v18 =	vld [tilespmem:s31+$0x18A00]  }
0x250: {  	v19 =	vld [tilespmem:s31+$0x18A10];
	_ =	sdelay $0x4  }
0x251: {  	v16 =	vmul.f32 v18, v16;
	v17 =	vmul.f32 v19, v17;
	_ =	sdelay $0x1  }
0x252: {  	v16 =	vadd.f32 v17, v16  }
0x253: {  	s25 =	simm.s32 $0x1C980  }
0x254: {  	[tilespmem:s25+$0x0] =	vst v16  }
0x255: {  	v16 =	vld [tilespmem:s31+$0x10A20]  }
0x256: {  	v17 =	vld [tilespmem:s31+$0x10A30]  }
0x257: {  	v18 =	vld [tilespmem:s31+$0x18A20]  }
0x258: {  	v19 =	vld [tilespmem:s31+$0x18A30];
	_ =	sdelay $0x1  }
0x259: {  	v20 =	vld [tilespmem:s31+$0x10800]  }
0x25a: {  	v21 =	vld [tilespmem:s31+$0x10810]  }
0x25b: {  	v22 =	vld [tilespmem:s31+$0x18800]  }
0x25c: {  	v23 =	vld [tilespmem:s31+$0x18810];
	v16 =	vmul.f32 v18, v16;
	v17 =	vmul.f32 v19, v17;
	_ =	sdelay $0x1  }
0x25d: {  	v16 =	vadd.f32 v17, v16;
	_ =	sdelay $0x1  }
0x25e: {  	[tilespmem:s25+$0x18] =	vst v16  }
0x25f: {  	v17 =	vmul.f32 v23, v21;
	v16 =	vmul.f32 v22, v20;
	v18 =	vld [tilespmem:s31+$0x10A40]  }
0x260: {  	v19 =	vld [tilespmem:s31+$0x10A50]  }
0x261: {  	v20 =	vld [tilespmem:s31+$0x18A50];
	v16 =	vadd.f32 v17, v16  }
0x262: {  	v17 =	vld [tilespmem:s31+$0x18A40]  }
0x263: {  	[tilespmem:s25+$0xFFFFFE80] =	vst v16  }
0x264: {  	v16 =	vld [tilespmem:s31+$0x10820]  }
0x265: {  	v21 =	vld [tilespmem:s31+$0x10830]  }
0x266: {  	v22 =	vld [tilespmem:s31+$0x18820]  }
0x267: {  	v23 =	vld [tilespmem:s31+$0x18830];
	v17 =	vmul.f32 v17, v18;
	v18 =	vmul.f32 v20, v19;
	_ =	sdelay $0x1  }
0x268: {  	v17 =	vadd.f32 v18, v17;
	_ =	sdelay $0x1  }
0x269: {  	[tilespmem:s25+$0x30] =	vst v17  }
0x26a: {  	v16 =	vmul.f32 v22, v16;
	v17 =	vmul.f32 v23, v21;
	v18 =	vld [tilespmem:s31+$0x10A60]  }
0x26b: {  	v19 =	vld [tilespmem:s31+$0x10A70]  }
0x26c: {  	v20 =	vld [tilespmem:s31+$0x18A70];
	v16 =	vadd.f32 v17, v16  }
0x26d: {  	v17 =	vld [tilespmem:s31+$0x18A60]  }
0x26e: {  	[tilespmem:s25+$0xFFFFFE98] =	vst v16  }
0x26f: {  	v16 =	vld [tilespmem:s31+$0x10840]  }
0x270: {  	v21 =	vld [tilespmem:s31+$0x10850]  }
0x271: {  	v22 =	vld [tilespmem:s31+$0x18840]  }
0x272: {  	v23 =	vld [tilespmem:s31+$0x18850];
	v17 =	vmul.f32 v17, v18;
	v18 =	vmul.f32 v20, v19;
	_ =	sdelay $0x1  }
0x273: {  	v17 =	vadd.f32 v18, v17;
	_ =	sdelay $0x1  }
0x274: {  	[tilespmem:s25+$0x48] =	vst v17  }
0x275: {  	v16 =	vmul.f32 v22, v16;
	v17 =	vmul.f32 v23, v21;
	v18 =	vld [tilespmem:s31+$0x10A80]  }
0x276: {  	v19 =	vld [tilespmem:s31+$0x10A90]  }
0x277: {  	v20 =	vld [tilespmem:s31+$0x18A90];
	v16 =	vadd.f32 v17, v16  }
0x278: {  	v17 =	vld [tilespmem:s31+$0x18A80]  }
0x279: {  	[tilespmem:s25+$0xFFFFFEB0] =	vst v16  }
0x27a: {  	v16 =	vld [tilespmem:s31+$0x10860]  }
0x27b: {  	v21 =	vld [tilespmem:s31+$0x10870]  }
0x27c: {  	v22 =	vld [tilespmem:s31+$0x18860]  }
0x27d: {  	v23 =	vld [tilespmem:s31+$0x18870];
	v17 =	vmul.f32 v17, v18;
	v18 =	vmul.f32 v20, v19;
	_ =	sdelay $0x1  }
0x27e: {  	v17 =	vadd.f32 v18, v17;
	_ =	sdelay $0x1  }
0x27f: {  	[tilespmem:s25+$0x60] =	vst v17  }
0x280: {  	v16 =	vmul.f32 v22, v16;
	v17 =	vmul.f32 v23, v21;
	v18 =	vld [tilespmem:s31+$0x10AA0]  }
0x281: {  	v19 =	vld [tilespmem:s31+$0x10AB0]  }
0x282: {  	v20 =	vld [tilespmem:s31+$0x18AB0];
	v16 =	vadd.f32 v17, v16  }
0x283: {  	v17 =	vld [tilespmem:s31+$0x18AA0]  }
0x284: {  	[tilespmem:s25+$0xFFFFFEC8] =	vst v16  }
0x285: {  	v16 =	vld [tilespmem:s31+$0x10880]  }
0x286: {  	v21 =	vld [tilespmem:s31+$0x10890]  }
0x287: {  	v22 =	vld [tilespmem:s31+$0x18880]  }
0x288: {  	v23 =	vld [tilespmem:s31+$0x18890];
	v17 =	vmul.f32 v17, v18;
	v18 =	vmul.f32 v20, v19;
	_ =	sdelay $0x1  }
0x289: {  	v17 =	vadd.f32 v18, v17;
	_ =	sdelay $0x1  }
0x28a: {  	[tilespmem:s25+$0x78] =	vst v17  }
0x28b: {  	v16 =	vmul.f32 v22, v16;
	v17 =	vmul.f32 v23, v21;
	v18 =	vld [tilespmem:s31+$0x10AC0]  }
0x28c: {  	v19 =	vld [tilespmem:s31+$0x10AD0]  }
0x28d: {  	v20 =	vld [tilespmem:s31+$0x18AD0];
	v16 =	vadd.f32 v17, v16  }
0x28e: {  	v17 =	vld [tilespmem:s31+$0x18AC0]  }
0x28f: {  	[tilespmem:s25+$0xFFFFFEE0] =	vst v16  }
0x290: {  	v16 =	vld [tilespmem:s31+$0x108A0]  }
0x291: {  	v21 =	vld [tilespmem:s31+$0x108B0]  }
0x292: {  	v22 =	vld [tilespmem:s31+$0x188A0]  }
0x293: {  	v23 =	vld [tilespmem:s31+$0x188B0];
	v17 =	vmul.f32 v17, v18;
	v18 =	vmul.f32 v20, v19;
	_ =	sdelay $0x1  }
0x294: {  	v17 =	vadd.f32 v18, v17;
	_ =	sdelay $0x1  }
0x295: {  	[tilespmem:s25+$0x90] =	vst v17  }
0x296: {  	v16 =	vmul.f32 v22, v16;
	v17 =	vmul.f32 v23, v21;
	v18 =	vld [tilespmem:s31+$0x10AE0]  }
0x297: {  	v19 =	vld [tilespmem:s31+$0x10AF0]  }
0x298: {  	v20 =	vld [tilespmem:s31+$0x18AF0];
	v16 =	vadd.f32 v17, v16  }
0x299: {  	v17 =	vld [tilespmem:s31+$0x18AE0]  }
0x29a: {  	[tilespmem:s25+$0xFFFFFEF8] =	vst v16  }
0x29b: {  	v16 =	vld [tilespmem:s31+$0x108C0]  }
0x29c: {  	v21 =	vld [tilespmem:s31+$0x108D0]  }
0x29d: {  	v22 =	vld [tilespmem:s31+$0x188C0]  }
0x29e: {  	v23 =	vld [tilespmem:s31+$0x188D0];
	v17 =	vmul.f32 v17, v18;
	v18 =	vmul.f32 v20, v19;
	_ =	sdelay $0x1  }
0x29f: {  	v17 =	vadd.f32 v18, v17;
	_ =	sdelay $0x1  }
0x2a0: {  	[tilespmem:s25+$0xA8] =	vst v17  }
0x2a1: {  	v16 =	vmul.f32 v22, v16;
	v17 =	vmul.f32 v23, v21;
	v18 =	vld [tilespmem:s31+$0x10B00]  }
0x2a2: {  	v19 =	vld [tilespmem:s31+$0x10B10]  }
0x2a3: {  	v20 =	vld [tilespmem:s31+$0x18B10];
	v16 =	vadd.f32 v17, v16  }
0x2a4: {  	v17 =	vld [tilespmem:s31+$0x18B00]  }
0x2a5: {  	[tilespmem:s25+$0xFFFFFF10] =	vst v16  }
0x2a6: {  	v16 =	vld [tilespmem:s31+$0x108E0]  }
0x2a7: {  	v21 =	vld [tilespmem:s31+$0x108F0]  }
0x2a8: {  	v22 =	vld [tilespmem:s31+$0x188E0]  }
0x2a9: {  	v23 =	vld [tilespmem:s31+$0x188F0];
	v17 =	vmul.f32 v17, v18;
	v18 =	vmul.f32 v20, v19;
	_ =	sdelay $0x1  }
0x2aa: {  	v17 =	vadd.f32 v18, v17;
	_ =	sdelay $0x1  }
0x2ab: {  	[tilespmem:s25+$0xC0] =	vst v17  }
0x2ac: {  	v16 =	vmul.f32 v22, v16;
	v17 =	vmul.f32 v23, v21;
	v18 =	vld [tilespmem:s31+$0x10B20]  }
0x2ad: {  	v19 =	vld [tilespmem:s31+$0x10B30]  }
0x2ae: {  	v20 =	vld [tilespmem:s31+$0x18B30];
	v16 =	vadd.f32 v17, v16  }
0x2af: {  	v17 =	vld [tilespmem:s31+$0x18B20]  }
0x2b0: {  	[tilespmem:s25+$0xFFFFFF28] =	vst v16  }
0x2b1: {  	v16 =	vld [tilespmem:s31+$0x10900]  }
0x2b2: {  	v21 =	vld [tilespmem:s31+$0x10910]  }
0x2b3: {  	v22 =	vld [tilespmem:s31+$0x18900]  }
0x2b4: {  	v23 =	vld [tilespmem:s31+$0x18910];
	v17 =	vmul.f32 v17, v18;
	v18 =	vmul.f32 v20, v19;
	_ =	sdelay $0x1  }
0x2b5: {  	v17 =	vadd.f32 v18, v17;
	_ =	sdelay $0x1  }
0x2b6: {  	[tilespmem:s25+$0xD8] =	vst v17  }
0x2b7: {  	v16 =	vmul.f32 v22, v16;
	v17 =	vmul.f32 v23, v21;
	v18 =	vld [tilespmem:s31+$0x10B40]  }
0x2b8: {  	v19 =	vld [tilespmem:s31+$0x10B50]  }
0x2b9: {  	v20 =	vld [tilespmem:s31+$0x18B50];
	v16 =	vadd.f32 v17, v16  }
0x2ba: {  	v17 =	vld [tilespmem:s31+$0x18B40]  }
0x2bb: {  	[tilespmem:s25+$0xFFFFFF40] =	vst v16  }
0x2bc: {  	v16 =	vld [tilespmem:s31+$0x10920]  }
0x2bd: {  	v21 =	vld [tilespmem:s31+$0x10930]  }
0x2be: {  	v22 =	vld [tilespmem:s31+$0x18920]  }
0x2bf: {  	v23 =	vld [tilespmem:s31+$0x18930];
	v17 =	vmul.f32 v17, v18;
	v18 =	vmul.f32 v20, v19;
	_ =	sdelay $0x1  }
0x2c0: {  	v17 =	vadd.f32 v18, v17;
	_ =	sdelay $0x1  }
0x2c1: {  	[tilespmem:s25+$0xF0] =	vst v17  }
0x2c2: {  	v16 =	vmul.f32 v22, v16;
	v17 =	vmul.f32 v23, v21;
	v18 =	vld [tilespmem:s31+$0x10B60]  }
0x2c3: {  	v19 =	vld [tilespmem:s31+$0x10B70]  }
0x2c4: {  	v20 =	vld [tilespmem:s31+$0x18B70];
	v16 =	vadd.f32 v17, v16  }
0x2c5: {  	s26 =	simm.s32 $0x400;
	v17 =	vld [tilespmem:s31+$0x18B60]  }
0x2c6: {  	v24 =	vld [tilespmem:s26+$0x18A10];
	[tilespmem:s25+$0xFFFFFF58] =	vst v16  }
0x2c7: {  	v16 =	vld [tilespmem:s31+$0x10940]  }
0x2c8: {  	v21 =	vld [tilespmem:s31+$0x10950]  }
0x2c9: {  	v23 =	vld [tilespmem:s31+$0x18950]  }
0x2ca: {  	v22 =	vld [tilespmem:s31+$0x18940];
	v17 =	vmul.f32 v17, v18;
	v18 =	vmul.f32 v20, v19  }
0x2cb: {  	v19 =	vld [tilespmem:s26+$0x10A00]  }
0x2cc: {  	v20 =	vld [tilespmem:s26+$0x10A10];
	v17 =	vadd.f32 v18, v17  }
0x2cd: {  	v18 =	vld [tilespmem:s26+$0x18A00]  }
0x2ce: {  	v21 =	vmul.f32 v23, v21;
	v23 =	vld [tilespmem:s26+$0x10800];
	[tilespmem:s25+$0x108] =	vst v17  }
0x2cf: {  	v17 =	vld [tilespmem:s31+$0x10B80]  }
0x2d0: {  	v25 =	vld [tilespmem:s31+$0x10B90]  }
0x2d1: {  	v16 =	vmul.f32 v22, v16;
	v26 =	vld [tilespmem:s31+$0x18B80]  }
0x2d2: {  	v22 =	vld [tilespmem:s31+$0x18B90]  }
0x2d3: {  	v16 =	vadd.f32 v21, v16;
	v21 =	vld [tilespmem:s26+$0x18800]  }
0x2d4: {  	v18 =	vmul.f32 v18, v19;
	v19 =	vmul.f32 v24, v20;
	v20 =	vld [tilespmem:s26+$0x10810]  }
0x2d5: {  	[tilespmem:s25+$0xFFFFFF70] =	vst v16;
	v16 =	vld [tilespmem:s26+$0x18810]  }
0x2d6: {  	v60 =	vld [tilespmem:s31+$0x10960]  }
0x2d7: {  	v61 =	vld [tilespmem:s31+$0x10970];
	v18 =	vadd.f32 v19, v18  }
0x2d8: {  	s28 =	simm.s32 $0x1CC80;
	v62 =	vld [tilespmem:s31+$0x18960]  }
0x2d9: {  	v38 =	vld [tilespmem:s31+$0x18970];
	v17 =	vmul.f32 v26, v17;
	[tilespmem:s28+$0x0] =	vst v18;
	v18 =	vmul.f32 v22, v25  }
0x2da: {  	v19 =	vld [tilespmem:s26+$0x10A20]  }
0x2db: {  	v22 =	vld [tilespmem:s26+$0x10A30];
	v17 =	vadd.f32 v18, v17  }
0x2dc: {  	v16 =	vmul.f32 v16, v20;
	v20 =	vld [tilespmem:s26+$0x18A30]  }
0x2dd: {  	v21 =	vmul.f32 v21, v23;
	v18 =	vld [tilespmem:s26+$0x18A20];
	[tilespmem:s25+$0x120] =	vst v17  }
0x2de: {  	v17 =	vld [tilespmem:s31+$0x10BA0]  }
0x2df: {  	v16 =	vadd.f32 v16, v21;
	v21 =	vld [tilespmem:s31+$0x10BB0]  }
0x2e0: {  	v23 =	vld [tilespmem:s31+$0x18BA0]  }
0x2e1: {  	v28 =	vmul.f32 v62, v60;
	v29 =	vmul.f32 v38, v61;
	[tilespmem:s28+$0xFFFFFE80] =	vst v16;
	v16 =	vld [tilespmem:s31+$0x18BB0]  }
0x2e2: {  	v24 =	vld [tilespmem:s26+$0x10820];
	v18 =	vmul.f32 v18, v19;
	v19 =	vmul.f32 v20, v22  }
0x2e3: {  	v28 =	vadd.f32 v29, v28;
	v20 =	vld [tilespmem:s26+$0x10830]  }
0x2e4: {  	v22 =	vld [tilespmem:s26+$0x18820];
	v18 =	vadd.f32 v19, v18  }
0x2e5: {  	[tilespmem:s25+$0xFFFFFF88] =	vst v28;
	v19 =	vld [tilespmem:s26+$0x18830]  }
0x2e6: {  	v46 =	vld [tilespmem:s31+$0x10980];
	[tilespmem:s28+$0x18] =	vst v18  }
0x2e7: {  	v17 =	vmul.f32 v23, v17;
	v16 =	vmul.f32 v16, v21;
	v18 =	vld [tilespmem:s26+$0x10A40]  }
0x2e8: {  	v21 =	vld [tilespmem:s26+$0x10A50]  }
0x2e9: {  	v16 =	vadd.f32 v16, v17;
	v17 =	vld [tilespmem:s26+$0x18A40]  }
0x2ea: {  	v19 =	vmul.f32 v19, v20;
	v20 =	vld [tilespmem:s26+$0x18A50]  }
0x2eb: {  	v47 =	vld [tilespmem:s31+$0x10990];
	v22 =	vmul.f32 v22, v24;
	[tilespmem:s25+$0x138] =	vst v16  }
0x2ec: {  	v16 =	vld [tilespmem:s31+$0x10BC0]  }
0x2ed: {  	v23 =	vld [tilespmem:s31+$0x18BC0];
	v19 =	vadd.f32 v19, v22  }
0x2ee: {  	v22 =	vld [tilespmem:s31+$0x10BD0]  }
0x2ef: {  	v17 =	vmul.f32 v17, v18;
	[tilespmem:s28+$0xFFFFFE98] =	vst v19;
	v19 =	vld [tilespmem:s31+$0x18BD0];
	v18 =	vmul.f32 v20, v21  }
0x2f0: {  	v24 =	vld [tilespmem:s26+$0x10840]  }
0x2f1: {  	v20 =	vld [tilespmem:s26+$0x10850];
	v17 =	vadd.f32 v18, v17  }
0x2f2: {  	v18 =	vld [tilespmem:s26+$0x18850]  }
0x2f3: {  	v21 =	vld [tilespmem:s26+$0x18840];
	[tilespmem:s28+$0x30] =	vst v17  }
0x2f4: {  	v16 =	vmul.f32 v23, v16;
	v17 =	vmul.f32 v19, v22;
	v19 =	vld [tilespmem:s26+$0x10A60]  }
0x2f5: {  	v22 =	vld [tilespmem:s26+$0x10A70]  }
0x2f6: {  	v16 =	vadd.f32 v17, v16;
	v17 =	vld [tilespmem:s26+$0x18A60]  }
0x2f7: {  	v18 =	vmul.f32 v18, v20;
	v20 =	vld [tilespmem:s26+$0x18A70]  }
0x2f8: {  	v48 =	vld [tilespmem:s31+$0x18980];
	v21 =	vmul.f32 v21, v24;
	[tilespmem:s25+$0x150] =	vst v16  }
0x2f9: {  	v16 =	vld [tilespmem:s31+$0x10BE0]  }
0x2fa: {  	v18 =	vadd.f32 v18, v21;
	v21 =	vld [tilespmem:s31+$0x10BF0]  }
0x2fb: {  	v23 =	vld [tilespmem:s31+$0x18BE0]  }
0x2fc: {  	[tilespmem:s28+$0xFFFFFEB0] =	vst v18;
	v18 =	vld [tilespmem:s31+$0x18BF0];
	v17 =	vmul.f32 v17, v19;
	v19 =	vmul.f32 v20, v22  }
0x2fd: {  	v49 =	vld [tilespmem:s31+$0x18990]  }
0x2fe: {  	v27 =	vld [tilespmem:s26+$0x10860];
	v17 =	vadd.f32 v19, v17  }
0x2ff: {  	v63 =	vld [tilespmem:s26+$0x10870]  }
0x300: {  	v36 =	vld [tilespmem:s26+$0x18860];
	[tilespmem:s28+$0x48] =	vst v17  }
0x301: {  	v16 =	vmul.f32 v23, v16;
	v17 =	vmul.f32 v18, v21;
	v24 =	vld [tilespmem:s26+$0x10A80]  }
0x302: {  	v25 =	vld [tilespmem:s26+$0x10A90]  }
0x303: {  	v26 =	vld [tilespmem:s26+$0x18A80];
	v16 =	vadd.f32 v17, v16  }
0x304: {  	v39 =	vld [tilespmem:s26+$0x18A90]  }
0x305: {  	v37 =	vld [tilespmem:s26+$0x18870];
	[tilespmem:s25+$0x168] =	vst v16  }
0x306: {  	v16 =	vld.idx.msk [tilespmem:v0+s25+$0x0], $0xffff  }
0x307: {  	v17 =	vld.idx.msk [tilespmem:v1+s25+$0x0], $0xffff  }
0x308: {  	v18 =	vld.idx.msk [tilespmem:v2+s25+$0x0], $0xffff  }
0x309: {  	v20 =	vld.idx.msk [tilespmem:v3+s25+$0x0], $0xffff;
	v26 =	vmul.f32 v26, v24;
	v35 =	vmul.f32 v39, v25  }
0x30a: {  	v19 =	vld.idx.msk [tilespmem:v4+s25+$0x0], $0xffff  }
0x30b: {  	v21 =	vld.idx.msk [tilespmem:v5+s25+$0x0], $0xffff;
	v35 =	vadd.f32 v35, v26  }
0x30c: {  	v22 =	vld.idx.msk [tilespmem:v6+s25+$0x0], $0xffff  }
0x30d: {  	v32 =	vmul.f32 v36, v27;
	v31 =	vmul.f32 v37, v63;
	v23 =	vld.idx.msk [tilespmem:v7+s25+$0x0], $0xffff;
	[tilespmem:s28+$0x60] =	vst v35  }
0x30e: {  	v40 =	vld [tilespmem:s26+$0x10AA0]  }
0x30f: {  	v31 =	vadd.f32 v31, v32;
	v41 =	vld [tilespmem:s26+$0x10AB0]  }
0x310: {  	v35 =	vld [tilespmem:s26+$0x18AA0]  }
0x311: {  	[tilespmem:s28+$0xFFFFFEC8] =	vst v31;
	v42 =	vld [tilespmem:s26+$0x18AB0]  }
0x312: {  	v31 =	vld [tilespmem:s26+$0x10880]  }
0x313: {  	v43 =	vld [tilespmem:s26+$0x10890]  }
0x314: {  	v44 =	vld [tilespmem:s26+$0x18880]  }
0x315: {  	v45 =	vld [tilespmem:s26+$0x18890]  }
0x316: {  	v27 =	vld.idx.msk [tilespmem:v11+s25+$0x0], $0xffff;
	v33 =	vmul.f32 v35, v40;
	v30 =	vmul.f32 v42, v41  }
0x317: {  	v37 =	vld.idx.msk [tilespmem:v12+s25+$0x0], $0xffff  }
0x318: {  	v38 =	vld.idx.msk [tilespmem:v13+s25+$0x0], $0xffff;
	v30 =	vadd.f32 v30, v33  }
0x319: {  	v24 =	vld.idx.msk [tilespmem:v8+s25+$0x0], $0xffff  }
0x31a: {  	v25 =	vld.idx.msk [tilespmem:v9+s25+$0x0], $0xffff;
	v31 =	vmul.f32 v44, v31;
	v28 =	vmul.f32 v45, v43;
	[tilespmem:s28+$0x78] =	vst v30  }
0x31b: {  	v50 =	vld [tilespmem:s26+$0x10AC0]  }
0x31c: {  	v28 =	vadd.f32 v28, v31;
	v30 =	vld [tilespmem:s26+$0x10AD0]  }
0x31d: {  	v51 =	vld [tilespmem:s26+$0x18AC0]  }
0x31e: {  	v52 =	vmul.f32 v49, v47;
	v32 =	vmul.f32 v48, v46;
	[tilespmem:s28+$0xFFFFFEE0] =	vst v28;
	v53 =	vld [tilespmem:s26+$0x18AD0]  }
0x31f: {  	v54 =	vld [tilespmem:s26+$0x108A0]  }
0x320: {  	v28 =	vadd.f32 v52, v32;
	v55 =	vld [tilespmem:s26+$0x108B0]  }
0x321: {  	v56 =	vld [tilespmem:s26+$0x188A0]  }
0x322: {  	v57 =	vld [tilespmem:s26+$0x188B0];
	[tilespmem:s25+$0xFFFFFFA0] =	vst v28  }
0x323: {  	v58 =	vld [tilespmem:s31+$0x109A0];
	v29 =	vmul.f32 v51, v50;
	v30 =	vmul.f32 v53, v30  }
0x324: {  	v59 =	vld [tilespmem:s31+$0x109B0]  }
0x325: {  	v60 =	vld [tilespmem:s31+$0x189A0];
	v29 =	vadd.f32 v30, v29  }
0x326: {  	v61 =	vld [tilespmem:s31+$0x189B0]  }
0x327: {  	v39 =	vld.idx.msk [tilespmem:v14+s25+$0x0], $0xffff;
	v34 =	vmul.f32 v56, v54;
	v28 =	vmul.f32 v57, v55;
	[tilespmem:s28+$0x90] =	vst v29  }
0x328: {  	v29 =	vld [tilespmem:s26+$0x10AE0]  }
0x329: {  	v28 =	vadd.f32 v28, v34;
	v62 =	vld [tilespmem:s26+$0x10AF0]  }
0x32a: {  	v63 =	vld [tilespmem:s26+$0x18AE0]  }
0x32b: {  	v41 =	vmul.f32 v61, v59;
	[tilespmem:s28+$0xFFFFFEF8] =	vst v28;
	v30 =	vmul.f32 v60, v58;
	v40 =	vld [tilespmem:s26+$0x18AF0]  }
0x32c: {  	v42 =	vld [tilespmem:s26+$0x108C0]  }
0x32d: {  	v43 =	vld [tilespmem:s26+$0x108D0];
	v30 =	vadd.f32 v41, v30  }
0x32e: {  	v44 =	vld [tilespmem:s26+$0x188C0]  }
0x32f: {  	v45 =	vld [tilespmem:s26+$0x188D0];
	[tilespmem:s25+$0xFFFFFFB8] =	vst v30  }
0x330: {  	v30 =	vld [tilespmem:s31+$0x109C0];
	v29 =	vmul.f32 v63, v29;
	v28 =	vmul.f32 v40, v62  }
0x331: {  	v46 =	vld [tilespmem:s31+$0x109D0]  }
0x332: {  	v47 =	vld [tilespmem:s31+$0x189C0];
	v28 =	vadd.f32 v28, v29  }
0x333: {  	v48 =	vld [tilespmem:s31+$0x189D0]  }
0x334: {  	v26 =	vld.idx.msk [tilespmem:v10+s25+$0x0], $0xffff;
	v31 =	vmul.f32 v44, v42;
	v49 =	vmul.f32 v45, v43;
	[tilespmem:s28+$0xA8] =	vst v28  }
0x335: {  	v28 =	vld [tilespmem:s26+$0x10B00]  }
0x336: {  	v31 =	vadd.f32 v49, v31;
	v50 =	vld [tilespmem:s26+$0x10B10]  }
0x337: {  	v51 =	vld [tilespmem:s26+$0x18B00]  }
0x338: {  	[tilespmem:s28+$0xFFFFFF10] =	vst v31;
	v29 =	vmul.f32 v47, v30;
	v53 =	vmul.f32 v48, v46;
	v52 =	vld [tilespmem:s26+$0x18B10]  }
0x339: {  	v54 =	vld [tilespmem:s26+$0x108E0]  }
0x33a: {  	v55 =	vld [tilespmem:s26+$0x108F0];
	v29 =	vadd.f32 v53, v29  }
0x33b: {  	v56 =	vld [tilespmem:s26+$0x188E0]  }
0x33c: {  	v57 =	vld [tilespmem:s26+$0x188F0];
	[tilespmem:s25+$0xFFFFFFD0] =	vst v29  }
0x33d: {  	v59 =	vld [tilespmem:s31+$0x109E0];
	v28 =	vmul.f32 v51, v28;
	v58 =	vmul.f32 v52, v50  }
0x33e: {  	v60 =	vld [tilespmem:s31+$0x109F0]  }
0x33f: {  	v61 =	vld [tilespmem:s31+$0x189E0];
	v28 =	vadd.f32 v58, v28  }
0x340: {  	v62 =	vld [tilespmem:s31+$0x189F0]  }
0x341: {  	v63 =	vld.idx.msk [tilespmem:v15+s25+$0x0], $0xffff;
	v31 =	vmul.f32 v56, v54;
	v41 =	vmul.f32 v57, v55;
	[tilespmem:s28+$0xC0] =	vst v28  }
0x342: {  	v28 =	vld [tilespmem:s26+$0x10B20]  }
0x343: {  	v31 =	vadd.f32 v41, v31;
	v42 =	vld [tilespmem:s26+$0x10B30]  }
0x344: {  	v43 =	vld [tilespmem:s26+$0x18B20]  }
0x345: {  	[tilespmem:s28+$0xFFFFFF28] =	vst v31;
	v29 =	vmul.f32 v61, v59;
	v45 =	vmul.f32 v62, v60;
	v44 =	vld [tilespmem:s26+$0x18B30]  }
0x346: {  	v46 =	vld [tilespmem:s26+$0x10900]  }
0x347: {  	v47 =	vld [tilespmem:s26+$0x10910];
	v29 =	vadd.f32 v45, v29  }
0x348: {  	v48 =	vld [tilespmem:s26+$0x18900]  }
0x349: {  	v49 =	vld [tilespmem:s26+$0x18910];
	[tilespmem:s25+$0xFFFFFFE8] =	vst v29  }
0x34a: {  	v51 =	vld.idx.msk [tilespmem:v0+s25+$0xFFFFFE80], $0xffff;
	v28 =	vmul.f32 v43, v28;
	v50 =	vmul.f32 v44, v42  }
0x34b: {  	v52 =	vld.idx.msk [tilespmem:v1+s25+$0xFFFFFE80], $0xffff  }
0x34c: {  	v53 =	vld.idx.msk [tilespmem:v2+s25+$0xFFFFFE80], $0xffff;
	v28 =	vadd.f32 v50, v28  }
0x34d: {  	v54 =	vld.idx.msk [tilespmem:v3+s25+$0xFFFFFE80], $0xffff  }
0x34e: {  	v31 =	vmul.f32 v48, v46;
	v55 =	vmul.f32 v49, v47;
	v56 =	vld.idx.msk [tilespmem:v4+s25+$0xFFFFFE80], $0xffff;
	[tilespmem:s28+$0xD8] =	vst v28  }
0x34f: {  	v57 =	vld [tilespmem:s26+$0x10B40]  }
0x350: {  	v31 =	vadd.f32 v55, v31;
	v58 =	vld [tilespmem:s26+$0x10B50]  }
0x351: {  	v59 =	vld [tilespmem:s26+$0x18B40]  }
0x352: {  	[tilespmem:s28+$0xFFFFFF40] =	vst v31;
	v60 =	vld [tilespmem:s26+$0x18B50]  }
0x353: {  	v16 =	vadd.f32 v17, v16;
	v17 =	vadd.f32 v20, v18;
	v61 =	vld [tilespmem:s26+$0x10920]  }
0x354: {  	v19 =	vadd.f32 v21, v19;
	v20 =	vadd.f32 v23, v22;
	v18 =	vld [tilespmem:s26+$0x10930]  }
0x355: {  	v22 =	vadd.f32 v25, v24;
	v25 =	vadd.f32 v38, v37;
	v21 =	vld [tilespmem:s26+$0x18920]  }
0x356: {  	v16 =	vadd.f32 v17, v16;
	v23 =	vadd.f32 v27, v26;
	v24 =	vld [tilespmem:s26+$0x18930]  }
0x357: {  	v63 =	vadd.f32 v63, v39;
	v62 =	vld.idx.msk [tilespmem:v5+s25+$0xFFFFFE80], $0xffff;
	v26 =	vmul.f32 v59, v57;
	v27 =	vmul.f32 v60, v58  }
0x358: {  	v19 =	vadd.f32 v20, v19;
	v22 =	vadd.f32 v23, v22;
	v17 =	vld.idx.msk [tilespmem:v6+s25+$0xFFFFFE80], $0xffff  }
0x359: {  	v23 =	vadd.f32 v63, v25;
	v25 =	vld.idx.msk [tilespmem:v8+s25+$0xFFFFFE80], $0xffff;
	v20 =	vadd.f32 v27, v26  }
0x35a: {  	v26 =	vld.idx.msk [tilespmem:v7+s25+$0xFFFFFE80], $0xffff  }
0x35b: {  	v21 =	vmul.f32 v21, v61;
	v24 =	vmul.f32 v24, v18;
	v27 =	vld.idx.msk [tilespmem:v9+s25+$0xFFFFFE80], $0xffff;
	[tilespmem:s28+$0xF0] =	vst v20  }
0x35c: {  	v16 =	vadd.f32 v19, v16;
	v18 =	vld [tilespmem:s26+$0x10B60]  }
0x35d: {  	v19 =	vadd.f32 v23, v22;
	v20 =	vadd.f32 v24, v21;
	v21 =	vld [tilespmem:s26+$0x10B70]  }
0x35e: {  	v23 =	vadd.f32 v52, v51;
	v29 =	vadd.f32 v54, v53;
	v22 =	vld [tilespmem:s26+$0x18B60]  }
0x35f: {  	v28 =	vadd.f32 v62, v56;
	v24 =	vld [tilespmem:s26+$0x18B70];
	[tilespmem:s28+$0xFFFFFF58] =	vst v20;
	v17 =	vadd.f32 v26, v17  }
0x360: {  	v16 =	vadd.f32 v19, v16;
	v19 =	vld [tilespmem:s26+$0x10940]  }
0x361: {  	v26 =	vadd.f32 v29, v23;
	v20 =	vld [tilespmem:s26+$0x10950];
	v28 =	vadd.f32 v17, v28  }
0x362: {  	s29 =	simm.s32 $0x1F810;
	s30 =	simm.s32 $0x1F810;
	v23 =	vld [tilespmem:s26+$0x18940]  }
0x363: {  	s0 =	simm.s32 $0x2;
	s11 =	simm.s32 $0x2000;
	s1 =	simm.s32 $0x1CC80;
	[tilespmem:s29+$0x0] =	vst v16;
	v17 =	vadd.f32 v27, v25;
	v25 =	vld [tilespmem:s26+$0x18950];
	v16 =	vadd.f32 v28, v26  }
.LBB2_5:
0x364: {  	s13 =	sshra.s32 s11, $0x2;
	v22 =	vmul.f32 v22, v18;
	v21 =	vmul.f32 v24, v21;
	v18 =	vld.idx.msk [tilespmem:v10+s25+$0xFFFFFE80], $0xffff  }
0x365: {  	v24 =	vld [tilespmem:s13+$0x10A00]  }
0x366: {  	v26 =	vld [tilespmem:s13+$0x10A10];
	v21 =	vadd.f32 v21, v22  }
0x367: {  	v22 =	vld [tilespmem:s13+$0x18A00];
	v19 =	vmul.f32 v23, v19  }
0x368: {  	v23 =	vld [tilespmem:s13+$0x18A10];
	v20 =	vmul.f32 v25, v20;
	[tilespmem:s28+$0x108] =	vst v21  }
0x369: {  	v21 =	vld [tilespmem:s26+$0x10B80]  }
0x36a: {  	v19 =	vadd.f32 v20, v19;
	v20 =	vld [tilespmem:s26+$0x10B90]  }
0x36b: {  	v25 =	vld [tilespmem:s26+$0x18B80]  }
0x36c: {  	[tilespmem:s28+$0xFFFFFF70] =	vst v19;
	v19 =	vld [tilespmem:s26+$0x18B90]  }
0x36d: {  	v22 =	vmul.f32 v22, v24;
	v27 =	vld [tilespmem:s13+$0x10800];
	v23 =	vmul.f32 v23, v26  }
0x36e: {  	v24 =	vld [tilespmem:s13+$0x10810]  }
0x36f: {  	v26 =	vld [tilespmem:s13+$0x18800];
	v22 =	vadd.f32 v23, v22  }
0x370: {  	s28 =	sadd.s32 $0x300, s28;
	v23 =	vld [tilespmem:s13+$0x18810]  }
0x371: {  	v21 =	vmul.f32 v25, v21;
	[tilespmem:s28+$0x0] =	vst v22;
	v22 =	vld [tilespmem:s26+$0x10960];
	v19 =	vmul.f32 v19, v20  }
0x372: {  	v20 =	vld [tilespmem:s13+$0x10A20]  }
0x373: {  	v25 =	vld [tilespmem:s13+$0x10A30];
	v19 =	vadd.f32 v19, v21  }
0x374: {  	v21 =	vmul.f32 v26, v27;
	v26 =	vld [tilespmem:s13+$0x18A20]  }
0x375: {  	v23 =	vmul.f32 v23, v24;
	v24 =	vld [tilespmem:s13+$0x18A30];
	[tilespmem:s1+$0x120] =	vst v19  }
0x376: {  	v19 =	vld [tilespmem:s26+$0x10BA0]  }
0x377: {  	v21 =	vadd.f32 v23, v21;
	v23 =	vld [tilespmem:s26+$0x10BB0]  }
0x378: {  	v27 =	vld [tilespmem:s26+$0x18BA0]  }
0x379: {  	[tilespmem:s28+$0xFFFFFE80] =	vst v21;
	v21 =	vld [tilespmem:s26+$0x18BB0]  }
0x37a: {  	v20 =	vmul.f32 v26, v20;
	v28 =	vld [tilespmem:s13+$0x10820];
	v24 =	vmul.f32 v24, v25  }
0x37b: {  	v25 =	vld [tilespmem:s13+$0x10830]  }
0x37c: {  	v26 =	vld [tilespmem:s13+$0x18820];
	v20 =	vadd.f32 v24, v20  }
0x37d: {  	v24 =	vld [tilespmem:s13+$0x18830]  }
0x37e: {  	v19 =	vmul.f32 v27, v19;
	[tilespmem:s28+$0x18] =	vst v20;
	v20 =	vld [tilespmem:s26+$0x10970];
	v21 =	vmul.f32 v21, v23  }
0x37f: {  	v23 =	vld [tilespmem:s13+$0x10A40]  }
0x380: {  	v27 =	vld [tilespmem:s13+$0x10A50];
	v19 =	vadd.f32 v21, v19  }
0x381: {  	v21 =	vmul.f32 v26, v28;
	v26 =	vld [tilespmem:s13+$0x18A40]  }
0x382: {  	v24 =	vmul.f32 v24, v25;
	v25 =	vld [tilespmem:s13+$0x18A50];
	[tilespmem:s1+$0x138] =	vst v19  }
0x383: {  	v19 =	vld [tilespmem:s26+$0x10BC0]  }
0x384: {  	v21 =	vadd.f32 v24, v21;
	v24 =	vld [tilespmem:s26+$0x10BD0]  }
0x385: {  	v28 =	vld [tilespmem:s26+$0x18BC0]  }
0x386: {  	[tilespmem:s28+$0xFFFFFE98] =	vst v21;
	v21 =	vld [tilespmem:s26+$0x18BD0]  }
0x387: {  	v23 =	vmul.f32 v26, v23;
	v29 =	vld [tilespmem:s13+$0x10840];
	v25 =	vmul.f32 v25, v27  }
0x388: {  	v26 =	vld [tilespmem:s13+$0x10850]  }
0x389: {  	v27 =	vld [tilespmem:s13+$0x18840];
	v23 =	vadd.f32 v25, v23  }
0x38a: {  	v25 =	vld [tilespmem:s13+$0x18850]  }
0x38b: {  	v19 =	vmul.f32 v28, v19;
	[tilespmem:s28+$0x30] =	vst v23;
	v23 =	vld [tilespmem:s26+$0x18960];
	v21 =	vmul.f32 v21, v24  }
0x38c: {  	v24 =	vld [tilespmem:s13+$0x10A60]  }
0x38d: {  	v28 =	vld [tilespmem:s13+$0x10A70];
	v19 =	vadd.f32 v21, v19  }
0x38e: {  	v21 =	vmul.f32 v27, v29;
	v27 =	vld [tilespmem:s13+$0x18A60]  }
0x38f: {  	v25 =	vmul.f32 v25, v26;
	v26 =	vld [tilespmem:s13+$0x18A70];
	[tilespmem:s1+$0x150] =	vst v19  }
0x390: {  	v19 =	vmul.f32 v23, v22;
	v22 =	vld [tilespmem:s26+$0x10BE0]  }
0x391: {  	v21 =	vadd.f32 v25, v21;
	v23 =	vld [tilespmem:s26+$0x10BF0]  }
0x392: {  	v25 =	vld [tilespmem:s26+$0x18BE0]  }
0x393: {  	[tilespmem:s28+$0xFFFFFEB0] =	vst v21;
	v21 =	vld [tilespmem:s26+$0x18BF0]  }
0x394: {  	v24 =	vmul.f32 v27, v24;
	v29 =	vld [tilespmem:s13+$0x10860];
	v26 =	vmul.f32 v26, v28  }
0x395: {  	v27 =	vld [tilespmem:s13+$0x10870]  }
0x396: {  	v28 =	vld [tilespmem:s13+$0x18860];
	v24 =	vadd.f32 v26, v24  }
0x397: {  	v26 =	vld [tilespmem:s13+$0x18870]  }
0x398: {  	v22 =	vmul.f32 v25, v22;
	[tilespmem:s28+$0x48] =	vst v24;
	v24 =	vld [tilespmem:s26+$0x18970];
	v21 =	vmul.f32 v21, v23  }
0x399: {  	v23 =	vld [tilespmem:s13+$0x10A80]  }
0x39a: {  	v25 =	vld [tilespmem:s13+$0x10A90];
	v21 =	vadd.f32 v21, v22  }
0x39b: {  	v22 =	vmul.f32 v28, v29;
	v28 =	vld [tilespmem:s13+$0x18A80]  }
0x39c: {  	v26 =	vmul.f32 v26, v27;
	v27 =	vld [tilespmem:s13+$0x18A90];
	[tilespmem:s1+$0x168] =	vst v21  }
0x39d: {  	v20 =	vmul.f32 v24, v20;
	v21 =	vld.idx.msk [tilespmem:v0+s1+$0x0], $0xffff  }
0x39e: {  	v22 =	vadd.f32 v26, v22;
	v24 =	vld.idx.msk [tilespmem:v1+s1+$0x0], $0xffff  }
0x39f: {  	v19 =	vadd.f32 v20, v19;
	v20 =	vld.idx.msk [tilespmem:v2+s1+$0x0], $0xffff  }
0x3a0: {  	[tilespmem:s28+$0xFFFFFEC8] =	vst v22;
	v22 =	vld.idx.msk [tilespmem:v3+s1+$0x0], $0xffff  }
0x3a1: {  	[tilespmem:s1+$0xFFFFFF88] =	vst v19;
	v19 =	vld.idx.msk [tilespmem:v4+s1+$0x0], $0xffff  }
0x3a2: {  	v26 =	vld.idx.msk [tilespmem:v5+s1+$0x0], $0xffff  }
0x3a3: {  	v29 =	vld.idx.msk [tilespmem:v6+s1+$0x0], $0xffff  }
0x3a4: {  	v30 =	vld.idx.msk [tilespmem:v7+s1+$0x0], $0xffff  }
0x3a5: {  	v31 =	vld.idx.msk [tilespmem:v8+s1+$0x0], $0xffff  }
0x3a6: {  	v32 =	vld.idx.msk [tilespmem:v9+s1+$0x0], $0xffff  }
0x3a7: {  	v33 =	vld.idx.msk [tilespmem:v10+s1+$0x0], $0xffff  }
0x3a8: {  	v23 =	vmul.f32 v28, v23;
	v25 =	vmul.f32 v27, v25;
	v27 =	vld.idx.msk [tilespmem:v11+s1+$0x0], $0xffff  }
0x3a9: {  	v28 =	vld.idx.msk [tilespmem:v12+s1+$0x0], $0xffff  }
0x3aa: {  	v23 =	vadd.f32 v25, v23;
	v25 =	vld.idx.msk [tilespmem:v13+s1+$0x0], $0xffff  }
0x3ab: {  	s0 =	sadd.s32 $0x2, s0;
	v34 =	vld.idx.msk [tilespmem:v14+s1+$0x0], $0xffff  }
0x3ac: {  	p0 =	slt.u32 s0, $0x1E;
	[tilespmem:s28+$0x60] =	vst v23;
	v23 =	vld.idx.msk [tilespmem:v15+s1+$0x0], $0xffff  }
0x3ad: {  	v35 =	vld [tilespmem:s13+$0x10AA0]  }
0x3ae: {  	v36 =	vld [tilespmem:s13+$0x10AB0]  }
0x3af: {  	v21 =	vadd.f32 v24, v21;
	v20 =	vadd.f32 v22, v20;
	v37 =	vld [tilespmem:s13+$0x18AA0]  }
0x3b0: {  	v19 =	vadd.f32 v26, v19;
	v24 =	vadd.f32 v30, v29;
	v22 =	vld [tilespmem:s13+$0x18AB0]  }
0x3b1: {  	v29 =	vadd.f32 v32, v31;
	v27 =	vadd.f32 v27, v33;
	v26 =	vld [tilespmem:s13+$0x10880]  }
0x3b2: {  	v25 =	vadd.f32 v25, v28;
	v23 =	vadd.f32 v23, v34;
	v30 =	vld [tilespmem:s13+$0x10890]  }
0x3b3: {  	v20 =	vadd.f32 v20, v21;
	v19 =	vadd.f32 v24, v19;
	v28 =	vld [tilespmem:s13+$0x18880]  }
0x3b4: {  	v24 =	vadd.f32 v27, v29;
	v23 =	vadd.f32 v23, v25;
	v21 =	vld [tilespmem:s13+$0x18890]  }
0x3b5: {  	v25 =	vmul.f32 v37, v35;
	v22 =	vmul.f32 v22, v36;
	v27 =	vld [tilespmem:s26+$0x10980]  }
0x3b6: {  	v19 =	vadd.f32 v19, v20;
	v20 =	vadd.f32 v23, v24;
	v29 =	vld [tilespmem:s26+$0x10990]  }
0x3b7: {  	v22 =	vadd.f32 v22, v25;
	v23 =	vld [tilespmem:s26+$0x18980]  }
0x3b8: {  	v19 =	vadd.f32 v20, v19;
	v24 =	vmul.f32 v28, v26;
	v25 =	vld [tilespmem:s26+$0x18990]  }
0x3b9: {  	s29 =	sadd.s32 $0x20, s29;
	v20 =	vmul.f32 v21, v30;
	[tilespmem:s28+$0x78] =	vst v22;
	v21 =	vld.idx.msk [tilespmem:v11+s25+$0xFFFFFE80], $0xffff  }
0x3ba: {  	[tilespmem:s29+$0x0] =	vst v19;
	v19 =	vld.idx.msk [tilespmem:v12+s25+$0xFFFFFE80], $0xffff  }
0x3bb: {  	v20 =	vadd.f32 v20, v24;
	v22 =	vld [tilespmem:s13+$0x10AC0]  }
0x3bc: {  	v24 =	vld [tilespmem:s13+$0x10AD0];
	v23 =	vmul.f32 v23, v27  }
0x3bd: {  	[tilespmem:s28+$0xFFFFFEE0] =	vst v20;
	v20 =	vld [tilespmem:s13+$0x18AC0];
	v25 =	vmul.f32 v25, v29  }
0x3be: {  	v26 =	vld [tilespmem:s13+$0x18AD0]  }
0x3bf: {  	v18 =	vadd.f32 v21, v18;
	v27 =	vld [tilespmem:s13+$0x108A0];
	v23 =	vadd.f32 v25, v23  }
0x3c0: {  	v21 =	vld [tilespmem:s13+$0x108B0]  }
0x3c1: {  	v17 =	vadd.f32 v18, v17;
	v25 =	vld [tilespmem:s13+$0x188A0];
	[tilespmem:s1+$0xFFFFFFA0] =	vst v23  }
0x3c2: {  	v18 =	vld [tilespmem:s13+$0x188B0]  }
0x3c3: {  	v20 =	vmul.f32 v20, v22;
	v22 =	vmul.f32 v26, v24;
	v23 =	vld [tilespmem:s26+$0x109A0]  }
0x3c4: {  	v24 =	vld [tilespmem:s26+$0x109B0]  }
0x3c5: {  	v20 =	vadd.f32 v22, v20;
	v22 =	vld [tilespmem:s26+$0x189A0]  }
0x3c6: {  	v25 =	vmul.f32 v25, v27;
	v26 =	vld [tilespmem:s26+$0x189B0]  }
0x3c7: {  	v18 =	vmul.f32 v18, v21;
	[tilespmem:s28+$0x90] =	vst v20;
	v20 =	vld.idx.msk [tilespmem:v13+s25+$0xFFFFFE80], $0xffff  }
0x3c8: {  	v21 =	vld [tilespmem:s13+$0x10AE0]  }
0x3c9: {  	v18 =	vadd.f32 v18, v25;
	v25 =	vld [tilespmem:s13+$0x10AF0]  }
0x3ca: {  	v27 =	vld [tilespmem:s13+$0x18AE0];
	v22 =	vmul.f32 v22, v23  }
0x3cb: {  	[tilespmem:s28+$0xFFFFFEF8] =	vst v18;
	v18 =	vld [tilespmem:s13+$0x18AF0];
	v23 =	vmul.f32 v26, v24  }
0x3cc: {  	v24 =	vld [tilespmem:s13+$0x108C0]  }
0x3cd: {  	v19 =	vadd.f32 v20, v19;
	v26 =	vld [tilespmem:s13+$0x108D0];
	v22 =	vadd.f32 v23, v22  }
0x3ce: {  	v20 =	vld [tilespmem:s13+$0x188C0]  }
0x3cf: {  	v23 =	vld [tilespmem:s13+$0x188D0];
	[tilespmem:s1+$0xFFFFFFB8] =	vst v22  }
0x3d0: {  	v21 =	vmul.f32 v27, v21;
	v18 =	vmul.f32 v18, v25;
	v22 =	vld [tilespmem:s26+$0x109C0]  }
0x3d1: {  	v25 =	vld [tilespmem:s26+$0x109D0]  }
0x3d2: {  	v18 =	vadd.f32 v18, v21;
	v21 =	vld [tilespmem:s26+$0x189C0]  }
0x3d3: {  	v20 =	vmul.f32 v20, v24;
	v24 =	vld [tilespmem:s26+$0x189D0]  }
0x3d4: {  	v23 =	vmul.f32 v23, v26;
	[tilespmem:s28+$0xA8] =	vst v18;
	v18 =	vld.idx.msk [tilespmem:v14+s25+$0xFFFFFE80], $0xffff  }
0x3d5: {  	v26 =	vld [tilespmem:s13+$0x10B00]  }
0x3d6: {  	v20 =	vadd.f32 v23, v20;
	v23 =	vld [tilespmem:s13+$0x10B10]  }
0x3d7: {  	v27 =	vld [tilespmem:s13+$0x18B00];
	v21 =	vmul.f32 v21, v22  }
0x3d8: {  	[tilespmem:s28+$0xFFFFFF10] =	vst v20;
	v20 =	vld [tilespmem:s13+$0x18B10];
	v22 =	vmul.f32 v24, v25  }
0x3d9: {  	v24 =	vld [tilespmem:s13+$0x108E0]  }
0x3da: {  	v25 =	vld [tilespmem:s13+$0x108F0];
	v21 =	vadd.f32 v22, v21  }
0x3db: {  	v22 =	vld [tilespmem:s13+$0x188E0]  }
0x3dc: {  	v28 =	vld [tilespmem:s13+$0x188F0];
	[tilespmem:s1+$0xFFFFFFD0] =	vst v21  }
0x3dd: {  	v21 =	vmul.f32 v27, v26;
	v20 =	vmul.f32 v20, v23;
	v23 =	vld [tilespmem:s26+$0x109E0]  }
0x3de: {  	v26 =	vld [tilespmem:s26+$0x109F0]  }
0x3df: {  	v20 =	vadd.f32 v20, v21;
	v21 =	vld [tilespmem:s26+$0x189E0]  }
0x3e0: {  	v22 =	vmul.f32 v22, v24;
	v24 =	vld [tilespmem:s26+$0x189F0];
	s26 =	smov.u32 s13  }
0x3e1: {  	v25 =	vmul.f32 v28, v25;
	[tilespmem:s28+$0xC0] =	vst v20;
	v20 =	vld.idx.msk [tilespmem:v15+s25+$0xFFFFFE80], $0xffff;
	s25 =	smov.u32 s1;
	s1 =	smov.u32 s28  }
0x3e2: {  	v27 =	vld [tilespmem:s26+$0x10B20]  }
0x3e3: {  	v22 =	vadd.f32 v25, v22;
	v25 =	vld [tilespmem:s26+$0x10B30]  }
0x3e4: {  	v28 =	vld [tilespmem:s26+$0x18B20];
	v21 =	vmul.f32 v21, v23  }
0x3e5: {  	[tilespmem:s28+$0xFFFFFF28] =	vst v22;
	v22 =	vld [tilespmem:s26+$0x18B30];
	v23 =	vmul.f32 v24, v26  }
0x3e6: {  	v24 =	vld [tilespmem:s26+$0x10900]  }
0x3e7: {  	v18 =	vadd.f32 v20, v18;
	v26 =	vld [tilespmem:s26+$0x10910];
	v21 =	vadd.f32 v23, v21  }
0x3e8: {  	v20 =	vld [tilespmem:s26+$0x18900]  }
0x3e9: {  	v18 =	vadd.f32 v18, v19;
	v23 =	vld [tilespmem:s26+$0x18910];
	[tilespmem:s25+$0xFFFFFFE8] =	vst v21  }
0x3ea: {  	v19 =	vmul.f32 v28, v27;
	v21 =	vmul.f32 v22, v25;
	v22 =	vld.idx.msk [tilespmem:v0+s25+$0xFFFFFE80], $0xffff  }
0x3eb: {  	v17 =	vadd.f32 v18, v17;
	v25 =	vld.idx.msk [tilespmem:v1+s25+$0xFFFFFE80], $0xffff  }
0x3ec: {  	v18 =	vadd.f32 v21, v19;
	v19 =	vld.idx.msk [tilespmem:v2+s25+$0xFFFFFE80], $0xffff  }
0x3ed: {  	v16 =	vadd.f32 v17, v16;
	v20 =	vmul.f32 v20, v24;
	v21 =	vld.idx.msk [tilespmem:v3+s25+$0xFFFFFE80], $0xffff  }
0x3ee: {  	v17 =	vmul.f32 v23, v26;
	[tilespmem:s28+$0xD8] =	vst v18;
	v23 =	vld.idx.msk [tilespmem:v4+s25+$0xFFFFFE80], $0xffff  }
0x3ef: {  	v18 =	vld [tilespmem:s26+$0x10B40];
	[tilespmem:s30+$0xFFFFFFF0] =	vst v16;
	s30 =	smov.u32 s29  }
0x3f0: {  	v16 =	vadd.f32 v17, v20;
	v17 =	vld [tilespmem:s26+$0x10B50]  }
0x3f1: {  	v22 =	vadd.f32 v25, v22;
	v20 =	vld [tilespmem:s26+$0x18B40]  }
0x3f2: {  	[tilespmem:s28+$0xFFFFFF40] =	vst v16;
	v16 =	vld [tilespmem:s26+$0x18B50]  }
0x3f3: {  	v19 =	vadd.f32 v21, v19;
	v24 =	vld [tilespmem:s26+$0x10920]  }
0x3f4: {  	v21 =	vld [tilespmem:s26+$0x10930]  }
0x3f5: {  	v26 =	vadd.f32 v19, v22;
	v25 =	vld [tilespmem:s26+$0x18920]  }
0x3f6: {  	v19 =	vld [tilespmem:s26+$0x18930]  }
0x3f7: {  	v18 =	vmul.f32 v20, v18;
	v16 =	vmul.f32 v16, v17;
	v17 =	vld.idx.msk [tilespmem:v5+s25+$0xFFFFFE80], $0xffff  }
0x3f8: {  	v20 =	vld.idx.msk [tilespmem:v6+s25+$0xFFFFFE80], $0xffff  }
0x3f9: {  	v16 =	vadd.f32 v16, v18;
	v27 =	vld.idx.msk [tilespmem:v7+s25+$0xFFFFFE80], $0xffff  }
0x3fa: {  	v22 =	vmul.f32 v25, v24;
	v25 =	vld.idx.msk [tilespmem:v8+s25+$0xFFFFFE80], $0xffff  }
0x3fb: {  	v19 =	vmul.f32 v19, v21;
	[tilespmem:s28+$0xF0] =	vst v16;
	v16 =	vld.idx.msk [tilespmem:v9+s25+$0xFFFFFE80], $0xffff  }
0x3fc: {  	v18 =	vld [tilespmem:s26+$0x10B60]  }
0x3fd: {  	v23 =	vadd.f32 v17, v23;
	v19 =	vadd.f32 v19, v22;
	v21 =	vld [tilespmem:s26+$0x10B70]  }
0x3fe: {  	v22 =	vld [tilespmem:s26+$0x18B60]  }
.Ltmp1:
0x3ff: {  	v27 =	vadd.f32 v27, v20;
	[tilespmem:s28+$0xFFFFFF58] =	vst v19;
	v24 =	vld [tilespmem:s26+$0x18B70];
	(pc) =	sbr.rel @p0 .LBB2_5-.Ltmp1, $4  }
0x400: {  	v19 =	vld [tilespmem:s26+$0x10940]  }
0x401: {  	v17 =	vadd.f32 v16, v25;
	v16 =	vadd.f32 v27, v23;
	v20 =	vld [tilespmem:s26+$0x10950]  }
0x402: {  	v23 =	vld [tilespmem:s26+$0x18940]  }
0x403: {  	s11 =	sadd.s32 $0x1000, s11;
	v16 =	vadd.f32 v16, v26;
	v25 =	vld [tilespmem:s26+$0x18950]  }
0x404: {  	v18 =	vmul.f32 v22, v18;
	v21 =	vmul.f32 v24, v21;
	_ =	sdelay $0x1  }
0x405: {  	v18 =	vadd.f32 v21, v18;
	_ =	sdelay $0x1  }
0x406: {  	[tilespmem:s28+$0x108] =	vst v18  }
0x407: {  	v18 =	vld [tilespmem:s26+$0x10B80]  }
0x408: {  	v58 =	vld [tilespmem:s26+$0x10B90]  }
0x409: {  	v59 =	vld [tilespmem:s26+$0x18B80]  }
0x40a: {  	v60 =	vld [tilespmem:s26+$0x18B90];
	_ =	sdelay $0x2  }
0x40b: {  	v19 =	vmul.f32 v23, v19;
	v20 =	vmul.f32 v25, v20;
	_ =	sdelay $0x1  }
0x40c: {  	v19 =	vadd.f32 v20, v19;
	v18 =	vmul.f32 v59, v18;
	v21 =	vmul.f32 v60, v58;
	_ =	sdelay $0x1  }
0x40d: {  	[tilespmem:s28+$0xFFFFFF70] =	vst v19;
	v18 =	vadd.f32 v21, v18  }
0x40e: {  	v28 =	vld [tilespmem:s26+$0x10960]  }
0x40f: {  	v29 =	vld [tilespmem:s26+$0x10970];
	[tilespmem:s1+$0x120] =	vst v18  }
0x410: {  	v18 =	vld [tilespmem:s26+$0x10BA0]  }
0x411: {  	v61 =	vld [tilespmem:s26+$0x10BB0]  }
0x412: {  	v62 =	vld [tilespmem:s26+$0x18BA0]  }
0x413: {  	v63 =	vld [tilespmem:s26+$0x18BB0]  }
0x414: {  	v30 =	vld [tilespmem:s26+$0x18960]  }
0x415: {  	v31 =	vld [tilespmem:s26+$0x18970];
	_ =	sdelay $0x2  }
0x416: {  	v18 =	vmul.f32 v62, v18;
	v19 =	vmul.f32 v63, v61;
	_ =	sdelay $0x1  }
0x417: {  	v32 =	vmul.f32 v30, v28;
	v33 =	vmul.f32 v31, v29;
	v18 =	vadd.f32 v19, v18;
	_ =	sdelay $0x1  }
0x418: {  	[tilespmem:s1+$0x138] =	vst v18;
	v18 =	vadd.f32 v33, v32;
	_ =	sdelay $0x1  }
0x419: {  	[tilespmem:s1+$0xFFFFFF88] =	vst v18  }
0x41a: {  	v18 =	vld [tilespmem:s26+$0x10980]  }
0x41b: {  	v38 =	vld [tilespmem:s26+$0x10990]  }
0x41c: {  	v39 =	vld [tilespmem:s26+$0x18980]  }
0x41d: {  	v40 =	vld [tilespmem:s26+$0x18990];
	_ =	sdelay $0x2  }
0x41e: {  	v34 =	vld [tilespmem:s26+$0x10BC0]  }
0x41f: {  	v35 =	vld [tilespmem:s26+$0x10BD0]  }
0x420: {  	v36 =	vld [tilespmem:s26+$0x18BC0];
	v18 =	vmul.f32 v39, v18;
	v42 =	vmul.f32 v40, v38  }
0x421: {  	v37 =	vld [tilespmem:s26+$0x18BD0]  }
0x422: {  	v18 =	vadd.f32 v42, v18;
	_ =	sdelay $0x1  }
0x423: {  	[tilespmem:s1+$0xFFFFFFA0] =	vst v18  }
0x424: {  	v18 =	vld [tilespmem:s26+$0x109A0]  }
0x425: {  	v19 =	vmul.f32 v36, v34;
	v41 =	vmul.f32 v37, v35;
	v47 =	vld [tilespmem:s26+$0x109B0]  }
0x426: {  	v48 =	vld [tilespmem:s26+$0x189A0]  }
0x427: {  	v19 =	vadd.f32 v41, v19;
	v49 =	vld [tilespmem:s26+$0x189B0];
	_ =	sdelay $0x1  }
0x428: {  	v60 =	vld.idx.msk [tilespmem:v12+s25+$0xFFFFFE80], $0xffff;
	[tilespmem:s1+$0x150] =	vst v19  }
0x429: {  	v43 =	vld [tilespmem:s26+$0x10BE0]  }
0x42a: {  	v44 =	vld [tilespmem:s26+$0x10BF0]  }
0x42b: {  	v45 =	vld [tilespmem:s26+$0x18BE0];
	v18 =	vmul.f32 v48, v18;
	v51 =	vmul.f32 v49, v47  }
0x42c: {  	v46 =	vld [tilespmem:s26+$0x18BF0]  }
0x42d: {  	v21 =	vld.idx.msk [tilespmem:v10+s25+$0xFFFFFE80], $0xffff;
	v18 =	vadd.f32 v51, v18  }
0x42e: {  	v61 =	vld.idx.msk [tilespmem:v13+s25+$0xFFFFFE80], $0xffff  }
0x42f: {  	v62 =	vld.idx.msk [tilespmem:v14+s25+$0xFFFFFE80], $0xffff;
	[tilespmem:s1+$0xFFFFFFB8] =	vst v18  }
0x430: {  	v18 =	vld [tilespmem:s26+$0x109C0]  }
0x431: {  	v19 =	vmul.f32 v45, v43;
	v50 =	vmul.f32 v46, v44;
	v54 =	vld [tilespmem:s26+$0x109D0]  }
0x432: {  	v55 =	vld [tilespmem:s26+$0x189C0]  }
0x433: {  	v19 =	vadd.f32 v50, v19;
	v56 =	vld [tilespmem:s26+$0x189D0]  }
0x434: {  	v39 =	vld.idx.msk [tilespmem:v11+s25+$0xFFFFFE80], $0xffff  }
0x435: {  	v40 =	vld.idx.msk [tilespmem:v15+s25+$0xFFFFFE80], $0xffff;
	[tilespmem:s1+$0x168] =	vst v19  }
0x436: {  	v19 =	vld.idx.msk [tilespmem:v0+s1+$0x0], $0xffff  }
0x437: {  	v52 =	vld.idx.msk [tilespmem:v1+s1+$0x0], $0xffff  }
0x438: {  	v53 =	vld.idx.msk [tilespmem:v2+s1+$0x0], $0xffff;
	v18 =	vmul.f32 v55, v18;
	v23 =	vmul.f32 v56, v54  }
0x439: {  	v26 =	vld.idx.msk [tilespmem:v3+s1+$0x0], $0xffff  }
0x43a: {  	v27 =	vld.idx.msk [tilespmem:v4+s1+$0x0], $0xffff;
	v18 =	vadd.f32 v23, v18  }
0x43b: {  	v28 =	vld.idx.msk [tilespmem:v5+s1+$0x0], $0xffff  }
0x43c: {  	v29 =	vld.idx.msk [tilespmem:v6+s1+$0x0], $0xffff;
	[tilespmem:s1+$0xFFFFFFD0] =	vst v18  }
0x43d: {  	v18 =	vld [tilespmem:s26+$0x109E0]  }
0x43e: {  	v32 =	vld [tilespmem:s26+$0x109F0]  }
0x43f: {  	v33 =	vld [tilespmem:s26+$0x189E0]  }
0x440: {  	v34 =	vld [tilespmem:s26+$0x189F0]  }
0x441: {  	v30 =	vld.idx.msk [tilespmem:v7+s1+$0x0], $0xffff  }
0x442: {  	v57 =	vld.idx.msk [tilespmem:v8+s1+$0x0], $0xffff  }
0x443: {  	v58 =	vld.idx.msk [tilespmem:v9+s1+$0x0], $0xffff  }
0x444: {  	v59 =	vld.idx.msk [tilespmem:v10+s1+$0x0], $0xffff  }
0x445: {  	v31 =	vld.idx.msk [tilespmem:v11+s1+$0x0], $0xffff;
	v18 =	vmul.f32 v33, v18;
	v32 =	vmul.f32 v34, v32  }
0x446: {  	v35 =	vld.idx.msk [tilespmem:v12+s1+$0x0], $0xffff  }
0x447: {  	v36 =	vld.idx.msk [tilespmem:v13+s1+$0x0], $0xffff;
	v18 =	vadd.f32 v32, v18  }
0x448: {  	v37 =	vld.idx.msk [tilespmem:v14+s1+$0x0], $0xffff  }
0x449: {  	v38 =	vld.idx.msk [tilespmem:v15+s1+$0x0], $0xffff;
	[tilespmem:s1+$0xFFFFFFE8] =	vst v18  }
0x44a: {  	v18 =	vld.idx.msk [tilespmem:v0+s1+$0xFFFFFE80], $0xffff  }
0x44b: {  	v41 =	vld.idx.msk [tilespmem:v1+s1+$0xFFFFFE80], $0xffff  }
0x44c: {  	v42 =	vld.idx.msk [tilespmem:v2+s1+$0xFFFFFE80], $0xffff  }
0x44d: {  	v43 =	vld.idx.msk [tilespmem:v3+s1+$0xFFFFFE80], $0xffff  }
0x44e: {  	v44 =	vld.idx.msk [tilespmem:v4+s1+$0xFFFFFE80], $0xffff  }
0x44f: {  	v45 =	vld.idx.msk [tilespmem:v5+s1+$0xFFFFFE80], $0xffff  }
0x450: {  	v46 =	vld.idx.msk [tilespmem:v6+s1+$0xFFFFFE80], $0xffff  }
0x451: {  	v21 =	vadd.f32 v39, v21;
	v20 =	vld.idx.msk [tilespmem:v7+s1+$0xFFFFFE80], $0xffff  }
0x452: {  	v19 =	vadd.f32 v52, v19;
	v22 =	vadd.f32 v26, v53;
	v47 =	vld.idx.msk [tilespmem:v8+s1+$0xFFFFFE80], $0xffff  }
0x453: {  	v63 =	vadd.f32 v28, v27;
	v48 =	vadd.f32 v30, v29;
	v49 =	vld.idx.msk [tilespmem:v9+s1+$0xFFFFFE80], $0xffff  }
0x454: {  	v24 =	vadd.f32 v58, v57;
	v50 =	vadd.f32 v36, v35;
	v51 =	vld.idx.msk [tilespmem:v10+s1+$0xFFFFFE80], $0xffff  }
0x455: {  	v52 =	vadd.f32 v38, v37;
	v57 =	vadd.f32 v61, v60;
	v53 =	vld.idx.msk [tilespmem:v11+s1+$0xFFFFFE80], $0xffff  }
0x456: {  	v19 =	vadd.f32 v22, v19;
	v23 =	vadd.f32 v31, v59;
	v54 =	vld.idx.msk [tilespmem:v12+s1+$0xFFFFFE80], $0xffff  }
0x457: {  	v26 =	vadd.f32 v48, v63;
	v55 =	vadd.f32 v52, v50;
	v56 =	vld.idx.msk [tilespmem:v13+s1+$0xFFFFFE80], $0xffff  }
0x458: {  	v23 =	vadd.f32 v23, v24;
	v32 =	vadd.f32 v40, v62;
	v58 =	vld.idx.msk [tilespmem:v14+s1+$0xFFFFFE80], $0xffff  }
0x459: {  	v17 =	vadd.f32 v21, v17;
	v19 =	vadd.f32 v26, v19;
	v59 =	vld.idx.msk [tilespmem:v15+s1+$0xFFFFFE80], $0xffff  }
0x45a: {  	v23 =	vadd.f32 v55, v23;
	v60 =	vadd.f32 v32, v57  }
0x45b: {  	v18 =	vadd.f32 v41, v18;
	v61 =	vadd.f32 v43, v42  }
0x45c: {  	v62 =	vadd.f32 v45, v44;
	v20 =	vadd.f32 v20, v46  }
0x45d: {  	v25 =	vadd.f32 v49, v47;
	v22 =	vadd.f32 v53, v51  }
0x45e: {  	v24 =	vadd.f32 v56, v54;
	v26 =	vadd.f32 v59, v58  }
0x45f: {  	v18 =	vadd.f32 v61, v18;
	v20 =	vadd.f32 v20, v62  }
0x460: {  	v22 =	vadd.f32 v22, v25;
	v24 =	vadd.f32 v26, v24  }
0x461: {  	v19 =	vadd.f32 v23, v19;
	v17 =	vadd.f32 v60, v17  }
0x462: {  	v18 =	vadd.f32 v20, v18;
	v63 =	vadd.f32 v24, v22  }
0x463: {  	s0 =	sadd.s32 $0x20, s29;
	v16 =	vadd.f32 v17, v16  }
0x464: {  	s29 =	sadd.s32 s4, s24;
	s23 =	sadd.s32 $0x1, s23;
	[tilespmem:s0+$0x0] =	vst v19;
	v17 =	vadd.f32 v63, v18  }
0x465: {  	p0 =	sne.s32 s23, $0x19;
	s1 =	sshrl.u32 s29, $0x3;
	[tilespmem:s30+$0xFFFFFFF0] =	vst v16  }
.Ltmp2:
0x466: {  	s31 =	sadd.s32 s2, s1;
	[tilespmem:s0+$0xFFFFFFF0] =	vst v17;
	(pc) =	sbr.rel @p0 .LBB2_2-.Ltmp2, $4  }
0x467: {  	[hbm4b:s31+s3] =	stream.linear.scatter [tilespmem:s19], [sflag:$0x5], $0x200, $0x38;
	[tilespmem:$0x1FA00] =	vst v63  }
0x468: {  	_ =	swait.ge [sflag:s10], $0x200  }
0x469: {  	[sflag:s10] =	ssyncset.done $0x0  }
0x46a: {  	[sflag:s10] =	ssyncadd.s32 $0xFFFFFE00  }
0x46b: {  	s22 =	sadd.s32 $0x1, s22  }
0x46c: {  	p0 =	sne.s32 s22, s9  }
.Ltmp3:
0x46d: {  	_ = 	snop;
	(pc) =	sbr.rel @p0 .LBB2_1-.Ltmp3, $1  }
0x46e: {  	_ =	sdelay $0x3  }
0x46f: {  	_ =	sfence.sel $0x180000  }
0x470: {  	[bflag:$0x0] =	sbarrier.arrive $0xFFFF  }
0x471: {  	_ =	strace $0x90000047  }
0x472: {  	s0 =	stileid.u32;
	[bflag:$0x2] =	sbarrier.arrive $0xFFFF  }
0x473: {  	p0 =	sne.s32 s0, $0x0;
	s0 =	rddreg [dreg:$0x4]  }
0x474: {  	s0 =	sadd.s32 @!p0 $0x100000, s0  }
0x475: {  	[sflag:s0] =	ssyncadd.tile.s32 @!p0 $0x1;
	_ =	shalt  }
.Lfunc_end2:
_tile_overlayer_lowered:
.L_overlay_start_2:
0x476: {  	(tag) =	ssettag $0x2  }
0x477: {  	s0 =	rddreg [dreg:$0x0];
	s2 =	stileid.u32  }
0x478: {  	s1 =	rddreg [dreg:$0x1];
	p0 =	sne.s32 s2, $0x0  }
0x479: {  	s3 =	rddreg [dreg:$0x2];
	[bflag:$0x3] =	sbarrier.arrive $0xFFFF;
	s2 =	simm.s32 @!p0 $0x1C05  }
0x47a: {  	[timem:s3], [sflag:s2] =	dma.local @!p0 [hbm:s0], s1  }
0x47b: {  	s0 =	simm.s32 @!p0 $0x5  }
0x47c: {  	_ =	swait.ge @!p0 [sflag:s0], s1  }
0x47d: {  	s1 =	ssub.s32 @!p0 $0x0, s1;
	[sflag:s0] =	ssyncset.done @!p0 $0x0  }
0x47e: {  	[sflag:s0] =	ssyncadd.s32 @!p0 s1  }
0x47f: {  	[bflag:$0x3] =	sbarrier.arrive $0xFFFF  }
0x480: {  	_ =	shalt  }

</sc_bundles>
